<compile_context>
chip_gen: v7x
topology: tpu7x:2x2x1
jax: 0.10.2.dev20260603
libtpu: 0.0.44.dev20260713+nightly
codegen_flags: <defaults>
</compile_context>

<pallas_src>
import functools

import jax
import jax.numpy as jnp
from jax import lax
from jax.experimental import pallas as pl
from jax.experimental.pallas import tpu as pltpu
from jax.experimental.pallas import tpu_sc as plsc

N = 10000
E = 320000
H = 64
D_OUT = 40

NC = 2
NS = 16
CH = 128
NSLOT = 4

N_PAD = 10240
EPT = 10240
E_PAD = EPT * NC * NS
NCH = EPT // CH
RPT = N_PAD // NS

NF = N * H // 128
NF_PAD = N_PAD * H // 128

_mesh = plsc.VectorSubcoreMesh(core_axis_name="c", subcore_axis_name="s")
_sc_params = pltpu.CompilerParams(use_tc_tiling_on_sc=False)


def _deg_body(eidx_hbm, out_hbm, idx_v, ones_v, zero_v, shared, isem):
    c = lax.axis_index("c")
    s = lax.axis_index("s")
    wid = c * NS + s

    row0 = wid * NCH
    pltpu.async_copy(eidx_hbm.at[1, pl.ds(row0, NCH)], idx_v, isem)

    def _init(i, _):
        ones_v[pl.ds(i * 16, 16)] = jnp.ones((16,), jnp.float32)
        return 0

    lax.fori_loop(0, CH // 16, _init, 0)

    def _zero(i, _):
        zero_v[pl.ds(i * 16, 16)] = jnp.zeros((16,), jnp.float32)
        return 0

    lax.fori_loop(0, RPT // 16, _zero, 0)
    pltpu.sync_copy(zero_v, shared.at[pl.ds(s * RPT, RPT)])
    pltpu.make_async_copy(eidx_hbm.at[1, pl.ds(row0, NCH)], idx_v,
                          isem).wait()
    plsc.subcore_barrier()

    def _group(g, _):
        for k in range(8):
            pltpu.sync_copy(ones_v, shared.at[idx_v.at[g * 8 + k]],
                            add=True)
        return 0

    lax.fori_loop(0, NCH // 8, _group, 0)
    plsc.subcore_barrier()
    pltpu.sync_copy(shared.at[pl.ds(s * RPT, RPT)],
                    out_hbm.at[pl.ds(c * N_PAD + s * RPT, RPT)])


_deg_call = pl.kernel(
    _deg_body,
    out_type=jax.ShapeDtypeStruct((NC * N_PAD,), jnp.float32),
    mesh=_mesh,
    compiler_params=_sc_params,
    scratch_types=[
        pltpu.VMEM((NCH, CH), jnp.int32),
        pltpu.VMEM((CH,), jnp.float32),
        pltpu.VMEM((RPT,), jnp.float32),
        pltpu.VMEM_SHARED((N_PAD,), jnp.float32),
        pltpu.SemaphoreType.DMA,
    ],
)


def _spmm_body(F, y_hbm, eidx_hbm, out_hbm, sidx, didx, rows, shared,
               *sems):
    c = lax.axis_index("c")
    s = lax.axis_index("s")
    wid = c * NS + s

    row0 = wid * NCH
    pltpu.async_copy(eidx_hbm.at[0, pl.ds(row0, NCH)], sidx, sems[0])
    pltpu.async_copy(eidx_hbm.at[1, pl.ds(row0, NCH)], didx, sems[1])

    def _zero(i, _):
        for j in range(F // 16):
            rows[i, pl.ds(j * 16, 16)] = jnp.zeros((16,), jnp.float32)
        return 0

    lax.fori_loop(0, CH, _zero, 0)
    for r in range(RPT // CH):
        pltpu.sync_copy(rows.at[pl.ds(0, CH)],
                        shared.at[pl.ds(s * RPT + r * CH, CH)])
    pltpu.make_async_copy(eidx_hbm.at[0, pl.ds(row0, NCH)], sidx,
                          sems[0]).wait()
    pltpu.make_async_copy(eidx_hbm.at[1, pl.ds(row0, NCH)], didx,
                          sems[1]).wait()
    plsc.subcore_barrier()

    def _slot(k):
        return rows.at[pl.ds(k * CH, CH)]

    for k in range(NSLOT):
        pltpu.async_copy(y_hbm.at[sidx.at[k]], _slot(k), sems[k])

    def _step(m, _):
        for k in range(NSLOT):
            ch = m * NSLOT + k
            pltpu.make_async_copy(y_hbm.at[sidx.at[0]], _slot(k),
                                  sems[k]).wait()
            pltpu.sync_copy(_slot(k), shared.at[didx.at[ch]], add=True)

            @pl.when(m < NCH // NSLOT - 1)
            def _():
                pltpu.async_copy(y_hbm.at[sidx.at[ch + NSLOT]], _slot(k),
                                 sems[k])
        return 0

    lax.fori_loop(0, NCH // NSLOT, _step, 0)
    plsc.subcore_barrier()
    pltpu.sync_copy(shared.at[pl.ds(s * RPT, RPT)],
                    out_hbm.at[c, pl.ds(s * RPT, RPT)])


def _make_spmm(F):
    return pl.kernel(
        functools.partial(_spmm_body, F),
        out_type=jax.ShapeDtypeStruct((NC, N_PAD, F), jnp.float32),
        mesh=_mesh,
        compiler_params=_sc_params,
        scratch_types=[
            pltpu.VMEM((NCH, CH), jnp.int32),
            pltpu.VMEM((NCH, CH), jnp.int32),
            pltpu.VMEM((NSLOT * CH, F), jnp.float32),
            pltpu.VMEM_SHARED((N_PAD, F), jnp.float32),
        ] + [pltpu.SemaphoreType.DMA] * NSLOT,
    )


_spmm64 = _make_spmm(H)


def _bdiag(w):
    k, f = w.shape
    z = jnp.zeros_like(w)
    return jnp.concatenate([jnp.concatenate([w, z], 1),
                            jnp.concatenate([z, w], 1)], 0)


def _mm1_body(xf_ref, w_ref, d_ref, y_ref):
    y_ref[...] = d_ref[...] * jnp.dot(xf_ref[...], w_ref[...],
                                      preferred_element_type=jnp.float32)


def _mm1(xf, wbd, dinvf):
    bm = 1000
    return pl.pallas_call(
        _mm1_body,
        grid=(NF // bm,),
        in_specs=[pl.BlockSpec((bm, 256), lambda i: (i, 0)),
                  pl.BlockSpec((256, 128), lambda i: (0, 0)),
                  pl.BlockSpec((bm, 128), lambda i: (i, 0))],
        out_specs=pl.BlockSpec((bm, 128), lambda i: (i, 0)),
        out_shape=jax.ShapeDtypeStruct((NF_PAD, 128), jnp.float32),
    )(xf, wbd, dinvf)


def _layer_body(z0_ref, z1_ref, y_ref, d_ref, b_ref, w_ref, xl_ref, yn_ref):
    d = d_ref[...]
    xl = jnp.maximum(d * (z0_ref[...] + z1_ref[...] + y_ref[...])
                     + b_ref[...], 0.0)
    xl_ref[...] = xl
    yn_ref[...] = d * jnp.dot(xl, w_ref[...],
                              preferred_element_type=jnp.float32)


def _layer(zf, yf, dinvf, bf, wbd):
    bm = 512
    nb = NF_PAD // bm
    return pl.pallas_call(
        _layer_body,
        grid=(nb,),
        in_specs=[pl.BlockSpec((bm, 128), lambda i: (i, 0)),
                  pl.BlockSpec((bm, 128), lambda i: (i + nb, 0)),
                  pl.BlockSpec((bm, 128), lambda i: (i, 0)),
                  pl.BlockSpec((bm, 128), lambda i: (i, 0)),
                  pl.BlockSpec((1, 128), lambda i: (0, 0)),
                  pl.BlockSpec((128, 128), lambda i: (0, 0))],
        out_specs=[pl.BlockSpec((bm, 128), lambda i: (i, 0)),
                   pl.BlockSpec((bm, 128), lambda i: (i, 0))],
        out_shape=[jax.ShapeDtypeStruct((NF, 128), jnp.float32),
                   jax.ShapeDtypeStruct((NF_PAD, 128), jnp.float32)],
    )(zf, zf, yf, dinvf, bf, wbd)


def _layer3_body(z0_ref, z1_ref, y_ref, d_ref, b_ref, x1_ref, wa_ref, wb_ref,
                 x2_ref, yn_ref):
    d = d_ref[...]
    x2 = jnp.maximum(d * (z0_ref[...] + z1_ref[...] + y_ref[...])
                     + b_ref[...], 0.0)
    x2_ref[...] = x2
    yn_ref[...] = d * (jnp.dot(x1_ref[...], wa_ref[...],
                               preferred_element_type=jnp.float32)
                       + jnp.dot(x2, wb_ref[...],
                                 preferred_element_type=jnp.float32))


def _layer3(zf, yf, dinvf, bf, x1f, wbda, wbdb):
    bm = 512
    nb = NF_PAD // bm
    return pl.pallas_call(
        _layer3_body,
        grid=(nb,),
        in_specs=[pl.BlockSpec((bm, 128), lambda i: (i, 0)),
                  pl.BlockSpec((bm, 128), lambda i: (i + nb, 0)),
                  pl.BlockSpec((bm, 128), lambda i: (i, 0)),
                  pl.BlockSpec((bm, 128), lambda i: (i, 0)),
                  pl.BlockSpec((1, 128), lambda i: (0, 0)),
                  pl.BlockSpec((bm, 128), lambda i: (i, 0)),
                  pl.BlockSpec((128, 128), lambda i: (0, 0)),
                  pl.BlockSpec((128, 128), lambda i: (0, 0))],
        out_specs=[pl.BlockSpec((bm, 128), lambda i: (i, 0)),
                   pl.BlockSpec((bm, 128), lambda i: (i, 0))],
        out_shape=[jax.ShapeDtypeStruct((NF, 128), jnp.float32),
                   jax.ShapeDtypeStruct((NF_PAD, 128), jnp.float32)],
    )(zf, zf, yf, dinvf, bf, x1f, wbda, wbdb)


def _final_body(z0_ref, z1_ref, y_ref, d_ref, b_ref, o_ref):
    o_ref[...] = (d_ref[...] * (z0_ref[...] + z1_ref[...] + y_ref[...])
                  + b_ref[...])


def _final(zf, yf, dinvf, bf):
    bm = 512
    nb = NF_PAD // bm
    return pl.pallas_call(
        _final_body,
        grid=(nb,),
        in_specs=[pl.BlockSpec((bm, 128), lambda i: (i, 0)),
                  pl.BlockSpec((bm, 128), lambda i: (i + nb, 0)),
                  pl.BlockSpec((bm, 128), lambda i: (i, 0)),
                  pl.BlockSpec((bm, 128), lambda i: (i, 0)),
                  pl.BlockSpec((1, 128), lambda i: (0, 0))],
        out_specs=pl.BlockSpec((bm, 128), lambda i: (i, 0)),
        out_shape=jax.ShapeDtypeStruct((NF, 128), jnp.float32),
    )(zf, zf, yf, dinvf, bf)


def kernel(x, edge_index, percent, ricci_curvature, W1, b1, W2, b2, W3, b3):
    del percent, ricci_curvature
    fill = N + (jnp.arange(E_PAD - E, dtype=jnp.int32) % (N_PAD - N))
    eidx = jnp.concatenate(
        [edge_index.reshape(2, E // CH, CH),
         jnp.broadcast_to(fill.reshape(1, (E_PAD - E) // CH, CH),
                          (2, (E_PAD - E) // CH, CH))], axis=1)

    degp = _deg_call(eidx)
    degf = degp.reshape(2 * N_PAD // 128, 128)
    nh = N_PAD // 128
    dinvg = (degf[:nh] + degf[nh:] + 1.0) ** -0.5
    dinvf = jnp.repeat(dinvg.reshape(N_PAD)[:N], H).reshape(NF, 128)
    xf = x.reshape(NF, 256)

    y1f = _mm1(xf, _bdiag(W1), dinvf)
    z1 = _spmm64(y1f.reshape(N_PAD, H), eidx)
    x1f, y2f = _layer(z1.reshape(2 * NF_PAD, 128), y1f, dinvf,
                      jnp.tile(b1, 2)[None], _bdiag(W2))

    z2 = _spmm64(y2f.reshape(N_PAD, H), eidx)
    w3p = jnp.pad(W3, ((0, 0), (0, H - D_OUT)))
    x2f, y3f = _layer3(z2.reshape(2 * NF_PAD, 128), y2f, dinvf,
                       jnp.tile(b2, 2)[None], x1f,
                       _bdiag(w3p[:H]), _bdiag(w3p[H:]))

    z3 = _spmm64(y3f.reshape(N_PAD, H), eidx)
    b3f = jnp.tile(jnp.pad(b3, (0, H - D_OUT)), 2)[None]
    vf = _final(z3.reshape(2 * NF_PAD, 128), y3f, dinvf, b3f)
    out = vf.reshape(N, H)[:, :D_OUT]
    x1 = x1f.reshape(N, H)
    x2 = x2f.reshape(N, H)
    return (out, x1, x2)

# --- scband reference (transcript-rebuilt; emitter-appended) ---
"""Pipeline reference for scband-gcn2-56307021250667 (READ-ONLY COPY).

The authoritative reference and input builder live on the scoring server;
editing this copy changes nothing except your own understanding.
"""

import jax, jax.numpy as jnp
import numpy as np

N = 10000
E = 320000
D_IN = 128
H = 64
D_OUT = 40


def _gcn_conv(x, src, dst, W, b, num_nodes):
    # PyG GCNConv semantics: linear transform, symmetric normalization
    # (self-loops already appended to src/dst by caller), scatter-add to dst.
    xw = x @ W
    deg = jnp.zeros((num_nodes,), dtype=x.dtype).at[dst].add(1.0)
    dinv = jnp.where(deg > 0, deg ** -0.5, 0.0)
    norm = dinv[src] * dinv[dst]
    msg = jnp.take(xw, src, axis=0) * norm[:, None]
    out = jnp.zeros((num_nodes, W.shape[1]), dtype=x.dtype).at[dst].add(msg)
    return out + b


def setup_inputs(seed: int = 0):
    key = jax.random.key(seed)
    ks = jax.random.split(key, 12)
    x = jax.random.normal(ks[0], (N, D_IN), dtype=jnp.float32)
    edge_index = jax.random.randint(ks[1], (2, E), 0, N, dtype=jnp.int32)
    percent = 50
    ricci_curvature = jax.random.normal(ks[2], (E,), dtype=jnp.float32)
    W1 = jax.random.normal(ks[3], (D_IN, H), dtype=jnp.float32) * 0.05
    b1 = jnp.zeros((H,), dtype=jnp.float32)
    W2 = jax.random.normal(ks[4], (H, H), dtype=jnp.float32) * 0.05
    b2 = jnp.zeros((H,), dtype=jnp.float32)
    W3 = jax.random.normal(ks[5], (2 * H, D_OUT), dtype=jnp.float32) * 0.05
    b3 = jnp.zeros((D_OUT,), dtype=jnp.float32)
    return {"x": x, "edge_index": edge_index, "percent": percent,
            "ricci_curvature": ricci_curvature,
            "W1": W1, "b1": b1, "W2": W2, "b2": b2, "W3": W3, "b3": b3}


def reference(x, edge_index, percent, ricci_curvature, W1, b1, W2, b2, W3, b3):
    # eval mode: no sampling, no dynamic organization, no batchnorm, dropout=identity
    del percent, ricci_curvature
    loop = jnp.arange(N, dtype=edge_index.dtype)
    src = jnp.concatenate([edge_index[0], loop])
    dst = jnp.concatenate([edge_index[1], loop])
    x1 = jax.nn.relu(_gcn_conv(x, src, dst, W1, b1, N))
    x2 = jax.nn.relu(_gcn_conv(x1, src, dst, W2, b2, N))
    xc = jnp.concatenate([x1, x2], axis=1)
    out = _gcn_conv(xc, src, dst, W3, b3, N)
    return (out, x1, x2)

if __name__ == "__main__":
    import jax
    _d = setup_inputs()
    print(jax.jit(kernel)(*tuple(_d.values())))

</pallas_src>

<mosaic_0001>
#map = affine_map<(d0, d1) -> (0, 0)>
#map1 = affine_map<(d0, d1) -> (0, 0, 0)>
module attributes {stable_mosaic.version = 14 : i64} {
  func.func @_spmm_body(%arg0: i32, %arg1: i32, %arg2: memref<10240x64xf32, #tpu.memory_space<hbm>>, %arg3: memref<2x2560x128xi32, #tpu.memory_space<hbm>>, %arg4: memref<2x10240x64xf32, #tpu.memory_space<hbm>>, %arg5: memref<80x128xi32, #tpu.memory_space<vmem>>, %arg6: memref<80x128xi32, #tpu.memory_space<vmem>>, %arg7: memref<512x64xf32, #tpu.memory_space<vmem>>, %arg8: memref<10240x64xf32, #tpu.memory_space<vmem_shared>>, %arg9: memref<!tpu.dma_semaphore, #tpu.memory_space<semaphore_mem>>, %arg10: memref<!tpu.dma_semaphore, #tpu.memory_space<semaphore_mem>>, %arg11: memref<!tpu.dma_semaphore, #tpu.memory_space<semaphore_mem>>, %arg12: memref<!tpu.dma_semaphore, #tpu.memory_space<semaphore_mem>>) attributes {dimension_semantics = [#tpu.dimension_semantics<core_parallel>, #tpu.dimension_semantics<subcore_parallel>], iteration_bounds = array<i64: 2, 16>, scalar_prefetch = 0 : i64, scratch_operands = 8 : i64, tpu.core_type = #tpu.core_type<sc_vector_subcore>, window_params = [{transform_indices = #map}, {transform_indices = #map1}, {transform_indices = #map1}]} {
    %mul3A = arith.constant 16 : i32
    %mul3A_0 = arith.muli %arg0, %mul3A : i32
    %add3A = arith.addi %mul3A_0, %arg1 : i32
    %mul3A_1 = arith.constant 80 : i32
    %mul3A_2 = arith.muli %add3A, %mul3A_1 : i32
    %dma_start3A = arith.constant 0 : i32
    %dma_start3A_3 = arith.constant 0 : i32
    %dma_start3A_4 = tpu.memref_slice %arg3[%dma_start3A, %mul3A_2, %dma_start3A_3] : memref<2x2560x128xi32, #tpu.memory_space<hbm>> -> memref<1x80x128xi32, #tpu.memory_space<hbm>>
    %dma_start3A_5 = tpu.memref_squeeze %dma_start3A_4 : memref<1x80x128xi32, #tpu.memory_space<hbm>> -> memref<80x128xi32, #tpu.memory_space<hbm>>
    %dma_start3A_6 = arith.constant 0 : i32
    %dma_start3A_7 = tpu.memref_slice %arg3[%dma_start3A, %mul3A_2, %dma_start3A_6] : memref<2x2560x128xi32, #tpu.memory_space<hbm>> -> memref<1x80x128xi32, #tpu.memory_space<hbm>>
    %dma_start3A_8 = tpu.memref_squeeze %dma_start3A_7 : memref<1x80x128xi32, #tpu.memory_space<hbm>> -> memref<80x128xi32, #tpu.memory_space<hbm>>
    tpu.enqueue_dma source(%dma_start3A_8 : memref<80x128xi32, #tpu.memory_space<hbm>>) target(%arg5 : memref<80x128xi32, #tpu.memory_space<vmem>>) target_semaphore(%arg9 : memref<!tpu.dma_semaphore, #tpu.memory_space<semaphore_mem>>)
    %dma_start3A_9 = arith.constant 1 : i32
    %dma_start3A_10 = arith.constant 0 : i32
    %dma_start3A_11 = tpu.memref_slice %arg3[%dma_start3A_9, %mul3A_2, %dma_start3A_10] : memref<2x2560x128xi32, #tpu.memory_space<hbm>> -> memref<1x80x128xi32, #tpu.memory_space<hbm>>
    %dma_start3A_12 = tpu.memref_squeeze %dma_start3A_11 : memref<1x80x128xi32, #tpu.memory_space<hbm>> -> memref<80x128xi32, #tpu.memory_space<hbm>>
    %dma_start3A_13 = arith.constant 0 : i32
    %dma_start3A_14 = tpu.memref_slice %arg3[%dma_start3A_9, %mul3A_2, %dma_start3A_13] : memref<2x2560x128xi32, #tpu.memory_space<hbm>> -> memref<1x80x128xi32, #tpu.memory_space<hbm>>
    %dma_start3A_15 = tpu.memref_squeeze %dma_start3A_14 : memref<1x80x128xi32, #tpu.memory_space<hbm>> -> memref<80x128xi32, #tpu.memory_space<hbm>>
    tpu.enqueue_dma source(%dma_start3A_15 : memref<80x128xi32, #tpu.memory_space<hbm>>) target(%arg6 : memref<80x128xi32, #tpu.memory_space<vmem>>) target_semaphore(%arg10 : memref<!tpu.dma_semaphore, #tpu.memory_space<semaphore_mem>>)
    %scan3A = arith.constant 0 : i32
    %scan3A_16 = arith.constant 0 : i32
    %scan3A_17 = arith.constant 128 : i32
    %scan3A_18 = arith.addi %scan3A_16, %scan3A_17 : i32
    %scan3A_19 = arith.constant 1 : i32
    %scan3A_20 = scf.for %scan3A_107 = %scan3A_16 to %scan3A_18 step %scan3A_19 iter_args(%scan3A_108 = %scan3A) -> (i32)  : i32 {
      %broadcast_in_dim3A = arith.constant 0.000000e+00 : f32
      %broadcast_in_dim3A_109 = vector.broadcast %broadcast_in_dim3A : f32 to vector<16xf32>
      %swap3A = arith.index_cast %scan3A_107 : i32 to index
      %swap3A_110 = arith.constant 0 : index
      %swap3A_111 = tpu.vector_load %arg7[%swap3A, %swap3A_110] {strides = array<i32>} : memref<512x64xf32, #tpu.memory_space<vmem>>, vector<1x16xf32>,
      %swap3A_112 = vector.shape_cast %swap3A_111 : vector<1x16xf32> to vector<16xf32>
      %swap3A_113 = vector.shape_cast %broadcast_in_dim3A_109 : vector<16xf32> to vector<1x16xf32>
      tpu.vector_store %arg7[%swap3A, %swap3A_110], %swap3A_113 {strides = array<i32>} : memref<512x64xf32, #tpu.memory_space<vmem>>, vector<1x16xf32>,
      %broadcast_in_dim3A_114 = arith.constant 0.000000e+00 : f32
      %broadcast_in_dim3A_115 = vector.broadcast %broadcast_in_dim3A_114 : f32 to vector<16xf32>
      %swap3A_116 = arith.index_cast %scan3A_107 : i32 to index
      %swap3A_117 = arith.constant 16 : index
      %swap3A_118 = tpu.vector_load %arg7[%swap3A_116, %swap3A_117] {strides = array<i32>} : memref<512x64xf32, #tpu.memory_space<vmem>>, vector<1x16xf32>,
      %swap3A_119 = vector.shape_cast %swap3A_118 : vector<1x16xf32> to vector<16xf32>
      %swap3A_120 = vector.shape_cast %broadcast_in_dim3A_115 : vector<16xf32> to vector<1x16xf32>
      tpu.vector_store %arg7[%swap3A_116, %swap3A_117], %swap3A_120 {strides = array<i32>} : memref<512x64xf32, #tpu.memory_space<vmem>>, vector<1x16xf32>,
      %broadcast_in_dim3A_121 = arith.constant 0.000000e+00 : f32
      %broadcast_in_dim3A_122 = vector.broadcast %broadcast_in_dim3A_121 : f32 to vector<16xf32>
      %swap3A_123 = arith.index_cast %scan3A_107 : i32 to index
      %swap3A_124 = arith.constant 32 : index
      %swap3A_125 = tpu.vector_load %arg7[%swap3A_123, %swap3A_124] {strides = array<i32>} : memref<512x64xf32, #tpu.memory_space<vmem>>, vector<1x16xf32>,
      %swap3A_126 = vector.shape_cast %swap3A_125 : vector<1x16xf32> to vector<16xf32>
      %swap3A_127 = vector.shape_cast %broadcast_in_dim3A_122 : vector<16xf32> to vector<1x16xf32>
      tpu.vector_store %arg7[%swap3A_123, %swap3A_124], %swap3A_127 {strides = array<i32>} : memref<512x64xf32, #tpu.memory_space<vmem>>, vector<1x16xf32>,
      %broadcast_in_dim3A_128 = arith.constant 0.000000e+00 : f32
      %broadcast_in_dim3A_129 = vector.broadcast %broadcast_in_dim3A_128 : f32 to vector<16xf32>
      %swap3A_130 = arith.index_cast %scan3A_107 : i32 to index
      %swap3A_131 = arith.constant 48 : index
      %swap3A_132 = tpu.vector_load %arg7[%swap3A_130, %swap3A_131] {strides = array<i32>} : memref<512x64xf32, #tpu.memory_space<vmem>>, vector<1x16xf32>,
      %swap3A_133 = vector.shape_cast %swap3A_132 : vector<1x16xf32> to vector<16xf32>
      %swap3A_134 = vector.shape_cast %broadcast_in_dim3A_129 : vector<16xf32> to vector<1x16xf32>
      tpu.vector_store %arg7[%swap3A_130, %swap3A_131], %swap3A_134 {strides = array<i32>} : memref<512x64xf32, #tpu.memory_space<vmem>>, vector<1x16xf32>,
      %scan3A_135 = arith.constant 0 : i32
      scf.yield %scan3A_135 : i32
    }
    %scan3A_21 = arith.constant 128 : i32
    %mul3A_22 = arith.constant 640 : i32
    %mul3A_23 = arith.muli %arg1, %mul3A_22 : i32
    %add3A_24 = arith.constant 0 : i32
    %add3A_25 = arith.addi %mul3A_23, %add3A_24 : i32
    "tpu.region"() ({
      %run_scoped3A = tpu.sem_alloc : memref<!tpu.dma_semaphore, #tpu.memory_space<semaphore_mem>>
      %dma_start3A_107 = arith.constant 0 : i32
      %dma_start3A_108 = arith.constant 0 : i32
      %dma_start3A_109 = tpu.memref_slice %arg7[%dma_start3A_107, %dma_start3A_108] : memref<512x64xf32, #tpu.memory_space<vmem>> -> memref<128x64xf32, #tpu.memory_space<vmem>>
      %dma_start3A_110 = arith.constant 0 : i32
      %dma_start3A_111 = tpu.memref_slice %arg8[%add3A_25, %dma_start3A_110] : memref<10240x64xf32, #tpu.memory_space<vmem_shared>> -> memref<128x64xf32, #tpu.memory_space<vmem_shared>>
      %dma_start3A_112 = arith.constant 0 : i32
      %dma_start3A_113 = tpu.memref_slice %arg8[%add3A_25, %dma_start3A_112] : memref<10240x64xf32, #tpu.memory_space<vmem_shared>> -> memref<128x64xf32, #tpu.memory_space<vmem_shared>>
      %dma_start3A_114 = arith.constant 0 : i32
      %dma_start3A_115 = arith.constant 0 : i32
      %dma_start3A_116 = tpu.memref_slice %arg7[%dma_start3A_114, %dma_start3A_115] : memref<512x64xf32, #tpu.memory_space<vmem>> -> memref<128x64xf32, #tpu.memory_space<vmem>>
      tpu.enqueue_dma source(%dma_start3A_116 : memref<128x64xf32, #tpu.memory_space<vmem>>) target(%dma_start3A_113 : memref<128x64xf32, #tpu.memory_space<vmem_shared>>) target_semaphore(%run_scoped3A : memref<!tpu.dma_semaphore, #tpu.memory_space<semaphore_mem>>)
      %dma_wait3A_117 = arith.constant 0 : i32
      %dma_wait3A_118 = arith.constant 0 : i32
      %dma_wait3A_119 = tpu.memref_slice %arg7[%dma_wait3A_117, %dma_wait3A_118] : memref<512x64xf32, #tpu.memory_space<vmem>> -> memref<128x64xf32, #tpu.memory_space<vmem>>
      %dma_wait3A_120 = arith.constant 0 : i32
      %dma_wait3A_121 = tpu.memref_slice %arg8[%add3A_25, %dma_wait3A_120] : memref<10240x64xf32, #tpu.memory_space<vmem_shared>> -> memref<128x64xf32, #tpu.memory_space<vmem_shared>>
      %dma_wait3A_122 = arith.constant 0 : i32
      %dma_wait3A_123 = tpu.memref_slice %arg8[%add3A_25, %dma_wait3A_122] : memref<10240x64xf32, #tpu.memory_space<vmem_shared>> -> memref<128x64xf32, #tpu.memory_space<vmem_shared>>
      %dma_wait3A_124 = arith.constant 0 : i32
      %dma_wait3A_125 = arith.constant 0 : i32
      %dma_wait3A_126 = tpu.memref_slice %arg7[%dma_wait3A_124, %dma_wait3A_125] : memref<512x64xf32, #tpu.memory_space<vmem>> -> memref<128x64xf32, #tpu.memory_space<vmem>>
      tpu.wait_dma2 semaphore(%run_scoped3A : memref<!tpu.dma_semaphore, #tpu.memory_space<semaphore_mem>>) src(%dma_wait3A_126 : memref<128x64xf32, #tpu.memory_space<vmem>>) dst(%dma_wait3A_123 : memref<128x64xf32, #tpu.memory_space<vmem_shared>>)
      tpu.yield
    }) : () -> ()
    %mul3A_26 = arith.constant 640 : i32
    %mul3A_27 = arith.muli %arg1, %mul3A_26 : i32
    %add3A_28 = arith.constant 128 : i32
    %add3A_29 = arith.addi %mul3A_27, %add3A_28 : i32
    "tpu.region"() ({
      %run_scoped3A = tpu.sem_alloc : memref<!tpu.dma_semaphore, #tpu.memory_space<semaphore_mem>>
      %dma_start3A_107 = arith.constant 0 : i32
      %dma_start3A_108 = arith.constant 0 : i32
      %dma_start3A_109 = tpu.memref_slice %arg7[%dma_start3A_107, %dma_start3A_108] : memref<512x64xf32, #tpu.memory_space<vmem>> -> memref<128x64xf32, #tpu.memory_space<vmem>>
      %dma_start3A_110 = arith.constant 0 : i32
      %dma_start3A_111 = tpu.memref_slice %arg8[%add3A_29, %dma_start3A_110] : memref<10240x64xf32, #tpu.memory_space<vmem_shared>> -> memref<128x64xf32, #tpu.memory_space<vmem_shared>>
      %dma_start3A_112 = arith.constant 0 : i32
      %dma_start3A_113 = tpu.memref_slice %arg8[%add3A_29, %dma_start3A_112] : memref<10240x64xf32, #tpu.memory_space<vmem_shared>> -> memref<128x64xf32, #tpu.memory_space<vmem_shared>>
      %dma_start3A_114 = arith.constant 0 : i32
      %dma_start3A_115 = arith.constant 0 : i32
      %dma_start3A_116 = tpu.memref_slice %arg7[%dma_start3A_114, %dma_start3A_115] : memref<512x64xf32, #tpu.memory_space<vmem>> -> memref<128x64xf32, #tpu.memory_space<vmem>>
      tpu.enqueue_dma source(%dma_start3A_116 : memref<128x64xf32, #tpu.memory_space<vmem>>) target(%dma_start3A_113 : memref<128x64xf32, #tpu.memory_space<vmem_shared>>) target_semaphore(%run_scoped3A : memref<!tpu.dma_semaphore, #tpu.memory_space<semaphore_mem>>)
      %dma_wait3A_117 = arith.constant 0 : i32
      %dma_wait3A_118 = arith.constant 0 : i32
      %dma_wait3A_119 = tpu.memref_slice %arg7[%dma_wait3A_117, %dma_wait3A_118] : memref<512x64xf32, #tpu.memory_space<vmem>> -> memref<128x64xf32, #tpu.memory_space<vmem>>
      %dma_wait3A_120 = arith.constant 0 : i32
      %dma_wait3A_121 = tpu.memref_slice %arg8[%add3A_29, %dma_wait3A_120] : memref<10240x64xf32, #tpu.memory_space<vmem_shared>> -> memref<128x64xf32, #tpu.memory_space<vmem_shared>>
      %dma_wait3A_122 = arith.constant 0 : i32
      %dma_wait3A_123 = tpu.memref_slice %arg8[%add3A_29, %dma_wait3A_122] : memref<10240x64xf32, #tpu.memory_space<vmem_shared>> -> memref<128x64xf32, #tpu.memory_space<vmem_shared>>
      %dma_wait3A_124 = arith.constant 0 : i32
      %dma_wait3A_125 = arith.constant 0 : i32
      %dma_wait3A_126 = tpu.memref_slice %arg7[%dma_wait3A_124, %dma_wait3A_125] : memref<512x64xf32, #tpu.memory_space<vmem>> -> memref<128x64xf32, #tpu.memory_space<vmem>>
      tpu.wait_dma2 semaphore(%run_scoped3A : memref<!tpu.dma_semaphore, #tpu.memory_space<semaphore_mem>>) src(%dma_wait3A_126 : memref<128x64xf32, #tpu.memory_space<vmem>>) dst(%dma_wait3A_123 : memref<128x64xf32, #tpu.memory_space<vmem_shared>>)
      tpu.yield
    }) : () -> ()
    %mul3A_30 = arith.constant 640 : i32
    %mul3A_31 = arith.muli %arg1, %mul3A_30 : i32
    %add3A_32 = arith.constant 256 : i32
    %add3A_33 = arith.addi %mul3A_31, %add3A_32 : i32
    "tpu.region"() ({
      %run_scoped3A = tpu.sem_alloc : memref<!tpu.dma_semaphore, #tpu.memory_space<semaphore_mem>>
      %dma_start3A_107 = arith.constant 0 : i32
      %dma_start3A_108 = arith.constant 0 : i32
      %dma_start3A_109 = tpu.memref_slice %arg7[%dma_start3A_107, %dma_start3A_108] : memref<512x64xf32, #tpu.memory_space<vmem>> -> memref<128x64xf32, #tpu.memory_space<vmem>>
      %dma_start3A_110 = arith.constant 0 : i32
      %dma_start3A_111 = tpu.memref_slice %arg8[%add3A_33, %dma_start3A_110] : memref<10240x64xf32, #tpu.memory_space<vmem_shared>> -> memref<128x64xf32, #tpu.memory_space<vmem_shared>>
      %dma_start3A_112 = arith.constant 0 : i32
      %dma_start3A_113 = tpu.memref_slice %arg8[%add3A_33, %dma_start3A_112] : memref<10240x64xf32, #tpu.memory_space<vmem_shared>> -> memref<128x64xf32, #tpu.memory_space<vmem_shared>>
      %dma_start3A_114 = arith.constant 0 : i32
      %dma_start3A_115 = arith.constant 0 : i32
      %dma_start3A_116 = tpu.memref_slice %arg7[%dma_start3A_114, %dma_start3A_115] : memref<512x64xf32, #tpu.memory_space<vmem>> -> memref<128x64xf32, #tpu.memory_space<vmem>>
      tpu.enqueue_dma source(%dma_start3A_116 : memref<128x64xf32, #tpu.memory_space<vmem>>) target(%dma_start3A_113 : memref<128x64xf32, #tpu.memory_space<vmem_shared>>) target_semaphore(%run_scoped3A : memref<!tpu.dma_semaphore, #tpu.memory_space<semaphore_mem>>)
      %dma_wait3A_117 = arith.constant 0 : i32
      %dma_wait3A_118 = arith.constant 0 : i32
      %dma_wait3A_119 = tpu.memref_slice %arg7[%dma_wait3A_117, %dma_wait3A_118] : memref<512x64xf32, #tpu.memory_space<vmem>> -> memref<128x64xf32, #tpu.memory_space<vmem>>
      %dma_wait3A_120 = arith.constant 0 : i32
      %dma_wait3A_121 = tpu.memref_slice %arg8[%add3A_33, %dma_wait3A_120] : memref<10240x64xf32, #tpu.memory_space<vmem_shared>> -> memref<128x64xf32, #tpu.memory_space<vmem_shared>>
      %dma_wait3A_122 = arith.constant 0 : i32
      %dma_wait3A_123 = tpu.memref_slice %arg8[%add3A_33, %dma_wait3A_122] : memref<10240x64xf32, #tpu.memory_space<vmem_shared>> -> memref<128x64xf32, #tpu.memory_space<vmem_shared>>
      %dma_wait3A_124 = arith.constant 0 : i32
      %dma_wait3A_125 = arith.constant 0 : i32
      %dma_wait3A_126 = tpu.memref_slice %arg7[%dma_wait3A_124, %dma_wait3A_125] : memref<512x64xf32, #tpu.memory_space<vmem>> -> memref<128x64xf32, #tpu.memory_space<vmem>>
      tpu.wait_dma2 semaphore(%run_scoped3A : memref<!tpu.dma_semaphore, #tpu.memory_space<semaphore_mem>>) src(%dma_wait3A_126 : memref<128x64xf32, #tpu.memory_space<vmem>>) dst(%dma_wait3A_123 : memref<128x64xf32, #tpu.memory_space<vmem_shared>>)
      tpu.yield
    }) : () -> ()
    %mul3A_34 = arith.constant 640 : i32
    %mul3A_35 = arith.muli %arg1, %mul3A_34 : i32
    %add3A_36 = arith.constant 384 : i32
    %add3A_37 = arith.addi %mul3A_35, %add3A_36 : i32
    "tpu.region"() ({
      %run_scoped3A = tpu.sem_alloc : memref<!tpu.dma_semaphore, #tpu.memory_space<semaphore_mem>>
      %dma_start3A_107 = arith.constant 0 : i32
      %dma_start3A_108 = arith.constant 0 : i32
      %dma_start3A_109 = tpu.memref_slice %arg7[%dma_start3A_107, %dma_start3A_108] : memref<512x64xf32, #tpu.memory_space<vmem>> -> memref<128x64xf32, #tpu.memory_space<vmem>>
      %dma_start3A_110 = arith.constant 0 : i32
      %dma_start3A_111 = tpu.memref_slice %arg8[%add3A_37, %dma_start3A_110] : memref<10240x64xf32, #tpu.memory_space<vmem_shared>> -> memref<128x64xf32, #tpu.memory_space<vmem_shared>>
      %dma_start3A_112 = arith.constant 0 : i32
      %dma_start3A_113 = tpu.memref_slice %arg8[%add3A_37, %dma_start3A_112] : memref<10240x64xf32, #tpu.memory_space<vmem_shared>> -> memref<128x64xf32, #tpu.memory_space<vmem_shared>>
      %dma_start3A_114 = arith.constant 0 : i32
      %dma_start3A_115 = arith.constant 0 : i32
      %dma_start3A_116 = tpu.memref_slice %arg7[%dma_start3A_114, %dma_start3A_115] : memref<512x64xf32, #tpu.memory_space<vmem>> -> memref<128x64xf32, #tpu.memory_space<vmem>>
      tpu.enqueue_dma source(%dma_start3A_116 : memref<128x64xf32, #tpu.memory_space<vmem>>) target(%dma_start3A_113 : memref<128x64xf32, #tpu.memory_space<vmem_shared>>) target_semaphore(%run_scoped3A : memref<!tpu.dma_semaphore, #tpu.memory_space<semaphore_mem>>)
      %dma_wait3A_117 = arith.constant 0 : i32
      %dma_wait3A_118 = arith.constant 0 : i32
      %dma_wait3A_119 = tpu.memref_slice %arg7[%dma_wait3A_117, %dma_wait3A_118] : memref<512x64xf32, #tpu.memory_space<vmem>> -> memref<128x64xf32, #tpu.memory_space<vmem>>
      %dma_wait3A_120 = arith.constant 0 : i32
      %dma_wait3A_121 = tpu.memref_slice %arg8[%add3A_37, %dma_wait3A_120] : memref<10240x64xf32, #tpu.memory_space<vmem_shared>> -> memref<128x64xf32, #tpu.memory_space<vmem_shared>>
      %dma_wait3A_122 = arith.constant 0 : i32
      %dma_wait3A_123 = tpu.memref_slice %arg8[%add3A_37, %dma_wait3A_122] : memref<10240x64xf32, #tpu.memory_space<vmem_shared>> -> memref<128x64xf32, #tpu.memory_space<vmem_shared>>
      %dma_wait3A_124 = arith.constant 0 : i32
      %dma_wait3A_125 = arith.constant 0 : i32
      %dma_wait3A_126 = tpu.memref_slice %arg7[%dma_wait3A_124, %dma_wait3A_125] : memref<512x64xf32, #tpu.memory_space<vmem>> -> memref<128x64xf32, #tpu.memory_space<vmem>>
      tpu.wait_dma2 semaphore(%run_scoped3A : memref<!tpu.dma_semaphore, #tpu.memory_space<semaphore_mem>>) src(%dma_wait3A_126 : memref<128x64xf32, #tpu.memory_space<vmem>>) dst(%dma_wait3A_123 : memref<128x64xf32, #tpu.memory_space<vmem_shared>>)
      tpu.yield
    }) : () -> ()
    %mul3A_38 = arith.constant 640 : i32
    %mul3A_39 = arith.muli %arg1, %mul3A_38 : i32
    %add3A_40 = arith.constant 512 : i32
    %add3A_41 = arith.addi %mul3A_39, %add3A_40 : i32
    "tpu.region"() ({
      %run_scoped3A = tpu.sem_alloc : memref<!tpu.dma_semaphore, #tpu.memory_space<semaphore_mem>>
      %dma_start3A_107 = arith.constant 0 : i32
      %dma_start3A_108 = arith.constant 0 : i32
      %dma_start3A_109 = tpu.memref_slice %arg7[%dma_start3A_107, %dma_start3A_108] : memref<512x64xf32, #tpu.memory_space<vmem>> -> memref<128x64xf32, #tpu.memory_space<vmem>>
      %dma_start3A_110 = arith.constant 0 : i32
      %dma_start3A_111 = tpu.memref_slice %arg8[%add3A_41, %dma_start3A_110] : memref<10240x64xf32, #tpu.memory_space<vmem_shared>> -> memref<128x64xf32, #tpu.memory_space<vmem_shared>>
      %dma_start3A_112 = arith.constant 0 : i32
      %dma_start3A_113 = tpu.memref_slice %arg8[%add3A_41, %dma_start3A_112] : memref<10240x64xf32, #tpu.memory_space<vmem_shared>> -> memref<128x64xf32, #tpu.memory_space<vmem_shared>>
      %dma_start3A_114 = arith.constant 0 : i32
      %dma_start3A_115 = arith.constant 0 : i32
      %dma_start3A_116 = tpu.memref_slice %arg7[%dma_start3A_114, %dma_start3A_115] : memref<512x64xf32, #tpu.memory_space<vmem>> -> memref<128x64xf32, #tpu.memory_space<vmem>>
      tpu.enqueue_dma source(%dma_start3A_116 : memref<128x64xf32, #tpu.memory_space<vmem>>) target(%dma_start3A_113 : memref<128x64xf32, #tpu.memory_space<vmem_shared>>) target_semaphore(%run_scoped3A : memref<!tpu.dma_semaphore, #tpu.memory_space<semaphore_mem>>)
      %dma_wait3A_117 = arith.constant 0 : i32
      %dma_wait3A_118 = arith.constant 0 : i32
      %dma_wait3A_119 = tpu.memref_slice %arg7[%dma_wait3A_117, %dma_wait3A_118] : memref<512x64xf32, #tpu.memory_space<vmem>> -> memref<128x64xf32, #tpu.memory_space<vmem>>
      %dma_wait3A_120 = arith.constant 0 : i32
      %dma_wait3A_121 = tpu.memref_slice %arg8[%add3A_41, %dma_wait3A_120] : memref<10240x64xf32, #tpu.memory_space<vmem_shared>> -> memref<128x64xf32, #tpu.memory_space<vmem_shared>>
      %dma_wait3A_122 = arith.constant 0 : i32
      %dma_wait3A_123 = tpu.memref_slice %arg8[%add3A_41, %dma_wait3A_122] : memref<10240x64xf32, #tpu.memory_space<vmem_shared>> -> memref<128x64xf32, #tpu.memory_space<vmem_shared>>
      %dma_wait3A_124 = arith.constant 0 : i32
      %dma_wait3A_125 = arith.constant 0 : i32
      %dma_wait3A_126 = tpu.memref_slice %arg7[%dma_wait3A_124, %dma_wait3A_125] : memref<512x64xf32, #tpu.memory_space<vmem>> -> memref<128x64xf32, #tpu.memory_space<vmem>>
      tpu.wait_dma2 semaphore(%run_scoped3A : memref<!tpu.dma_semaphore, #tpu.memory_space<semaphore_mem>>) src(%dma_wait3A_126 : memref<128x64xf32, #tpu.memory_space<vmem>>) dst(%dma_wait3A_123 : memref<128x64xf32, #tpu.memory_space<vmem_shared>>)
      tpu.yield
    }) : () -> ()
    %dma_wait3A = arith.constant 0 : i32
    %dma_wait3A_42 = arith.constant 0 : i32
    %dma_wait3A_43 = tpu.memref_slice %arg3[%dma_wait3A, %mul3A_2, %dma_wait3A_42] : memref<2x2560x128xi32, #tpu.memory_space<hbm>> -> memref<1x80x128xi32, #tpu.memory_space<hbm>>
    %dma_wait3A_44 = tpu.memref_squeeze %dma_wait3A_43 : memref<1x80x128xi32, #tpu.memory_space<hbm>> -> memref<80x128xi32, #tpu.memory_space<hbm>>
    %dma_wait3A_45 = arith.constant 0 : i32
    %dma_wait3A_46 = tpu.memref_slice %arg3[%dma_wait3A, %mul3A_2, %dma_wait3A_45] : memref<2x2560x128xi32, #tpu.memory_space<hbm>> -> memref<1x80x128xi32, #tpu.memory_space<hbm>>
    %dma_wait3A_47 = tpu.memref_squeeze %dma_wait3A_46 : memref<1x80x128xi32, #tpu.memory_space<hbm>> -> memref<80x128xi32, #tpu.memory_space<hbm>>
    tpu.wait_dma2 semaphore(%arg9 : memref<!tpu.dma_semaphore, #tpu.memory_space<semaphore_mem>>) src(%dma_wait3A_47 : memref<80x128xi32, #tpu.memory_space<hbm>>) dst(%arg5 : memref<80x128xi32, #tpu.memory_space<vmem>>)
    %dma_wait3A_48 = arith.constant 1 : i32
    %dma_wait3A_49 = arith.constant 0 : i32
    %dma_wait3A_50 = tpu.memref_slice %arg3[%dma_wait3A_48, %mul3A_2, %dma_wait3A_49] : memref<2x2560x128xi32, #tpu.memory_space<hbm>> -> memref<1x80x128xi32, #tpu.memory_space<hbm>>
    %dma_wait3A_51 = tpu.memref_squeeze %dma_wait3A_50 : memref<1x80x128xi32, #tpu.memory_space<hbm>> -> memref<80x128xi32, #tpu.memory_space<hbm>>
    %dma_wait3A_52 = arith.constant 0 : i32
    %dma_wait3A_53 = tpu.memref_slice %arg3[%dma_wait3A_48, %mul3A_2, %dma_wait3A_52] : memref<2x2560x128xi32, #tpu.memory_space<hbm>> -> memref<1x80x128xi32, #tpu.memory_space<hbm>>
    %dma_wait3A_54 = tpu.memref_squeeze %dma_wait3A_53 : memref<1x80x128xi32, #tpu.memory_space<hbm>> -> memref<80x128xi32, #tpu.memory_space<hbm>>
    tpu.wait_dma2 semaphore(%arg10 : memref<!tpu.dma_semaphore, #tpu.memory_space<semaphore_mem>>) src(%dma_wait3A_54 : memref<80x128xi32, #tpu.memory_space<hbm>>) dst(%arg6 : memref<80x128xi32, #tpu.memory_space<vmem>>)
    %barrier3A = arith.constant 0 : index
    tpu.barrier barrier_id(%barrier3A)
    %dma_start3A_55 = arith.constant 0 : i32
    %dma_start3A_56 = arith.constant 0 : i32
    %dma_start3A_57 = arith.constant 0 : i32
    %dma_start3A_58 = tpu.memref_slice %arg7[%dma_start3A_56, %dma_start3A_57] : memref<512x64xf32, #tpu.memory_space<vmem>> -> memref<128x64xf32, #tpu.memory_space<vmem>>
    %dma_start3A_59 = arith.constant 0 : i32
    %dma_start3A_60 = tpu.memref_slice %arg5[%dma_start3A_55, %dma_start3A_59] : memref<80x128xi32, #tpu.memory_space<vmem>> -> memref<1x128xi32, #tpu.memory_space<vmem>>
    %dma_start3A_61 = tpu.memref_squeeze %dma_start3A_60 : memref<1x128xi32, #tpu.memory_space<vmem>> -> memref<128xi32, #tpu.memory_space<vmem>>
    %dma_start3A_62 = arith.constant 0 : i32
    %dma_start3A_63 = arith.constant 0 : i32
    %dma_start3A_64 = tpu.memref_slice %arg2[%dma_start3A_62, %dma_start3A_63] : memref<10240x64xf32, #tpu.memory_space<hbm>> -> memref<10240x64xf32, #tpu.memory_space<hbm>>
    tpu.enqueue_indirect_dma source(%dma_start3A_64 : memref<10240x64xf32, #tpu.memory_space<hbm>>) target(%dma_start3A_58 : memref<128x64xf32, #tpu.memory_space<vmem>>) offsets(%dma_start3A_61 : memref<128xi32, #tpu.memory_space<vmem>>) semaphore(%arg9 : memref<!tpu.dma_semaphore, #tpu.memory_space<semaphore_mem>>)
    %dma_start3A_65 = arith.constant 1 : i32
    %dma_start3A_66 = arith.constant 128 : i32
    %dma_start3A_67 = arith.constant 0 : i32
    %dma_start3A_68 = tpu.memref_slice %arg7[%dma_start3A_66, %dma_start3A_67] : memref<512x64xf32, #tpu.memory_space<vmem>> -> memref<128x64xf32, #tpu.memory_space<vmem>>
    %dma_start3A_69 = arith.constant 0 : i32
    %dma_start3A_70 = tpu.memref_slice %arg5[%dma_start3A_65, %dma_start3A_69] : memref<80x128xi32, #tpu.memory_space<vmem>> -> memref<1x128xi32, #tpu.memory_space<vmem>>
    %dma_start3A_71 = tpu.memref_squeeze %dma_start3A_70 : memref<1x128xi32, #tpu.memory_space<vmem>> -> memref<128xi32, #tpu.memory_space<vmem>>
    %dma_start3A_72 = arith.constant 0 : i32
    %dma_start3A_73 = arith.constant 0 : i32
    %dma_start3A_74 = tpu.memref_slice %arg2[%dma_start3A_72, %dma_start3A_73] : memref<10240x64xf32, #tpu.memory_space<hbm>> -> memref<10240x64xf32, #tpu.memory_space<hbm>>
    tpu.enqueue_indirect_dma source(%dma_start3A_74 : memref<10240x64xf32, #tpu.memory_space<hbm>>) target(%dma_start3A_68 : memref<128x64xf32, #tpu.memory_space<vmem>>) offsets(%dma_start3A_71 : memref<128xi32, #tpu.memory_space<vmem>>) semaphore(%arg10 : memref<!tpu.dma_semaphore, #tpu.memory_space<semaphore_mem>>)
    %dma_start3A_75 = arith.constant 2 : i32
    %dma_start3A_76 = arith.constant 256 : i32
    %dma_start3A_77 = arith.constant 0 : i32
    %dma_start3A_78 = tpu.memref_slice %arg7[%dma_start3A_76, %dma_start3A_77] : memref<512x64xf32, #tpu.memory_space<vmem>> -> memref<128x64xf32, #tpu.memory_space<vmem>>
    %dma_start3A_79 = arith.constant 0 : i32
    %dma_start3A_80 = tpu.memref_slice %arg5[%dma_start3A_75, %dma_start3A_79] : memref<80x128xi32, #tpu.memory_space<vmem>> -> memref<1x128xi32, #tpu.memory_space<vmem>>
    %dma_start3A_81 = tpu.memref_squeeze %dma_start3A_80 : memref<1x128xi32, #tpu.memory_space<vmem>> -> memref<128xi32, #tpu.memory_space<vmem>>
    %dma_start3A_82 = arith.constant 0 : i32
    %dma_start3A_83 = arith.constant 0 : i32
    %dma_start3A_84 = tpu.memref_slice %arg2[%dma_start3A_82, %dma_start3A_83] : memref<10240x64xf32, #tpu.memory_space<hbm>> -> memref<10240x64xf32, #tpu.memory_space<hbm>>
    tpu.enqueue_indirect_dma source(%dma_start3A_84 : memref<10240x64xf32, #tpu.memory_space<hbm>>) target(%dma_start3A_78 : memref<128x64xf32, #tpu.memory_space<vmem>>) offsets(%dma_start3A_81 : memref<128xi32, #tpu.memory_space<vmem>>) semaphore(%arg11 : memref<!tpu.dma_semaphore, #tpu.memory_space<semaphore_mem>>)
    %dma_start3A_85 = arith.constant 3 : i32
    %dma_start3A_86 = arith.constant 384 : i32
    %dma_start3A_87 = arith.constant 0 : i32
    %dma_start3A_88 = tpu.memref_slice %arg7[%dma_start3A_86, %dma_start3A_87] : memref<512x64xf32, #tpu.memory_space<vmem>> -> memref<128x64xf32, #tpu.memory_space<vmem>>
    %dma_start3A_89 = arith.constant 0 : i32
    %dma_start3A_90 = tpu.memref_slice %arg5[%dma_start3A_85, %dma_start3A_89] : memref<80x128xi32, #tpu.memory_space<vmem>> -> memref<1x128xi32, #tpu.memory_space<vmem>>
    %dma_start3A_91 = tpu.memref_squeeze %dma_start3A_90 : memref<1x128xi32, #tpu.memory_space<vmem>> -> memref<128xi32, #tpu.memory_space<vmem>>
    %dma_start3A_92 = arith.constant 0 : i32
    %dma_start3A_93 = arith.constant 0 : i32
    %dma_start3A_94 = tpu.memref_slice %arg2[%dma_start3A_92, %dma_start3A_93] : memref<10240x64xf32, #tpu.memory_space<hbm>> -> memref<10240x64xf32, #tpu.memory_space<hbm>>
    tpu.enqueue_indirect_dma source(%dma_start3A_94 : memref<10240x64xf32, #tpu.memory_space<hbm>>) target(%dma_start3A_88 : memref<128x64xf32, #tpu.memory_space<vmem>>) offsets(%dma_start3A_91 : memref<128xi32, #tpu.memory_space<vmem>>) semaphore(%arg12 : memref<!tpu.dma_semaphore, #tpu.memory_space<semaphore_mem>>)
    %scan3A_95 = arith.constant 0 : i32
    %scan3A_96 = arith.constant 0 : i32
    %scan3A_97 = arith.constant 20 : i32
    %scan3A_98 = arith.addi %scan3A_96, %scan3A_97 : i32
    %scan3A_99 = arith.constant 1 : i32
    %scan3A_100 = scf.for %scan3A_107 = %scan3A_96 to %scan3A_98 step %scan3A_99 iter_args(%scan3A_108 = %scan3A_95) -> (i32)  : i32 {
      %mul3A_109 = arith.constant 4 : i32
      %mul3A_110 = arith.muli %scan3A_107, %mul3A_109 : i32
      %add3A_111 = arith.constant 0 : i32
      %add3A_112 = arith.addi %mul3A_110, %add3A_111 : i32
      %dma_wait3A_113 = arith.constant 0 : i32
      %dma_wait3A_114 = arith.constant 0 : i32
      %dma_wait3A_115 = arith.constant 0 : i32
      %dma_wait3A_116 = tpu.memref_slice %arg7[%dma_wait3A_114, %dma_wait3A_115] : memref<512x64xf32, #tpu.memory_space<vmem>> -> memref<128x64xf32, #tpu.memory_space<vmem>>
      %dma_wait3A_117 = arith.constant 0 : i32
      %dma_wait3A_118 = tpu.memref_slice %arg5[%dma_wait3A_113, %dma_wait3A_117] : memref<80x128xi32, #tpu.memory_space<vmem>> -> memref<1x128xi32, #tpu.memory_space<vmem>>
      %dma_wait3A_119 = tpu.memref_squeeze %dma_wait3A_118 : memref<1x128xi32, #tpu.memory_space<vmem>> -> memref<128xi32, #tpu.memory_space<vmem>>
      %dma_wait3A_120 = arith.constant 0 : i32
      %dma_wait3A_121 = arith.constant 0 : i32
      %dma_wait3A_122 = tpu.memref_slice %arg2[%dma_wait3A_120, %dma_wait3A_121] : memref<10240x64xf32, #tpu.memory_space<hbm>> -> memref<10240x64xf32, #tpu.memory_space<hbm>>
      tpu.wait_indirect_dma semaphore(%arg9 : memref<!tpu.dma_semaphore, #tpu.memory_space<semaphore_mem>>) src(%dma_wait3A_122 : memref<10240x64xf32, #tpu.memory_space<hbm>>) dst(%dma_wait3A_116 : memref<128x64xf32, #tpu.memory_space<vmem>>)
      "tpu.region"() ({
        %run_scoped3A = tpu.sem_alloc : memref<!tpu.dma_semaphore, #tpu.memory_space<semaphore_mem>>
        %dma_start3A_183 = arith.constant 0 : i32
        %dma_start3A_184 = arith.constant 0 : i32
        %dma_start3A_185 = tpu.memref_slice %arg7[%dma_start3A_183, %dma_start3A_184] : memref<512x64xf32, #tpu.memory_space<vmem>> -> memref<128x64xf32, #tpu.memory_space<vmem>>
        %dma_start3A_186 = arith.constant 0 : i32
        %dma_start3A_187 = tpu.memref_slice %arg6[%add3A_112, %dma_start3A_186] : memref<80x128xi32, #tpu.memory_space<vmem>> -> memref<1x128xi32, #tpu.memory_space<vmem>>
        %dma_start3A_188 = tpu.memref_squeeze %dma_start3A_187 : memref<1x128xi32, #tpu.memory_space<vmem>> -> memref<128xi32, #tpu.memory_space<vmem>>
        %dma_start3A_189 = arith.constant 0 : i32
        %dma_start3A_190 = arith.constant 0 : i32
        %dma_start3A_191 = tpu.memref_slice %arg8[%dma_start3A_189, %dma_start3A_190] : memref<10240x64xf32, #tpu.memory_space<vmem_shared>> -> memref<10240x64xf32, #tpu.memory_space<vmem_shared>>
        tpu.enqueue_indirect_dma source(%dma_start3A_185 : memref<128x64xf32, #tpu.memory_space<vmem>>) target(%dma_start3A_191 : memref<10240x64xf32, #tpu.memory_space<vmem_shared>>) offsets(%dma_start3A_188 : memref<128xi32, #tpu.memory_space<vmem>>) semaphore(%run_scoped3A : memref<!tpu.dma_semaphore, #tpu.memory_space<semaphore_mem>>) {add = true}
        %dma_wait3A_192 = arith.constant 0 : i32
        %dma_wait3A_193 = arith.constant 0 : i32
        %dma_wait3A_194 = tpu.memref_slice %arg7[%dma_wait3A_192, %dma_wait3A_193] : memref<512x64xf32, #tpu.memory_space<vmem>> -> memref<128x64xf32, #tpu.memory_space<vmem>>
        %dma_wait3A_195 = arith.constant 0 : i32
        %dma_wait3A_196 = tpu.memref_slice %arg6[%add3A_112, %dma_wait3A_195] : memref<80x128xi32, #tpu.memory_space<vmem>> -> memref<1x128xi32, #tpu.memory_space<vmem>>
        %dma_wait3A_197 = tpu.memref_squeeze %dma_wait3A_196 : memref<1x128xi32, #tpu.memory_space<vmem>> -> memref<128xi32, #tpu.memory_space<vmem>>
        %dma_wait3A_198 = arith.constant 0 : i32
        %dma_wait3A_199 = arith.constant 0 : i32
        %dma_wait3A_200 = tpu.memref_slice %arg8[%dma_wait3A_198, %dma_wait3A_199] : memref<10240x64xf32, #tpu.memory_space<vmem_shared>> -> memref<10240x64xf32, #tpu.memory_space<vmem_shared>>
        tpu.wait_indirect_dma semaphore(%run_scoped3A : memref<!tpu.dma_semaphore, #tpu.memory_space<semaphore_mem>>) src(%dma_wait3A_194 : memref<128x64xf32, #tpu.memory_space<vmem>>) dst(%dma_wait3A_200 : memref<10240x64xf32, #tpu.memory_space<vmem_shared>>)
        tpu.yield
      }) : () -> ()
      %lt3A = arith.constant 19 : i32
      %lt3A_123 = arith.cmpi slt, %scan3A_107, %lt3A : i32
      %convert_element_type3A = arith.extui %lt3A_123 : i1 to i32
      %cond3A = arith.constant 0 : i32
      %cond3A_124 = arith.cmpi ne, %convert_element_type3A, %cond3A : i32
      scf.if %cond3A_124 {
        %add3A_183 = arith.constant 4 : i32
        %add3A_184 = arith.addi %add3A_112, %add3A_183 : i32
        %dma_start3A_185 = arith.constant 0 : i32
        %dma_start3A_186 = arith.constant 0 : i32
        %dma_start3A_187 = tpu.memref_slice %arg7[%dma_start3A_185, %dma_start3A_186] : memref<512x64xf32, #tpu.memory_space<vmem>> -> memref<128x64xf32, #tpu.memory_space<vmem>>
        %dma_start3A_188 = arith.constant 0 : i32
        %dma_start3A_189 = tpu.memref_slice %arg5[%add3A_184, %dma_start3A_188] : memref<80x128xi32, #tpu.memory_space<vmem>> -> memref<1x128xi32, #tpu.memory_space<vmem>>
        %dma_start3A_190 = tpu.memref_squeeze %dma_start3A_189 : memref<1x128xi32, #tpu.memory_space<vmem>> -> memref<128xi32, #tpu.memory_space<vmem>>
        %dma_start3A_191 = arith.constant 0 : i32
        %dma_start3A_192 = arith.constant 0 : i32
        %dma_start3A_193 = tpu.memref_slice %arg2[%dma_start3A_191, %dma_start3A_192] : memref<10240x64xf32, #tpu.memory_space<hbm>> -> memref<10240x64xf32, #tpu.memory_space<hbm>>
        tpu.enqueue_indirect_dma source(%dma_start3A_193 : memref<10240x64xf32, #tpu.memory_space<hbm>>) target(%dma_start3A_187 : memref<128x64xf32, #tpu.memory_space<vmem>>) offsets(%dma_start3A_190 : memref<128xi32, #tpu.memory_space<vmem>>) semaphore(%arg9 : memref<!tpu.dma_semaphore, #tpu.memory_space<semaphore_mem>>)
      } else {
      }
      %mul3A_125 = arith.constant 4 : i32
      %mul3A_126 = arith.muli %scan3A_107, %mul3A_125 : i32
      %add3A_127 = arith.constant 1 : i32
      %add3A_128 = arith.addi %mul3A_126, %add3A_127 : i32
      %dma_wait3A_129 = arith.constant 0 : i32
      %dma_wait3A_130 = arith.constant 128 : i32
      %dma_wait3A_131 = arith.constant 0 : i32
      %dma_wait3A_132 = tpu.memref_slice %arg7[%dma_wait3A_130, %dma_wait3A_131] : memref<512x64xf32, #tpu.memory_space<vmem>> -> memref<128x64xf32, #tpu.memory_space<vmem>>
      %dma_wait3A_133 = arith.constant 0 : i32
      %dma_wait3A_134 = tpu.memref_slice %arg5[%dma_wait3A_129, %dma_wait3A_133] : memref<80x128xi32, #tpu.memory_space<vmem>> -> memref<1x128xi32, #tpu.memory_space<vmem>>
      %dma_wait3A_135 = tpu.memref_squeeze %dma_wait3A_134 : memref<1x128xi32, #tpu.memory_space<vmem>> -> memref<128xi32, #tpu.memory_space<vmem>>
      %dma_wait3A_136 = arith.constant 0 : i32
      %dma_wait3A_137 = arith.constant 0 : i32
      %dma_wait3A_138 = tpu.memref_slice %arg2[%dma_wait3A_136, %dma_wait3A_137] : memref<10240x64xf32, #tpu.memory_space<hbm>> -> memref<10240x64xf32, #tpu.memory_space<hbm>>
      tpu.wait_indirect_dma semaphore(%arg10 : memref<!tpu.dma_semaphore, #tpu.memory_space<semaphore_mem>>) src(%dma_wait3A_138 : memref<10240x64xf32, #tpu.memory_space<hbm>>) dst(%dma_wait3A_132 : memref<128x64xf32, #tpu.memory_space<vmem>>)
      "tpu.region"() ({
        %run_scoped3A = tpu.sem_alloc : memref<!tpu.dma_semaphore, #tpu.memory_space<semaphore_mem>>
        %dma_start3A_183 = arith.constant 128 : i32
        %dma_start3A_184 = arith.constant 0 : i32
        %dma_start3A_185 = tpu.memref_slice %arg7[%dma_start3A_183, %dma_start3A_184] : memref<512x64xf32, #tpu.memory_space<vmem>> -> memref<128x64xf32, #tpu.memory_space<vmem>>
        %dma_start3A_186 = arith.constant 0 : i32
        %dma_start3A_187 = tpu.memref_slice %arg6[%add3A_128, %dma_start3A_186] : memref<80x128xi32, #tpu.memory_space<vmem>> -> memref<1x128xi32, #tpu.memory_space<vmem>>
        %dma_start3A_188 = tpu.memref_squeeze %dma_start3A_187 : memref<1x128xi32, #tpu.memory_space<vmem>> -> memref<128xi32, #tpu.memory_space<vmem>>
        %dma_start3A_189 = arith.constant 0 : i32
        %dma_start3A_190 = arith.constant 0 : i32
        %dma_start3A_191 = tpu.memref_slice %arg8[%dma_start3A_189, %dma_start3A_190] : memref<10240x64xf32, #tpu.memory_space<vmem_shared>> -> memref<10240x64xf32, #tpu.memory_space<vmem_shared>>
        tpu.enqueue_indirect_dma source(%dma_start3A_185 : memref<128x64xf32, #tpu.memory_space<vmem>>) target(%dma_start3A_191 : memref<10240x64xf32, #tpu.memory_space<vmem_shared>>) offsets(%dma_start3A_188 : memref<128xi32, #tpu.memory_space<vmem>>) semaphore(%run_scoped3A : memref<!tpu.dma_semaphore, #tpu.memory_space<semaphore_mem>>) {add = true}
        %dma_wait3A_192 = arith.constant 128 : i32
        %dma_wait3A_193 = arith.constant 0 : i32
        %dma_wait3A_194 = tpu.memref_slice %arg7[%dma_wait3A_192, %dma_wait3A_193] : memref<512x64xf32, #tpu.memory_space<vmem>> -> memref<128x64xf32, #tpu.memory_space<vmem>>
        %dma_wait3A_195 = arith.constant 0 : i32
        %dma_wait3A_196 = tpu.memref_slice %arg6[%add3A_128, %dma_wait3A_195] : memref<80x128xi32, #tpu.memory_space<vmem>> -> memref<1x128xi32, #tpu.memory_space<vmem>>
        %dma_wait3A_197 = tpu.memref_squeeze %dma_wait3A_196 : memref<1x128xi32, #tpu.memory_space<vmem>> -> memref<128xi32, #tpu.memory_space<vmem>>
        %dma_wait3A_198 = arith.constant 0 : i32
        %dma_wait3A_199 = arith.constant 0 : i32
        %dma_wait3A_200 = tpu.memref_slice %arg8[%dma_wait3A_198, %dma_wait3A_199] : memref<10240x64xf32, #tpu.memory_space<vmem_shared>> -> memref<10240x64xf32, #tpu.memory_space<vmem_shared>>
        tpu.wait_indirect_dma semaphore(%run_scoped3A : memref<!tpu.dma_semaphore, #tpu.memory_space<semaphore_mem>>) src(%dma_wait3A_194 : memref<128x64xf32, #tpu.memory_space<vmem>>) dst(%dma_wait3A_200 : memref<10240x64xf32, #tpu.memory_space<vmem_shared>>)
        tpu.yield
      }) : () -> ()
      %lt3A_139 = arith.constant 19 : i32
      %lt3A_140 = arith.cmpi slt, %scan3A_107, %lt3A_139 : i32
      %convert_element_type3A_141 = arith.extui %lt3A_140 : i1 to i32
      %cond3A_142 = arith.constant 0 : i32
      %cond3A_143 = arith.cmpi ne, %convert_element_type3A_141, %cond3A_142 : i32
      scf.if %cond3A_143 {
        %add3A_183 = arith.constant 4 : i32
        %add3A_184 = arith.addi %add3A_128, %add3A_183 : i32
        %dma_start3A_185 = arith.constant 128 : i32
        %dma_start3A_186 = arith.constant 0 : i32
        %dma_start3A_187 = tpu.memref_slice %arg7[%dma_start3A_185, %dma_start3A_186] : memref<512x64xf32, #tpu.memory_space<vmem>> -> memref<128x64xf32, #tpu.memory_space<vmem>>
        %dma_start3A_188 = arith.constant 0 : i32
        %dma_start3A_189 = tpu.memref_slice %arg5[%add3A_184, %dma_start3A_188] : memref<80x128xi32, #tpu.memory_space<vmem>> -> memref<1x128xi32, #tpu.memory_space<vmem>>
        %dma_start3A_190 = tpu.memref_squeeze %dma_start3A_189 : memref<1x128xi32, #tpu.memory_space<vmem>> -> memref<128xi32, #tpu.memory_space<vmem>>
        %dma_start3A_191 = arith.constant 0 : i32
        %dma_start3A_192 = arith.constant 0 : i32
        %dma_start3A_193 = tpu.memref_slice %arg2[%dma_start3A_191, %dma_start3A_192] : memref<10240x64xf32, #tpu.memory_space<hbm>> -> memref<10240x64xf32, #tpu.memory_space<hbm>>
        tpu.enqueue_indirect_dma source(%dma_start3A_193 : memref<10240x64xf32, #tpu.memory_space<hbm>>) target(%dma_start3A_187 : memref<128x64xf32, #tpu.memory_space<vmem>>) offsets(%dma_start3A_190 : memref<128xi32, #tpu.memory_space<vmem>>) semaphore(%arg10 : memref<!tpu.dma_semaphore, #tpu.memory_space<semaphore_mem>>)
      } else {
      }
      %mul3A_144 = arith.constant 4 : i32
      %mul3A_145 = arith.muli %scan3A_107, %mul3A_144 : i32
      %add3A_146 = arith.constant 2 : i32
      %add3A_147 = arith.addi %mul3A_145, %add3A_146 : i32
      %dma_wait3A_148 = arith.constant 0 : i32
      %dma_wait3A_149 = arith.constant 256 : i32
      %dma_wait3A_150 = arith.constant 0 : i32
      %dma_wait3A_151 = tpu.memref_slice %arg7[%dma_wait3A_149, %dma_wait3A_150] : memref<512x64xf32, #tpu.memory_space<vmem>> -> memref<128x64xf32, #tpu.memory_space<vmem>>
      %dma_wait3A_152 = arith.constant 0 : i32
      %dma_wait3A_153 = tpu.memref_slice %arg5[%dma_wait3A_148, %dma_wait3A_152] : memref<80x128xi32, #tpu.memory_space<vmem>> -> memref<1x128xi32, #tpu.memory_space<vmem>>
      %dma_wait3A_154 = tpu.memref_squeeze %dma_wait3A_153 : memref<1x128xi32, #tpu.memory_space<vmem>> -> memref<128xi32, #tpu.memory_space<vmem>>
      %dma_wait3A_155 = arith.constant 0 : i32
      %dma_wait3A_156 = arith.constant 0 : i32
      %dma_wait3A_157 = tpu.memref_slice %arg2[%dma_wait3A_155, %dma_wait3A_156] : memref<10240x64xf32, #tpu.memory_space<hbm>> -> memref<10240x64xf32, #tpu.memory_space<hbm>>
      tpu.wait_indirect_dma semaphore(%arg11 : memref<!tpu.dma_semaphore, #tpu.memory_space<semaphore_mem>>) src(%dma_wait3A_157 : memref<10240x64xf32, #tpu.memory_space<hbm>>) dst(%dma_wait3A_151 : memref<128x64xf32, #tpu.memory_space<vmem>>)
      "tpu.region"() ({
        %run_scoped3A = tpu.sem_alloc : memref<!tpu.dma_semaphore, #tpu.memory_space<semaphore_mem>>
        %dma_start3A_183 = arith.constant 256 : i32
        %dma_start3A_184 = arith.constant 0 : i32
        %dma_start3A_185 = tpu.memref_slice %arg7[%dma_start3A_183, %dma_start3A_184] : memref<512x64xf32, #tpu.memory_space<vmem>> -> memref<128x64xf32, #tpu.memory_space<vmem>>
        %dma_start3A_186 = arith.constant 0 : i32
        %dma_start3A_187 = tpu.memref_slice %arg6[%add3A_147, %dma_start3A_186] : memref<80x128xi32, #tpu.memory_space<vmem>> -> memref<1x128xi32, #tpu.memory_space<vmem>>
        %dma_start3A_188 = tpu.memref_squeeze %dma_start3A_187 : memref<1x128xi32, #tpu.memory_space<vmem>> -> memref<128xi32, #tpu.memory_space<vmem>>
        %dma_start3A_189 = arith.constant 0 : i32
        %dma_start3A_190 = arith.constant 0 : i32
        %dma_start3A_191 = tpu.memref_slice %arg8[%dma_start3A_189, %dma_start3A_190] : memref<10240x64xf32, #tpu.memory_space<vmem_shared>> -> memref<10240x64xf32, #tpu.memory_space<vmem_shared>>
        tpu.enqueue_indirect_dma source(%dma_start3A_185 : memref<128x64xf32, #tpu.memory_space<vmem>>) target(%dma_start3A_191 : memref<10240x64xf32, #tpu.memory_space<vmem_shared>>) offsets(%dma_start3A_188 : memref<128xi32, #tpu.memory_space<vmem>>) semaphore(%run_scoped3A : memref<!tpu.dma_semaphore, #tpu.memory_space<semaphore_mem>>) {add = true}
        %dma_wait3A_192 = arith.constant 256 : i32
        %dma_wait3A_193 = arith.constant 0 : i32
        %dma_wait3A_194 = tpu.memref_slice %arg7[%dma_wait3A_192, %dma_wait3A_193] : memref<512x64xf32, #tpu.memory_space<vmem>> -> memref<128x64xf32, #tpu.memory_space<vmem>>
        %dma_wait3A_195 = arith.constant 0 : i32
        %dma_wait3A_196 = tpu.memref_slice %arg6[%add3A_147, %dma_wait3A_195] : memref<80x128xi32, #tpu.memory_space<vmem>> -> memref<1x128xi32, #tpu.memory_space<vmem>>
        %dma_wait3A_197 = tpu.memref_squeeze %dma_wait3A_196 : memref<1x128xi32, #tpu.memory_space<vmem>> -> memref<128xi32, #tpu.memory_space<vmem>>
        %dma_wait3A_198 = arith.constant 0 : i32
        %dma_wait3A_199 = arith.constant 0 : i32
        %dma_wait3A_200 = tpu.memref_slice %arg8[%dma_wait3A_198, %dma_wait3A_199] : memref<10240x64xf32, #tpu.memory_space<vmem_shared>> -> memref<10240x64xf32, #tpu.memory_space<vmem_shared>>
        tpu.wait_indirect_dma semaphore(%run_scoped3A : memref<!tpu.dma_semaphore, #tpu.memory_space<semaphore_mem>>) src(%dma_wait3A_194 : memref<128x64xf32, #tpu.memory_space<vmem>>) dst(%dma_wait3A_200 : memref<10240x64xf32, #tpu.memory_space<vmem_shared>>)
        tpu.yield
      }) : () -> ()
      %lt3A_158 = arith.constant 19 : i32
      %lt3A_159 = arith.cmpi slt, %scan3A_107, %lt3A_158 : i32
      %convert_element_type3A_160 = arith.extui %lt3A_159 : i1 to i32
      %cond3A_161 = arith.constant 0 : i32
      %cond3A_162 = arith.cmpi ne, %convert_element_type3A_160, %cond3A_161 : i32
      scf.if %cond3A_162 {
        %add3A_183 = arith.constant 4 : i32
        %add3A_184 = arith.addi %add3A_147, %add3A_183 : i32
        %dma_start3A_185 = arith.constant 256 : i32
        %dma_start3A_186 = arith.constant 0 : i32
        %dma_start3A_187 = tpu.memref_slice %arg7[%dma_start3A_185, %dma_start3A_186] : memref<512x64xf32, #tpu.memory_space<vmem>> -> memref<128x64xf32, #tpu.memory_space<vmem>>
        %dma_start3A_188 = arith.constant 0 : i32
        %dma_start3A_189 = tpu.memref_slice %arg5[%add3A_184, %dma_start3A_188] : memref<80x128xi32, #tpu.memory_space<vmem>> -> memref<1x128xi32, #tpu.memory_space<vmem>>
        %dma_start3A_190 = tpu.memref_squeeze %dma_start3A_189 : memref<1x128xi32, #tpu.memory_space<vmem>> -> memref<128xi32, #tpu.memory_space<vmem>>
        %dma_start3A_191 = arith.constant 0 : i32
        %dma_start3A_192 = arith.constant 0 : i32
        %dma_start3A_193 = tpu.memref_slice %arg2[%dma_start3A_191, %dma_start3A_192] : memref<10240x64xf32, #tpu.memory_space<hbm>> -> memref<10240x64xf32, #tpu.memory_space<hbm>>
        tpu.enqueue_indirect_dma source(%dma_start3A_193 : memref<10240x64xf32, #tpu.memory_space<hbm>>) target(%dma_start3A_187 : memref<128x64xf32, #tpu.memory_space<vmem>>) offsets(%dma_start3A_190 : memref<128xi32, #tpu.memory_space<vmem>>) semaphore(%arg11 : memref<!tpu.dma_semaphore, #tpu.memory_space<semaphore_mem>>)
      } else {
      }
      %mul3A_163 = arith.constant 4 : i32
      %mul3A_164 = arith.muli %scan3A_107, %mul3A_163 : i32
      %add3A_165 = arith.constant 3 : i32
      %add3A_166 = arith.addi %mul3A_164, %add3A_165 : i32
      %dma_wait3A_167 = arith.constant 0 : i32
      %dma_wait3A_168 = arith.constant 384 : i32
      %dma_wait3A_169 = arith.constant 0 : i32
      %dma_wait3A_170 = tpu.memref_slice %arg7[%dma_wait3A_168, %dma_wait3A_169] : memref<512x64xf32, #tpu.memory_space<vmem>> -> memref<128x64xf32, #tpu.memory_space<vmem>>
      %dma_wait3A_171 = arith.constant 0 : i32
      %dma_wait3A_172 = tpu.memref_slice %arg5[%dma_wait3A_167, %dma_wait3A_171] : memref<80x128xi32, #tpu.memory_space<vmem>> -> memref<1x128xi32, #tpu.memory_space<vmem>>
      %dma_wait3A_173 = tpu.memref_squeeze %dma_wait3A_172 : memref<1x128xi32, #tpu.memory_space<vmem>> -> memref<128xi32, #tpu.memory_space<vmem>>
      %dma_wait3A_174 = arith.constant 0 : i32
      %dma_wait3A_175 = arith.constant 0 : i32
      %dma_wait3A_176 = tpu.memref_slice %arg2[%dma_wait3A_174, %dma_wait3A_175] : memref<10240x64xf32, #tpu.memory_space<hbm>> -> memref<10240x64xf32, #tpu.memory_space<hbm>>
      tpu.wait_indirect_dma semaphore(%arg12 : memref<!tpu.dma_semaphore, #tpu.memory_space<semaphore_mem>>) src(%dma_wait3A_176 : memref<10240x64xf32, #tpu.memory_space<hbm>>) dst(%dma_wait3A_170 : memref<128x64xf32, #tpu.memory_space<vmem>>)
      "tpu.region"() ({
        %run_scoped3A = tpu.sem_alloc : memref<!tpu.dma_semaphore, #tpu.memory_space<semaphore_mem>>
        %dma_start3A_183 = arith.constant 384 : i32
        %dma_start3A_184 = arith.constant 0 : i32
        %dma_start3A_185 = tpu.memref_slice %arg7[%dma_start3A_183, %dma_start3A_184] : memref<512x64xf32, #tpu.memory_space<vmem>> -> memref<128x64xf32, #tpu.memory_space<vmem>>
        %dma_start3A_186 = arith.constant 0 : i32
        %dma_start3A_187 = tpu.memref_slice %arg6[%add3A_166, %dma_start3A_186] : memref<80x128xi32, #tpu.memory_space<vmem>> -> memref<1x128xi32, #tpu.memory_space<vmem>>
        %dma_start3A_188 = tpu.memref_squeeze %dma_start3A_187 : memref<1x128xi32, #tpu.memory_space<vmem>> -> memref<128xi32, #tpu.memory_space<vmem>>
        %dma_start3A_189 = arith.constant 0 : i32
        %dma_start3A_190 = arith.constant 0 : i32
        %dma_start3A_191 = tpu.memref_slice %arg8[%dma_start3A_189, %dma_start3A_190] : memref<10240x64xf32, #tpu.memory_space<vmem_shared>> -> memref<10240x64xf32, #tpu.memory_space<vmem_shared>>
        tpu.enqueue_indirect_dma source(%dma_start3A_185 : memref<128x64xf32, #tpu.memory_space<vmem>>) target(%dma_start3A_191 : memref<10240x64xf32, #tpu.memory_space<vmem_shared>>) offsets(%dma_start3A_188 : memref<128xi32, #tpu.memory_space<vmem>>) semaphore(%run_scoped3A : memref<!tpu.dma_semaphore, #tpu.memory_space<semaphore_mem>>) {add = true}
        %dma_wait3A_192 = arith.constant 384 : i32
        %dma_wait3A_193 = arith.constant 0 : i32
        %dma_wait3A_194 = tpu.memref_slice %arg7[%dma_wait3A_192, %dma_wait3A_193] : memref<512x64xf32, #tpu.memory_space<vmem>> -> memref<128x64xf32, #tpu.memory_space<vmem>>
        %dma_wait3A_195 = arith.constant 0 : i32
        %dma_wait3A_196 = tpu.memref_slice %arg6[%add3A_166, %dma_wait3A_195] : memref<80x128xi32, #tpu.memory_space<vmem>> -> memref<1x128xi32, #tpu.memory_space<vmem>>
        %dma_wait3A_197 = tpu.memref_squeeze %dma_wait3A_196 : memref<1x128xi32, #tpu.memory_space<vmem>> -> memref<128xi32, #tpu.memory_space<vmem>>
        %dma_wait3A_198 = arith.constant 0 : i32
        %dma_wait3A_199 = arith.constant 0 : i32
        %dma_wait3A_200 = tpu.memref_slice %arg8[%dma_wait3A_198, %dma_wait3A_199] : memref<10240x64xf32, #tpu.memory_space<vmem_shared>> -> memref<10240x64xf32, #tpu.memory_space<vmem_shared>>
        tpu.wait_indirect_dma semaphore(%run_scoped3A : memref<!tpu.dma_semaphore, #tpu.memory_space<semaphore_mem>>) src(%dma_wait3A_194 : memref<128x64xf32, #tpu.memory_space<vmem>>) dst(%dma_wait3A_200 : memref<10240x64xf32, #tpu.memory_space<vmem_shared>>)
        tpu.yield
      }) : () -> ()
      %lt3A_177 = arith.constant 19 : i32
      %lt3A_178 = arith.cmpi slt, %scan3A_107, %lt3A_177 : i32
      %convert_element_type3A_179 = arith.extui %lt3A_178 : i1 to i32
      %cond3A_180 = arith.constant 0 : i32
      %cond3A_181 = arith.cmpi ne, %convert_element_type3A_179, %cond3A_180 : i32
      scf.if %cond3A_181 {
        %add3A_183 = arith.constant 4 : i32
        %add3A_184 = arith.addi %add3A_166, %add3A_183 : i32
        %dma_start3A_185 = arith.constant 384 : i32
        %dma_start3A_186 = arith.constant 0 : i32
        %dma_start3A_187 = tpu.memref_slice %arg7[%dma_start3A_185, %dma_start3A_186] : memref<512x64xf32, #tpu.memory_space<vmem>> -> memref<128x64xf32, #tpu.memory_space<vmem>>
        %dma_start3A_188 = arith.constant 0 : i32
        %dma_start3A_189 = tpu.memref_slice %arg5[%add3A_184, %dma_start3A_188] : memref<80x128xi32, #tpu.memory_space<vmem>> -> memref<1x128xi32, #tpu.memory_space<vmem>>
        %dma_start3A_190 = tpu.memref_squeeze %dma_start3A_189 : memref<1x128xi32, #tpu.memory_space<vmem>> -> memref<128xi32, #tpu.memory_space<vmem>>
        %dma_start3A_191 = arith.constant 0 : i32
        %dma_start3A_192 = arith.constant 0 : i32
        %dma_start3A_193 = tpu.memref_slice %arg2[%dma_start3A_191, %dma_start3A_192] : memref<10240x64xf32, #tpu.memory_space<hbm>> -> memref<10240x64xf32, #tpu.memory_space<hbm>>
        tpu.enqueue_indirect_dma source(%dma_start3A_193 : memref<10240x64xf32, #tpu.memory_space<hbm>>) target(%dma_start3A_187 : memref<128x64xf32, #tpu.memory_space<vmem>>) offsets(%dma_start3A_190 : memref<128xi32, #tpu.memory_space<vmem>>) semaphore(%arg12 : memref<!tpu.dma_semaphore, #tpu.memory_space<semaphore_mem>>)
      } else {
      }
      %scan3A_182 = arith.constant 0 : i32
      scf.yield %scan3A_182 : i32
    }
    %scan3A_101 = arith.constant 20 : i32
    %barrier3A_102 = arith.constant 0 : index
    tpu.barrier barrier_id(%barrier3A_102)
    %mul3A_103 = arith.constant 640 : i32
    %mul3A_104 = arith.muli %arg1, %mul3A_103 : i32
    %mul3A_105 = arith.constant 640 : i32
    %mul3A_106 = arith.muli %arg1, %mul3A_105 : i32
    "tpu.region"() ({
      %run_scoped3A = tpu.sem_alloc : memref<!tpu.dma_semaphore, #tpu.memory_space<semaphore_mem>>
      %dma_start3A_107 = arith.constant 0 : i32
      %dma_start3A_108 = tpu.memref_slice %arg4[%arg0, %mul3A_106, %dma_start3A_107] : memref<2x10240x64xf32, #tpu.memory_space<hbm>> -> memref<1x640x64xf32, #tpu.memory_space<hbm>>
      %dma_start3A_109 = tpu.memref_squeeze %dma_start3A_108 : memref<1x640x64xf32, #tpu.memory_space<hbm>> -> memref<640x64xf32, #tpu.memory_space<hbm>>
      %dma_start3A_110 = arith.constant 0 : i32
      %dma_start3A_111 = tpu.memref_slice %arg8[%mul3A_104, %dma_start3A_110] : memref<10240x64xf32, #tpu.memory_space<vmem_shared>> -> memref<640x64xf32, #tpu.memory_space<vmem_shared>>
      tpu.enqueue_dma source(%dma_start3A_111 : memref<640x64xf32, #tpu.memory_space<vmem_shared>>) target(%dma_start3A_109 : memref<640x64xf32, #tpu.memory_space<hbm>>) target_semaphore(%run_scoped3A : memref<!tpu.dma_semaphore, #tpu.memory_space<semaphore_mem>>)
      %dma_wait3A_112 = arith.constant 0 : i32
      %dma_wait3A_113 = tpu.memref_slice %arg4[%arg0, %mul3A_106, %dma_wait3A_112] : memref<2x10240x64xf32, #tpu.memory_space<hbm>> -> memref<1x640x64xf32, #tpu.memory_space<hbm>>
      %dma_wait3A_114 = tpu.memref_squeeze %dma_wait3A_113 : memref<1x640x64xf32, #tpu.memory_space<hbm>> -> memref<640x64xf32, #tpu.memory_space<hbm>>
      %dma_wait3A_115 = arith.constant 0 : i32
      %dma_wait3A_116 = tpu.memref_slice %arg8[%mul3A_104, %dma_wait3A_115] : memref<10240x64xf32, #tpu.memory_space<vmem_shared>> -> memref<640x64xf32, #tpu.memory_space<vmem_shared>>
      tpu.wait_dma2 semaphore(%run_scoped3A : memref<!tpu.dma_semaphore, #tpu.memory_space<semaphore_mem>>) src(%dma_wait3A_116 : memref<640x64xf32, #tpu.memory_space<vmem_shared>>) dst(%dma_wait3A_114 : memref<640x64xf32, #tpu.memory_space<hbm>>)
      tpu.yield
    }) : () -> ()
    return
  }
}

#map = affine_map<(d0, d1) -> (0, 0)>
#map1 = affine_map<(d0, d1) -> (0, 0, 0)>
module attributes {stable_mosaic.version = 14 : i64} {
  func.func @_spmm_body(%arg0: i32, %arg1: i32, %arg2: memref<10240x64xf32, #tpu.memory_space<hbm>>, %arg3: memref<2x2560x128xi32, #tpu.memory_space<hbm>>, %arg4: memref<2x10240x64xf32, #tpu.memory_space<hbm>>, %arg5: memref<80x128xi32, #tpu.memory_space<vmem>>, %arg6: memref<80x128xi32, #tpu.memory_space<vmem>>, %arg7: memref<512x64xf32, #tpu.memory_space<vmem>>, %arg8: memref<10240x64xf32, #tpu.memory_space<vmem_shared>>, %arg9: memref<!tpu.dma_semaphore, #tpu.memory_space<semaphore_mem>>, %arg10: memref<!tpu.dma_semaphore, #tpu.memory_space<semaphore_mem>>, %arg11: memref<!tpu.dma_semaphore, #tpu.memory_space<semaphore_mem>>, %arg12: memref<!tpu.dma_semaphore, #tpu.memory_space<semaphore_mem>>) attributes {dimension_semantics = [#tpu.dimension_semantics<core_parallel>, #tpu.dimension_semantics<subcore_parallel>], iteration_bounds = array<i64: 2, 16>, scalar_prefetch = 0 : i64, scratch_operands = 8 : i64, tpu.core_type = #tpu.core_type<sc_vector_subcore>, window_params = [{transform_indices = #map}, {transform_indices = #map1}, {transform_indices = #map1}]} {
    %mul3A = arith.constant 16 : i32
    %mul3A_0 = arith.muli %arg0, %mul3A : i32
    %add3A = arith.addi %mul3A_0, %arg1 : i32
    %mul3A_1 = arith.constant 80 : i32
    %mul3A_2 = arith.muli %add3A, %mul3A_1 : i32
    %dma_start3A = arith.constant 0 : i32
    %dma_start3A_3 = arith.constant 0 : i32
    %dma_start3A_4 = tpu.memref_slice %arg3[%dma_start3A, %mul3A_2, %dma_start3A_3] : memref<2x2560x128xi32, #tpu.memory_space<hbm>> -> memref<1x80x128xi32, #tpu.memory_space<hbm>>
    %dma_start3A_5 = tpu.memref_squeeze %dma_start3A_4 : memref<1x80x128xi32, #tpu.memory_space<hbm>> -> memref<80x128xi32, #tpu.memory_space<hbm>>
    %dma_start3A_6 = arith.constant 0 : i32
    %dma_start3A_7 = tpu.memref_slice %arg3[%dma_start3A, %mul3A_2, %dma_start3A_6] : memref<2x2560x128xi32, #tpu.memory_space<hbm>> -> memref<1x80x128xi32, #tpu.memory_space<hbm>>
    %dma_start3A_8 = tpu.memref_squeeze %dma_start3A_7 : memref<1x80x128xi32, #tpu.memory_space<hbm>> -> memref<80x128xi32, #tpu.memory_space<hbm>>
    tpu.enqueue_dma source(%dma_start3A_8 : memref<80x128xi32, #tpu.memory_space<hbm>>) target(%arg5 : memref<80x128xi32, #tpu.memory_space<vmem>>) target_semaphore(%arg9 : memref<!tpu.dma_semaphore, #tpu.memory_space<semaphore_mem>>)
    %dma_start3A_9 = arith.constant 1 : i32
    %dma_start3A_10 = arith.constant 0 : i32
    %dma_start3A_11 = tpu.memref_slice %arg3[%dma_start3A_9, %mul3A_2, %dma_start3A_10] : memref<2x2560x128xi32, #tpu.memory_space<hbm>> -> memref<1x80x128xi32, #tpu.memory_space<hbm>>
    %dma_start3A_12 = tpu.memref_squeeze %dma_start3A_11 : memref<1x80x128xi32, #tpu.memory_space<hbm>> -> memref<80x128xi32, #tpu.memory_space<hbm>>
    %dma_start3A_13 = arith.constant 0 : i32
    %dma_start3A_14 = tpu.memref_slice %arg3[%dma_start3A_9, %mul3A_2, %dma_start3A_13] : memref<2x2560x128xi32, #tpu.memory_space<hbm>> -> memref<1x80x128xi32, #tpu.memory_space<hbm>>
    %dma_start3A_15 = tpu.memref_squeeze %dma_start3A_14 : memref<1x80x128xi32, #tpu.memory_space<hbm>> -> memref<80x128xi32, #tpu.memory_space<hbm>>
    tpu.enqueue_dma source(%dma_start3A_15 : memref<80x128xi32, #tpu.memory_space<hbm>>) target(%arg6 : memref<80x128xi32, #tpu.memory_space<vmem>>) target_semaphore(%arg10 : memref<!tpu.dma_semaphore, #tpu.memory_space<semaphore_mem>>)
    %scan3A = arith.constant 0 : i32
    %scan3A_16 = arith.constant 0 : i32
    %scan3A_17 = arith.constant 128 : i32
    %scan3A_18 = arith.addi %scan3A_16, %scan3A_17 : i32
    %scan3A_19 = arith.constant 1 : i32
    %scan3A_20 = scf.for %scan3A_107 = %scan3A_16 to %scan3A_18 step %scan3A_19 iter_args(%scan3A_108 = %scan3A) -> (i32)  : i32 {
      %broadcast_in_dim3A = arith.constant 0.000000e+00 : f32
      %broadcast_in_dim3A_109 = vector.broadcast %broadcast_in_dim3A : f32 to vector<16xf32>
      %swap3A = arith.index_cast %scan3A_107 : i32 to index
      %swap3A_110 = arith.constant 0 : index
      %swap3A_111 = tpu.vector_load %arg7[%swap3A, %swap3A_110] {strides = array<i32>} : memref<512x64xf32, #tpu.memory_space<vmem>>, vector<1x16xf32>,
      %swap3A_112 = vector.shape_cast %swap3A_111 : vector<1x16xf32> to vector<16xf32>
      %swap3A_113 = vector.shape_cast %broadcast_in_dim3A_109 : vector<16xf32> to vector<1x16xf32>
      tpu.vector_store %arg7[%swap3A, %swap3A_110], %swap3A_113 {strides = array<i32>} : memref<512x64xf32, #tpu.memory_space<vmem>>, vector<1x16xf32>,
      %broadcast_in_dim3A_114 = arith.constant 0.000000e+00 : f32
      %broadcast_in_dim3A_115 = vector.broadcast %broadcast_in_dim3A_114 : f32 to vector<16xf32>
      %swap3A_116 = arith.index_cast %scan3A_107 : i32 to index
      %swap3A_117 = arith.constant 16 : index
      %swap3A_118 = tpu.vector_load %arg7[%swap3A_116, %swap3A_117] {strides = array<i32>} : memref<512x64xf32, #tpu.memory_space<vmem>>, vector<1x16xf32>,
      %swap3A_119 = vector.shape_cast %swap3A_118 : vector<1x16xf32> to vector<16xf32>
      %swap3A_120 = vector.shape_cast %broadcast_in_dim3A_115 : vector<16xf32> to vector<1x16xf32>
      tpu.vector_store %arg7[%swap3A_116, %swap3A_117], %swap3A_120 {strides = array<i32>} : memref<512x64xf32, #tpu.memory_space<vmem>>, vector<1x16xf32>,
      %broadcast_in_dim3A_121 = arith.constant 0.000000e+00 : f32
      %broadcast_in_dim3A_122 = vector.broadcast %broadcast_in_dim3A_121 : f32 to vector<16xf32>
      %swap3A_123 = arith.index_cast %scan3A_107 : i32 to index
      %swap3A_124 = arith.constant 32 : index
      %swap3A_125 = tpu.vector_load %arg7[%swap3A_123, %swap3A_124] {strides = array<i32>} : memref<512x64xf32, #tpu.memory_space<vmem>>, vector<1x16xf32>,
      %swap3A_126 = vector.shape_cast %swap3A_125 : vector<1x16xf32> to vector<16xf32>
      %swap3A_127 = vector.shape_cast %broadcast_in_dim3A_122 : vector<16xf32> to vector<1x16xf32>
      tpu.vector_store %arg7[%swap3A_123, %swap3A_124], %swap3A_127 {strides = array<i32>} : memref<512x64xf32, #tpu.memory_space<vmem>>, vector<1x16xf32>,
      %broadcast_in_dim3A_128 = arith.constant 0.000000e+00 : f32
      %broadcast_in_dim3A_129 = vector.broadcast %broadcast_in_dim3A_128 : f32 to vector<16xf32>
      %swap3A_130 = arith.index_cast %scan3A_107 : i32 to index
      %swap3A_131 = arith.constant 48 : index
      %swap3A_132 = tpu.vector_load %arg7[%swap3A_130, %swap3A_131] {strides = array<i32>} : memref<512x64xf32, #tpu.memory_space<vmem>>, vector<1x16xf32>,
      %swap3A_133 = vector.shape_cast %swap3A_132 : vector<1x16xf32> to vector<16xf32>
      %swap3A_134 = vector.shape_cast %broadcast_in_dim3A_129 : vector<16xf32> to vector<1x16xf32>
      tpu.vector_store %arg7[%swap3A_130, %swap3A_131], %swap3A_134 {strides = array<i32>} : memref<512x64xf32, #tpu.memory_space<vmem>>, vector<1x16xf32>,
      %scan3A_135 = arith.constant 0 : i32
      scf.yield %scan3A_135 : i32
    }
    %scan3A_21 = arith.constant 128 : i32
    %mul3A_22 = arith.constant 640 : i32
    %mul3A_23 = arith.muli %arg1, %mul3A_22 : i32
    %add3A_24 = arith.constant 0 : i32
    %add3A_25 = arith.addi %mul3A_23, %add3A_24 : i32
    "tpu.region"() ({
      %run_scoped3A = tpu.sem_alloc : memref<!tpu.dma_semaphore, #tpu.memory_space<semaphore_mem>>
      %dma_start3A_107 = arith.constant 0 : i32
      %dma_start3A_108 = arith.constant 0 : i32
      %dma_start3A_109 = tpu.memref_slice %arg7[%dma_start3A_107, %dma_start3A_108] : memref<512x64xf32, #tpu.memory_space<vmem>> -> memref<128x64xf32, #tpu.memory_space<vmem>>
      %dma_start3A_110 = arith.constant 0 : i32
      %dma_start3A_111 = tpu.memref_slice %arg8[%add3A_25, %dma_start3A_110] : memref<10240x64xf32, #tpu.memory_space<vmem_shared>> -> memref<128x64xf32, #tpu.memory_space<vmem_shared>>
      %dma_start3A_112 = arith.constant 0 : i32
      %dma_start3A_113 = tpu.memref_slice %arg8[%add3A_25, %dma_start3A_112] : memref<10240x64xf32, #tpu.memory_space<vmem_shared>> -> memref<128x64xf32, #tpu.memory_space<vmem_shared>>
      %dma_start3A_114 = arith.constant 0 : i32
      %dma_start3A_115 = arith.constant 0 : i32
      %dma_start3A_116 = tpu.memref_slice %arg7[%dma_start3A_114, %dma_start3A_115] : memref<512x64xf32, #tpu.memory_space<vmem>> -> memref<128x64xf32, #tpu.memory_space<vmem>>
      tpu.enqueue_dma source(%dma_start3A_116 : memref<128x64xf32, #tpu.memory_space<vmem>>) target(%dma_start3A_113 : memref<128x64xf32, #tpu.memory_space<vmem_shared>>) target_semaphore(%run_scoped3A : memref<!tpu.dma_semaphore, #tpu.memory_space<semaphore_mem>>)
      %dma_wait3A_117 = arith.constant 0 : i32
      %dma_wait3A_118 = arith.constant 0 : i32
      %dma_wait3A_119 = tpu.memref_slice %arg7[%dma_wait3A_117, %dma_wait3A_118] : memref<512x64xf32, #tpu.memory_space<vmem>> -> memref<128x64xf32, #tpu.memory_space<vmem>>
      %dma_wait3A_120 = arith.constant 0 : i32
      %dma_wait3A_121 = tpu.memref_slice %arg8[%add3A_25, %dma_wait3A_120] : memref<10240x64xf32, #tpu.memory_space<vmem_shared>> -> memref<128x64xf32, #tpu.memory_space<vmem_shared>>
      %dma_wait3A_122 = arith.constant 0 : i32
      %dma_wait3A_123 = tpu.memref_slice %arg8[%add3A_25, %dma_wait3A_122] : memref<10240x64xf32, #tpu.memory_space<vmem_shared>> -> memref<128x64xf32, #tpu.memory_space<vmem_shared>>
      %dma_wait3A_124 = arith.constant 0 : i32
      %dma_wait3A_125 = arith.constant 0 : i32
      %dma_wait3A_126 = tpu.memref_slice %arg7[%dma_wait3A_124, %dma_wait3A_125] : memref<512x64xf32, #tpu.memory_space<vmem>> -> memref<128x64xf32, #tpu.memory_space<vmem>>
      tpu.wait_dma2 semaphore(%run_scoped3A : memref<!tpu.dma_semaphore, #tpu.memory_space<semaphore_mem>>) src(%dma_wait3A_126 : memref<128x64xf32, #tpu.memory_space<vmem>>) dst(%dma_wait3A_123 : memref<128x64xf32, #tpu.memory_space<vmem_shared>>)
      tpu.yield
    }) : () -> ()
    %mul3A_26 = arith.constant 640 : i32
    %mul3A_27 = arith.muli %arg1, %mul3A_26 : i32
    %add3A_28 = arith.constant 128 : i32
    %add3A_29 = arith.addi %mul3A_27, %add3A_28 : i32
    "tpu.region"() ({
      %run_scoped3A = tpu.sem_alloc : memref<!tpu.dma_semaphore, #tpu.memory_space<semaphore_mem>>
      %dma_start3A_107 = arith.constant 0 : i32
      %dma_start3A_108 = arith.constant 0 : i32
      %dma_start3A_109 = tpu.memref_slice %arg7[%dma_start3A_107, %dma_start3A_108] : memref<512x64xf32, #tpu.memory_space<vmem>> -> memref<128x64xf32, #tpu.memory_space<vmem>>
      %dma_start3A_110 = arith.constant 0 : i32
      %dma_start3A_111 = tpu.memref_slice %arg8[%add3A_29, %dma_start3A_110] : memref<10240x64xf32, #tpu.memory_space<vmem_shared>> -> memref<128x64xf32, #tpu.memory_space<vmem_shared>>
      %dma_start3A_112 = arith.constant 0 : i32
      %dma_start3A_113 = tpu.memref_slice %arg8[%add3A_29, %dma_start3A_112] : memref<10240x64xf32, #tpu.memory_space<vmem_shared>> -> memref<128x64xf32, #tpu.memory_space<vmem_shared>>
      %dma_start3A_114 = arith.constant 0 : i32
      %dma_start3A_115 = arith.constant 0 : i32
      %dma_start3A_116 = tpu.memref_slice %arg7[%dma_start3A_114, %dma_start3A_115] : memref<512x64xf32, #tpu.memory_space<vmem>> -> memref<128x64xf32, #tpu.memory_space<vmem>>
      tpu.enqueue_dma source(%dma_start3A_116 : memref<128x64xf32, #tpu.memory_space<vmem>>) target(%dma_start3A_113 : memref<128x64xf32, #tpu.memory_space<vmem_shared>>) target_semaphore(%run_scoped3A : memref<!tpu.dma_semaphore, #tpu.memory_space<semaphore_mem>>)
      %dma_wait3A_117 = arith.constant 0 : i32
      %dma_wait3A_118 = arith.constant 0 : i32
      %dma_wait3A_119 = tpu.memref_slice %arg7[%dma_wait3A_117, %dma_wait3A_118] : memref<512x64xf32, #tpu.memory_space<vmem>> -> memref<128x64xf32, #tpu.memory_space<vmem>>
      %dma_wait3A_120 = arith.constant 0 : i32
      %dma_wait3A_121 = tpu.memref_slice %arg8[%add3A_29, %dma_wait3A_120] : memref<10240x64xf32, #tpu.memory_space<vmem_shared>> -> memref<128x64xf32, #tpu.memory_space<vmem_shared>>
      %dma_wait3A_122 = arith.constant 0 : i32
      %dma_wait3A_123 = tpu.memref_slice %arg8[%add3A_29, %dma_wait3A_122] : memref<10240x64xf32, #tpu.memory_space<vmem_shared>> -> memref<128x64xf32, #tpu.memory_space<vmem_shared>>
      %dma_wait3A_124 = arith.constant 0 : i32
      %dma_wait3A_125 = arith.constant 0 : i32
      %dma_wait3A_126 = tpu.memref_slice %arg7[%dma_wait3A_124, %dma_wait3A_125] : memref<512x64xf32, #tpu.memory_space<vmem>> -> memref<128x64xf32, #tpu.memory_space<vmem>>
      tpu.wait_dma2 semaphore(%run_scoped3A : memref<!tpu.dma_semaphore, #tpu.memory_space<semaphore_mem>>) src(%dma_wait3A_126 : memref<128x64xf32, #tpu.memory_space<vmem>>) dst(%dma_wait3A_123 : memref<128x64xf32, #tpu.memory_space<vmem_shared>>)
      tpu.yield
    }) : () -> ()
    %mul3A_30 = arith.constant 640 : i32
    %mul3A_31 = arith.muli %arg1, %mul3A_30 : i32
    %add3A_32 = arith.constant 256 : i32
    %add3A_33 = arith.addi %mul3A_31, %add3A_32 : i32
    "tpu.region"() ({
      %run_scoped3A = tpu.sem_alloc : memref<!tpu.dma_semaphore, #tpu.memory_space<semaphore_mem>>
      %dma_start3A_107 = arith.constant 0 : i32
      %dma_start3A_108 = arith.constant 0 : i32
      %dma_start3A_109 = tpu.memref_slice %arg7[%dma_start3A_107, %dma_start3A_108] : memref<512x64xf32, #tpu.memory_space<vmem>> -> memref<128x64xf32, #tpu.memory_space<vmem>>
      %dma_start3A_110 = arith.constant 0 : i32
      %dma_start3A_111 = tpu.memref_slice %arg8[%add3A_33, %dma_start3A_110] : memref<10240x64xf32, #tpu.memory_space<vmem_shared>> -> memref<128x64xf32, #tpu.memory_space<vmem_shared>>
      %dma_start3A_112 = arith.constant 0 : i32
      %dma_start3A_113 = tpu.memref_slice %arg8[%add3A_33, %dma_start3A_112] : memref<10240x64xf32, #tpu.memory_space<vmem_shared>> -> memref<128x64xf32, #tpu.memory_space<vmem_shared>>
      %dma_start3A_114 = arith.constant 0 : i32
      %dma_start3A_115 = arith.constant 0 : i32
      %dma_start3A_116 = tpu.memref_slice %arg7[%dma_start3A_114, %dma_start3A_115] : memref<512x64xf32, #tpu.memory_space<vmem>> -> memref<128x64xf32, #tpu.memory_space<vmem>>
      tpu.enqueue_dma source(%dma_start3A_116 : memref<128x64xf32, #tpu.memory_space<vmem>>) target(%dma_start3A_113 : memref<128x64xf32, #tpu.memory_space<vmem_shared>>) target_semaphore(%run_scoped3A : memref<!tpu.dma_semaphore, #tpu.memory_space<semaphore_mem>>)
      %dma_wait3A_117 = arith.constant 0 : i32
      %dma_wait3A_118 = arith.constant 0 : i32
      %dma_wait3A_119 = tpu.memref_slice %arg7[%dma_wait3A_117, %dma_wait3A_118] : memref<512x64xf32, #tpu.memory_space<vmem>> -> memref<128x64xf32, #tpu.memory_space<vmem>>
      %dma_wait3A_120 = arith.constant 0 : i32
      %dma_wait3A_121 = tpu.memref_slice %arg8[%add3A_33, %dma_wait3A_120] : memref<10240x64xf32, #tpu.memory_space<vmem_shared>> -> memref<128x64xf32, #tpu.memory_space<vmem_shared>>
      %dma_wait3A_122 = arith.constant 0 : i32
      %dma_wait3A_123 = tpu.memref_slice %arg8[%add3A_33, %dma_wait3A_122] : memref<10240x64xf32, #tpu.memory_space<vmem_shared>> -> memref<128x64xf32, #tpu.memory_space<vmem_shared>>
      %dma_wait3A_124 = arith.constant 0 : i32
      %dma_wait3A_125 = arith.constant 0 : i32
      %dma_wait3A_126 = tpu.memref_slice %arg7[%dma_wait3A_124, %dma_wait3A_125] : memref<512x64xf32, #tpu.memory_space<vmem>> -> memref<128x64xf32, #tpu.memory_space<vmem>>
      tpu.wait_dma2 semaphore(%run_scoped3A : memref<!tpu.dma_semaphore, #tpu.memory_space<semaphore_mem>>) src(%dma_wait3A_126 : memref<128x64xf32, #tpu.memory_space<vmem>>) dst(%dma_wait3A_123 : memref<128x64xf32, #tpu.memory_space<vmem_shared>>)
      tpu.yield
    }) : () -> ()
    %mul3A_34 = arith.constant 640 : i32
    %mul3A_35 = arith.muli %arg1, %mul3A_34 : i32
    %add3A_36 = arith.constant 384 : i32
    %add3A_37 = arith.addi %mul3A_35, %add3A_36 : i32
    "tpu.region"() ({
      %run_scoped3A = tpu.sem_alloc : memref<!tpu.dma_semaphore, #tpu.memory_space<semaphore_mem>>
      %dma_start3A_107 = arith.constant 0 : i32
      %dma_start3A_108 = arith.constant 0 : i32
      %dma_start3A_109 = tpu.memref_slice %arg7[%dma_start3A_107, %dma_start3A_108] : memref<512x64xf32, #tpu.memory_space<vmem>> -> memref<128x64xf32, #tpu.memory_space<vmem>>
      %dma_start3A_110 = arith.constant 0 : i32
      %dma_start3A_111 = tpu.memref_slice %arg8[%add3A_37, %dma_start3A_110] : memref<10240x64xf32, #tpu.memory_space<vmem_shared>> -> memref<128x64xf32, #tpu.memory_space<vmem_shared>>
      %dma_start3A_112 = arith.constant 0 : i32
      %dma_start3A_113 = tpu.memref_slice %arg8[%add3A_37, %dma_start3A_112] : memref<10240x64xf32, #tpu.memory_space<vmem_shared>> -> memref<128x64xf32, #tpu.memory_space<vmem_shared>>
      %dma_start3A_114 = arith.constant 0 : i32
      %dma_start3A_115 = arith.constant 0 : i32
      %dma_start3A_116 = tpu.memref_slice %arg7[%dma_start3A_114, %dma_start3A_115] : memref<512x64xf32, #tpu.memory_space<vmem>> -> memref<128x64xf32, #tpu.memory_space<vmem>>
      tpu.enqueue_dma source(%dma_start3A_116 : memref<128x64xf32, #tpu.memory_space<vmem>>) target(%dma_start3A_113 : memref<128x64xf32, #tpu.memory_space<vmem_shared>>) target_semaphore(%run_scoped3A : memref<!tpu.dma_semaphore, #tpu.memory_space<semaphore_mem>>)
      %dma_wait3A_117 = arith.constant 0 : i32
      %dma_wait3A_118 = arith.constant 0 : i32
      %dma_wait3A_119 = tpu.memref_slice %arg7[%dma_wait3A_117, %dma_wait3A_118] : memref<512x64xf32, #tpu.memory_space<vmem>> -> memref<128x64xf32, #tpu.memory_space<vmem>>
      %dma_wait3A_120 = arith.constant 0 : i32
      %dma_wait3A_121 = tpu.memref_slice %arg8[%add3A_37, %dma_wait3A_120] : memref<10240x64xf32, #tpu.memory_space<vmem_shared>> -> memref<128x64xf32, #tpu.memory_space<vmem_shared>>
      %dma_wait3A_122 = arith.constant 0 : i32
      %dma_wait3A_123 = tpu.memref_slice %arg8[%add3A_37, %dma_wait3A_122] : memref<10240x64xf32, #tpu.memory_space<vmem_shared>> -> memref<128x64xf32, #tpu.memory_space<vmem_shared>>
      %dma_wait3A_124 = arith.constant 0 : i32
      %dma_wait3A_125 = arith.constant 0 : i32
      %dma_wait3A_126 = tpu.memref_slice %arg7[%dma_wait3A_124, %dma_wait3A_125] : memref<512x64xf32, #tpu.memory_space<vmem>> -> memref<128x64xf32, #tpu.memory_space<vmem>>
      tpu.wait_dma2 semaphore(%run_scoped3A : memref<!tpu.dma_semaphore, #tpu.memory_space<semaphore_mem>>) src(%dma_wait3A_126 : memref<128x64xf32, #tpu.memory_space<vmem>>) dst(%dma_wait3A_123 : memref<128x64xf32, #tpu.memory_space<vmem_shared>>)
      tpu.yield
    }) : () -> ()
    %mul3A_38 = arith.constant 640 : i32
    %mul3A_39 = arith.muli %arg1, %mul3A_38 : i32
    %add3A_40 = arith.constant 512 : i32
    %add3A_41 = arith.addi %mul3A_39, %add3A_40 : i32
    "tpu.region"() ({
      %run_scoped3A = tpu.sem_alloc : memref<!tpu.dma_semaphore, #tpu.memory_space<semaphore_mem>>
      %dma_start3A_107 = arith.constant 0 : i32
      %dma_start3A_108 = arith.constant 0 : i32
      %dma_start3A_109 = tpu.memref_slice %arg7[%dma_start3A_107, %dma_start3A_108] : memref<512x64xf32, #tpu.memory_space<vmem>> -> memref<128x64xf32, #tpu.memory_space<vmem>>
      %dma_start3A_110 = arith.constant 0 : i32
      %dma_start3A_111 = tpu.memref_slice %arg8[%add3A_41, %dma_start3A_110] : memref<10240x64xf32, #tpu.memory_space<vmem_shared>> -> memref<128x64xf32, #tpu.memory_space<vmem_shared>>
      %dma_start3A_112 = arith.constant 0 : i32
      %dma_start3A_113 = tpu.memref_slice %arg8[%add3A_41, %dma_start3A_112] : memref<10240x64xf32, #tpu.memory_space<vmem_shared>> -> memref<128x64xf32, #tpu.memory_space<vmem_shared>>
      %dma_start3A_114 = arith.constant 0 : i32
      %dma_start3A_115 = arith.constant 0 : i32
      %dma_start3A_116 = tpu.memref_slice %arg7[%dma_start3A_114, %dma_start3A_115] : memref<512x64xf32, #tpu.memory_space<vmem>> -> memref<128x64xf32, #tpu.memory_space<vmem>>
      tpu.enqueue_dma source(%dma_start3A_116 : memref<128x64xf32, #tpu.memory_space<vmem>>) target(%dma_start3A_113 : memref<128x64xf32, #tpu.memory_space<vmem_shared>>) target_semaphore(%run_scoped3A : memref<!tpu.dma_semaphore, #tpu.memory_space<semaphore_mem>>)
      %dma_wait3A_117 = arith.constant 0 : i32
      %dma_wait3A_118 = arith.constant 0 : i32
      %dma_wait3A_119 = tpu.memref_slice %arg7[%dma_wait3A_117, %dma_wait3A_118] : memref<512x64xf32, #tpu.memory_space<vmem>> -> memref<128x64xf32, #tpu.memory_space<vmem>>
      %dma_wait3A_120 = arith.constant 0 : i32
      %dma_wait3A_121 = tpu.memref_slice %arg8[%add3A_41, %dma_wait3A_120] : memref<10240x64xf32, #tpu.memory_space<vmem_shared>> -> memref<128x64xf32, #tpu.memory_space<vmem_shared>>
      %dma_wait3A_122 = arith.constant 0 : i32
      %dma_wait3A_123 = tpu.memref_slice %arg8[%add3A_41, %dma_wait3A_122] : memref<10240x64xf32, #tpu.memory_space<vmem_shared>> -> memref<128x64xf32, #tpu.memory_space<vmem_shared>>
      %dma_wait3A_124 = arith.constant 0 : i32
      %dma_wait3A_125 = arith.constant 0 : i32
      %dma_wait3A_126 = tpu.memref_slice %arg7[%dma_wait3A_124, %dma_wait3A_125] : memref<512x64xf32, #tpu.memory_space<vmem>> -> memref<128x64xf32, #tpu.memory_space<vmem>>
      tpu.wait_dma2 semaphore(%run_scoped3A : memref<!tpu.dma_semaphore, #tpu.memory_space<semaphore_mem>>) src(%dma_wait3A_126 : memref<128x64xf32, #tpu.memory_space<vmem>>) dst(%dma_wait3A_123 : memref<128x64xf32, #tpu.memory_space<vmem_shared>>)
      tpu.yield
    }) : () -> ()
    %dma_wait3A = arith.constant 0 : i32
    %dma_wait3A_42 = arith.constant 0 : i32
    %dma_wait3A_43 = tpu.memref_slice %arg3[%dma_wait3A, %mul3A_2, %dma_wait3A_42] : memref<2x2560x128xi32, #tpu.memory_space<hbm>> -> memref<1x80x128xi32, #tpu.memory_space<hbm>>
    %dma_wait3A_44 = tpu.memref_squeeze %dma_wait3A_43 : memref<1x80x128xi32, #tpu.memory_space<hbm>> -> memref<80x128xi32, #tpu.memory_space<hbm>>
    %dma_wait3A_45 = arith.constant 0 : i32
    %dma_wait3A_46 = tpu.memref_slice %arg3[%dma_wait3A, %mul3A_2, %dma_wait3A_45] : memref<2x2560x128xi32, #tpu.memory_space<hbm>> -> memref<1x80x128xi32, #tpu.memory_space<hbm>>
    %dma_wait3A_47 = tpu.memref_squeeze %dma_wait3A_46 : memref<1x80x128xi32, #tpu.memory_space<hbm>> -> memref<80x128xi32, #tpu.memory_space<hbm>>
    tpu.wait_dma2 semaphore(%arg9 : memref<!tpu.dma_semaphore, #tpu.memory_space<semaphore_mem>>) src(%dma_wait3A_47 : memref<80x128xi32, #tpu.memory_space<hbm>>) dst(%arg5 : memref<80x128xi32, #tpu.memory_space<vmem>>)
    %dma_wait3A_48 = arith.constant 1 : i32
    %dma_wait3A_49 = arith.constant 0 : i32
    %dma_wait3A_50 = tpu.memref_slice %arg3[%dma_wait3A_48, %mul3A_2, %dma_wait3A_49] : memref<2x2560x128xi32, #tpu.memory_space<hbm>> -> memref<1x80x128xi32, #tpu.memory_space<hbm>>
    %dma_wait3A_51 = tpu.memref_squeeze %dma_wait3A_50 : memref<1x80x128xi32, #tpu.memory_space<hbm>> -> memref<80x128xi32, #tpu.memory_space<hbm>>
    %dma_wait3A_52 = arith.constant 0 : i32
    %dma_wait3A_53 = tpu.memref_slice %arg3[%dma_wait3A_48, %mul3A_2, %dma_wait3A_52] : memref<2x2560x128xi32, #tpu.memory_space<hbm>> -> memref<1x80x128xi32, #tpu.memory_space<hbm>>
    %dma_wait3A_54 = tpu.memref_squeeze %dma_wait3A_53 : memref<1x80x128xi32, #tpu.memory_space<hbm>> -> memref<80x128xi32, #tpu.memory_space<hbm>>
    tpu.wait_dma2 semaphore(%arg10 : memref<!tpu.dma_semaphore, #tpu.memory_space<semaphore_mem>>) src(%dma_wait3A_54 : memref<80x128xi32, #tpu.memory_space<hbm>>) dst(%arg6 : memref<80x128xi32, #tpu.memory_space<vmem>>)
    %barrier3A = arith.constant 0 : index
    tpu.barrier barrier_id(%barrier3A)
    %dma_start3A_55 = arith.constant 0 : i32
    %dma_start3A_56 = arith.constant 0 : i32
    %dma_start3A_57 = arith.constant 0 : i32
    %dma_start3A_58 = tpu.memref_slice %arg7[%dma_start3A_56, %dma_start3A_57] : memref<512x64xf32, #tpu.memory_space<vmem>> -> memref<128x64xf32, #tpu.memory_space<vmem>>
    %dma_start3A_59 = arith.constant 0 : i32
    %dma_start3A_60 = tpu.memref_slice %arg5[%dma_start3A_55, %dma_start3A_59] : memref<80x128xi32, #tpu.memory_space<vmem>> -> memref<1x128xi32, #tpu.memory_space<vmem>>
    %dma_start3A_61 = tpu.memref_squeeze %dma_start3A_60 : memref<1x128xi32, #tpu.memory_space<vmem>> -> memref<128xi32, #tpu.memory_space<vmem>>
    %dma_start3A_62 = arith.constant 0 : i32
    %dma_start3A_63 = arith.constant 0 : i32
    %dma_start3A_64 = tpu.memref_slice %arg2[%dma_start3A_62, %dma_start3A_63] : memref<10240x64xf32, #tpu.memory_space<hbm>> -> memref<10240x64xf32, #tpu.memory_space<hbm>>
    tpu.enqueue_indirect_dma source(%dma_start3A_64 : memref<10240x64xf32, #tpu.memory_space<hbm>>) target(%dma_start3A_58 : memref<128x64xf32, #tpu.memory_space<vmem>>) offsets(%dma_start3A_61 : memref<128xi32, #tpu.memory_space<vmem>>) semaphore(%arg9 : memref<!tpu.dma_semaphore, #tpu.memory_space<semaphore_mem>>)
    %dma_start3A_65 = arith.constant 1 : i32
    %dma_start3A_66 = arith.constant 128 : i32
    %dma_start3A_67 = arith.constant 0 : i32
    %dma_start3A_68 = tpu.memref_slice %arg7[%dma_start3A_66, %dma_start3A_67] : memref<512x64xf32, #tpu.memory_space<vmem>> -> memref<128x64xf32, #tpu.memory_space<vmem>>
    %dma_start3A_69 = arith.constant 0 : i32
    %dma_start3A_70 = tpu.memref_slice %arg5[%dma_start3A_65, %dma_start3A_69] : memref<80x128xi32, #tpu.memory_space<vmem>> -> memref<1x128xi32, #tpu.memory_space<vmem>>
    %dma_start3A_71 = tpu.memref_squeeze %dma_start3A_70 : memref<1x128xi32, #tpu.memory_space<vmem>> -> memref<128xi32, #tpu.memory_space<vmem>>
    %dma_start3A_72 = arith.constant 0 : i32
    %dma_start3A_73 = arith.constant 0 : i32
    %dma_start3A_74 = tpu.memref_slice %arg2[%dma_start3A_72, %dma_start3A_73] : memref<10240x64xf32, #tpu.memory_space<hbm>> -> memref<10240x64xf32, #tpu.memory_space<hbm>>
    tpu.enqueue_indirect_dma source(%dma_start3A_74 : memref<10240x64xf32, #tpu.memory_space<hbm>>) target(%dma_start3A_68 : memref<128x64xf32, #tpu.memory_space<vmem>>) offsets(%dma_start3A_71 : memref<128xi32, #tpu.memory_space<vmem>>) semaphore(%arg10 : memref<!tpu.dma_semaphore, #tpu.memory_space<semaphore_mem>>)
    %dma_start3A_75 = arith.constant 2 : i32
    %dma_start3A_76 = arith.constant 256 : i32
    %dma_start3A_77 = arith.constant 0 : i32
    %dma_start3A_78 = tpu.memref_slice %arg7[%dma_start3A_76, %dma_start3A_77] : memref<512x64xf32, #tpu.memory_space<vmem>> -> memref<128x64xf32, #tpu.memory_space<vmem>>
    %dma_start3A_79 = arith.constant 0 : i32
    %dma_start3A_80 = tpu.memref_slice %arg5[%dma_start3A_75, %dma_start3A_79] : memref<80x128xi32, #tpu.memory_space<vmem>> -> memref<1x128xi32, #tpu.memory_space<vmem>>
    %dma_start3A_81 = tpu.memref_squeeze %dma_start3A_80 : memref<1x128xi32, #tpu.memory_space<vmem>> -> memref<128xi32, #tpu.memory_space<vmem>>
    %dma_start3A_82 = arith.constant 0 : i32
    %dma_start3A_83 = arith.constant 0 : i32
    %dma_start3A_84 = tpu.memref_slice %arg2[%dma_start3A_82, %dma_start3A_83] : memref<10240x64xf32, #tpu.memory_space<hbm>> -> memref<10240x64xf32, #tpu.memory_space<hbm>>
    tpu.enqueue_indirect_dma source(%dma_start3A_84 : memref<10240x64xf32, #tpu.memory_space<hbm>>) target(%dma_start3A_78 : memref<128x64xf32, #tpu.memory_space<vmem>>) offsets(%dma_start3A_81 : memref<128xi32, #tpu.memory_space<vmem>>) semaphore(%arg11 : memref<!tpu.dma_semaphore, #tpu.memory_space<semaphore_mem>>)
    %dma_start3A_85 = arith.constant 3 : i32
    %dma_start3A_86 = arith.constant 384 : i32
    %dma_start3A_87 = arith.constant 0 : i32
    %dma_start3A_88 = tpu.memref_slice %arg7[%dma_start3A_86, %dma_start3A_87] : memref<512x64xf32, #tpu.memory_space<vmem>> -> memref<128x64xf32, #tpu.memory_space<vmem>>
    %dma_start3A_89 = arith.constant 0 : i32
    %dma_start3A_90 = tpu.memref_slice %arg5[%dma_start3A_85, %dma_start3A_89] : memref<80x128xi32, #tpu.memory_space<vmem>> -> memref<1x128xi32, #tpu.memory_space<vmem>>
    %dma_start3A_91 = tpu.memref_squeeze %dma_start3A_90 : memref<1x128xi32, #tpu.memory_space<vmem>> -> memref<128xi32, #tpu.memory_space<vmem>>
    %dma_start3A_92 = arith.constant 0 : i32
    %dma_start3A_93 = arith.constant 0 : i32
    %dma_start3A_94 = tpu.memref_slice %arg2[%dma_start3A_92, %dma_start3A_93] : memref<10240x64xf32, #tpu.memory_space<hbm>> -> memref<10240x64xf32, #tpu.memory_space<hbm>>
    tpu.enqueue_indirect_dma source(%dma_start3A_94 : memref<10240x64xf32, #tpu.memory_space<hbm>>) target(%dma_start3A_88 : memref<128x64xf32, #tpu.memory_space<vmem>>) offsets(%dma_start3A_91 : memref<128xi32, #tpu.memory_space<vmem>>) semaphore(%arg12 : memref<!tpu.dma_semaphore, #tpu.memory_space<semaphore_mem>>)
    %scan3A_95 = arith.constant 0 : i32
    %scan3A_96 = arith.constant 0 : i32
    %scan3A_97 = arith.constant 20 : i32
    %scan3A_98 = arith.addi %scan3A_96, %scan3A_97 : i32
    %scan3A_99 = arith.constant 1 : i32
    %scan3A_100 = scf.for %scan3A_107 = %scan3A_96 to %scan3A_98 step %scan3A_99 iter_args(%scan3A_108 = %scan3A_95) -> (i32)  : i32 {
      %mul3A_109 = arith.constant 4 : i32
      %mul3A_110 = arith.muli %scan3A_107, %mul3A_109 : i32
      %add3A_111 = arith.constant 0 : i32
      %add3A_112 = arith.addi %mul3A_110, %add3A_111 : i32
      %dma_wait3A_113 = arith.constant 0 : i32
      %dma_wait3A_114 = arith.constant 0 : i32
      %dma_wait3A_115 = arith.constant 0 : i32
      %dma_wait3A_116 = tpu.memref_slice %arg7[%dma_wait3A_114, %dma_wait3A_115] : memref<512x64xf32, #tpu.memory_space<vmem>> -> memref<128x64xf32, #tpu.memory_space<vmem>>
      %dma_wait3A_117 = arith.constant 0 : i32
      %dma_wait3A_118 = tpu.memref_slice %arg5[%dma_wait3A_113, %dma_wait3A_117] : memref<80x128xi32, #tpu.memory_space<vmem>> -> memref<1x128xi32, #tpu.memory_space<vmem>>
      %dma_wait3A_119 = tpu.memref_squeeze %dma_wait3A_118 : memref<1x128xi32, #tpu.memory_space<vmem>> -> memref<128xi32, #tpu.memory_space<vmem>>
      %dma_wait3A_120 = arith.constant 0 : i32
      %dma_wait3A_121 = arith.constant 0 : i32
      %dma_wait3A_122 = tpu.memref_slice %arg2[%dma_wait3A_120, %dma_wait3A_121] : memref<10240x64xf32, #tpu.memory_space<hbm>> -> memref<10240x64xf32, #tpu.memory_space<hbm>>
      tpu.wait_indirect_dma semaphore(%arg9 : memref<!tpu.dma_semaphore, #tpu.memory_space<semaphore_mem>>) src(%dma_wait3A_122 : memref<10240x64xf32, #tpu.memory_space<hbm>>) dst(%dma_wait3A_116 : memref<128x64xf32, #tpu.memory_space<vmem>>)
      "tpu.region"() ({
        %run_scoped3A = tpu.sem_alloc : memref<!tpu.dma_semaphore, #tpu.memory_space<semaphore_mem>>
        %dma_start3A_183 = arith.constant 0 : i32
        %dma_start3A_184 = arith.constant 0 : i32
        %dma_start3A_185 = tpu.memref_slice %arg7[%dma_start3A_183, %dma_start3A_184] : memref<512x64xf32, #tpu.memory_space<vmem>> -> memref<128x64xf32, #tpu.memory_space<vmem>>
        %dma_start3A_186 = arith.constant 0 : i32
        %dma_start3A_187 = tpu.memref_slice %arg6[%add3A_112, %dma_start3A_186] : memref<80x128xi32, #tpu.memory_space<vmem>> -> memref<1x128xi32, #tpu.memory_space<vmem>>
        %dma_start3A_188 = tpu.memref_squeeze %dma_start3A_187 : memref<1x128xi32, #tpu.memory_space<vmem>> -> memref<128xi32, #tpu.memory_space<vmem>>
        %dma_start3A_189 = arith.constant 0 : i32
        %dma_start3A_190 = arith.constant 0 : i32
        %dma_start3A_191 = tpu.memref_slice %arg8[%dma_start3A_189, %dma_start3A_190] : memref<10240x64xf32, #tpu.memory_space<vmem_shared>> -> memref<10240x64xf32, #tpu.memory_space<vmem_shared>>
        tpu.enqueue_indirect_dma source(%dma_start3A_185 : memref<128x64xf32, #tpu.memory_space<vmem>>) target(%dma_start3A_191 : memref<10240x64xf32, #tpu.memory_space<vmem_shared>>) offsets(%dma_start3A_188 : memref<128xi32, #tpu.memory_space<vmem>>) semaphore(%run_scoped3A : memref<!tpu.dma_semaphore, #tpu.memory_space<semaphore_mem>>) {add = true}
        %dma_wait3A_192 = arith.constant 0 : i32
        %dma_wait3A_193 = arith.constant 0 : i32
        %dma_wait3A_194 = tpu.memref_slice %arg7[%dma_wait3A_192, %dma_wait3A_193] : memref<512x64xf32, #tpu.memory_space<vmem>> -> memref<128x64xf32, #tpu.memory_space<vmem>>
        %dma_wait3A_195 = arith.constant 0 : i32
        %dma_wait3A_196 = tpu.memref_slice %arg6[%add3A_112, %dma_wait3A_195] : memref<80x128xi32, #tpu.memory_space<vmem>> -> memref<1x128xi32, #tpu.memory_space<vmem>>
        %dma_wait3A_197 = tpu.memref_squeeze %dma_wait3A_196 : memref<1x128xi32, #tpu.memory_space<vmem>> -> memref<128xi32, #tpu.memory_space<vmem>>
        %dma_wait3A_198 = arith.constant 0 : i32
        %dma_wait3A_199 = arith.constant 0 : i32
        %dma_wait3A_200 = tpu.memref_slice %arg8[%dma_wait3A_198, %dma_wait3A_199] : memref<10240x64xf32, #tpu.memory_space<vmem_shared>> -> memref<10240x64xf32, #tpu.memory_space<vmem_shared>>
        tpu.wait_indirect_dma semaphore(%run_scoped3A : memref<!tpu.dma_semaphore, #tpu.memory_space<semaphore_mem>>) src(%dma_wait3A_194 : memref<128x64xf32, #tpu.memory_space<vmem>>) dst(%dma_wait3A_200 : memref<10240x64xf32, #tpu.memory_space<vmem_shared>>)
        tpu.yield
      }) : () -> ()
      %lt3A = arith.constant 19 : i32
      %lt3A_123 = arith.cmpi slt, %scan3A_107, %lt3A : i32
      %convert_element_type3A = arith.extui %lt3A_123 : i1 to i32
      %cond3A = arith.constant 0 : i32
      %cond3A_124 = arith.cmpi ne, %convert_element_type3A, %cond3A : i32
      scf.if %cond3A_124 {
        %add3A_183 = arith.constant 4 : i32
        %add3A_184 = arith.addi %add3A_112, %add3A_183 : i32
        %dma_start3A_185 = arith.constant 0 : i32
        %dma_start3A_186 = arith.constant 0 : i32
        %dma_start3A_187 = tpu.memref_slice %arg7[%dma_start3A_185, %dma_start3A_186] : memref<512x64xf32, #tpu.memory_space<vmem>> -> memref<128x64xf32, #tpu.memory_space<vmem>>
        %dma_start3A_188 = arith.constant 0 : i32
        %dma_start3A_189 = tpu.memref_slice %arg5[%add3A_184, %dma_start3A_188] : memref<80x128xi32, #tpu.memory_space<vmem>> -> memref<1x128xi32, #tpu.memory_space<vmem>>
        %dma_start3A_190 = tpu.memref_squeeze %dma_start3A_189 : memref<1x128xi32, #tpu.memory_space<vmem>> -> memref<128xi32, #tpu.memory_space<vmem>>
        %dma_start3A_191 = arith.constant 0 : i32
        %dma_start3A_192 = arith.constant 0 : i32
        %dma_start3A_193 = tpu.memref_slice %arg2[%dma_start3A_191, %dma_start3A_192] : memref<10240x64xf32, #tpu.memory_space<hbm>> -> memref<10240x64xf32, #tpu.memory_space<hbm>>
        tpu.enqueue_indirect_dma source(%dma_start3A_193 : memref<10240x64xf32, #tpu.memory_space<hbm>>) target(%dma_start3A_187 : memref<128x64xf32, #tpu.memory_space<vmem>>) offsets(%dma_start3A_190 : memref<128xi32, #tpu.memory_space<vmem>>) semaphore(%arg9 : memref<!tpu.dma_semaphore, #tpu.memory_space<semaphore_mem>>)
      } else {
      }
      %mul3A_125 = arith.constant 4 : i32
      %mul3A_126 = arith.muli %scan3A_107, %mul3A_125 : i32
      %add3A_127 = arith.constant 1 : i32
      %add3A_128 = arith.addi %mul3A_126, %add3A_127 : i32
      %dma_wait3A_129 = arith.constant 0 : i32
      %dma_wait3A_130 = arith.constant 128 : i32
      %dma_wait3A_131 = arith.constant 0 : i32
      %dma_wait3A_132 = tpu.memref_slice %arg7[%dma_wait3A_130, %dma_wait3A_131] : memref<512x64xf32, #tpu.memory_space<vmem>> -> memref<128x64xf32, #tpu.memory_space<vmem>>
      %dma_wait3A_133 = arith.constant 0 : i32
      %dma_wait3A_134 = tpu.memref_slice %arg5[%dma_wait3A_129, %dma_wait3A_133] : memref<80x128xi32, #tpu.memory_space<vmem>> -> memref<1x128xi32, #tpu.memory_space<vmem>>
      %dma_wait3A_135 = tpu.memref_squeeze %dma_wait3A_134 : memref<1x128xi32, #tpu.memory_space<vmem>> -> memref<128xi32, #tpu.memory_space<vmem>>
      %dma_wait3A_136 = arith.constant 0 : i32
      %dma_wait3A_137 = arith.constant 0 : i32
      %dma_wait3A_138 = tpu.memref_slice %arg2[%dma_wait3A_136, %dma_wait3A_137] : memref<10240x64xf32, #tpu.memory_space<hbm>> -> memref<10240x64xf32, #tpu.memory_space<hbm>>
      tpu.wait_indirect_dma semaphore(%arg10 : memref<!tpu.dma_semaphore, #tpu.memory_space<semaphore_mem>>) src(%dma_wait3A_138 : memref<10240x64xf32, #tpu.memory_space<hbm>>) dst(%dma_wait3A_132 : memref<128x64xf32, #tpu.memory_space<vmem>>)
      "tpu.region"() ({
        %run_scoped3A = tpu.sem_alloc : memref<!tpu.dma_semaphore, #tpu.memory_space<semaphore_mem>>
        %dma_start3A_183 = arith.constant 128 : i32
        %dma_start3A_184 = arith.constant 0 : i32
        %dma_start3A_185 = tpu.memref_slice %arg7[%dma_start3A_183, %dma_start3A_184] : memref<512x64xf32, #tpu.memory_space<vmem>> -> memref<128x64xf32, #tpu.memory_space<vmem>>
        %dma_start3A_186 = arith.constant 0 : i32
        %dma_start3A_187 = tpu.memref_slice %arg6[%add3A_128, %dma_start3A_186] : memref<80x128xi32, #tpu.memory_space<vmem>> -> memref<1x128xi32, #tpu.memory_space<vmem>>
        %dma_start3A_188 = tpu.memref_squeeze %dma_start3A_187 : memref<1x128xi32, #tpu.memory_space<vmem>> -> memref<128xi32, #tpu.memory_space<vmem>>
        %dma_start3A_189 = arith.constant 0 : i32
        %dma_start3A_190 = arith.constant 0 : i32
        %dma_start3A_191 = tpu.memref_slice %arg8[%dma_start3A_189, %dma_start3A_190] : memref<10240x64xf32, #tpu.memory_space<vmem_shared>> -> memref<10240x64xf32, #tpu.memory_space<vmem_shared>>
        tpu.enqueue_indirect_dma source(%dma_start3A_185 : memref<128x64xf32, #tpu.memory_space<vmem>>) target(%dma_start3A_191 : memref<10240x64xf32, #tpu.memory_space<vmem_shared>>) offsets(%dma_start3A_188 : memref<128xi32, #tpu.memory_space<vmem>>) semaphore(%run_scoped3A : memref<!tpu.dma_semaphore, #tpu.memory_space<semaphore_mem>>) {add = true}
        %dma_wait3A_192 = arith.constant 128 : i32
        %dma_wait3A_193 = arith.constant 0 : i32
        %dma_wait3A_194 = tpu.memref_slice %arg7[%dma_wait3A_192, %dma_wait3A_193] : memref<512x64xf32, #tpu.memory_space<vmem>> -> memref<128x64xf32, #tpu.memory_space<vmem>>
        %dma_wait3A_195 = arith.constant 0 : i32
        %dma_wait3A_196 = tpu.memref_slice %arg6[%add3A_128, %dma_wait3A_195] : memref<80x128xi32, #tpu.memory_space<vmem>> -> memref<1x128xi32, #tpu.memory_space<vmem>>
        %dma_wait3A_197 = tpu.memref_squeeze %dma_wait3A_196 : memref<1x128xi32, #tpu.memory_space<vmem>> -> memref<128xi32, #tpu.memory_space<vmem>>
        %dma_wait3A_198 = arith.constant 0 : i32
        %dma_wait3A_199 = arith.constant 0 : i32
        %dma_wait3A_200 = tpu.memref_slice %arg8[%dma_wait3A_198, %dma_wait3A_199] : memref<10240x64xf32, #tpu.memory_space<vmem_shared>> -> memref<10240x64xf32, #tpu.memory_space<vmem_shared>>
        tpu.wait_indirect_dma semaphore(%run_scoped3A : memref<!tpu.dma_semaphore, #tpu.memory_space<semaphore_mem>>) src(%dma_wait3A_194 : memref<128x64xf32, #tpu.memory_space<vmem>>) dst(%dma_wait3A_200 : memref<10240x64xf32, #tpu.memory_space<vmem_shared>>)
        tpu.yield
      }) : () -> ()
      %lt3A_139 = arith.constant 19 : i32
      %lt3A_140 = arith.cmpi slt, %scan3A_107, %lt3A_139 : i32
      %convert_element_type3A_141 = arith.extui %lt3A_140 : i1 to i32
      %cond3A_142 = arith.constant 0 : i32
      %cond3A_143 = arith.cmpi ne, %convert_element_type3A_141, %cond3A_142 : i32
      scf.if %cond3A_143 {
        %add3A_183 = arith.constant 4 : i32
        %add3A_184 = arith.addi %add3A_128, %add3A_183 : i32
        %dma_start3A_185 = arith.constant 128 : i32
        %dma_start3A_186 = arith.constant 0 : i32
        %dma_start3A_187 = tpu.memref_slice %arg7[%dma_start3A_185, %dma_start3A_186] : memref<512x64xf32, #tpu.memory_space<vmem>> -> memref<128x64xf32, #tpu.memory_space<vmem>>
        %dma_start3A_188 = arith.constant 0 : i32
        %dma_start3A_189 = tpu.memref_slice %arg5[%add3A_184, %dma_start3A_188] : memref<80x128xi32, #tpu.memory_space<vmem>> -> memref<1x128xi32, #tpu.memory_space<vmem>>
        %dma_start3A_190 = tpu.memref_squeeze %dma_start3A_189 : memref<1x128xi32, #tpu.memory_space<vmem>> -> memref<128xi32, #tpu.memory_space<vmem>>
        %dma_start3A_191 = arith.constant 0 : i32
        %dma_start3A_192 = arith.constant 0 : i32
        %dma_start3A_193 = tpu.memref_slice %arg2[%dma_start3A_191, %dma_start3A_192] : memref<10240x64xf32, #tpu.memory_space<hbm>> -> memref<10240x64xf32, #tpu.memory_space<hbm>>
        tpu.enqueue_indirect_dma source(%dma_start3A_193 : memref<10240x64xf32, #tpu.memory_space<hbm>>) target(%dma_start3A_187 : memref<128x64xf32, #tpu.memory_space<vmem>>) offsets(%dma_start3A_190 : memref<128xi32, #tpu.memory_space<vmem>>) semaphore(%arg10 : memref<!tpu.dma_semaphore, #tpu.memory_space<semaphore_mem>>)
      } else {
      }
      %mul3A_144 = arith.constant 4 : i32
      %mul3A_145 = arith.muli %scan3A_107, %mul3A_144 : i32
      %add3A_146 = arith.constant 2 : i32
      %add3A_147 = arith.addi %mul3A_145, %add3A_146 : i32
      %dma_wait3A_148 = arith.constant 0 : i32
      %dma_wait3A_149 = arith.constant 256 : i32
      %dma_wait3A_150 = arith.constant 0 : i32
      %dma_wait3A_151 = tpu.memref_slice %arg7[%dma_wait3A_149, %dma_wait3A_150] : memref<512x64xf32, #tpu.memory_space<vmem>> -> memref<128x64xf32, #tpu.memory_space<vmem>>
      %dma_wait3A_152 = arith.constant 0 : i32
      %dma_wait3A_153 = tpu.memref_slice %arg5[%dma_wait3A_148, %dma_wait3A_152] : memref<80x128xi32, #tpu.memory_space<vmem>> -> memref<1x128xi32, #tpu.memory_space<vmem>>
      %dma_wait3A_154 = tpu.memref_squeeze %dma_wait3A_153 : memref<1x128xi32, #tpu.memory_space<vmem>> -> memref<128xi32, #tpu.memory_space<vmem>>
      %dma_wait3A_155 = arith.constant 0 : i32
      %dma_wait3A_156 = arith.constant 0 : i32
      %dma_wait3A_157 = tpu.memref_slice %arg2[%dma_wait3A_155, %dma_wait3A_156] : memref<10240x64xf32, #tpu.memory_space<hbm>> -> memref<10240x64xf32, #tpu.memory_space<hbm>>
      tpu.wait_indirect_dma semaphore(%arg11 : memref<!tpu.dma_semaphore, #tpu.memory_space<semaphore_mem>>) src(%dma_wait3A_157 : memref<10240x64xf32, #tpu.memory_space<hbm>>) dst(%dma_wait3A_151 : memref<128x64xf32, #tpu.memory_space<vmem>>)
      "tpu.region"() ({
        %run_scoped3A = tpu.sem_alloc : memref<!tpu.dma_semaphore, #tpu.memory_space<semaphore_mem>>
        %dma_start3A_183 = arith.constant 256 : i32
        %dma_start3A_184 = arith.constant 0 : i32
        %dma_start3A_185 = tpu.memref_slice %arg7[%dma_start3A_183, %dma_start3A_184] : memref<512x64xf32, #tpu.memory_space<vmem>> -> memref<128x64xf32, #tpu.memory_space<vmem>>
        %dma_start3A_186 = arith.constant 0 : i32
        %dma_start3A_187 = tpu.memref_slice %arg6[%add3A_147, %dma_start3A_186] : memref<80x128xi32, #tpu.memory_space<vmem>> -> memref<1x128xi32, #tpu.memory_space<vmem>>
        %dma_start3A_188 = tpu.memref_squeeze %dma_start3A_187 : memref<1x128xi32, #tpu.memory_space<vmem>> -> memref<128xi32, #tpu.memory_space<vmem>>
        %dma_start3A_189 = arith.constant 0 : i32
        %dma_start3A_190 = arith.constant 0 : i32
        %dma_start3A_191 = tpu.memref_slice %arg8[%dma_start3A_189, %dma_start3A_190] : memref<10240x64xf32, #tpu.memory_space<vmem_shared>> -> memref<10240x64xf32, #tpu.memory_space<vmem_shared>>
        tpu.enqueue_indirect_dma source(%dma_start3A_185 : memref<128x64xf32, #tpu.memory_space<vmem>>) target(%dma_start3A_191 : memref<10240x64xf32, #tpu.memory_space<vmem_shared>>) offsets(%dma_start3A_188 : memref<128xi32, #tpu.memory_space<vmem>>) semaphore(%run_scoped3A : memref<!tpu.dma_semaphore, #tpu.memory_space<semaphore_mem>>) {add = true}
        %dma_wait3A_192 = arith.constant 256 : i32
        %dma_wait3A_193 = arith.constant 0 : i32
        %dma_wait3A_194 = tpu.memref_slice %arg7[%dma_wait3A_192, %dma_wait3A_193] : memref<512x64xf32, #tpu.memory_space<vmem>> -> memref<128x64xf32, #tpu.memory_space<vmem>>
        %dma_wait3A_195 = arith.constant 0 : i32
        %dma_wait3A_196 = tpu.memref_slice %arg6[%add3A_147, %dma_wait3A_195] : memref<80x128xi32, #tpu.memory_space<vmem>> -> memref<1x128xi32, #tpu.memory_space<vmem>>
        %dma_wait3A_197 = tpu.memref_squeeze %dma_wait3A_196 : memref<1x128xi32, #tpu.memory_space<vmem>> -> memref<128xi32, #tpu.memory_space<vmem>>
        %dma_wait3A_198 = arith.constant 0 : i32
        %dma_wait3A_199 = arith.constant 0 : i32
        %dma_wait3A_200 = tpu.memref_slice %arg8[%dma_wait3A_198, %dma_wait3A_199] : memref<10240x64xf32, #tpu.memory_space<vmem_shared>> -> memref<10240x64xf32, #tpu.memory_space<vmem_shared>>
        tpu.wait_indirect_dma semaphore(%run_scoped3A : memref<!tpu.dma_semaphore, #tpu.memory_space<semaphore_mem>>) src(%dma_wait3A_194 : memref<128x64xf32, #tpu.memory_space<vmem>>) dst(%dma_wait3A_200 : memref<10240x64xf32, #tpu.memory_space<vmem_shared>>)
        tpu.yield
      }) : () -> ()
      %lt3A_158 = arith.constant 19 : i32
      %lt3A_159 = arith.cmpi slt, %scan3A_107, %lt3A_158 : i32
      %convert_element_type3A_160 = arith.extui %lt3A_159 : i1 to i32
      %cond3A_161 = arith.constant 0 : i32
      %cond3A_162 = arith.cmpi ne, %convert_element_type3A_160, %cond3A_161 : i32
      scf.if %cond3A_162 {
        %add3A_183 = arith.constant 4 : i32
        %add3A_184 = arith.addi %add3A_147, %add3A_183 : i32
        %dma_start3A_185 = arith.constant 256 : i32
        %dma_start3A_186 = arith.constant 0 : i32
        %dma_start3A_187 = tpu.memref_slice %arg7[%dma_start3A_185, %dma_start3A_186] : memref<512x64xf32, #tpu.memory_space<vmem>> -> memref<128x64xf32, #tpu.memory_space<vmem>>
        %dma_start3A_188 = arith.constant 0 : i32
        %dma_start3A_189 = tpu.memref_slice %arg5[%add3A_184, %dma_start3A_188] : memref<80x128xi32, #tpu.memory_space<vmem>> -> memref<1x128xi32, #tpu.memory_space<vmem>>
        %dma_start3A_190 = tpu.memref_squeeze %dma_start3A_189 : memref<1x128xi32, #tpu.memory_space<vmem>> -> memref<128xi32, #tpu.memory_space<vmem>>
        %dma_start3A_191 = arith.constant 0 : i32
        %dma_start3A_192 = arith.constant 0 : i32
        %dma_start3A_193 = tpu.memref_slice %arg2[%dma_start3A_191, %dma_start3A_192] : memref<10240x64xf32, #tpu.memory_space<hbm>> -> memref<10240x64xf32, #tpu.memory_space<hbm>>
        tpu.enqueue_indirect_dma source(%dma_start3A_193 : memref<10240x64xf32, #tpu.memory_space<hbm>>) target(%dma_start3A_187 : memref<128x64xf32, #tpu.memory_space<vmem>>) offsets(%dma_start3A_190 : memref<128xi32, #tpu.memory_space<vmem>>) semaphore(%arg11 : memref<!tpu.dma_semaphore, #tpu.memory_space<semaphore_mem>>)
      } else {
      }
      %mul3A_163 = arith.constant 4 : i32
      %mul3A_164 = arith.muli %scan3A_107, %mul3A_163 : i32
      %add3A_165 = arith.constant 3 : i32
      %add3A_166 = arith.addi %mul3A_164, %add3A_165 : i32
      %dma_wait3A_167 = arith.constant 0 : i32
      %dma_wait3A_168 = arith.constant 384 : i32
      %dma_wait3A_169 = arith.constant 0 : i32
      %dma_wait3A_170 = tpu.memref_slice %arg7[%dma_wait3A_168, %dma_wait3A_169] : memref<512x64xf32, #tpu.memory_space<vmem>> -> memref<128x64xf32, #tpu.memory_space<vmem>>
      %dma_wait3A_171 = arith.constant 0 : i32
      %dma_wait3A_172 = tpu.memref_slice %arg5[%dma_wait3A_167, %dma_wait3A_171] : memref<80x128xi32, #tpu.memory_space<vmem>> -> memref<1x128xi32, #tpu.memory_space<vmem>>
      %dma_wait3A_173 = tpu.memref_squeeze %dma_wait3A_172 : memref<1x128xi32, #tpu.memory_space<vmem>> -> memref<128xi32, #tpu.memory_space<vmem>>
      %dma_wait3A_174 = arith.constant 0 : i32
      %dma_wait3A_175 = arith.constant 0 : i32
      %dma_wait3A_176 = tpu.memref_slice %arg2[%dma_wait3A_174, %dma_wait3A_175] : memref<10240x64xf32, #tpu.memory_space<hbm>> -> memref<10240x64xf32, #tpu.memory_space<hbm>>
      tpu.wait_indirect_dma semaphore(%arg12 : memref<!tpu.dma_semaphore, #tpu.memory_space<semaphore_mem>>) src(%dma_wait3A_176 : memref<10240x64xf32, #tpu.memory_space<hbm>>) dst(%dma_wait3A_170 : memref<128x64xf32, #tpu.memory_space<vmem>>)
      "tpu.region"() ({
        %run_scoped3A = tpu.sem_alloc : memref<!tpu.dma_semaphore, #tpu.memory_space<semaphore_mem>>
        %dma_start3A_183 = arith.constant 384 : i32
        %dma_start3A_184 = arith.constant 0 : i32
        %dma_start3A_185 = tpu.memref_slice %arg7[%dma_start3A_183, %dma_start3A_184] : memref<512x64xf32, #tpu.memory_space<vmem>> -> memref<128x64xf32, #tpu.memory_space<vmem>>
        %dma_start3A_186 = arith.constant 0 : i32
        %dma_start3A_187 = tpu.memref_slice %arg6[%add3A_166, %dma_start3A_186] : memref<80x128xi32, #tpu.memory_space<vmem>> -> memref<1x128xi32, #tpu.memory_space<vmem>>
        %dma_start3A_188 = tpu.memref_squeeze %dma_start3A_187 : memref<1x128xi32, #tpu.memory_space<vmem>> -> memref<128xi32, #tpu.memory_space<vmem>>
        %dma_start3A_189 = arith.constant 0 : i32
        %dma_start3A_190 = arith.constant 0 : i32
        %dma_start3A_191 = tpu.memref_slice %arg8[%dma_start3A_189, %dma_start3A_190] : memref<10240x64xf32, #tpu.memory_space<vmem_shared>> -> memref<10240x64xf32, #tpu.memory_space<vmem_shared>>
        tpu.enqueue_indirect_dma source(%dma_start3A_185 : memref<128x64xf32, #tpu.memory_space<vmem>>) target(%dma_start3A_191 : memref<10240x64xf32, #tpu.memory_space<vmem_shared>>) offsets(%dma_start3A_188 : memref<128xi32, #tpu.memory_space<vmem>>) semaphore(%run_scoped3A : memref<!tpu.dma_semaphore, #tpu.memory_space<semaphore_mem>>) {add = true}
        %dma_wait3A_192 = arith.constant 384 : i32
        %dma_wait3A_193 = arith.constant 0 : i32
        %dma_wait3A_194 = tpu.memref_slice %arg7[%dma_wait3A_192, %dma_wait3A_193] : memref<512x64xf32, #tpu.memory_space<vmem>> -> memref<128x64xf32, #tpu.memory_space<vmem>>
        %dma_wait3A_195 = arith.constant 0 : i32
        %dma_wait3A_196 = tpu.memref_slice %arg6[%add3A_166, %dma_wait3A_195] : memref<80x128xi32, #tpu.memory_space<vmem>> -> memref<1x128xi32, #tpu.memory_space<vmem>>
        %dma_wait3A_197 = tpu.memref_squeeze %dma_wait3A_196 : memref<1x128xi32, #tpu.memory_space<vmem>> -> memref<128xi32, #tpu.memory_space<vmem>>
        %dma_wait3A_198 = arith.constant 0 : i32
        %dma_wait3A_199 = arith.constant 0 : i32
        %dma_wait3A_200 = tpu.memref_slice %arg8[%dma_wait3A_198, %dma_wait3A_199] : memref<10240x64xf32, #tpu.memory_space<vmem_shared>> -> memref<10240x64xf32, #tpu.memory_space<vmem_shared>>
        tpu.wait_indirect_dma semaphore(%run_scoped3A : memref<!tpu.dma_semaphore, #tpu.memory_space<semaphore_mem>>) src(%dma_wait3A_194 : memref<128x64xf32, #tpu.memory_space<vmem>>) dst(%dma_wait3A_200 : memref<10240x64xf32, #tpu.memory_space<vmem_shared>>)
        tpu.yield
      }) : () -> ()
      %lt3A_177 = arith.constant 19 : i32
      %lt3A_178 = arith.cmpi slt, %scan3A_107, %lt3A_177 : i32
      %convert_element_type3A_179 = arith.extui %lt3A_178 : i1 to i32
      %cond3A_180 = arith.constant 0 : i32
      %cond3A_181 = arith.cmpi ne, %convert_element_type3A_179, %cond3A_180 : i32
      scf.if %cond3A_181 {
        %add3A_183 = arith.constant 4 : i32
        %add3A_184 = arith.addi %add3A_166, %add3A_183 : i32
        %dma_start3A_185 = arith.constant 384 : i32
        %dma_start3A_186 = arith.constant 0 : i32
        %dma_start3A_187 = tpu.memref_slice %arg7[%dma_start3A_185, %dma_start3A_186] : memref<512x64xf32, #tpu.memory_space<vmem>> -> memref<128x64xf32, #tpu.memory_space<vmem>>
        %dma_start3A_188 = arith.constant 0 : i32
        %dma_start3A_189 = tpu.memref_slice %arg5[%add3A_184, %dma_start3A_188] : memref<80x128xi32, #tpu.memory_space<vmem>> -> memref<1x128xi32, #tpu.memory_space<vmem>>
        %dma_start3A_190 = tpu.memref_squeeze %dma_start3A_189 : memref<1x128xi32, #tpu.memory_space<vmem>> -> memref<128xi32, #tpu.memory_space<vmem>>
        %dma_start3A_191 = arith.constant 0 : i32
        %dma_start3A_192 = arith.constant 0 : i32
        %dma_start3A_193 = tpu.memref_slice %arg2[%dma_start3A_191, %dma_start3A_192] : memref<10240x64xf32, #tpu.memory_space<hbm>> -> memref<10240x64xf32, #tpu.memory_space<hbm>>
        tpu.enqueue_indirect_dma source(%dma_start3A_193 : memref<10240x64xf32, #tpu.memory_space<hbm>>) target(%dma_start3A_187 : memref<128x64xf32, #tpu.memory_space<vmem>>) offsets(%dma_start3A_190 : memref<128xi32, #tpu.memory_space<vmem>>) semaphore(%arg12 : memref<!tpu.dma_semaphore, #tpu.memory_space<semaphore_mem>>)
      } else {
      }
      %scan3A_182 = arith.constant 0 : i32
      scf.yield %scan3A_182 : i32
    }
    %scan3A_101 = arith.constant 20 : i32
    %barrier3A_102 = arith.constant 0 : index
    tpu.barrier barrier_id(%barrier3A_102)
    %mul3A_103 = arith.constant 640 : i32
    %mul3A_104 = arith.muli %arg1, %mul3A_103 : i32
    %mul3A_105 = arith.constant 640 : i32
    %mul3A_106 = arith.muli %arg1, %mul3A_105 : i32
    "tpu.region"() ({
      %run_scoped3A = tpu.sem_alloc : memref<!tpu.dma_semaphore, #tpu.memory_space<semaphore_mem>>
      %dma_start3A_107 = arith.constant 0 : i32
      %dma_start3A_108 = tpu.memref_slice %arg4[%arg0, %mul3A_106, %dma_start3A_107] : memref<2x10240x64xf32, #tpu.memory_space<hbm>> -> memref<1x640x64xf32, #tpu.memory_space<hbm>>
      %dma_start3A_109 = tpu.memref_squeeze %dma_start3A_108 : memref<1x640x64xf32, #tpu.memory_space<hbm>> -> memref<640x64xf32, #tpu.memory_space<hbm>>
      %dma_start3A_110 = arith.constant 0 : i32
      %dma_start3A_111 = tpu.memref_slice %arg8[%mul3A_104, %dma_start3A_110] : memref<10240x64xf32, #tpu.memory_space<vmem_shared>> -> memref<640x64xf32, #tpu.memory_space<vmem_shared>>
      tpu.enqueue_dma source(%dma_start3A_111 : memref<640x64xf32, #tpu.memory_space<vmem_shared>>) target(%dma_start3A_109 : memref<640x64xf32, #tpu.memory_space<hbm>>) target_semaphore(%run_scoped3A : memref<!tpu.dma_semaphore, #tpu.memory_space<semaphore_mem>>)
      %dma_wait3A_112 = arith.constant 0 : i32
      %dma_wait3A_113 = tpu.memref_slice %arg4[%arg0, %mul3A_106, %dma_wait3A_112] : memref<2x10240x64xf32, #tpu.memory_space<hbm>> -> memref<1x640x64xf32, #tpu.memory_space<hbm>>
      %dma_wait3A_114 = tpu.memref_squeeze %dma_wait3A_113 : memref<1x640x64xf32, #tpu.memory_space<hbm>> -> memref<640x64xf32, #tpu.memory_space<hbm>>
      %dma_wait3A_115 = arith.constant 0 : i32
      %dma_wait3A_116 = tpu.memref_slice %arg8[%mul3A_104, %dma_wait3A_115] : memref<10240x64xf32, #tpu.memory_space<vmem_shared>> -> memref<640x64xf32, #tpu.memory_space<vmem_shared>>
      tpu.wait_dma2 semaphore(%run_scoped3A : memref<!tpu.dma_semaphore, #tpu.memory_space<semaphore_mem>>) src(%dma_wait3A_116 : memref<640x64xf32, #tpu.memory_space<vmem_shared>>) dst(%dma_wait3A_114 : memref<640x64xf32, #tpu.memory_space<hbm>>)
      tpu.yield
    }) : () -> ()
    return
  }
}

#map = affine_map<(d0, d1) -> (0, 0, 0)>
#map1 = affine_map<(d0, d1) -> (0)>
module attributes {stable_mosaic.version = 14 : i64} {
  func.func @_deg_body(%arg0: i32, %arg1: i32, %arg2: memref<2x2560x128xi32, #tpu.memory_space<hbm>>, %arg3: memref<20480xf32, #tpu.memory_space<hbm>>, %arg4: memref<80x128xi32, #tpu.memory_space<vmem>>, %arg5: memref<128xf32, #tpu.memory_space<vmem>>, %arg6: memref<640xf32, #tpu.memory_space<vmem>>, %arg7: memref<10240xf32, #tpu.memory_space<vmem_shared>>, %arg8: memref<!tpu.dma_semaphore, #tpu.memory_space<semaphore_mem>>) attributes {dimension_semantics = [#tpu.dimension_semantics<core_parallel>, #tpu.dimension_semantics<subcore_parallel>], iteration_bounds = array<i64: 2, 16>, scalar_prefetch = 0 : i64, scratch_operands = 5 : i64, tpu.core_type = #tpu.core_type<sc_vector_subcore>, window_params = [{transform_indices = #map}, {transform_indices = #map1}]} {
    %mul3A = arith.constant 16 : i32
    %mul3A_0 = arith.muli %arg0, %mul3A : i32
    %add3A = arith.addi %mul3A_0, %arg1 : i32
    %mul3A_1 = arith.constant 80 : i32
    %mul3A_2 = arith.muli %add3A, %mul3A_1 : i32
    %dma_start3A = arith.constant 1 : i32
    %dma_start3A_3 = arith.constant 0 : i32
    %dma_start3A_4 = tpu.memref_slice %arg2[%dma_start3A, %mul3A_2, %dma_start3A_3] : memref<2x2560x128xi32, #tpu.memory_space<hbm>> -> memref<1x80x128xi32, #tpu.memory_space<hbm>>
    %dma_start3A_5 = tpu.memref_squeeze %dma_start3A_4 : memref<1x80x128xi32, #tpu.memory_space<hbm>> -> memref<80x128xi32, #tpu.memory_space<hbm>>
    %dma_start3A_6 = arith.constant 0 : i32
    %dma_start3A_7 = tpu.memref_slice %arg2[%dma_start3A, %mul3A_2, %dma_start3A_6] : memref<2x2560x128xi32, #tpu.memory_space<hbm>> -> memref<1x80x128xi32, #tpu.memory_space<hbm>>
    %dma_start3A_8 = tpu.memref_squeeze %dma_start3A_7 : memref<1x80x128xi32, #tpu.memory_space<hbm>> -> memref<80x128xi32, #tpu.memory_space<hbm>>
    tpu.enqueue_dma source(%dma_start3A_8 : memref<80x128xi32, #tpu.memory_space<hbm>>) target(%arg4 : memref<80x128xi32, #tpu.memory_space<vmem>>) target_semaphore(%arg8 : memref<!tpu.dma_semaphore, #tpu.memory_space<semaphore_mem>>)
    %scan3A = arith.constant 0 : i32
    %scan3A_9 = arith.constant 0 : i32
    %scan3A_10 = arith.constant 8 : i32
    %scan3A_11 = arith.addi %scan3A_9, %scan3A_10 : i32
    %scan3A_12 = arith.constant 1 : i32
    %scan3A_13 = scf.for %scan3A_45 = %scan3A_9 to %scan3A_11 step %scan3A_12 iter_args(%scan3A_46 = %scan3A) -> (i32)  : i32 {
      %broadcast_in_dim3A = arith.constant 1.000000e+00 : f32
      %broadcast_in_dim3A_47 = vector.broadcast %broadcast_in_dim3A : f32 to vector<16xf32>
      %mul3A_48 = arith.constant 16 : i32
      %mul3A_49 = arith.muli %scan3A_45, %mul3A_48 : i32
      %swap3A = arith.index_cast %mul3A_49 : i32 to index
      %swap3A_50 = tpu.vector_load %arg5[%swap3A] {strides = array<i32>} : memref<128xf32, #tpu.memory_space<vmem>>, vector<16xf32>,
      %swap3A_51 = vector.shape_cast %swap3A_50 : vector<16xf32> to vector<16xf32>
      %swap3A_52 = vector.shape_cast %broadcast_in_dim3A_47 : vector<16xf32> to vector<16xf32>
      tpu.vector_store %arg5[%swap3A], %swap3A_52 {strides = array<i32>} : memref<128xf32, #tpu.memory_space<vmem>>, vector<16xf32>,
      %scan3A_53 = arith.constant 0 : i32
      scf.yield %scan3A_53 : i32
    }
    %scan3A_14 = arith.constant 8 : i32
    %scan3A_15 = arith.constant 0 : i32
    %scan3A_16 = arith.constant 0 : i32
    %scan3A_17 = arith.constant 40 : i32
    %scan3A_18 = arith.addi %scan3A_16, %scan3A_17 : i32
    %scan3A_19 = arith.constant 1 : i32
    %scan3A_20 = scf.for %scan3A_45 = %scan3A_16 to %scan3A_18 step %scan3A_19 iter_args(%scan3A_46 = %scan3A_15) -> (i32)  : i32 {
      %broadcast_in_dim3A = arith.constant 0.000000e+00 : f32
      %broadcast_in_dim3A_47 = vector.broadcast %broadcast_in_dim3A : f32 to vector<16xf32>
      %mul3A_48 = arith.constant 16 : i32
      %mul3A_49 = arith.muli %scan3A_45, %mul3A_48 : i32
      %swap3A = arith.index_cast %mul3A_49 : i32 to index
      %swap3A_50 = tpu.vector_load %arg6[%swap3A] {strides = array<i32>} : memref<640xf32, #tpu.memory_space<vmem>>, vector<16xf32>,
      %swap3A_51 = vector.shape_cast %swap3A_50 : vector<16xf32> to vector<16xf32>
      %swap3A_52 = vector.shape_cast %broadcast_in_dim3A_47 : vector<16xf32> to vector<16xf32>
      tpu.vector_store %arg6[%swap3A], %swap3A_52 {strides = array<i32>} : memref<640xf32, #tpu.memory_space<vmem>>, vector<16xf32>,
      %scan3A_53 = arith.constant 0 : i32
      scf.yield %scan3A_53 : i32
    }
    %scan3A_21 = arith.constant 40 : i32
    %mul3A_22 = arith.constant 640 : i32
    %mul3A_23 = arith.muli %arg1, %mul3A_22 : i32
    "tpu.region"() ({
      %run_scoped3A = tpu.sem_alloc : memref<!tpu.dma_semaphore, #tpu.memory_space<semaphore_mem>>
      %dma_start3A_45 = tpu.memref_slice %arg7[%mul3A_23] : memref<10240xf32, #tpu.memory_space<vmem_shared>> -> memref<640xf32, #tpu.memory_space<vmem_shared>>
      %dma_start3A_46 = tpu.memref_slice %arg7[%mul3A_23] : memref<10240xf32, #tpu.memory_space<vmem_shared>> -> memref<640xf32, #tpu.memory_space<vmem_shared>>
      tpu.enqueue_dma source(%arg6 : memref<640xf32, #tpu.memory_space<vmem>>) target(%dma_start3A_46 : memref<640xf32, #tpu.memory_space<vmem_shared>>) target_semaphore(%run_scoped3A : memref<!tpu.dma_semaphore, #tpu.memory_space<semaphore_mem>>)
      %dma_wait3A_47 = tpu.memref_slice %arg7[%mul3A_23] : memref<10240xf32, #tpu.memory_space<vmem_shared>> -> memref<640xf32, #tpu.memory_space<vmem_shared>>
      %dma_wait3A_48 = tpu.memref_slice %arg7[%mul3A_23] : memref<10240xf32, #tpu.memory_space<vmem_shared>> -> memref<640xf32, #tpu.memory_space<vmem_shared>>
      tpu.wait_dma2 semaphore(%run_scoped3A : memref<!tpu.dma_semaphore, #tpu.memory_space<semaphore_mem>>) src(%arg6 : memref<640xf32, #tpu.memory_space<vmem>>) dst(%dma_wait3A_48 : memref<640xf32, #tpu.memory_space<vmem_shared>>)
      tpu.yield
    }) : () -> ()
    %dma_wait3A = arith.constant 1 : i32
    %dma_wait3A_24 = arith.constant 0 : i32
    %dma_wait3A_25 = tpu.memref_slice %arg2[%dma_wait3A, %mul3A_2, %dma_wait3A_24] : memref<2x2560x128xi32, #tpu.memory_space<hbm>> -> memref<1x80x128xi32, #tpu.memory_space<hbm>>
    %dma_wait3A_26 = tpu.memref_squeeze %dma_wait3A_25 : memref<1x80x128xi32, #tpu.memory_space<hbm>> -> memref<80x128xi32, #tpu.memory_space<hbm>>
    %dma_wait3A_27 = arith.constant 0 : i32
    %dma_wait3A_28 = tpu.memref_slice %arg2[%dma_wait3A, %mul3A_2, %dma_wait3A_27] : memref<2x2560x128xi32, #tpu.memory_space<hbm>> -> memref<1x80x128xi32, #tpu.memory_space<hbm>>
    %dma_wait3A_29 = tpu.memref_squeeze %dma_wait3A_28 : memref<1x80x128xi32, #tpu.memory_space<hbm>> -> memref<80x128xi32, #tpu.memory_space<hbm>>
    tpu.wait_dma2 semaphore(%arg8 : memref<!tpu.dma_semaphore, #tpu.memory_space<semaphore_mem>>) src(%dma_wait3A_29 : memref<80x128xi32, #tpu.memory_space<hbm>>) dst(%arg4 : memref<80x128xi32, #tpu.memory_space<vmem>>)
    %barrier3A = arith.constant 0 : index
    tpu.barrier barrier_id(%barrier3A)
    %scan3A_30 = arith.constant 0 : i32
    %scan3A_31 = arith.constant 0 : i32
    %scan3A_32 = arith.constant 10 : i32
    %scan3A_33 = arith.addi %scan3A_31, %scan3A_32 : i32
    %scan3A_34 = arith.constant 1 : i32
    %scan3A_35 = scf.for %scan3A_45 = %scan3A_31 to %scan3A_33 step %scan3A_34 iter_args(%scan3A_46 = %scan3A_30) -> (i32)  : i32 {
      %mul3A_47 = arith.constant 8 : i32
      %mul3A_48 = arith.muli %scan3A_45, %mul3A_47 : i32
      %add3A_49 = arith.constant 0 : i32
      %add3A_50 = arith.addi %mul3A_48, %add3A_49 : i32
      "tpu.region"() ({
        %run_scoped3A = tpu.sem_alloc : memref<!tpu.dma_semaphore, #tpu.memory_space<semaphore_mem>>
        %dma_start3A_80 = arith.constant 0 : i32
        %dma_start3A_81 = tpu.memref_slice %arg4[%add3A_50, %dma_start3A_80] : memref<80x128xi32, #tpu.memory_space<vmem>> -> memref<1x128xi32, #tpu.memory_space<vmem>>
        %dma_start3A_82 = tpu.memref_squeeze %dma_start3A_81 : memref<1x128xi32, #tpu.memory_space<vmem>> -> memref<128xi32, #tpu.memory_space<vmem>>
        %dma_start3A_83 = arith.constant 0 : i32
        %dma_start3A_84 = tpu.memref_slice %arg7[%dma_start3A_83] : memref<10240xf32, #tpu.memory_space<vmem_shared>> -> memref<10240xf32, #tpu.memory_space<vmem_shared>>
        tpu.enqueue_indirect_dma source(%arg5 : memref<128xf32, #tpu.memory_space<vmem>>) target(%dma_start3A_84 : memref<10240xf32, #tpu.memory_space<vmem_shared>>) offsets(%dma_start3A_82 : memref<128xi32, #tpu.memory_space<vmem>>) semaphore(%run_scoped3A : memref<!tpu.dma_semaphore, #tpu.memory_space<semaphore_mem>>) {add = true}
        %dma_wait3A_85 = arith.constant 0 : i32
        %dma_wait3A_86 = tpu.memref_slice %arg4[%add3A_50, %dma_wait3A_85] : memref<80x128xi32, #tpu.memory_space<vmem>> -> memref<1x128xi32, #tpu.memory_space<vmem>>
        %dma_wait3A_87 = tpu.memref_squeeze %dma_wait3A_86 : memref<1x128xi32, #tpu.memory_space<vmem>> -> memref<128xi32, #tpu.memory_space<vmem>>
        %dma_wait3A_88 = arith.constant 0 : i32
        %dma_wait3A_89 = tpu.memref_slice %arg7[%dma_wait3A_88] : memref<10240xf32, #tpu.memory_space<vmem_shared>> -> memref<10240xf32, #tpu.memory_space<vmem_shared>>
        tpu.wait_indirect_dma semaphore(%run_scoped3A : memref<!tpu.dma_semaphore, #tpu.memory_space<semaphore_mem>>) src(%arg5 : memref<128xf32, #tpu.memory_space<vmem>>) dst(%dma_wait3A_89 : memref<10240xf32, #tpu.memory_space<vmem_shared>>)
        tpu.yield
      }) : () -> ()
      %mul3A_51 = arith.constant 8 : i32
      %mul3A_52 = arith.muli %scan3A_45, %mul3A_51 : i32
      %add3A_53 = arith.constant 1 : i32
      %add3A_54 = arith.addi %mul3A_52, %add3A_53 : i32
      "tpu.region"() ({
        %run_scoped3A = tpu.sem_alloc : memref<!tpu.dma_semaphore, #tpu.memory_space<semaphore_mem>>
        %dma_start3A_80 = arith.constant 0 : i32
        %dma_start3A_81 = tpu.memref_slice %arg4[%add3A_54, %dma_start3A_80] : memref<80x128xi32, #tpu.memory_space<vmem>> -> memref<1x128xi32, #tpu.memory_space<vmem>>
        %dma_start3A_82 = tpu.memref_squeeze %dma_start3A_81 : memref<1x128xi32, #tpu.memory_space<vmem>> -> memref<128xi32, #tpu.memory_space<vmem>>
        %dma_start3A_83 = arith.constant 0 : i32
        %dma_start3A_84 = tpu.memref_slice %arg7[%dma_start3A_83] : memref<10240xf32, #tpu.memory_space<vmem_shared>> -> memref<10240xf32, #tpu.memory_space<vmem_shared>>
        tpu.enqueue_indirect_dma source(%arg5 : memref<128xf32, #tpu.memory_space<vmem>>) target(%dma_start3A_84 : memref<10240xf32, #tpu.memory_space<vmem_shared>>) offsets(%dma_start3A_82 : memref<128xi32, #tpu.memory_space<vmem>>) semaphore(%run_scoped3A : memref<!tpu.dma_semaphore, #tpu.memory_space<semaphore_mem>>) {add = true}
        %dma_wait3A_85 = arith.constant 0 : i32
        %dma_wait3A_86 = tpu.memref_slice %arg4[%add3A_54, %dma_wait3A_85] : memref<80x128xi32, #tpu.memory_space<vmem>> -> memref<1x128xi32, #tpu.memory_space<vmem>>
        %dma_wait3A_87 = tpu.memref_squeeze %dma_wait3A_86 : memref<1x128xi32, #tpu.memory_space<vmem>> -> memref<128xi32, #tpu.memory_space<vmem>>
        %dma_wait3A_88 = arith.constant 0 : i32
        %dma_wait3A_89 = tpu.memref_slice %arg7[%dma_wait3A_88] : memref<10240xf32, #tpu.memory_space<vmem_shared>> -> memref<10240xf32, #tpu.memory_space<vmem_shared>>
        tpu.wait_indirect_dma semaphore(%run_scoped3A : memref<!tpu.dma_semaphore, #tpu.memory_space<semaphore_mem>>) src(%arg5 : memref<128xf32, #tpu.memory_space<vmem>>) dst(%dma_wait3A_89 : memref<10240xf32, #tpu.memory_space<vmem_shared>>)
        tpu.yield
      }) : () -> ()
      %mul3A_55 = arith.constant 8 : i32
      %mul3A_56 = arith.muli %scan3A_45, %mul3A_55 : i32
      %add3A_57 = arith.constant 2 : i32
      %add3A_58 = arith.addi %mul3A_56, %add3A_57 : i32
      "tpu.region"() ({
        %run_scoped3A = tpu.sem_alloc : memref<!tpu.dma_semaphore, #tpu.memory_space<semaphore_mem>>
        %dma_start3A_80 = arith.constant 0 : i32
        %dma_start3A_81 = tpu.memref_slice %arg4[%add3A_58, %dma_start3A_80] : memref<80x128xi32, #tpu.memory_space<vmem>> -> memref<1x128xi32, #tpu.memory_space<vmem>>
        %dma_start3A_82 = tpu.memref_squeeze %dma_start3A_81 : memref<1x128xi32, #tpu.memory_space<vmem>> -> memref<128xi32, #tpu.memory_space<vmem>>
        %dma_start3A_83 = arith.constant 0 : i32
        %dma_start3A_84 = tpu.memref_slice %arg7[%dma_start3A_83] : memref<10240xf32, #tpu.memory_space<vmem_shared>> -> memref<10240xf32, #tpu.memory_space<vmem_shared>>
        tpu.enqueue_indirect_dma source(%arg5 : memref<128xf32, #tpu.memory_space<vmem>>) target(%dma_start3A_84 : memref<10240xf32, #tpu.memory_space<vmem_shared>>) offsets(%dma_start3A_82 : memref<128xi32, #tpu.memory_space<vmem>>) semaphore(%run_scoped3A : memref<!tpu.dma_semaphore, #tpu.memory_space<semaphore_mem>>) {add = true}
        %dma_wait3A_85 = arith.constant 0 : i32
        %dma_wait3A_86 = tpu.memref_slice %arg4[%add3A_58, %dma_wait3A_85] : memref<80x128xi32, #tpu.memory_space<vmem>> -> memref<1x128xi32, #tpu.memory_space<vmem>>
        %dma_wait3A_87 = tpu.memref_squeeze %dma_wait3A_86 : memref<1x128xi32, #tpu.memory_space<vmem>> -> memref<128xi32, #tpu.memory_space<vmem>>
        %dma_wait3A_88 = arith.constant 0 : i32
        %dma_wait3A_89 = tpu.memref_slice %arg7[%dma_wait3A_88] : memref<10240xf32, #tpu.memory_space<vmem_shared>> -> memref<10240xf32, #tpu.memory_space<vmem_shared>>
        tpu.wait_indirect_dma semaphore(%run_scoped3A : memref<!tpu.dma_semaphore, #tpu.memory_space<semaphore_mem>>) src(%arg5 : memref<128xf32, #tpu.memory_space<vmem>>) dst(%dma_wait3A_89 : memref<10240xf32, #tpu.memory_space<vmem_shared>>)
        tpu.yield
      }) : () -> ()
      %mul3A_59 = arith.constant 8 : i32
      %mul3A_60 = arith.muli %scan3A_45, %mul3A_59 : i32
      %add3A_61 = arith.constant 3 : i32
      %add3A_62 = arith.addi %mul3A_60, %add3A_61 : i32
      "tpu.region"() ({
        %run_scoped3A = tpu.sem_alloc : memref<!tpu.dma_semaphore, #tpu.memory_space<semaphore_mem>>
        %dma_start3A_80 = arith.constant 0 : i32
        %dma_start3A_81 = tpu.memref_slice %arg4[%add3A_62, %dma_start3A_80] : memref<80x128xi32, #tpu.memory_space<vmem>> -> memref<1x128xi32, #tpu.memory_space<vmem>>
        %dma_start3A_82 = tpu.memref_squeeze %dma_start3A_81 : memref<1x128xi32, #tpu.memory_space<vmem>> -> memref<128xi32, #tpu.memory_space<vmem>>
        %dma_start3A_83 = arith.constant 0 : i32
        %dma_start3A_84 = tpu.memref_slice %arg7[%dma_start3A_83] : memref<10240xf32, #tpu.memory_space<vmem_shared>> -> memref<10240xf32, #tpu.memory_space<vmem_shared>>
        tpu.enqueue_indirect_dma source(%arg5 : memref<128xf32, #tpu.memory_space<vmem>>) target(%dma_start3A_84 : memref<10240xf32, #tpu.memory_space<vmem_shared>>) offsets(%dma_start3A_82 : memref<128xi32, #tpu.memory_space<vmem>>) semaphore(%run_scoped3A : memref<!tpu.dma_semaphore, #tpu.memory_space<semaphore_mem>>) {add = true}
        %dma_wait3A_85 = arith.constant 0 : i32
        %dma_wait3A_86 = tpu.memref_slice %arg4[%add3A_62, %dma_wait3A_85] : memref<80x128xi32, #tpu.memory_space<vmem>> -> memref<1x128xi32, #tpu.memory_space<vmem>>
        %dma_wait3A_87 = tpu.memref_squeeze %dma_wait3A_86 : memref<1x128xi32, #tpu.memory_space<vmem>> -> memref<128xi32, #tpu.memory_space<vmem>>
        %dma_wait3A_88 = arith.constant 0 : i32
        %dma_wait3A_89 = tpu.memref_slice %arg7[%dma_wait3A_88] : memref<10240xf32, #tpu.memory_space<vmem_shared>> -> memref<10240xf32, #tpu.memory_space<vmem_shared>>
        tpu.wait_indirect_dma semaphore(%run_scoped3A : memref<!tpu.dma_semaphore, #tpu.memory_space<semaphore_mem>>) src(%arg5 : memref<128xf32, #tpu.memory_space<vmem>>) dst(%dma_wait3A_89 : memref<10240xf32, #tpu.memory_space<vmem_shared>>)
        tpu.yield
      }) : () -> ()
      %mul3A_63 = arith.constant 8 : i32
      %mul3A_64 = arith.muli %scan3A_45, %mul3A_63 : i32
      %add3A_65 = arith.constant 4 : i32
      %add3A_66 = arith.addi %mul3A_64, %add3A_65 : i32
      "tpu.region"() ({
        %run_scoped3A = tpu.sem_alloc : memref<!tpu.dma_semaphore, #tpu.memory_space<semaphore_mem>>
        %dma_start3A_80 = arith.constant 0 : i32
        %dma_start3A_81 = tpu.memref_slice %arg4[%add3A_66, %dma_start3A_80] : memref<80x128xi32, #tpu.memory_space<vmem>> -> memref<1x128xi32, #tpu.memory_space<vmem>>
        %dma_start3A_82 = tpu.memref_squeeze %dma_start3A_81 : memref<1x128xi32, #tpu.memory_space<vmem>> -> memref<128xi32, #tpu.memory_space<vmem>>
        %dma_start3A_83 = arith.constant 0 : i32
        %dma_start3A_84 = tpu.memref_slice %arg7[%dma_start3A_83] : memref<10240xf32, #tpu.memory_space<vmem_shared>> -> memref<10240xf32, #tpu.memory_space<vmem_shared>>
        tpu.enqueue_indirect_dma source(%arg5 : memref<128xf32, #tpu.memory_space<vmem>>) target(%dma_start3A_84 : memref<10240xf32, #tpu.memory_space<vmem_shared>>) offsets(%dma_start3A_82 : memref<128xi32, #tpu.memory_space<vmem>>) semaphore(%run_scoped3A : memref<!tpu.dma_semaphore, #tpu.memory_space<semaphore_mem>>) {add = true}
        %dma_wait3A_85 = arith.constant 0 : i32
        %dma_wait3A_86 = tpu.memref_slice %arg4[%add3A_66, %dma_wait3A_85] : memref<80x128xi32, #tpu.memory_space<vmem>> -> memref<1x128xi32, #tpu.memory_space<vmem>>
        %dma_wait3A_87 = tpu.memref_squeeze %dma_wait3A_86 : memref<1x128xi32, #tpu.memory_space<vmem>> -> memref<128xi32, #tpu.memory_space<vmem>>
        %dma_wait3A_88 = arith.constant 0 : i32
        %dma_wait3A_89 = tpu.memref_slice %arg7[%dma_wait3A_88] : memref<10240xf32, #tpu.memory_space<vmem_shared>> -> memref<10240xf32, #tpu.memory_space<vmem_shared>>
        tpu.wait_indirect_dma semaphore(%run_scoped3A : memref<!tpu.dma_semaphore, #tpu.memory_space<semaphore_mem>>) src(%arg5 : memref<128xf32, #tpu.memory_space<vmem>>) dst(%dma_wait3A_89 : memref<10240xf32, #tpu.memory_space<vmem_shared>>)
        tpu.yield
      }) : () -> ()
      %mul3A_67 = arith.constant 8 : i32
      %mul3A_68 = arith.muli %scan3A_45, %mul3A_67 : i32
      %add3A_69 = arith.constant 5 : i32
      %add3A_70 = arith.addi %mul3A_68, %add3A_69 : i32
      "tpu.region"() ({
        %run_scoped3A = tpu.sem_alloc : memref<!tpu.dma_semaphore, #tpu.memory_space<semaphore_mem>>
        %dma_start3A_80 = arith.constant 0 : i32
        %dma_start3A_81 = tpu.memref_slice %arg4[%add3A_70, %dma_start3A_80] : memref<80x128xi32, #tpu.memory_space<vmem>> -> memref<1x128xi32, #tpu.memory_space<vmem>>
        %dma_start3A_82 = tpu.memref_squeeze %dma_start3A_81 : memref<1x128xi32, #tpu.memory_space<vmem>> -> memref<128xi32, #tpu.memory_space<vmem>>
        %dma_start3A_83 = arith.constant 0 : i32
        %dma_start3A_84 = tpu.memref_slice %arg7[%dma_start3A_83] : memref<10240xf32, #tpu.memory_space<vmem_shared>> -> memref<10240xf32, #tpu.memory_space<vmem_shared>>
        tpu.enqueue_indirect_dma source(%arg5 : memref<128xf32, #tpu.memory_space<vmem>>) target(%dma_start3A_84 : memref<10240xf32, #tpu.memory_space<vmem_shared>>) offsets(%dma_start3A_82 : memref<128xi32, #tpu.memory_space<vmem>>) semaphore(%run_scoped3A : memref<!tpu.dma_semaphore, #tpu.memory_space<semaphore_mem>>) {add = true}
        %dma_wait3A_85 = arith.constant 0 : i32
        %dma_wait3A_86 = tpu.memref_slice %arg4[%add3A_70, %dma_wait3A_85] : memref<80x128xi32, #tpu.memory_space<vmem>> -> memref<1x128xi32, #tpu.memory_space<vmem>>
        %dma_wait3A_87 = tpu.memref_squeeze %dma_wait3A_86 : memref<1x128xi32, #tpu.memory_space<vmem>> -> memref<128xi32, #tpu.memory_space<vmem>>
        %dma_wait3A_88 = arith.constant 0 : i32
        %dma_wait3A_89 = tpu.memref_slice %arg7[%dma_wait3A_88] : memref<10240xf32, #tpu.memory_space<vmem_shared>> -> memref<10240xf32, #tpu.memory_space<vmem_shared>>
        tpu.wait_indirect_dma semaphore(%run_scoped3A : memref<!tpu.dma_semaphore, #tpu.memory_space<semaphore_mem>>) src(%arg5 : memref<128xf32, #tpu.memory_space<vmem>>) dst(%dma_wait3A_89 : memref<10240xf32, #tpu.memory_space<vmem_shared>>)
        tpu.yield
      }) : () -> ()
      %mul3A_71 = arith.constant 8 : i32
      %mul3A_72 = arith.muli %scan3A_45, %mul3A_71 : i32
      %add3A_73 = arith.constant 6 : i32
      %add3A_74 = arith.addi %mul3A_72, %add3A_73 : i32
      "tpu.region"() ({
        %run_scoped3A = tpu.sem_alloc : memref<!tpu.dma_semaphore, #tpu.memory_space<semaphore_mem>>
        %dma_start3A_80 = arith.constant 0 : i32
        %dma_start3A_81 = tpu.memref_slice %arg4[%add3A_74, %dma_start3A_80] : memref<80x128xi32, #tpu.memory_space<vmem>> -> memref<1x128xi32, #tpu.memory_space<vmem>>
        %dma_start3A_82 = tpu.memref_squeeze %dma_start3A_81 : memref<1x128xi32, #tpu.memory_space<vmem>> -> memref<128xi32, #tpu.memory_space<vmem>>
        %dma_start3A_83 = arith.constant 0 : i32
        %dma_start3A_84 = tpu.memref_slice %arg7[%dma_start3A_83] : memref<10240xf32, #tpu.memory_space<vmem_shared>> -> memref<10240xf32, #tpu.memory_space<vmem_shared>>
        tpu.enqueue_indirect_dma source(%arg5 : memref<128xf32, #tpu.memory_space<vmem>>) target(%dma_start3A_84 : memref<10240xf32, #tpu.memory_space<vmem_shared>>) offsets(%dma_start3A_82 : memref<128xi32, #tpu.memory_space<vmem>>) semaphore(%run_scoped3A : memref<!tpu.dma_semaphore, #tpu.memory_space<semaphore_mem>>) {add = true}
        %dma_wait3A_85 = arith.constant 0 : i32
        %dma_wait3A_86 = tpu.memref_slice %arg4[%add3A_74, %dma_wait3A_85] : memref<80x128xi32, #tpu.memory_space<vmem>> -> memref<1x128xi32, #tpu.memory_space<vmem>>
        %dma_wait3A_87 = tpu.memref_squeeze %dma_wait3A_86 : memref<1x128xi32, #tpu.memory_space<vmem>> -> memref<128xi32, #tpu.memory_space<vmem>>
        %dma_wait3A_88 = arith.constant 0 : i32
        %dma_wait3A_89 = tpu.memref_slice %arg7[%dma_wait3A_88] : memref<10240xf32, #tpu.memory_space<vmem_shared>> -> memref<10240xf32, #tpu.memory_space<vmem_shared>>
        tpu.wait_indirect_dma semaphore(%run_scoped3A : memref<!tpu.dma_semaphore, #tpu.memory_space<semaphore_mem>>) src(%arg5 : memref<128xf32, #tpu.memory_space<vmem>>) dst(%dma_wait3A_89 : memref<10240xf32, #tpu.memory_space<vmem_shared>>)
        tpu.yield
      }) : () -> ()
      %mul3A_75 = arith.constant 8 : i32
      %mul3A_76 = arith.muli %scan3A_45, %mul3A_75 : i32
      %add3A_77 = arith.constant 7 : i32
      %add3A_78 = arith.addi %mul3A_76, %add3A_77 : i32
      "tpu.region"() ({
        %run_scoped3A = tpu.sem_alloc : memref<!tpu.dma_semaphore, #tpu.memory_space<semaphore_mem>>
        %dma_start3A_80 = arith.constant 0 : i32
        %dma_start3A_81 = tpu.memref_slice %arg4[%add3A_78, %dma_start3A_80] : memref<80x128xi32, #tpu.memory_space<vmem>> -> memref<1x128xi32, #tpu.memory_space<vmem>>
        %dma_start3A_82 = tpu.memref_squeeze %dma_start3A_81 : memref<1x128xi32, #tpu.memory_space<vmem>> -> memref<128xi32, #tpu.memory_space<vmem>>
        %dma_start3A_83 = arith.constant 0 : i32
        %dma_start3A_84 = tpu.memref_slice %arg7[%dma_start3A_83] : memref<10240xf32, #tpu.memory_space<vmem_shared>> -> memref<10240xf32, #tpu.memory_space<vmem_shared>>
        tpu.enqueue_indirect_dma source(%arg5 : memref<128xf32, #tpu.memory_space<vmem>>) target(%dma_start3A_84 : memref<10240xf32, #tpu.memory_space<vmem_shared>>) offsets(%dma_start3A_82 : memref<128xi32, #tpu.memory_space<vmem>>) semaphore(%run_scoped3A : memref<!tpu.dma_semaphore, #tpu.memory_space<semaphore_mem>>) {add = true}
        %dma_wait3A_85 = arith.constant 0 : i32
        %dma_wait3A_86 = tpu.memref_slice %arg4[%add3A_78, %dma_wait3A_85] : memref<80x128xi32, #tpu.memory_space<vmem>> -> memref<1x128xi32, #tpu.memory_space<vmem>>
        %dma_wait3A_87 = tpu.memref_squeeze %dma_wait3A_86 : memref<1x128xi32, #tpu.memory_space<vmem>> -> memref<128xi32, #tpu.memory_space<vmem>>
        %dma_wait3A_88 = arith.constant 0 : i32
        %dma_wait3A_89 = tpu.memref_slice %arg7[%dma_wait3A_88] : memref<10240xf32, #tpu.memory_space<vmem_shared>> -> memref<10240xf32, #tpu.memory_space<vmem_shared>>
        tpu.wait_indirect_dma semaphore(%run_scoped3A : memref<!tpu.dma_semaphore, #tpu.memory_space<semaphore_mem>>) src(%arg5 : memref<128xf32, #tpu.memory_space<vmem>>) dst(%dma_wait3A_89 : memref<10240xf32, #tpu.memory_space<vmem_shared>>)
        tpu.yield
      }) : () -> ()
      %scan3A_79 = arith.constant 0 : i32
      scf.yield %scan3A_79 : i32
    }
    %scan3A_36 = arith.constant 10 : i32
    %barrier3A_37 = arith.constant 0 : index
    tpu.barrier barrier_id(%barrier3A_37)
    %mul3A_38 = arith.constant 640 : i32
    %mul3A_39 = arith.muli %arg1, %mul3A_38 : i32
    %mul3A_40 = arith.constant 10240 : i32
    %mul3A_41 = arith.muli %arg0, %mul3A_40 : i32
    %mul3A_42 = arith.constant 640 : i32
    %mul3A_43 = arith.muli %arg1, %mul3A_42 : i32
    %add3A_44 = arith.addi %mul3A_41, %mul3A_43 : i32
    "tpu.region"() ({
      %run_scoped3A = tpu.sem_alloc : memref<!tpu.dma_semaphore, #tpu.memory_space<semaphore_mem>>
      %dma_start3A_45 = tpu.memref_slice %arg3[%add3A_44] : memref<20480xf32, #tpu.memory_space<hbm>> -> memref<640xf32, #tpu.memory_space<hbm>>
      %dma_start3A_46 = tpu.memref_slice %arg7[%mul3A_39] : memref<10240xf32, #tpu.memory_space<vmem_shared>> -> memref<640xf32, #tpu.memory_space<vmem_shared>>
      tpu.enqueue_dma source(%dma_start3A_46 : memref<640xf32, #tpu.memory_space<vmem_shared>>) target(%dma_start3A_45 : memref<640xf32, #tpu.memory_space<hbm>>) target_semaphore(%run_scoped3A : memref<!tpu.dma_semaphore, #tpu.memory_space<semaphore_mem>>)
      %dma_wait3A_47 = tpu.memref_slice %arg3[%add3A_44] : memref<20480xf32, #tpu.memory_space<hbm>> -> memref<640xf32, #tpu.memory_space<hbm>>
      %dma_wait3A_48 = tpu.memref_slice %arg7[%mul3A_39] : memref<10240xf32, #tpu.memory_space<vmem_shared>> -> memref<640xf32, #tpu.memory_space<vmem_shared>>
      tpu.wait_dma2 semaphore(%run_scoped3A : memref<!tpu.dma_semaphore, #tpu.memory_space<semaphore_mem>>) src(%dma_wait3A_48 : memref<640xf32, #tpu.memory_space<vmem_shared>>) dst(%dma_wait3A_47 : memref<640xf32, #tpu.memory_space<hbm>>)
      tpu.yield
    }) : () -> ()
    return
  }
}

#map = affine_map<(d0, d1) -> (0, 0)>
#map1 = affine_map<(d0, d1) -> (0, 0, 0)>
module attributes {stable_mosaic.version = 14 : i64} {
  func.func @_spmm_body(%arg0: i32, %arg1: i32, %arg2: memref<10240x64xf32, #tpu.memory_space<hbm>>, %arg3: memref<2x2560x128xi32, #tpu.memory_space<hbm>>, %arg4: memref<2x10240x64xf32, #tpu.memory_space<hbm>>, %arg5: memref<80x128xi32, #tpu.memory_space<vmem>>, %arg6: memref<80x128xi32, #tpu.memory_space<vmem>>, %arg7: memref<512x64xf32, #tpu.memory_space<vmem>>, %arg8: memref<10240x64xf32, #tpu.memory_space<vmem_shared>>, %arg9: memref<!tpu.dma_semaphore, #tpu.memory_space<semaphore_mem>>, %arg10: memref<!tpu.dma_semaphore, #tpu.memory_space<semaphore_mem>>, %arg11: memref<!tpu.dma_semaphore, #tpu.memory_space<semaphore_mem>>, %arg12: memref<!tpu.dma_semaphore, #tpu.memory_space<semaphore_mem>>) attributes {dimension_semantics = [#tpu.dimension_semantics<core_parallel>, #tpu.dimension_semantics<subcore_parallel>], iteration_bounds = array<i64: 2, 16>, scalar_prefetch = 0 : i64, scratch_operands = 8 : i64, tpu.core_type = #tpu.core_type<sc_vector_subcore>, window_params = [{transform_indices = #map}, {transform_indices = #map1}, {transform_indices = #map1}]} {
    %mul3A = arith.constant 16 : i32
    %mul3A_0 = arith.muli %arg0, %mul3A : i32
    %add3A = arith.addi %mul3A_0, %arg1 : i32
    %mul3A_1 = arith.constant 80 : i32
    %mul3A_2 = arith.muli %add3A, %mul3A_1 : i32
    %dma_start3A = arith.constant 0 : i32
    %dma_start3A_3 = arith.constant 0 : i32
    %dma_start3A_4 = tpu.memref_slice %arg3[%dma_start3A, %mul3A_2, %dma_start3A_3] : memref<2x2560x128xi32, #tpu.memory_space<hbm>> -> memref<1x80x128xi32, #tpu.memory_space<hbm>>
    %dma_start3A_5 = tpu.memref_squeeze %dma_start3A_4 : memref<1x80x128xi32, #tpu.memory_space<hbm>> -> memref<80x128xi32, #tpu.memory_space<hbm>>
    %dma_start3A_6 = arith.constant 0 : i32
    %dma_start3A_7 = tpu.memref_slice %arg3[%dma_start3A, %mul3A_2, %dma_start3A_6] : memref<2x2560x128xi32, #tpu.memory_space<hbm>> -> memref<1x80x128xi32, #tpu.memory_space<hbm>>
    %dma_start3A_8 = tpu.memref_squeeze %dma_start3A_7 : memref<1x80x128xi32, #tpu.memory_space<hbm>> -> memref<80x128xi32, #tpu.memory_space<hbm>>
    tpu.enqueue_dma source(%dma_start3A_8 : memref<80x128xi32, #tpu.memory_space<hbm>>) target(%arg5 : memref<80x128xi32, #tpu.memory_space<vmem>>) target_semaphore(%arg9 : memref<!tpu.dma_semaphore, #tpu.memory_space<semaphore_mem>>)
    %dma_start3A_9 = arith.constant 1 : i32
    %dma_start3A_10 = arith.constant 0 : i32
    %dma_start3A_11 = tpu.memref_slice %arg3[%dma_start3A_9, %mul3A_2, %dma_start3A_10] : memref<2x2560x128xi32, #tpu.memory_space<hbm>> -> memref<1x80x128xi32, #tpu.memory_space<hbm>>
    %dma_start3A_12 = tpu.memref_squeeze %dma_start3A_11 : memref<1x80x128xi32, #tpu.memory_space<hbm>> -> memref<80x128xi32, #tpu.memory_space<hbm>>
    %dma_start3A_13 = arith.constant 0 : i32
    %dma_start3A_14 = tpu.memref_slice %arg3[%dma_start3A_9, %mul3A_2, %dma_start3A_13] : memref<2x2560x128xi32, #tpu.memory_space<hbm>> -> memref<1x80x128xi32, #tpu.memory_space<hbm>>
    %dma_start3A_15 = tpu.memref_squeeze %dma_start3A_14 : memref<1x80x128xi32, #tpu.memory_space<hbm>> -> memref<80x128xi32, #tpu.memory_space<hbm>>
    tpu.enqueue_dma source(%dma_start3A_15 : memref<80x128xi32, #tpu.memory_space<hbm>>) target(%arg6 : memref<80x128xi32, #tpu.memory_space<vmem>>) target_semaphore(%arg10 : memref<!tpu.dma_semaphore, #tpu.memory_space<semaphore_mem>>)
    %scan3A = arith.constant 0 : i32
    %scan3A_16 = arith.constant 0 : i32
    %scan3A_17 = arith.constant 128 : i32
    %scan3A_18 = arith.addi %scan3A_16, %scan3A_17 : i32
    %scan3A_19 = arith.constant 1 : i32
    %scan3A_20 = scf.for %scan3A_107 = %scan3A_16 to %scan3A_18 step %scan3A_19 iter_args(%scan3A_108 = %scan3A) -> (i32)  : i32 {
      %broadcast_in_dim3A = arith.constant 0.000000e+00 : f32
      %broadcast_in_dim3A_109 = vector.broadcast %broadcast_in_dim3A : f32 to vector<16xf32>
      %swap3A = arith.index_cast %scan3A_107 : i32 to index
      %swap3A_110 = arith.constant 0 : index
      %swap3A_111 = tpu.vector_load %arg7[%swap3A, %swap3A_110] {strides = array<i32>} : memref<512x64xf32, #tpu.memory_space<vmem>>, vector<1x16xf32>,
      %swap3A_112 = vector.shape_cast %swap3A_111 : vector<1x16xf32> to vector<16xf32>
      %swap3A_113 = vector.shape_cast %broadcast_in_dim3A_109 : vector<16xf32> to vector<1x16xf32>
      tpu.vector_store %arg7[%swap3A, %swap3A_110], %swap3A_113 {strides = array<i32>} : memref<512x64xf32, #tpu.memory_space<vmem>>, vector<1x16xf32>,
      %broadcast_in_dim3A_114 = arith.constant 0.000000e+00 : f32
      %broadcast_in_dim3A_115 = vector.broadcast %broadcast_in_dim3A_114 : f32 to vector<16xf32>
      %swap3A_116 = arith.index_cast %scan3A_107 : i32 to index
      %swap3A_117 = arith.constant 16 : index
      %swap3A_118 = tpu.vector_load %arg7[%swap3A_116, %swap3A_117] {strides = array<i32>} : memref<512x64xf32, #tpu.memory_space<vmem>>, vector<1x16xf32>,
      %swap3A_119 = vector.shape_cast %swap3A_118 : vector<1x16xf32> to vector<16xf32>
      %swap3A_120 = vector.shape_cast %broadcast_in_dim3A_115 : vector<16xf32> to vector<1x16xf32>
      tpu.vector_store %arg7[%swap3A_116, %swap3A_117], %swap3A_120 {strides = array<i32>} : memref<512x64xf32, #tpu.memory_space<vmem>>, vector<1x16xf32>,
      %broadcast_in_dim3A_121 = arith.constant 0.000000e+00 : f32
      %broadcast_in_dim3A_122 = vector.broadcast %broadcast_in_dim3A_121 : f32 to vector<16xf32>
      %swap3A_123 = arith.index_cast %scan3A_107 : i32 to index
      %swap3A_124 = arith.constant 32 : index
      %swap3A_125 = tpu.vector_load %arg7[%swap3A_123, %swap3A_124] {strides = array<i32>} : memref<512x64xf32, #tpu.memory_space<vmem>>, vector<1x16xf32>,
      %swap3A_126 = vector.shape_cast %swap3A_125 : vector<1x16xf32> to vector<16xf32>
      %swap3A_127 = vector.shape_cast %broadcast_in_dim3A_122 : vector<16xf32> to vector<1x16xf32>
      tpu.vector_store %arg7[%swap3A_123, %swap3A_124], %swap3A_127 {strides = array<i32>} : memref<512x64xf32, #tpu.memory_space<vmem>>, vector<1x16xf32>,
      %broadcast_in_dim3A_128 = arith.constant 0.000000e+00 : f32
      %broadcast_in_dim3A_129 = vector.broadcast %broadcast_in_dim3A_128 : f32 to vector<16xf32>
      %swap3A_130 = arith.index_cast %scan3A_107 : i32 to index
      %swap3A_131 = arith.constant 48 : index
      %swap3A_132 = tpu.vector_load %arg7[%swap3A_130, %swap3A_131] {strides = array<i32>} : memref<512x64xf32, #tpu.memory_space<vmem>>, vector<1x16xf32>,
      %swap3A_133 = vector.shape_cast %swap3A_132 : vector<1x16xf32> to vector<16xf32>
      %swap3A_134 = vector.shape_cast %broadcast_in_dim3A_129 : vector<16xf32> to vector<1x16xf32>
      tpu.vector_store %arg7[%swap3A_130, %swap3A_131], %swap3A_134 {strides = array<i32>} : memref<512x64xf32, #tpu.memory_space<vmem>>, vector<1x16xf32>,
      %scan3A_135 = arith.constant 0 : i32
      scf.yield %scan3A_135 : i32
    }
    %scan3A_21 = arith.constant 128 : i32
    %mul3A_22 = arith.constant 640 : i32
    %mul3A_23 = arith.muli %arg1, %mul3A_22 : i32
    %add3A_24 = arith.constant 0 : i32
    %add3A_25 = arith.addi %mul3A_23, %add3A_24 : i32
    "tpu.region"() ({
      %run_scoped3A = tpu.sem_alloc : memref<!tpu.dma_semaphore, #tpu.memory_space<semaphore_mem>>
      %dma_start3A_107 = arith.constant 0 : i32
      %dma_start3A_108 = arith.constant 0 : i32
      %dma_start3A_109 = tpu.memref_slice %arg7[%dma_start3A_107, %dma_start3A_108] : memref<512x64xf32, #tpu.memory_space<vmem>> -> memref<128x64xf32, #tpu.memory_space<vmem>>
      %dma_start3A_110 = arith.constant 0 : i32
      %dma_start3A_111 = tpu.memref_slice %arg8[%add3A_25, %dma_start3A_110] : memref<10240x64xf32, #tpu.memory_space<vmem_shared>> -> memref<128x64xf32, #tpu.memory_space<vmem_shared>>
      %dma_start3A_112 = arith.constant 0 : i32
      %dma_start3A_113 = tpu.memref_slice %arg8[%add3A_25, %dma_start3A_112] : memref<10240x64xf32, #tpu.memory_space<vmem_shared>> -> memref<128x64xf32, #tpu.memory_space<vmem_shared>>
      %dma_start3A_114 = arith.constant 0 : i32
      %dma_start3A_115 = arith.constant 0 : i32
      %dma_start3A_116 = tpu.memref_slice %arg7[%dma_start3A_114, %dma_start3A_115] : memref<512x64xf32, #tpu.memory_space<vmem>> -> memref<128x64xf32, #tpu.memory_space<vmem>>
      tpu.enqueue_dma source(%dma_start3A_116 : memref<128x64xf32, #tpu.memory_space<vmem>>) target(%dma_start3A_113 : memref<128x64xf32, #tpu.memory_space<vmem_shared>>) target_semaphore(%run_scoped3A : memref<!tpu.dma_semaphore, #tpu.memory_space<semaphore_mem>>)
      %dma_wait3A_117 = arith.constant 0 : i32
      %dma_wait3A_118 = arith.constant 0 : i32
      %dma_wait3A_119 = tpu.memref_slice %arg7[%dma_wait3A_117, %dma_wait3A_118] : memref<512x64xf32, #tpu.memory_space<vmem>> -> memref<128x64xf32, #tpu.memory_space<vmem>>
      %dma_wait3A_120 = arith.constant 0 : i32
      %dma_wait3A_121 = tpu.memref_slice %arg8[%add3A_25, %dma_wait3A_120] : memref<10240x64xf32, #tpu.memory_space<vmem_shared>> -> memref<128x64xf32, #tpu.memory_space<vmem_shared>>
      %dma_wait3A_122 = arith.constant 0 : i32
      %dma_wait3A_123 = tpu.memref_slice %arg8[%add3A_25, %dma_wait3A_122] : memref<10240x64xf32, #tpu.memory_space<vmem_shared>> -> memref<128x64xf32, #tpu.memory_space<vmem_shared>>
      %dma_wait3A_124 = arith.constant 0 : i32
      %dma_wait3A_125 = arith.constant 0 : i32
      %dma_wait3A_126 = tpu.memref_slice %arg7[%dma_wait3A_124, %dma_wait3A_125] : memref<512x64xf32, #tpu.memory_space<vmem>> -> memref<128x64xf32, #tpu.memory_space<vmem>>
      tpu.wait_dma2 semaphore(%run_scoped3A : memref<!tpu.dma_semaphore, #tpu.memory_space<semaphore_mem>>) src(%dma_wait3A_126 : memref<128x64xf32, #tpu.memory_space<vmem>>) dst(%dma_wait3A_123 : memref<128x64xf32, #tpu.memory_space<vmem_shared>>)
      tpu.yield
    }) : () -> ()
    %mul3A_26 = arith.constant 640 : i32
    %mul3A_27 = arith.muli %arg1, %mul3A_26 : i32
    %add3A_28 = arith.constant 128 : i32
    %add3A_29 = arith.addi %mul3A_27, %add3A_28 : i32
    "tpu.region"() ({
      %run_scoped3A = tpu.sem_alloc : memref<!tpu.dma_semaphore, #tpu.memory_space<semaphore_mem>>
      %dma_start3A_107 = arith.constant 0 : i32
      %dma_start3A_108 = arith.constant 0 : i32
      %dma_start3A_109 = tpu.memref_slice %arg7[%dma_start3A_107, %dma_start3A_108] : memref<512x64xf32, #tpu.memory_space<vmem>> -> memref<128x64xf32, #tpu.memory_space<vmem>>
      %dma_start3A_110 = arith.constant 0 : i32
      %dma_start3A_111 = tpu.memref_slice %arg8[%add3A_29, %dma_start3A_110] : memref<10240x64xf32, #tpu.memory_space<vmem_shared>> -> memref<128x64xf32, #tpu.memory_space<vmem_shared>>
      %dma_start3A_112 = arith.constant 0 : i32
      %dma_start3A_113 = tpu.memref_slice %arg8[%add3A_29, %dma_start3A_112] : memref<10240x64xf32, #tpu.memory_space<vmem_shared>> -> memref<128x64xf32, #tpu.memory_space<vmem_shared>>
      %dma_start3A_114 = arith.constant 0 : i32
      %dma_start3A_115 = arith.constant 0 : i32
      %dma_start3A_116 = tpu.memref_slice %arg7[%dma_start3A_114, %dma_start3A_115] : memref<512x64xf32, #tpu.memory_space<vmem>> -> memref<128x64xf32, #tpu.memory_space<vmem>>
      tpu.enqueue_dma source(%dma_start3A_116 : memref<128x64xf32, #tpu.memory_space<vmem>>) target(%dma_start3A_113 : memref<128x64xf32, #tpu.memory_space<vmem_shared>>) target_semaphore(%run_scoped3A : memref<!tpu.dma_semaphore, #tpu.memory_space<semaphore_mem>>)
      %dma_wait3A_117 = arith.constant 0 : i32
      %dma_wait3A_118 = arith.constant 0 : i32
      %dma_wait3A_119 = tpu.memref_slice %arg7[%dma_wait3A_117, %dma_wait3A_118] : memref<512x64xf32, #tpu.memory_space<vmem>> -> memref<128x64xf32, #tpu.memory_space<vmem>>
      %dma_wait3A_120 = arith.constant 0 : i32
      %dma_wait3A_121 = tpu.memref_slice %arg8[%add3A_29, %dma_wait3A_120] : memref<10240x64xf32, #tpu.memory_space<vmem_shared>> -> memref<128x64xf32, #tpu.memory_space<vmem_shared>>
      %dma_wait3A_122 = arith.constant 0 : i32
      %dma_wait3A_123 = tpu.memref_slice %arg8[%add3A_29, %dma_wait3A_122] : memref<10240x64xf32, #tpu.memory_space<vmem_shared>> -> memref<128x64xf32, #tpu.memory_space<vmem_shared>>
      %dma_wait3A_124 = arith.constant 0 : i32
      %dma_wait3A_125 = arith.constant 0 : i32
      %dma_wait3A_126 = tpu.memref_slice %arg7[%dma_wait3A_124, %dma_wait3A_125] : memref<512x64xf32, #tpu.memory_space<vmem>> -> memref<128x64xf32, #tpu.memory_space<vmem>>
      tpu.wait_dma2 semaphore(%run_scoped3A : memref<!tpu.dma_semaphore, #tpu.memory_space<semaphore_mem>>) src(%dma_wait3A_126 : memref<128x64xf32, #tpu.memory_space<vmem>>) dst(%dma_wait3A_123 : memref<128x64xf32, #tpu.memory_space<vmem_shared>>)
      tpu.yield
    }) : () -> ()
    %mul3A_30 = arith.constant 640 : i32
    %mul3A_31 = arith.muli %arg1, %mul3A_30 : i32
    %add3A_32 = arith.constant 256 : i32
    %add3A_33 = arith.addi %mul3A_31, %add3A_32 : i32
    "tpu.region"() ({
      %run_scoped3A = tpu.sem_alloc : memref<!tpu.dma_semaphore, #tpu.memory_space<semaphore_mem>>
      %dma_start3A_107 = arith.constant 0 : i32
      %dma_start3A_108 = arith.constant 0 : i32
      %dma_start3A_109 = tpu.memref_slice %arg7[%dma_start3A_107, %dma_start3A_108] : memref<512x64xf32, #tpu.memory_space<vmem>> -> memref<128x64xf32, #tpu.memory_space<vmem>>
      %dma_start3A_110 = arith.constant 0 : i32
      %dma_start3A_111 = tpu.memref_slice %arg8[%add3A_33, %dma_start3A_110] : memref<10240x64xf32, #tpu.memory_space<vmem_shared>> -> memref<128x64xf32, #tpu.memory_space<vmem_shared>>
      %dma_start3A_112 = arith.constant 0 : i32
      %dma_start3A_113 = tpu.memref_slice %arg8[%add3A_33, %dma_start3A_112] : memref<10240x64xf32, #tpu.memory_space<vmem_shared>> -> memref<128x64xf32, #tpu.memory_space<vmem_shared>>
      %dma_start3A_114 = arith.constant 0 : i32
      %dma_start3A_115 = arith.constant 0 : i32
      %dma_start3A_116 = tpu.memref_slice %arg7[%dma_start3A_114, %dma_start3A_115] : memref<512x64xf32, #tpu.memory_space<vmem>> -> memref<128x64xf32, #tpu.memory_space<vmem>>
      tpu.enqueue_dma source(%dma_start3A_116 : memref<128x64xf32, #tpu.memory_space<vmem>>) target(%dma_start3A_113 : memref<128x64xf32, #tpu.memory_space<vmem_shared>>) target_semaphore(%run_scoped3A : memref<!tpu.dma_semaphore, #tpu.memory_space<semaphore_mem>>)
      %dma_wait3A_117 = arith.constant 0 : i32
      %dma_wait3A_118 = arith.constant 0 : i32
      %dma_wait3A_119 = tpu.memref_slice %arg7[%dma_wait3A_117, %dma_wait3A_118] : memref<512x64xf32, #tpu.memory_space<vmem>> -> memref<128x64xf32, #tpu.memory_space<vmem>>
      %dma_wait3A_120 = arith.constant 0 : i32
      %dma_wait3A_121 = tpu.memref_slice %arg8[%add3A_33, %dma_wait3A_120] : memref<10240x64xf32, #tpu.memory_space<vmem_shared>> -> memref<128x64xf32, #tpu.memory_space<vmem_shared>>
      %dma_wait3A_122 = arith.constant 0 : i32
      %dma_wait3A_123 = tpu.memref_slice %arg8[%add3A_33, %dma_wait3A_122] : memref<10240x64xf32, #tpu.memory_space<vmem_shared>> -> memref<128x64xf32, #tpu.memory_space<vmem_shared>>
      %dma_wait3A_124 = arith.constant 0 : i32
      %dma_wait3A_125 = arith.constant 0 : i32
      %dma_wait3A_126 = tpu.memref_slice %arg7[%dma_wait3A_124, %dma_wait3A_125] : memref<512x64xf32, #tpu.memory_space<vmem>> -> memref<128x64xf32, #tpu.memory_space<vmem>>
      tpu.wait_dma2 semaphore(%run_scoped3A : memref<!tpu.dma_semaphore, #tpu.memory_space<semaphore_mem>>) src(%dma_wait3A_126 : memref<128x64xf32, #tpu.memory_space<vmem>>) dst(%dma_wait3A_123 : memref<128x64xf32, #tpu.memory_space<vmem_shared>>)
      tpu.yield
    }) : () -> ()
    %mul3A_34 = arith.constant 640 : i32
    %mul3A_35 = arith.muli %arg1, %mul3A_34 : i32
    %add3A_36 = arith.constant 384 : i32
    %add3A_37 = arith.addi %mul3A_35, %add3A_36 : i32
    "tpu.region"() ({
      %run_scoped3A = tpu.sem_alloc : memref<!tpu.dma_semaphore, #tpu.memory_space<semaphore_mem>>
      %dma_start3A_107 = arith.constant 0 : i32
      %dma_start3A_108 = arith.constant 0 : i32
      %dma_start3A_109 = tpu.memref_slice %arg7[%dma_start3A_107, %dma_start3A_108] : memref<512x64xf32, #tpu.memory_space<vmem>> -> memref<128x64xf32, #tpu.memory_space<vmem>>
      %dma_start3A_110 = arith.constant 0 : i32
      %dma_start3A_111 = tpu.memref_slice %arg8[%add3A_37, %dma_start3A_110] : memref<10240x64xf32, #tpu.memory_space<vmem_shared>> -> memref<128x64xf32, #tpu.memory_space<vmem_shared>>
      %dma_start3A_112 = arith.constant 0 : i32
      %dma_start3A_113 = tpu.memref_slice %arg8[%add3A_37, %dma_start3A_112] : memref<10240x64xf32, #tpu.memory_space<vmem_shared>> -> memref<128x64xf32, #tpu.memory_space<vmem_shared>>
      %dma_start3A_114 = arith.constant 0 : i32
      %dma_start3A_115 = arith.constant 0 : i32
      %dma_start3A_116 = tpu.memref_slice %arg7[%dma_start3A_114, %dma_start3A_115] : memref<512x64xf32, #tpu.memory_space<vmem>> -> memref<128x64xf32, #tpu.memory_space<vmem>>
      tpu.enqueue_dma source(%dma_start3A_116 : memref<128x64xf32, #tpu.memory_space<vmem>>) target(%dma_start3A_113 : memref<128x64xf32, #tpu.memory_space<vmem_shared>>) target_semaphore(%run_scoped3A : memref<!tpu.dma_semaphore, #tpu.memory_space<semaphore_mem>>)
      %dma_wait3A_117 = arith.constant 0 : i32
      %dma_wait3A_118 = arith.constant 0 : i32
      %dma_wait3A_119 = tpu.memref_slice %arg7[%dma_wait3A_117, %dma_wait3A_118] : memref<512x64xf32, #tpu.memory_space<vmem>> -> memref<128x64xf32, #tpu.memory_space<vmem>>
      %dma_wait3A_120 = arith.constant 0 : i32
      %dma_wait3A_121 = tpu.memref_slice %arg8[%add3A_37, %dma_wait3A_120] : memref<10240x64xf32, #tpu.memory_space<vmem_shared>> -> memref<128x64xf32, #tpu.memory_space<vmem_shared>>
      %dma_wait3A_122 = arith.constant 0 : i32
      %dma_wait3A_123 = tpu.memref_slice %arg8[%add3A_37, %dma_wait3A_122] : memref<10240x64xf32, #tpu.memory_space<vmem_shared>> -> memref<128x64xf32, #tpu.memory_space<vmem_shared>>
      %dma_wait3A_124 = arith.constant 0 : i32
      %dma_wait3A_125 = arith.constant 0 : i32
      %dma_wait3A_126 = tpu.memref_slice %arg7[%dma_wait3A_124, %dma_wait3A_125] : memref<512x64xf32, #tpu.memory_space<vmem>> -> memref<128x64xf32, #tpu.memory_space<vmem>>
      tpu.wait_dma2 semaphore(%run_scoped3A : memref<!tpu.dma_semaphore, #tpu.memory_space<semaphore_mem>>) src(%dma_wait3A_126 : memref<128x64xf32, #tpu.memory_space<vmem>>) dst(%dma_wait3A_123 : memref<128x64xf32, #tpu.memory_space<vmem_shared>>)
      tpu.yield
    }) : () -> ()
    %mul3A_38 = arith.constant 640 : i32
    %mul3A_39 = arith.muli %arg1, %mul3A_38 : i32
    %add3A_40 = arith.constant 512 : i32
    %add3A_41 = arith.addi %mul3A_39, %add3A_40 : i32
    "tpu.region"() ({
      %run_scoped3A = tpu.sem_alloc : memref<!tpu.dma_semaphore, #tpu.memory_space<semaphore_mem>>
      %dma_start3A_107 = arith.constant 0 : i32
      %dma_start3A_108 = arith.constant 0 : i32
      %dma_start3A_109 = tpu.memref_slice %arg7[%dma_start3A_107, %dma_start3A_108] : memref<512x64xf32, #tpu.memory_space<vmem>> -> memref<128x64xf32, #tpu.memory_space<vmem>>
      %dma_start3A_110 = arith.constant 0 : i32
      %dma_start3A_111 = tpu.memref_slice %arg8[%add3A_41, %dma_start3A_110] : memref<10240x64xf32, #tpu.memory_space<vmem_shared>> -> memref<128x64xf32, #tpu.memory_space<vmem_shared>>
      %dma_start3A_112 = arith.constant 0 : i32
      %dma_start3A_113 = tpu.memref_slice %arg8[%add3A_41, %dma_start3A_112] : memref<10240x64xf32, #tpu.memory_space<vmem_shared>> -> memref<128x64xf32, #tpu.memory_space<vmem_shared>>
      %dma_start3A_114 = arith.constant 0 : i32
      %dma_start3A_115 = arith.constant 0 : i32
      %dma_start3A_116 = tpu.memref_slice %arg7[%dma_start3A_114, %dma_start3A_115] : memref<512x64xf32, #tpu.memory_space<vmem>> -> memref<128x64xf32, #tpu.memory_space<vmem>>
      tpu.enqueue_dma source(%dma_start3A_116 : memref<128x64xf32, #tpu.memory_space<vmem>>) target(%dma_start3A_113 : memref<128x64xf32, #tpu.memory_space<vmem_shared>>) target_semaphore(%run_scoped3A : memref<!tpu.dma_semaphore, #tpu.memory_space<semaphore_mem>>)
      %dma_wait3A_117 = arith.constant 0 : i32
      %dma_wait3A_118 = arith.constant 0 : i32
      %dma_wait3A_119 = tpu.memref_slice %arg7[%dma_wait3A_117, %dma_wait3A_118] : memref<512x64xf32, #tpu.memory_space<vmem>> -> memref<128x64xf32, #tpu.memory_space<vmem>>
      %dma_wait3A_120 = arith.constant 0 : i32
      %dma_wait3A_121 = tpu.memref_slice %arg8[%add3A_41, %dma_wait3A_120] : memref<10240x64xf32, #tpu.memory_space<vmem_shared>> -> memref<128x64xf32, #tpu.memory_space<vmem_shared>>
      %dma_wait3A_122 = arith.constant 0 : i32
      %dma_wait3A_123 = tpu.memref_slice %arg8[%add3A_41, %dma_wait3A_122] : memref<10240x64xf32, #tpu.memory_space<vmem_shared>> -> memref<128x64xf32, #tpu.memory_space<vmem_shared>>
      %dma_wait3A_124 = arith.constant 0 : i32
      %dma_wait3A_125 = arith.constant 0 : i32
      %dma_wait3A_126 = tpu.memref_slice %arg7[%dma_wait3A_124, %dma_wait3A_125] : memref<512x64xf32, #tpu.memory_space<vmem>> -> memref<128x64xf32, #tpu.memory_space<vmem>>
      tpu.wait_dma2 semaphore(%run_scoped3A : memref<!tpu.dma_semaphore, #tpu.memory_space<semaphore_mem>>) src(%dma_wait3A_126 : memref<128x64xf32, #tpu.memory_space<vmem>>) dst(%dma_wait3A_123 : memref<128x64xf32, #tpu.memory_space<vmem_shared>>)
      tpu.yield
    }) : () -> ()
    %dma_wait3A = arith.constant 0 : i32
    %dma_wait3A_42 = arith.constant 0 : i32
    %dma_wait3A_43 = tpu.memref_slice %arg3[%dma_wait3A, %mul3A_2, %dma_wait3A_42] : memref<2x2560x128xi32, #tpu.memory_space<hbm>> -> memref<1x80x128xi32, #tpu.memory_space<hbm>>
    %dma_wait3A_44 = tpu.memref_squeeze %dma_wait3A_43 : memref<1x80x128xi32, #tpu.memory_space<hbm>> -> memref<80x128xi32, #tpu.memory_space<hbm>>
    %dma_wait3A_45 = arith.constant 0 : i32
    %dma_wait3A_46 = tpu.memref_slice %arg3[%dma_wait3A, %mul3A_2, %dma_wait3A_45] : memref<2x2560x128xi32, #tpu.memory_space<hbm>> -> memref<1x80x128xi32, #tpu.memory_space<hbm>>
    %dma_wait3A_47 = tpu.memref_squeeze %dma_wait3A_46 : memref<1x80x128xi32, #tpu.memory_space<hbm>> -> memref<80x128xi32, #tpu.memory_space<hbm>>
    tpu.wait_dma2 semaphore(%arg9 : memref<!tpu.dma_semaphore, #tpu.memory_space<semaphore_mem>>) src(%dma_wait3A_47 : memref<80x128xi32, #tpu.memory_space<hbm>>) dst(%arg5 : memref<80x128xi32, #tpu.memory_space<vmem>>)
    %dma_wait3A_48 = arith.constant 1 : i32
    %dma_wait3A_49 = arith.constant 0 : i32
    %dma_wait3A_50 = tpu.memref_slice %arg3[%dma_wait3A_48, %mul3A_2, %dma_wait3A_49] : memref<2x2560x128xi32, #tpu.memory_space<hbm>> -> memref<1x80x128xi32, #tpu.memory_space<hbm>>
    %dma_wait3A_51 = tpu.memref_squeeze %dma_wait3A_50 : memref<1x80x128xi32, #tpu.memory_space<hbm>> -> memref<80x128xi32, #tpu.memory_space<hbm>>
    %dma_wait3A_52 = arith.constant 0 : i32
    %dma_wait3A_53 = tpu.memref_slice %arg3[%dma_wait3A_48, %mul3A_2, %dma_wait3A_52] : memref<2x2560x128xi32, #tpu.memory_space<hbm>> -> memref<1x80x128xi32, #tpu.memory_space<hbm>>
    %dma_wait3A_54 = tpu.memref_squeeze %dma_wait3A_53 : memref<1x80x128xi32, #tpu.memory_space<hbm>> -> memref<80x128xi32, #tpu.memory_space<hbm>>
    tpu.wait_dma2 semaphore(%arg10 : memref<!tpu.dma_semaphore, #tpu.memory_space<semaphore_mem>>) src(%dma_wait3A_54 : memref<80x128xi32, #tpu.memory_space<hbm>>) dst(%arg6 : memref<80x128xi32, #tpu.memory_space<vmem>>)
    %barrier3A = arith.constant 0 : index
    tpu.barrier barrier_id(%barrier3A)
    %dma_start3A_55 = arith.constant 0 : i32
    %dma_start3A_56 = arith.constant 0 : i32
    %dma_start3A_57 = arith.constant 0 : i32
    %dma_start3A_58 = tpu.memref_slice %arg7[%dma_start3A_56, %dma_start3A_57] : memref<512x64xf32, #tpu.memory_space<vmem>> -> memref<128x64xf32, #tpu.memory_space<vmem>>
    %dma_start3A_59 = arith.constant 0 : i32
    %dma_start3A_60 = tpu.memref_slice %arg5[%dma_start3A_55, %dma_start3A_59] : memref<80x128xi32, #tpu.memory_space<vmem>> -> memref<1x128xi32, #tpu.memory_space<vmem>>
    %dma_start3A_61 = tpu.memref_squeeze %dma_start3A_60 : memref<1x128xi32, #tpu.memory_space<vmem>> -> memref<128xi32, #tpu.memory_space<vmem>>
    %dma_start3A_62 = arith.constant 0 : i32
    %dma_start3A_63 = arith.constant 0 : i32
    %dma_start3A_64 = tpu.memref_slice %arg2[%dma_start3A_62, %dma_start3A_63] : memref<10240x64xf32, #tpu.memory_space<hbm>> -> memref<10240x64xf32, #tpu.memory_space<hbm>>
    tpu.enqueue_indirect_dma source(%dma_start3A_64 : memref<10240x64xf32, #tpu.memory_space<hbm>>) target(%dma_start3A_58 : memref<128x64xf32, #tpu.memory_space<vmem>>) offsets(%dma_start3A_61 : memref<128xi32, #tpu.memory_space<vmem>>) semaphore(%arg9 : memref<!tpu.dma_semaphore, #tpu.memory_space<semaphore_mem>>)
    %dma_start3A_65 = arith.constant 1 : i32
    %dma_start3A_66 = arith.constant 128 : i32
    %dma_start3A_67 = arith.constant 0 : i32
    %dma_start3A_68 = tpu.memref_slice %arg7[%dma_start3A_66, %dma_start3A_67] : memref<512x64xf32, #tpu.memory_space<vmem>> -> memref<128x64xf32, #tpu.memory_space<vmem>>
    %dma_start3A_69 = arith.constant 0 : i32
    %dma_start3A_70 = tpu.memref_slice %arg5[%dma_start3A_65, %dma_start3A_69] : memref<80x128xi32, #tpu.memory_space<vmem>> -> memref<1x128xi32, #tpu.memory_space<vmem>>
    %dma_start3A_71 = tpu.memref_squeeze %dma_start3A_70 : memref<1x128xi32, #tpu.memory_space<vmem>> -> memref<128xi32, #tpu.memory_space<vmem>>
    %dma_start3A_72 = arith.constant 0 : i32
    %dma_start3A_73 = arith.constant 0 : i32
    %dma_start3A_74 = tpu.memref_slice %arg2[%dma_start3A_72, %dma_start3A_73] : memref<10240x64xf32, #tpu.memory_space<hbm>> -> memref<10240x64xf32, #tpu.memory_space<hbm>>
    tpu.enqueue_indirect_dma source(%dma_start3A_74 : memref<10240x64xf32, #tpu.memory_space<hbm>>) target(%dma_start3A_68 : memref<128x64xf32, #tpu.memory_space<vmem>>) offsets(%dma_start3A_71 : memref<128xi32, #tpu.memory_space<vmem>>) semaphore(%arg10 : memref<!tpu.dma_semaphore, #tpu.memory_space<semaphore_mem>>)
    %dma_start3A_75 = arith.constant 2 : i32
    %dma_start3A_76 = arith.constant 256 : i32
    %dma_start3A_77 = arith.constant 0 : i32
    %dma_start3A_78 = tpu.memref_slice %arg7[%dma_start3A_76, %dma_start3A_77] : memref<512x64xf32, #tpu.memory_space<vmem>> -> memref<128x64xf32, #tpu.memory_space<vmem>>
    %dma_start3A_79 = arith.constant 0 : i32
    %dma_start3A_80 = tpu.memref_slice %arg5[%dma_start3A_75, %dma_start3A_79] : memref<80x128xi32, #tpu.memory_space<vmem>> -> memref<1x128xi32, #tpu.memory_space<vmem>>
    %dma_start3A_81 = tpu.memref_squeeze %dma_start3A_80 : memref<1x128xi32, #tpu.memory_space<vmem>> -> memref<128xi32, #tpu.memory_space<vmem>>
    %dma_start3A_82 = arith.constant 0 : i32
    %dma_start3A_83 = arith.constant 0 : i32
    %dma_start3A_84 = tpu.memref_slice %arg2[%dma_start3A_82, %dma_start3A_83] : memref<10240x64xf32, #tpu.memory_space<hbm>> -> memref<10240x64xf32, #tpu.memory_space<hbm>>
    tpu.enqueue_indirect_dma source(%dma_start3A_84 : memref<10240x64xf32, #tpu.memory_space<hbm>>) target(%dma_start3A_78 : memref<128x64xf32, #tpu.memory_space<vmem>>) offsets(%dma_start3A_81 : memref<128xi32, #tpu.memory_space<vmem>>) semaphore(%arg11 : memref<!tpu.dma_semaphore, #tpu.memory_space<semaphore_mem>>)
    %dma_start3A_85 = arith.constant 3 : i32
    %dma_start3A_86 = arith.constant 384 : i32
    %dma_start3A_87 = arith.constant 0 : i32
    %dma_start3A_88 = tpu.memref_slice %arg7[%dma_start3A_86, %dma_start3A_87] : memref<512x64xf32, #tpu.memory_space<vmem>> -> memref<128x64xf32, #tpu.memory_space<vmem>>
    %dma_start3A_89 = arith.constant 0 : i32
    %dma_start3A_90 = tpu.memref_slice %arg5[%dma_start3A_85, %dma_start3A_89] : memref<80x128xi32, #tpu.memory_space<vmem>> -> memref<1x128xi32, #tpu.memory_space<vmem>>
    %dma_start3A_91 = tpu.memref_squeeze %dma_start3A_90 : memref<1x128xi32, #tpu.memory_space<vmem>> -> memref<128xi32, #tpu.memory_space<vmem>>
    %dma_start3A_92 = arith.constant 0 : i32
    %dma_start3A_93 = arith.constant 0 : i32
    %dma_start3A_94 = tpu.memref_slice %arg2[%dma_start3A_92, %dma_start3A_93] : memref<10240x64xf32, #tpu.memory_space<hbm>> -> memref<10240x64xf32, #tpu.memory_space<hbm>>
    tpu.enqueue_indirect_dma source(%dma_start3A_94 : memref<10240x64xf32, #tpu.memory_space<hbm>>) target(%dma_start3A_88 : memref<128x64xf32, #tpu.memory_space<vmem>>) offsets(%dma_start3A_91 : memref<128xi32, #tpu.memory_space<vmem>>) semaphore(%arg12 : memref<!tpu.dma_semaphore, #tpu.memory_space<semaphore_mem>>)
    %scan3A_95 = arith.constant 0 : i32
    %scan3A_96 = arith.constant 0 : i32
    %scan3A_97 = arith.constant 20 : i32
    %scan3A_98 = arith.addi %scan3A_96, %scan3A_97 : i32
    %scan3A_99 = arith.constant 1 : i32
    %scan3A_100 = scf.for %scan3A_107 = %scan3A_96 to %scan3A_98 step %scan3A_99 iter_args(%scan3A_108 = %scan3A_95) -> (i32)  : i32 {
      %mul3A_109 = arith.constant 4 : i32
      %mul3A_110 = arith.muli %scan3A_107, %mul3A_109 : i32
      %add3A_111 = arith.constant 0 : i32
      %add3A_112 = arith.addi %mul3A_110, %add3A_111 : i32
      %dma_wait3A_113 = arith.constant 0 : i32
      %dma_wait3A_114 = arith.constant 0 : i32
      %dma_wait3A_115 = arith.constant 0 : i32
      %dma_wait3A_116 = tpu.memref_slice %arg7[%dma_wait3A_114, %dma_wait3A_115] : memref<512x64xf32, #tpu.memory_space<vmem>> -> memref<128x64xf32, #tpu.memory_space<vmem>>
      %dma_wait3A_117 = arith.constant 0 : i32
      %dma_wait3A_118 = tpu.memref_slice %arg5[%dma_wait3A_113, %dma_wait3A_117] : memref<80x128xi32, #tpu.memory_space<vmem>> -> memref<1x128xi32, #tpu.memory_space<vmem>>
      %dma_wait3A_119 = tpu.memref_squeeze %dma_wait3A_118 : memref<1x128xi32, #tpu.memory_space<vmem>> -> memref<128xi32, #tpu.memory_space<vmem>>
      %dma_wait3A_120 = arith.constant 0 : i32
      %dma_wait3A_121 = arith.constant 0 : i32
      %dma_wait3A_122 = tpu.memref_slice %arg2[%dma_wait3A_120, %dma_wait3A_121] : memref<10240x64xf32, #tpu.memory_space<hbm>> -> memref<10240x64xf32, #tpu.memory_space<hbm>>
      tpu.wait_indirect_dma semaphore(%arg9 : memref<!tpu.dma_semaphore, #tpu.memory_space<semaphore_mem>>) src(%dma_wait3A_122 : memref<10240x64xf32, #tpu.memory_space<hbm>>) dst(%dma_wait3A_116 : memref<128x64xf32, #tpu.memory_space<vmem>>)
      "tpu.region"() ({
        %run_scoped3A = tpu.sem_alloc : memref<!tpu.dma_semaphore, #tpu.memory_space<semaphore_mem>>
        %dma_start3A_183 = arith.constant 0 : i32
        %dma_start3A_184 = arith.constant 0 : i32
        %dma_start3A_185 = tpu.memref_slice %arg7[%dma_start3A_183, %dma_start3A_184] : memref<512x64xf32, #tpu.memory_space<vmem>> -> memref<128x64xf32, #tpu.memory_space<vmem>>
        %dma_start3A_186 = arith.constant 0 : i32
        %dma_start3A_187 = tpu.memref_slice %arg6[%add3A_112, %dma_start3A_186] : memref<80x128xi32, #tpu.memory_space<vmem>> -> memref<1x128xi32, #tpu.memory_space<vmem>>
        %dma_start3A_188 = tpu.memref_squeeze %dma_start3A_187 : memref<1x128xi32, #tpu.memory_space<vmem>> -> memref<128xi32, #tpu.memory_space<vmem>>
        %dma_start3A_189 = arith.constant 0 : i32
        %dma_start3A_190 = arith.constant 0 : i32
        %dma_start3A_191 = tpu.memref_slice %arg8[%dma_start3A_189, %dma_start3A_190] : memref<10240x64xf32, #tpu.memory_space<vmem_shared>> -> memref<10240x64xf32, #tpu.memory_space<vmem_shared>>
        tpu.enqueue_indirect_dma source(%dma_start3A_185 : memref<128x64xf32, #tpu.memory_space<vmem>>) target(%dma_start3A_191 : memref<10240x64xf32, #tpu.memory_space<vmem_shared>>) offsets(%dma_start3A_188 : memref<128xi32, #tpu.memory_space<vmem>>) semaphore(%run_scoped3A : memref<!tpu.dma_semaphore, #tpu.memory_space<semaphore_mem>>) {add = true}
        %dma_wait3A_192 = arith.constant 0 : i32
        %dma_wait3A_193 = arith.constant 0 : i32
        %dma_wait3A_194 = tpu.memref_slice %arg7[%dma_wait3A_192, %dma_wait3A_193] : memref<512x64xf32, #tpu.memory_space<vmem>> -> memref<128x64xf32, #tpu.memory_space<vmem>>
        %dma_wait3A_195 = arith.constant 0 : i32
        %dma_wait3A_196 = tpu.memref_slice %arg6[%add3A_112, %dma_wait3A_195] : memref<80x128xi32, #tpu.memory_space<vmem>> -> memref<1x128xi32, #tpu.memory_space<vmem>>
        %dma_wait3A_197 = tpu.memref_squeeze %dma_wait3A_196 : memref<1x128xi32, #tpu.memory_space<vmem>> -> memref<128xi32, #tpu.memory_space<vmem>>
        %dma_wait3A_198 = arith.constant 0 : i32
        %dma_wait3A_199 = arith.constant 0 : i32
        %dma_wait3A_200 = tpu.memref_slice %arg8[%dma_wait3A_198, %dma_wait3A_199] : memref<10240x64xf32, #tpu.memory_space<vmem_shared>> -> memref<10240x64xf32, #tpu.memory_space<vmem_shared>>
        tpu.wait_indirect_dma semaphore(%run_scoped3A : memref<!tpu.dma_semaphore, #tpu.memory_space<semaphore_mem>>) src(%dma_wait3A_194 : memref<128x64xf32, #tpu.memory_space<vmem>>) dst(%dma_wait3A_200 : memref<10240x64xf32, #tpu.memory_space<vmem_shared>>)
        tpu.yield
      }) : () -> ()
      %lt3A = arith.constant 19 : i32
      %lt3A_123 = arith.cmpi slt, %scan3A_107, %lt3A : i32
      %convert_element_type3A = arith.extui %lt3A_123 : i1 to i32
      %cond3A = arith.constant 0 : i32
      %cond3A_124 = arith.cmpi ne, %convert_element_type3A, %cond3A : i32
      scf.if %cond3A_124 {
        %add3A_183 = arith.constant 4 : i32
        %add3A_184 = arith.addi %add3A_112, %add3A_183 : i32
        %dma_start3A_185 = arith.constant 0 : i32
        %dma_start3A_186 = arith.constant 0 : i32
        %dma_start3A_187 = tpu.memref_slice %arg7[%dma_start3A_185, %dma_start3A_186] : memref<512x64xf32, #tpu.memory_space<vmem>> -> memref<128x64xf32, #tpu.memory_space<vmem>>
        %dma_start3A_188 = arith.constant 0 : i32
        %dma_start3A_189 = tpu.memref_slice %arg5[%add3A_184, %dma_start3A_188] : memref<80x128xi32, #tpu.memory_space<vmem>> -> memref<1x128xi32, #tpu.memory_space<vmem>>
        %dma_start3A_190 = tpu.memref_squeeze %dma_start3A_189 : memref<1x128xi32, #tpu.memory_space<vmem>> -> memref<128xi32, #tpu.memory_space<vmem>>
        %dma_start3A_191 = arith.constant 0 : i32
        %dma_start3A_192 = arith.constant 0 : i32
        %dma_start3A_193 = tpu.memref_slice %arg2[%dma_start3A_191, %dma_start3A_192] : memref<10240x64xf32, #tpu.memory_space<hbm>> -> memref<10240x64xf32, #tpu.memory_space<hbm>>
        tpu.enqueue_indirect_dma source(%dma_start3A_193 : memref<10240x64xf32, #tpu.memory_space<hbm>>) target(%dma_start3A_187 : memref<128x64xf32, #tpu.memory_space<vmem>>) offsets(%dma_start3A_190 : memref<128xi32, #tpu.memory_space<vmem>>) semaphore(%arg9 : memref<!tpu.dma_semaphore, #tpu.memory_space<semaphore_mem>>)
      } else {
      }
      %mul3A_125 = arith.constant 4 : i32
      %mul3A_126 = arith.muli %scan3A_107, %mul3A_125 : i32
      %add3A_127 = arith.constant 1 : i32
      %add3A_128 = arith.addi %mul3A_126, %add3A_127 : i32
      %dma_wait3A_129 = arith.constant 0 : i32
      %dma_wait3A_130 = arith.constant 128 : i32
      %dma_wait3A_131 = arith.constant 0 : i32
      %dma_wait3A_132 = tpu.memref_slice %arg7[%dma_wait3A_130, %dma_wait3A_131] : memref<512x64xf32, #tpu.memory_space<vmem>> -> memref<128x64xf32, #tpu.memory_space<vmem>>
      %dma_wait3A_133 = arith.constant 0 : i32
      %dma_wait3A_134 = tpu.memref_slice %arg5[%dma_wait3A_129, %dma_wait3A_133] : memref<80x128xi32, #tpu.memory_space<vmem>> -> memref<1x128xi32, #tpu.memory_space<vmem>>
      %dma_wait3A_135 = tpu.memref_squeeze %dma_wait3A_134 : memref<1x128xi32, #tpu.memory_space<vmem>> -> memref<128xi32, #tpu.memory_space<vmem>>
      %dma_wait3A_136 = arith.constant 0 : i32
      %dma_wait3A_137 = arith.constant 0 : i32
      %dma_wait3A_138 = tpu.memref_slice %arg2[%dma_wait3A_136, %dma_wait3A_137] : memref<10240x64xf32, #tpu.memory_space<hbm>> -> memref<10240x64xf32, #tpu.memory_space<hbm>>
      tpu.wait_indirect_dma semaphore(%arg10 : memref<!tpu.dma_semaphore, #tpu.memory_space<semaphore_mem>>) src(%dma_wait3A_138 : memref<10240x64xf32, #tpu.memory_space<hbm>>) dst(%dma_wait3A_132 : memref<128x64xf32, #tpu.memory_space<vmem>>)
      "tpu.region"() ({
        %run_scoped3A = tpu.sem_alloc : memref<!tpu.dma_semaphore, #tpu.memory_space<semaphore_mem>>
        %dma_start3A_183 = arith.constant 128 : i32
        %dma_start3A_184 = arith.constant 0 : i32
        %dma_start3A_185 = tpu.memref_slice %arg7[%dma_start3A_183, %dma_start3A_184] : memref<512x64xf32, #tpu.memory_space<vmem>> -> memref<128x64xf32, #tpu.memory_space<vmem>>
        %dma_start3A_186 = arith.constant 0 : i32
        %dma_start3A_187 = tpu.memref_slice %arg6[%add3A_128, %dma_start3A_186] : memref<80x128xi32, #tpu.memory_space<vmem>> -> memref<1x128xi32, #tpu.memory_space<vmem>>
        %dma_start3A_188 = tpu.memref_squeeze %dma_start3A_187 : memref<1x128xi32, #tpu.memory_space<vmem>> -> memref<128xi32, #tpu.memory_space<vmem>>
        %dma_start3A_189 = arith.constant 0 : i32
        %dma_start3A_190 = arith.constant 0 : i32
        %dma_start3A_191 = tpu.memref_slice %arg8[%dma_start3A_189, %dma_start3A_190] : memref<10240x64xf32, #tpu.memory_space<vmem_shared>> -> memref<10240x64xf32, #tpu.memory_space<vmem_shared>>
        tpu.enqueue_indirect_dma source(%dma_start3A_185 : memref<128x64xf32, #tpu.memory_space<vmem>>) target(%dma_start3A_191 : memref<10240x64xf32, #tpu.memory_space<vmem_shared>>) offsets(%dma_start3A_188 : memref<128xi32, #tpu.memory_space<vmem>>) semaphore(%run_scoped3A : memref<!tpu.dma_semaphore, #tpu.memory_space<semaphore_mem>>) {add = true}
        %dma_wait3A_192 = arith.constant 128 : i32
        %dma_wait3A_193 = arith.constant 0 : i32
        %dma_wait3A_194 = tpu.memref_slice %arg7[%dma_wait3A_192, %dma_wait3A_193] : memref<512x64xf32, #tpu.memory_space<vmem>> -> memref<128x64xf32, #tpu.memory_space<vmem>>
        %dma_wait3A_195 = arith.constant 0 : i32
        %dma_wait3A_196 = tpu.memref_slice %arg6[%add3A_128, %dma_wait3A_195] : memref<80x128xi32, #tpu.memory_space<vmem>> -> memref<1x128xi32, #tpu.memory_space<vmem>>
        %dma_wait3A_197 = tpu.memref_squeeze %dma_wait3A_196 : memref<1x128xi32, #tpu.memory_space<vmem>> -> memref<128xi32, #tpu.memory_space<vmem>>
        %dma_wait3A_198 = arith.constant 0 : i32
        %dma_wait3A_199 = arith.constant 0 : i32
        %dma_wait3A_200 = tpu.memref_slice %arg8[%dma_wait3A_198, %dma_wait3A_199] : memref<10240x64xf32, #tpu.memory_space<vmem_shared>> -> memref<10240x64xf32, #tpu.memory_space<vmem_shared>>
        tpu.wait_indirect_dma semaphore(%run_scoped3A : memref<!tpu.dma_semaphore, #tpu.memory_space<semaphore_mem>>) src(%dma_wait3A_194 : memref<128x64xf32, #tpu.memory_space<vmem>>) dst(%dma_wait3A_200 : memref<10240x64xf32, #tpu.memory_space<vmem_shared>>)
        tpu.yield
      }) : () -> ()
      %lt3A_139 = arith.constant 19 : i32
      %lt3A_140 = arith.cmpi slt, %scan3A_107, %lt3A_139 : i32
      %convert_element_type3A_141 = arith.extui %lt3A_140 : i1 to i32
      %cond3A_142 = arith.constant 0 : i32
      %cond3A_143 = arith.cmpi ne, %convert_element_type3A_141, %cond3A_142 : i32
      scf.if %cond3A_143 {
        %add3A_183 = arith.constant 4 : i32
        %add3A_184 = arith.addi %add3A_128, %add3A_183 : i32
        %dma_start3A_185 = arith.constant 128 : i32
        %dma_start3A_186 = arith.constant 0 : i32
        %dma_start3A_187 = tpu.memref_slice %arg7[%dma_start3A_185, %dma_start3A_186] : memref<512x64xf32, #tpu.memory_space<vmem>> -> memref<128x64xf32, #tpu.memory_space<vmem>>
        %dma_start3A_188 = arith.constant 0 : i32
        %dma_start3A_189 = tpu.memref_slice %arg5[%add3A_184, %dma_start3A_188] : memref<80x128xi32, #tpu.memory_space<vmem>> -> memref<1x128xi32, #tpu.memory_space<vmem>>
        %dma_start3A_190 = tpu.memref_squeeze %dma_start3A_189 : memref<1x128xi32, #tpu.memory_space<vmem>> -> memref<128xi32, #tpu.memory_space<vmem>>
        %dma_start3A_191 = arith.constant 0 : i32
        %dma_start3A_192 = arith.constant 0 : i32
        %dma_start3A_193 = tpu.memref_slice %arg2[%dma_start3A_191, %dma_start3A_192] : memref<10240x64xf32, #tpu.memory_space<hbm>> -> memref<10240x64xf32, #tpu.memory_space<hbm>>
        tpu.enqueue_indirect_dma source(%dma_start3A_193 : memref<10240x64xf32, #tpu.memory_space<hbm>>) target(%dma_start3A_187 : memref<128x64xf32, #tpu.memory_space<vmem>>) offsets(%dma_start3A_190 : memref<128xi32, #tpu.memory_space<vmem>>) semaphore(%arg10 : memref<!tpu.dma_semaphore, #tpu.memory_space<semaphore_mem>>)
      } else {
      }
      %mul3A_144 = arith.constant 4 : i32
      %mul3A_145 = arith.muli %scan3A_107, %mul3A_144 : i32
      %add3A_146 = arith.constant 2 : i32
      %add3A_147 = arith.addi %mul3A_145, %add3A_146 : i32
      %dma_wait3A_148 = arith.constant 0 : i32
      %dma_wait3A_149 = arith.constant 256 : i32
      %dma_wait3A_150 = arith.constant 0 : i32
      %dma_wait3A_151 = tpu.memref_slice %arg7[%dma_wait3A_149, %dma_wait3A_150] : memref<512x64xf32, #tpu.memory_space<vmem>> -> memref<128x64xf32, #tpu.memory_space<vmem>>
      %dma_wait3A_152 = arith.constant 0 : i32
      %dma_wait3A_153 = tpu.memref_slice %arg5[%dma_wait3A_148, %dma_wait3A_152] : memref<80x128xi32, #tpu.memory_space<vmem>> -> memref<1x128xi32, #tpu.memory_space<vmem>>
      %dma_wait3A_154 = tpu.memref_squeeze %dma_wait3A_153 : memref<1x128xi32, #tpu.memory_space<vmem>> -> memref<128xi32, #tpu.memory_space<vmem>>
      %dma_wait3A_155 = arith.constant 0 : i32
      %dma_wait3A_156 = arith.constant 0 : i32
      %dma_wait3A_157 = tpu.memref_slice %arg2[%dma_wait3A_155, %dma_wait3A_156] : memref<10240x64xf32, #tpu.memory_space<hbm>> -> memref<10240x64xf32, #tpu.memory_space<hbm>>
      tpu.wait_indirect_dma semaphore(%arg11 : memref<!tpu.dma_semaphore, #tpu.memory_space<semaphore_mem>>) src(%dma_wait3A_157 : memref<10240x64xf32, #tpu.memory_space<hbm>>) dst(%dma_wait3A_151 : memref<128x64xf32, #tpu.memory_space<vmem>>)
      "tpu.region"() ({
        %run_scoped3A = tpu.sem_alloc : memref<!tpu.dma_semaphore, #tpu.memory_space<semaphore_mem>>
        %dma_start3A_183 = arith.constant 256 : i32
        %dma_start3A_184 = arith.constant 0 : i32
        %dma_start3A_185 = tpu.memref_slice %arg7[%dma_start3A_183, %dma_start3A_184] : memref<512x64xf32, #tpu.memory_space<vmem>> -> memref<128x64xf32, #tpu.memory_space<vmem>>
        %dma_start3A_186 = arith.constant 0 : i32
        %dma_start3A_187 = tpu.memref_slice %arg6[%add3A_147, %dma_start3A_186] : memref<80x128xi32, #tpu.memory_space<vmem>> -> memref<1x128xi32, #tpu.memory_space<vmem>>
        %dma_start3A_188 = tpu.memref_squeeze %dma_start3A_187 : memref<1x128xi32, #tpu.memory_space<vmem>> -> memref<128xi32, #tpu.memory_space<vmem>>
        %dma_start3A_189 = arith.constant 0 : i32
        %dma_start3A_190 = arith.constant 0 : i32
        %dma_start3A_191 = tpu.memref_slice %arg8[%dma_start3A_189, %dma_start3A_190] : memref<10240x64xf32, #tpu.memory_space<vmem_shared>> -> memref<10240x64xf32, #tpu.memory_space<vmem_shared>>
        tpu.enqueue_indirect_dma source(%dma_start3A_185 : memref<128x64xf32, #tpu.memory_space<vmem>>) target(%dma_start3A_191 : memref<10240x64xf32, #tpu.memory_space<vmem_shared>>) offsets(%dma_start3A_188 : memref<128xi32, #tpu.memory_space<vmem>>) semaphore(%run_scoped3A : memref<!tpu.dma_semaphore, #tpu.memory_space<semaphore_mem>>) {add = true}
        %dma_wait3A_192 = arith.constant 256 : i32
        %dma_wait3A_193 = arith.constant 0 : i32
        %dma_wait3A_194 = tpu.memref_slice %arg7[%dma_wait3A_192, %dma_wait3A_193] : memref<512x64xf32, #tpu.memory_space<vmem>> -> memref<128x64xf32, #tpu.memory_space<vmem>>
        %dma_wait3A_195 = arith.constant 0 : i32
        %dma_wait3A_196 = tpu.memref_slice %arg6[%add3A_147, %dma_wait3A_195] : memref<80x128xi32, #tpu.memory_space<vmem>> -> memref<1x128xi32, #tpu.memory_space<vmem>>
        %dma_wait3A_197 = tpu.memref_squeeze %dma_wait3A_196 : memref<1x128xi32, #tpu.memory_space<vmem>> -> memref<128xi32, #tpu.memory_space<vmem>>
        %dma_wait3A_198 = arith.constant 0 : i32
        %dma_wait3A_199 = arith.constant 0 : i32
        %dma_wait3A_200 = tpu.memref_slice %arg8[%dma_wait3A_198, %dma_wait3A_199] : memref<10240x64xf32, #tpu.memory_space<vmem_shared>> -> memref<10240x64xf32, #tpu.memory_space<vmem_shared>>
        tpu.wait_indirect_dma semaphore(%run_scoped3A : memref<!tpu.dma_semaphore, #tpu.memory_space<semaphore_mem>>) src(%dma_wait3A_194 : memref<128x64xf32, #tpu.memory_space<vmem>>) dst(%dma_wait3A_200 : memref<10240x64xf32, #tpu.memory_space<vmem_shared>>)
        tpu.yield
      }) : () -> ()
      %lt3A_158 = arith.constant 19 : i32
      %lt3A_159 = arith.cmpi slt, %scan3A_107, %lt3A_158 : i32
      %convert_element_type3A_160 = arith.extui %lt3A_159 : i1 to i32
      %cond3A_161 = arith.constant 0 : i32
      %cond3A_162 = arith.cmpi ne, %convert_element_type3A_160, %cond3A_161 : i32
      scf.if %cond3A_162 {
        %add3A_183 = arith.constant 4 : i32
        %add3A_184 = arith.addi %add3A_147, %add3A_183 : i32
        %dma_start3A_185 = arith.constant 256 : i32
        %dma_start3A_186 = arith.constant 0 : i32
        %dma_start3A_187 = tpu.memref_slice %arg7[%dma_start3A_185, %dma_start3A_186] : memref<512x64xf32, #tpu.memory_space<vmem>> -> memref<128x64xf32, #tpu.memory_space<vmem>>
        %dma_start3A_188 = arith.constant 0 : i32
        %dma_start3A_189 = tpu.memref_slice %arg5[%add3A_184, %dma_start3A_188] : memref<80x128xi32, #tpu.memory_space<vmem>> -> memref<1x128xi32, #tpu.memory_space<vmem>>
        %dma_start3A_190 = tpu.memref_squeeze %dma_start3A_189 : memref<1x128xi32, #tpu.memory_space<vmem>> -> memref<128xi32, #tpu.memory_space<vmem>>
        %dma_start3A_191 = arith.constant 0 : i32
        %dma_start3A_192 = arith.constant 0 : i32
        %dma_start3A_193 = tpu.memref_slice %arg2[%dma_start3A_191, %dma_start3A_192] : memref<10240x64xf32, #tpu.memory_space<hbm>> -> memref<10240x64xf32, #tpu.memory_space<hbm>>
        tpu.enqueue_indirect_dma source(%dma_start3A_193 : memref<10240x64xf32, #tpu.memory_space<hbm>>) target(%dma_start3A_187 : memref<128x64xf32, #tpu.memory_space<vmem>>) offsets(%dma_start3A_190 : memref<128xi32, #tpu.memory_space<vmem>>) semaphore(%arg11 : memref<!tpu.dma_semaphore, #tpu.memory_space<semaphore_mem>>)
      } else {
      }
      %mul3A_163 = arith.constant 4 : i32
      %mul3A_164 = arith.muli %scan3A_107, %mul3A_163 : i32
      %add3A_165 = arith.constant 3 : i32
      %add3A_166 = arith.addi %mul3A_164, %add3A_165 : i32
      %dma_wait3A_167 = arith.constant 0 : i32
      %dma_wait3A_168 = arith.constant 384 : i32
      %dma_wait3A_169 = arith.constant 0 : i32
      %dma_wait3A_170 = tpu.memref_slice %arg7[%dma_wait3A_168, %dma_wait3A_169] : memref<512x64xf32, #tpu.memory_space<vmem>> -> memref<128x64xf32, #tpu.memory_space<vmem>>
      %dma_wait3A_171 = arith.constant 0 : i32
      %dma_wait3A_172 = tpu.memref_slice %arg5[%dma_wait3A_167, %dma_wait3A_171] : memref<80x128xi32, #tpu.memory_space<vmem>> -> memref<1x128xi32, #tpu.memory_space<vmem>>
      %dma_wait3A_173 = tpu.memref_squeeze %dma_wait3A_172 : memref<1x128xi32, #tpu.memory_space<vmem>> -> memref<128xi32, #tpu.memory_space<vmem>>
      %dma_wait3A_174 = arith.constant 0 : i32
      %dma_wait3A_175 = arith.constant 0 : i32
      %dma_wait3A_176 = tpu.memref_slice %arg2[%dma_wait3A_174, %dma_wait3A_175] : memref<10240x64xf32, #tpu.memory_space<hbm>> -> memref<10240x64xf32, #tpu.memory_space<hbm>>
      tpu.wait_indirect_dma semaphore(%arg12 : memref<!tpu.dma_semaphore, #tpu.memory_space<semaphore_mem>>) src(%dma_wait3A_176 : memref<10240x64xf32, #tpu.memory_space<hbm>>) dst(%dma_wait3A_170 : memref<128x64xf32, #tpu.memory_space<vmem>>)
      "tpu.region"() ({
        %run_scoped3A = tpu.sem_alloc : memref<!tpu.dma_semaphore, #tpu.memory_space<semaphore_mem>>
        %dma_start3A_183 = arith.constant 384 : i32
        %dma_start3A_184 = arith.constant 0 : i32
        %dma_start3A_185 = tpu.memref_slice %arg7[%dma_start3A_183, %dma_start3A_184] : memref<512x64xf32, #tpu.memory_space<vmem>> -> memref<128x64xf32, #tpu.memory_space<vmem>>
        %dma_start3A_186 = arith.constant 0 : i32
        %dma_start3A_187 = tpu.memref_slice %arg6[%add3A_166, %dma_start3A_186] : memref<80x128xi32, #tpu.memory_space<vmem>> -> memref<1x128xi32, #tpu.memory_space<vmem>>
        %dma_start3A_188 = tpu.memref_squeeze %dma_start3A_187 : memref<1x128xi32, #tpu.memory_space<vmem>> -> memref<128xi32, #tpu.memory_space<vmem>>
        %dma_start3A_189 = arith.constant 0 : i32
        %dma_start3A_190 = arith.constant 0 : i32
        %dma_start3A_191 = tpu.memref_slice %arg8[%dma_start3A_189, %dma_start3A_190] : memref<10240x64xf32, #tpu.memory_space<vmem_shared>> -> memref<10240x64xf32, #tpu.memory_space<vmem_shared>>
        tpu.enqueue_indirect_dma source(%dma_start3A_185 : memref<128x64xf32, #tpu.memory_space<vmem>>) target(%dma_start3A_191 : memref<10240x64xf32, #tpu.memory_space<vmem_shared>>) offsets(%dma_start3A_188 : memref<128xi32, #tpu.memory_space<vmem>>) semaphore(%run_scoped3A : memref<!tpu.dma_semaphore, #tpu.memory_space<semaphore_mem>>) {add = true}
        %dma_wait3A_192 = arith.constant 384 : i32
        %dma_wait3A_193 = arith.constant 0 : i32
        %dma_wait3A_194 = tpu.memref_slice %arg7[%dma_wait3A_192, %dma_wait3A_193] : memref<512x64xf32, #tpu.memory_space<vmem>> -> memref<128x64xf32, #tpu.memory_space<vmem>>
        %dma_wait3A_195 = arith.constant 0 : i32
        %dma_wait3A_196 = tpu.memref_slice %arg6[%add3A_166, %dma_wait3A_195] : memref<80x128xi32, #tpu.memory_space<vmem>> -> memref<1x128xi32, #tpu.memory_space<vmem>>
        %dma_wait3A_197 = tpu.memref_squeeze %dma_wait3A_196 : memref<1x128xi32, #tpu.memory_space<vmem>> -> memref<128xi32, #tpu.memory_space<vmem>>
        %dma_wait3A_198 = arith.constant 0 : i32
        %dma_wait3A_199 = arith.constant 0 : i32
        %dma_wait3A_200 = tpu.memref_slice %arg8[%dma_wait3A_198, %dma_wait3A_199] : memref<10240x64xf32, #tpu.memory_space<vmem_shared>> -> memref<10240x64xf32, #tpu.memory_space<vmem_shared>>
        tpu.wait_indirect_dma semaphore(%run_scoped3A : memref<!tpu.dma_semaphore, #tpu.memory_space<semaphore_mem>>) src(%dma_wait3A_194 : memref<128x64xf32, #tpu.memory_space<vmem>>) dst(%dma_wait3A_200 : memref<10240x64xf32, #tpu.memory_space<vmem_shared>>)
        tpu.yield
      }) : () -> ()
      %lt3A_177 = arith.constant 19 : i32
      %lt3A_178 = arith.cmpi slt, %scan3A_107, %lt3A_177 : i32
      %convert_element_type3A_179 = arith.extui %lt3A_178 : i1 to i32
      %cond3A_180 = arith.constant 0 : i32
      %cond3A_181 = arith.cmpi ne, %convert_element_type3A_179, %cond3A_180 : i32
      scf.if %cond3A_181 {
        %add3A_183 = arith.constant 4 : i32
        %add3A_184 = arith.addi %add3A_166, %add3A_183 : i32
        %dma_start3A_185 = arith.constant 384 : i32
        %dma_start3A_186 = arith.constant 0 : i32
        %dma_start3A_187 = tpu.memref_slice %arg7[%dma_start3A_185, %dma_start3A_186] : memref<512x64xf32, #tpu.memory_space<vmem>> -> memref<128x64xf32, #tpu.memory_space<vmem>>
        %dma_start3A_188 = arith.constant 0 : i32
        %dma_start3A_189 = tpu.memref_slice %arg5[%add3A_184, %dma_start3A_188] : memref<80x128xi32, #tpu.memory_space<vmem>> -> memref<1x128xi32, #tpu.memory_space<vmem>>
        %dma_start3A_190 = tpu.memref_squeeze %dma_start3A_189 : memref<1x128xi32, #tpu.memory_space<vmem>> -> memref<128xi32, #tpu.memory_space<vmem>>
        %dma_start3A_191 = arith.constant 0 : i32
        %dma_start3A_192 = arith.constant 0 : i32
        %dma_start3A_193 = tpu.memref_slice %arg2[%dma_start3A_191, %dma_start3A_192] : memref<10240x64xf32, #tpu.memory_space<hbm>> -> memref<10240x64xf32, #tpu.memory_space<hbm>>
        tpu.enqueue_indirect_dma source(%dma_start3A_193 : memref<10240x64xf32, #tpu.memory_space<hbm>>) target(%dma_start3A_187 : memref<128x64xf32, #tpu.memory_space<vmem>>) offsets(%dma_start3A_190 : memref<128xi32, #tpu.memory_space<vmem>>) semaphore(%arg12 : memref<!tpu.dma_semaphore, #tpu.memory_space<semaphore_mem>>)
      } else {
      }
      %scan3A_182 = arith.constant 0 : i32
      scf.yield %scan3A_182 : i32
    }
    %scan3A_101 = arith.constant 20 : i32
    %barrier3A_102 = arith.constant 0 : index
    tpu.barrier barrier_id(%barrier3A_102)
    %mul3A_103 = arith.constant 640 : i32
    %mul3A_104 = arith.muli %arg1, %mul3A_103 : i32
    %mul3A_105 = arith.constant 640 : i32
    %mul3A_106 = arith.muli %arg1, %mul3A_105 : i32
    "tpu.region"() ({
      %run_scoped3A = tpu.sem_alloc : memref<!tpu.dma_semaphore, #tpu.memory_space<semaphore_mem>>
      %dma_start3A_107 = arith.constant 0 : i32
      %dma_start3A_108 = tpu.memref_slice %arg4[%arg0, %mul3A_106, %dma_start3A_107] : memref<2x10240x64xf32, #tpu.memory_space<hbm>> -> memref<1x640x64xf32, #tpu.memory_space<hbm>>
      %dma_start3A_109 = tpu.memref_squeeze %dma_start3A_108 : memref<1x640x64xf32, #tpu.memory_space<hbm>> -> memref<640x64xf32, #tpu.memory_space<hbm>>
      %dma_start3A_110 = arith.constant 0 : i32
      %dma_start3A_111 = tpu.memref_slice %arg8[%mul3A_104, %dma_start3A_110] : memref<10240x64xf32, #tpu.memory_space<vmem_shared>> -> memref<640x64xf32, #tpu.memory_space<vmem_shared>>
      tpu.enqueue_dma source(%dma_start3A_111 : memref<640x64xf32, #tpu.memory_space<vmem_shared>>) target(%dma_start3A_109 : memref<640x64xf32, #tpu.memory_space<hbm>>) target_semaphore(%run_scoped3A : memref<!tpu.dma_semaphore, #tpu.memory_space<semaphore_mem>>)
      %dma_wait3A_112 = arith.constant 0 : i32
      %dma_wait3A_113 = tpu.memref_slice %arg4[%arg0, %mul3A_106, %dma_wait3A_112] : memref<2x10240x64xf32, #tpu.memory_space<hbm>> -> memref<1x640x64xf32, #tpu.memory_space<hbm>>
      %dma_wait3A_114 = tpu.memref_squeeze %dma_wait3A_113 : memref<1x640x64xf32, #tpu.memory_space<hbm>> -> memref<640x64xf32, #tpu.memory_space<hbm>>
      %dma_wait3A_115 = arith.constant 0 : i32
      %dma_wait3A_116 = tpu.memref_slice %arg8[%mul3A_104, %dma_wait3A_115] : memref<10240x64xf32, #tpu.memory_space<vmem_shared>> -> memref<640x64xf32, #tpu.memory_space<vmem_shared>>
      tpu.wait_dma2 semaphore(%run_scoped3A : memref<!tpu.dma_semaphore, #tpu.memory_space<semaphore_mem>>) src(%dma_wait3A_116 : memref<640x64xf32, #tpu.memory_space<vmem_shared>>) dst(%dma_wait3A_114 : memref<640x64xf32, #tpu.memory_space<hbm>>)
      tpu.yield
    }) : () -> ()
    return
  }
}

module attributes {stable_mosaic.version = 14 : i64} {
  func.func @_mm1_body(%arg0: i32, %arg1: memref<1000x256xf32, #tpu.memory_space<vmem>>, %arg2: memref<256x128xf32, #tpu.memory_space<vmem>>, %arg3: memref<1000x128xf32, #tpu.memory_space<vmem>>, %arg4: memref<1000x128xf32, #tpu.memory_space<vmem>>) attributes {dimension_semantics = [#tpu.dimension_semantics<arbitrary>], iteration_bounds = array<i64: 5>, scalar_prefetch = 0 : i64, scratch_operands = 0 : i64, tpu.core_type = #tpu.core_type<tc>, window_params = [{transform_indices = @transform_0, window_bounds = array<i64: 1000, 256>}, {pipeline_mode = #tpu.pipeline_mode<synchronous>, transform_indices = @transform_1, window_bounds = array<i64: 256, 128>}, {transform_indices = @transform_2, window_bounds = array<i64: 1000, 128>}, {transform_indices = @transform_3, window_bounds = array<i64: 1000, 128>}]} {
    %get3A = arith.constant 0 : index
    %get3A_0 = arith.constant 0 : index
    %get3A_1 = vector.load %arg3[%get3A, %get3A_0] : memref<1000x128xf32, #tpu.memory_space<vmem>>, vector<1000x128xf32>
    %get3A_2 = arith.constant 0 : index
    %get3A_3 = arith.constant 0 : index
    %get3A_4 = vector.load %arg1[%get3A_2, %get3A_3] : memref<1000x256xf32, #tpu.memory_space<vmem>>, vector<1000x256xf32>
    %get3A_5 = arith.constant 0 : index
    %get3A_6 = arith.constant 0 : index
    %get3A_7 = vector.load %arg2[%get3A_5, %get3A_6] : memref<256x128xf32, #tpu.memory_space<vmem>>, vector<256x128xf32>
    %dot_general3A = arith.constant dense<0.000000e+00> : vector<1000x128xf32>
    %dot_general3A_8 = tpu.matmul %get3A_4, %get3A_7, %dot_general3A {dimension_numbers = #tpu.dot_dimension_numbers<[1], [0], [0], [1], [0, 0, 1, 1], [], []>, transpose_lhs_hint = false} : vector<1000x256xf32>, vector<256x128xf32>, vector<1000x128xf32> -> vector<1000x128xf32>
    %mul3A = arith.mulf %get3A_1, %dot_general3A_8 : vector<1000x128xf32>
    %swap3A = arith.constant 0 : index
    %swap3A_9 = arith.constant 0 : index
    %swap3A_10 = vector.load %arg4[%swap3A, %swap3A_9] : memref<1000x128xf32, #tpu.memory_space<vmem>>, vector<1000x128xf32>
    tpu.vector_store %arg4[%swap3A, %swap3A_9], %mul3A {strides = array<i32>} : memref<1000x128xf32, #tpu.memory_space<vmem>>, vector<1000x128xf32>,
    return
  }
  func.func @transform_0(%arg0: i32) -> (i32, i32) {
    %c0_i32 = arith.constant 0 : i32
    %c0_i32_0 = arith.constant 0 : i32
    return %arg0, %c0_i32 : i32, i32
  }
  func.func @transform_1(%arg0: i32) -> (i32, i32) {
    %c0_i32 = arith.constant 0 : i32
    %c0_i32_0 = arith.constant 0 : i32
    %c0_i32_1 = arith.constant 0 : i32
    return %c0_i32, %c0_i32_0 : i32, i32
  }
  func.func @transform_2(%arg0: i32) -> (i32, i32) {
    %c0_i32 = arith.constant 0 : i32
    %c0_i32_0 = arith.constant 0 : i32
    return %arg0, %c0_i32 : i32, i32
  }
  func.func @transform_3(%arg0: i32) -> (i32, i32) {
    %c0_i32 = arith.constant 0 : i32
    %c0_i32_0 = arith.constant 0 : i32
    return %arg0, %c0_i32 : i32, i32
  }
}

module attributes {stable_mosaic.version = 14 : i64} {
  func.func @_layer_body(%arg0: i32, %arg1: memref<512x128xf32, #tpu.memory_space<vmem>>, %arg2: memref<512x128xf32, #tpu.memory_space<vmem>>, %arg3: memref<512x128xf32, #tpu.memory_space<vmem>>, %arg4: memref<512x128xf32, #tpu.memory_space<vmem>>, %arg5: memref<1x128xf32, #tpu.memory_space<vmem>>, %arg6: memref<128x128xf32, #tpu.memory_space<vmem>>, %arg7: memref<512x128xf32, #tpu.memory_space<vmem>>, %arg8: memref<512x128xf32, #tpu.memory_space<vmem>>) attributes {dimension_semantics = [#tpu.dimension_semantics<arbitrary>], iteration_bounds = array<i64: 10>, scalar_prefetch = 0 : i64, scratch_operands = 0 : i64, tpu.core_type = #tpu.core_type<tc>, window_params = [{transform_indices = @transform_0, window_bounds = array<i64: 512, 128>}, {transform_indices = @transform_1, window_bounds = array<i64: 512, 128>}, {transform_indices = @transform_2, window_bounds = array<i64: 512, 128>}, {transform_indices = @transform_3, window_bounds = array<i64: 512, 128>}, {pipeline_mode = #tpu.pipeline_mode<synchronous>, transform_indices = @transform_4, window_bounds = array<i64: 1, 128>}, {pipeline_mode = #tpu.pipeline_mode<synchronous>, transform_indices = @transform_5, window_bounds = array<i64: 128, 128>}, {transform_indices = @transform_6, window_bounds = array<i64: 512, 128>}, {transform_indices = @transform_7, window_bounds = array<i64: 512, 128>}]} {
    %get3A = arith.constant 0 : index
    %get3A_0 = arith.constant 0 : index
    %get3A_1 = vector.load %arg4[%get3A, %get3A_0] : memref<512x128xf32, #tpu.memory_space<vmem>>, vector<512x128xf32>
    %get3A_2 = arith.constant 0 : index
    %get3A_3 = arith.constant 0 : index
    %get3A_4 = vector.load %arg1[%get3A_2, %get3A_3] : memref<512x128xf32, #tpu.memory_space<vmem>>, vector<512x128xf32>
    %get3A_5 = arith.constant 0 : index
    %get3A_6 = arith.constant 0 : index
    %get3A_7 = vector.load %arg2[%get3A_5, %get3A_6] : memref<512x128xf32, #tpu.memory_space<vmem>>, vector<512x128xf32>
    %add3A = arith.addf %get3A_4, %get3A_7 : vector<512x128xf32>
    %get3A_8 = arith.constant 0 : index
    %get3A_9 = arith.constant 0 : index
    %get3A_10 = vector.load %arg3[%get3A_8, %get3A_9] : memref<512x128xf32, #tpu.memory_space<vmem>>, vector<512x128xf32>
    %add3A_11 = arith.addf %add3A, %get3A_10 : vector<512x128xf32>
    %mul3A = arith.mulf %get3A_1, %add3A_11 : vector<512x128xf32>
    %get3A_12 = arith.constant 0 : index
    %get3A_13 = arith.constant 0 : index
    %get3A_14 = vector.load %arg5[%get3A_12, %get3A_13] : memref<1x128xf32, #tpu.memory_space<vmem>>, vector<1x128xf32>
    %add3A_15 = vector.broadcast %get3A_14 : vector<1x128xf32> to vector<512x128xf32>
    %add3A_16 = arith.addf %mul3A, %add3A_15 : vector<512x128xf32>
    %max3A = arith.constant 0.000000e+00 : f32
    %max3A_17 = vector.broadcast %max3A : f32 to vector<512x128xf32>
    %max3A_18 = arith.maximumf %add3A_16, %max3A_17 : vector<512x128xf32>
    %swap3A = arith.constant 0 : index
    %swap3A_19 = arith.constant 0 : index
    %swap3A_20 = vector.load %arg7[%swap3A, %swap3A_19] : memref<512x128xf32, #tpu.memory_space<vmem>>, vector<512x128xf32>
    tpu.vector_store %arg7[%swap3A, %swap3A_19], %max3A_18 {strides = array<i32>} : memref<512x128xf32, #tpu.memory_space<vmem>>, vector<512x128xf32>,
    %get3A_21 = arith.constant 0 : index
    %get3A_22 = arith.constant 0 : index
    %get3A_23 = vector.load %arg6[%get3A_21, %get3A_22] : memref<128x128xf32, #tpu.memory_space<vmem>>, vector<128x128xf32>
    %dot_general3A = arith.constant dense<0.000000e+00> : vector<512x128xf32>
    %dot_general3A_24 = tpu.matmul %max3A_18, %get3A_23, %dot_general3A {dimension_numbers = #tpu.dot_dimension_numbers<[1], [0], [0], [1], [0, 0, 1, 1], [], []>, transpose_lhs_hint = false} : vector<512x128xf32>, vector<128x128xf32>, vector<512x128xf32> -> vector<512x128xf32>
    %mul3A_25 = arith.mulf %get3A_1, %dot_general3A_24 : vector<512x128xf32>
    %swap3A_26 = arith.constant 0 : index
    %swap3A_27 = arith.constant 0 : index
    %swap3A_28 = vector.load %arg8[%swap3A_26, %swap3A_27] : memref<512x128xf32, #tpu.memory_space<vmem>>, vector<512x128xf32>
    tpu.vector_store %arg8[%swap3A_26, %swap3A_27], %mul3A_25 {strides = array<i32>} : memref<512x128xf32, #tpu.memory_space<vmem>>, vector<512x128xf32>,
    return
  }
  func.func @transform_0(%arg0: i32) -> (i32, i32) {
    %c0_i32 = arith.constant 0 : i32
    %c0_i32_0 = arith.constant 0 : i32
    return %arg0, %c0_i32 : i32, i32
  }
  func.func @transform_1(%arg0: i32) -> (i32, i32) {
    %add3A = arith.constant 10 : i32
    %add3A_0 = arith.addi %arg0, %add3A : i32
    %c0_i32 = arith.constant 0 : i32
    %c0_i32_1 = arith.constant 0 : i32
    return %add3A_0, %c0_i32 : i32, i32
  }
  func.func @transform_2(%arg0: i32) -> (i32, i32) {
    %c0_i32 = arith.constant 0 : i32
    %c0_i32_0 = arith.constant 0 : i32
    return %arg0, %c0_i32 : i32, i32
  }
  func.func @transform_3(%arg0: i32) -> (i32, i32) {
    %c0_i32 = arith.constant 0 : i32
    %c0_i32_0 = arith.constant 0 : i32
    return %arg0, %c0_i32 : i32, i32
  }
  func.func @transform_4(%arg0: i32) -> (i32, i32) {
    %c0_i32 = arith.constant 0 : i32
    %c0_i32_0 = arith.constant 0 : i32
    %c0_i32_1 = arith.constant 0 : i32
    return %c0_i32, %c0_i32_0 : i32, i32
  }
  func.func @transform_5(%arg0: i32) -> (i32, i32) {
    %c0_i32 = arith.constant 0 : i32
    %c0_i32_0 = arith.constant 0 : i32
    %c0_i32_1 = arith.constant 0 : i32
    return %c0_i32, %c0_i32_0 : i32, i32
  }
  func.func @transform_6(%arg0: i32) -> (i32, i32) {
    %c0_i32 = arith.constant 0 : i32
    %c0_i32_0 = arith.constant 0 : i32
    return %arg0, %c0_i32 : i32, i32
  }
  func.func @transform_7(%arg0: i32) -> (i32, i32) {
    %c0_i32 = arith.constant 0 : i32
    %c0_i32_0 = arith.constant 0 : i32
    return %arg0, %c0_i32 : i32, i32
  }
}

module attributes {stable_mosaic.version = 14 : i64} {
  func.func @_layer3_body(%arg0: i32, %arg1: memref<512x128xf32, #tpu.memory_space<vmem>>, %arg2: memref<512x128xf32, #tpu.memory_space<vmem>>, %arg3: memref<512x128xf32, #tpu.memory_space<vmem>>, %arg4: memref<512x128xf32, #tpu.memory_space<vmem>>, %arg5: memref<1x128xf32, #tpu.memory_space<vmem>>, %arg6: memref<512x128xf32, #tpu.memory_space<vmem>>, %arg7: memref<128x128xf32, #tpu.memory_space<vmem>>, %arg8: memref<128x128xf32, #tpu.memory_space<vmem>>, %arg9: memref<512x128xf32, #tpu.memory_space<vmem>>, %arg10: memref<512x128xf32, #tpu.memory_space<vmem>>) attributes {dimension_semantics = [#tpu.dimension_semantics<arbitrary>], iteration_bounds = array<i64: 10>, scalar_prefetch = 0 : i64, scratch_operands = 0 : i64, tpu.core_type = #tpu.core_type<tc>, window_params = [{transform_indices = @transform_0, window_bounds = array<i64: 512, 128>}, {transform_indices = @transform_1, window_bounds = array<i64: 512, 128>}, {transform_indices = @transform_2, window_bounds = array<i64: 512, 128>}, {transform_indices = @transform_3, window_bounds = array<i64: 512, 128>}, {pipeline_mode = #tpu.pipeline_mode<synchronous>, transform_indices = @transform_4, window_bounds = array<i64: 1, 128>}, {transform_indices = @transform_5, window_bounds = array<i64: 512, 128>}, {pipeline_mode = #tpu.pipeline_mode<synchronous>, transform_indices = @transform_6, window_bounds = array<i64: 128, 128>}, {pipeline_mode = #tpu.pipeline_mode<synchronous>, transform_indices = @transform_7, window_bounds = array<i64: 128, 128>}, {transform_indices = @transform_8, window_bounds = array<i64: 512, 128>}, {transform_indices = @transform_9, window_bounds = array<i64: 512, 128>}]} {
    %get3A = arith.constant 0 : index
    %get3A_0 = arith.constant 0 : index
    %get3A_1 = vector.load %arg4[%get3A, %get3A_0] : memref<512x128xf32, #tpu.memory_space<vmem>>, vector<512x128xf32>
    %get3A_2 = arith.constant 0 : index
    %get3A_3 = arith.constant 0 : index
    %get3A_4 = vector.load %arg1[%get3A_2, %get3A_3] : memref<512x128xf32, #tpu.memory_space<vmem>>, vector<512x128xf32>
    %get3A_5 = arith.constant 0 : index
    %get3A_6 = arith.constant 0 : index
    %get3A_7 = vector.load %arg2[%get3A_5, %get3A_6] : memref<512x128xf32, #tpu.memory_space<vmem>>, vector<512x128xf32>
    %add3A = arith.addf %get3A_4, %get3A_7 : vector<512x128xf32>
    %get3A_8 = arith.constant 0 : index
    %get3A_9 = arith.constant 0 : index
    %get3A_10 = vector.load %arg3[%get3A_8, %get3A_9] : memref<512x128xf32, #tpu.memory_space<vmem>>, vector<512x128xf32>
    %add3A_11 = arith.addf %add3A, %get3A_10 : vector<512x128xf32>
    %mul3A = arith.mulf %get3A_1, %add3A_11 : vector<512x128xf32>
    %get3A_12 = arith.constant 0 : index
    %get3A_13 = arith.constant 0 : index
    %get3A_14 = vector.load %arg5[%get3A_12, %get3A_13] : memref<1x128xf32, #tpu.memory_space<vmem>>, vector<1x128xf32>
    %add3A_15 = vector.broadcast %get3A_14 : vector<1x128xf32> to vector<512x128xf32>
    %add3A_16 = arith.addf %mul3A, %add3A_15 : vector<512x128xf32>
    %max3A = arith.constant 0.000000e+00 : f32
    %max3A_17 = vector.broadcast %max3A : f32 to vector<512x128xf32>
    %max3A_18 = arith.maximumf %add3A_16, %max3A_17 : vector<512x128xf32>
    %swap3A = arith.constant 0 : index
    %swap3A_19 = arith.constant 0 : index
    %swap3A_20 = vector.load %arg9[%swap3A, %swap3A_19] : memref<512x128xf32, #tpu.memory_space<vmem>>, vector<512x128xf32>
    tpu.vector_store %arg9[%swap3A, %swap3A_19], %max3A_18 {strides = array<i32>} : memref<512x128xf32, #tpu.memory_space<vmem>>, vector<512x128xf32>,
    %get3A_21 = arith.constant 0 : index
    %get3A_22 = arith.constant 0 : index
    %get3A_23 = vector.load %arg6[%get3A_21, %get3A_22] : memref<512x128xf32, #tpu.memory_space<vmem>>, vector<512x128xf32>
    %get3A_24 = arith.constant 0 : index
    %get3A_25 = arith.constant 0 : index
    %get3A_26 = vector.load %arg7[%get3A_24, %get3A_25] : memref<128x128xf32, #tpu.memory_space<vmem>>, vector<128x128xf32>
    %dot_general3A = arith.constant dense<0.000000e+00> : vector<512x128xf32>
    %dot_general3A_27 = tpu.matmul %get3A_23, %get3A_26, %dot_general3A {dimension_numbers = #tpu.dot_dimension_numbers<[1], [0], [0], [1], [0, 0, 1, 1], [], []>, transpose_lhs_hint = false} : vector<512x128xf32>, vector<128x128xf32>, vector<512x128xf32> -> vector<512x128xf32>
    %get3A_28 = arith.constant 0 : index
    %get3A_29 = arith.constant 0 : index
    %get3A_30 = vector.load %arg8[%get3A_28, %get3A_29] : memref<128x128xf32, #tpu.memory_space<vmem>>, vector<128x128xf32>
    %dot_general3A_31 = arith.constant dense<0.000000e+00> : vector<512x128xf32>
    %dot_general3A_32 = tpu.matmul %max3A_18, %get3A_30, %dot_general3A_31 {dimension_numbers = #tpu.dot_dimension_numbers<[1], [0], [0], [1], [0, 0, 1, 1], [], []>, transpose_lhs_hint = false} : vector<512x128xf32>, vector<128x128xf32>, vector<512x128xf32> -> vector<512x128xf32>
    %add3A_33 = arith.addf %dot_general3A_27, %dot_general3A_32 : vector<512x128xf32>
    %mul3A_34 = arith.mulf %get3A_1, %add3A_33 : vector<512x128xf32>
    %swap3A_35 = arith.constant 0 : index
    %swap3A_36 = arith.constant 0 : index
    %swap3A_37 = vector.load %arg10[%swap3A_35, %swap3A_36] : memref<512x128xf32, #tpu.memory_space<vmem>>, vector<512x128xf32>
    tpu.vector_store %arg10[%swap3A_35, %swap3A_36], %mul3A_34 {strides = array<i32>} : memref<512x128xf32, #tpu.memory_space<vmem>>, vector<512x128xf32>,
    return
  }
  func.func @transform_0(%arg0: i32) -> (i32, i32) {
    %c0_i32 = arith.constant 0 : i32
    %c0_i32_0 = arith.constant 0 : i32
    return %arg0, %c0_i32 : i32, i32
  }
  func.func @transform_1(%arg0: i32) -> (i32, i32) {
    %add3A = arith.constant 10 : i32
    %add3A_0 = arith.addi %arg0, %add3A : i32
    %c0_i32 = arith.constant 0 : i32
    %c0_i32_1 = arith.constant 0 : i32
    return %add3A_0, %c0_i32 : i32, i32
  }
  func.func @transform_2(%arg0: i32) -> (i32, i32) {
    %c0_i32 = arith.constant 0 : i32
    %c0_i32_0 = arith.constant 0 : i32
    return %arg0, %c0_i32 : i32, i32
  }
  func.func @transform_3(%arg0: i32) -> (i32, i32) {
    %c0_i32 = arith.constant 0 : i32
    %c0_i32_0 = arith.constant 0 : i32
    return %arg0, %c0_i32 : i32, i32
  }
  func.func @transform_4(%arg0: i32) -> (i32, i32) {
    %c0_i32 = arith.constant 0 : i32
    %c0_i32_0 = arith.constant 0 : i32
    %c0_i32_1 = arith.constant 0 : i32
    return %c0_i32, %c0_i32_0 : i32, i32
  }
  func.func @transform_5(%arg0: i32) -> (i32, i32) {
    %c0_i32 = arith.constant 0 : i32
    %c0_i32_0 = arith.constant 0 : i32
    return %arg0, %c0_i32 : i32, i32
  }
  func.func @transform_6(%arg0: i32) -> (i32, i32) {
    %c0_i32 = arith.constant 0 : i32
    %c0_i32_0 = arith.constant 0 : i32
    %c0_i32_1 = arith.constant 0 : i32
    return %c0_i32, %c0_i32_0 : i32, i32
  }
  func.func @transform_7(%arg0: i32) -> (i32, i32) {
    %c0_i32 = arith.constant 0 : i32
    %c0_i32_0 = arith.constant 0 : i32
    %c0_i32_1 = arith.constant 0 : i32
    return %c0_i32, %c0_i32_0 : i32, i32
  }
  func.func @transform_8(%arg0: i32) -> (i32, i32) {
    %c0_i32 = arith.constant 0 : i32
    %c0_i32_0 = arith.constant 0 : i32
    return %arg0, %c0_i32 : i32, i32
  }
  func.func @transform_9(%arg0: i32) -> (i32, i32) {
    %c0_i32 = arith.constant 0 : i32
    %c0_i32_0 = arith.constant 0 : i32
    return %arg0, %c0_i32 : i32, i32
  }
}

module attributes {stable_mosaic.version = 14 : i64} {
  func.func @_final_body(%arg0: i32, %arg1: memref<512x128xf32, #tpu.memory_space<vmem>>, %arg2: memref<512x128xf32, #tpu.memory_space<vmem>>, %arg3: memref<512x128xf32, #tpu.memory_space<vmem>>, %arg4: memref<512x128xf32, #tpu.memory_space<vmem>>, %arg5: memref<1x128xf32, #tpu.memory_space<vmem>>, %arg6: memref<512x128xf32, #tpu.memory_space<vmem>>) attributes {dimension_semantics = [#tpu.dimension_semantics<arbitrary>], iteration_bounds = array<i64: 10>, scalar_prefetch = 0 : i64, scratch_operands = 0 : i64, tpu.core_type = #tpu.core_type<tc>, window_params = [{transform_indices = @transform_0, window_bounds = array<i64: 512, 128>}, {transform_indices = @transform_1, window_bounds = array<i64: 512, 128>}, {transform_indices = @transform_2, window_bounds = array<i64: 512, 128>}, {transform_indices = @transform_3, window_bounds = array<i64: 512, 128>}, {pipeline_mode = #tpu.pipeline_mode<synchronous>, transform_indices = @transform_4, window_bounds = array<i64: 1, 128>}, {transform_indices = @transform_5, window_bounds = array<i64: 512, 128>}]} {
    %get3A = arith.constant 0 : index
    %get3A_0 = arith.constant 0 : index
    %get3A_1 = vector.load %arg4[%get3A, %get3A_0] : memref<512x128xf32, #tpu.memory_space<vmem>>, vector<512x128xf32>
    %get3A_2 = arith.constant 0 : index
    %get3A_3 = arith.constant 0 : index
    %get3A_4 = vector.load %arg1[%get3A_2, %get3A_3] : memref<512x128xf32, #tpu.memory_space<vmem>>, vector<512x128xf32>
    %get3A_5 = arith.constant 0 : index
    %get3A_6 = arith.constant 0 : index
    %get3A_7 = vector.load %arg2[%get3A_5, %get3A_6] : memref<512x128xf32, #tpu.memory_space<vmem>>, vector<512x128xf32>
    %add3A = arith.addf %get3A_4, %get3A_7 : vector<512x128xf32>
    %get3A_8 = arith.constant 0 : index
    %get3A_9 = arith.constant 0 : index
    %get3A_10 = vector.load %arg3[%get3A_8, %get3A_9] : memref<512x128xf32, #tpu.memory_space<vmem>>, vector<512x128xf32>
    %add3A_11 = arith.addf %add3A, %get3A_10 : vector<512x128xf32>
    %mul3A = arith.mulf %get3A_1, %add3A_11 : vector<512x128xf32>
    %get3A_12 = arith.constant 0 : index
    %get3A_13 = arith.constant 0 : index
    %get3A_14 = vector.load %arg5[%get3A_12, %get3A_13] : memref<1x128xf32, #tpu.memory_space<vmem>>, vector<1x128xf32>
    %add3A_15 = vector.broadcast %get3A_14 : vector<1x128xf32> to vector<512x128xf32>
    %add3A_16 = arith.addf %mul3A, %add3A_15 : vector<512x128xf32>
    %swap3A = arith.constant 0 : index
    %swap3A_17 = arith.constant 0 : index
    %swap3A_18 = vector.load %arg6[%swap3A, %swap3A_17] : memref<512x128xf32, #tpu.memory_space<vmem>>, vector<512x128xf32>
    tpu.vector_store %arg6[%swap3A, %swap3A_17], %add3A_16 {strides = array<i32>} : memref<512x128xf32, #tpu.memory_space<vmem>>, vector<512x128xf32>,
    return
  }
  func.func @transform_0(%arg0: i32) -> (i32, i32) {
    %c0_i32 = arith.constant 0 : i32
    %c0_i32_0 = arith.constant 0 : i32
    return %arg0, %c0_i32 : i32, i32
  }
  func.func @transform_1(%arg0: i32) -> (i32, i32) {
    %add3A = arith.constant 10 : i32
    %add3A_0 = arith.addi %arg0, %add3A : i32
    %c0_i32 = arith.constant 0 : i32
    %c0_i32_1 = arith.constant 0 : i32
    return %add3A_0, %c0_i32 : i32, i32
  }
  func.func @transform_2(%arg0: i32) -> (i32, i32) {
    %c0_i32 = arith.constant 0 : i32
    %c0_i32_0 = arith.constant 0 : i32
    return %arg0, %c0_i32 : i32, i32
  }
  func.func @transform_3(%arg0: i32) -> (i32, i32) {
    %c0_i32 = arith.constant 0 : i32
    %c0_i32_0 = arith.constant 0 : i32
    return %arg0, %c0_i32 : i32, i32
  }
  func.func @transform_4(%arg0: i32) -> (i32, i32) {
    %c0_i32 = arith.constant 0 : i32
    %c0_i32_0 = arith.constant 0 : i32
    %c0_i32_1 = arith.constant 0 : i32
    return %c0_i32, %c0_i32_0 : i32, i32
  }
  func.func @transform_5(%arg0: i32) -> (i32, i32) {
    %c0_i32 = arith.constant 0 : i32
    %c0_i32_0 = arith.constant 0 : i32
    return %arg0, %c0_i32 : i32, i32
  }
}

</mosaic_0001>

<sc_bundles>
// kernel: kernel.10.cloned.1.call-start
scs
__scs_entry_jumppad:
0x0: {  	(pc) =	sbr.rel $0x88, $3  }
0x1: {  	(tag) =	ssettag $0x0;
	lr =	simm.s32 $0x1  }
0x2: {  	[smem:$0x3F99] =	sst lr;
	_ =	strace $0xD0000000  }
0x3: {  	_ = 	snop  }
0x4: {  	_ = 	snop  }
0x5: {  	_ = 	snop  }
0x6: {  	_ = 	snop  }
0x7: {  	_ = 	snop  }
__scs_overlays_trampoline_lowered:
0x8: {  	[smem:$0x3FA8] =	sst s0  }
0x9: {  	[smem:$0x3FA9] =	sst s1  }
0xa: {  	[smem:$0x3FAA] =	sst s2  }
0xb: {  	[smem:$0x3FAB] =	sst s3  }
0xc: {  	[smem:$0x3FAC] =	sst s4  }
0xd: {  	[smem:$0x3FAD] =	sst s5  }
0xe: {  	[smem:$0x3FAE] =	sst s6  }
0xf: {  	[smem:$0x3FAF] =	sst s7  }
0x10: {  	[smem:$0x3FB0] =	sst s8  }
0x11: {  	[smem:$0x3FB1] =	sst s9;
	s0 =	simm.s32 @!p0 $0x0  }
0x12: {  	s1 =	sld [smem:$0x3F97];
	s0 =	simm.s32 @p0 $0x1  }
0x13: {  	[smem:$0x3FB2] =	sst s0;
	s0 =	simm.s32 @!p1 $0x0  }
0x14: {  	s2 =	sld [smem:$0x3F96];
	s0 =	simm.s32 @p1 $0x1  }
0x15: {  	[smem:$0x3FB3] =	sst s0;
	s0 =	simm.s32 @!p2 $0x0  }
0x16: {  	s3 =	sld [smem:$0x3FDB];
	s0 =	simm.s32 @p2 $0x1  }
0x17: {  	s4 =	simm.s32 $0x1BF5;
	[smem:$0x3FB5] =	sst s0  }
0x18: {  	s0 =	sld [smem:$0x3F98];
	_ =	swait.ge [sflag:s4], $0x0  }
0x19: {  	s7 =	sld [smem:$0x3F99]  }
0x1a: {  	s8 =	sadd.s32 $0xFFFFE003, lr  }
0x1b: {  	s9 =	sadd.s32 $0xFFFFFEF7, lr;
	s5 =	simm.s32 $0xFFFFFFFF;
	p2 =	slt.u32 s8, $0xFFFFF086  }
0x1c: {  	p1 =	slt.u32 s9, $0xF7A;
	s5 =	simm.s32 @!p2 $0x0  }
0x1d: {  	s5 =	simm.s32 @p1 $0x1;
	p0 =	seq.s32 s7, s2  }
0x1e: {  	s7 =	smul.u32 @!p0 $0xF7A, s2;
	p2 =	seq.s32 @!p0 s5, $0x0  }
0x1f: {  	s9 =	smul.u32 $0xF7A, s1;
	s8 =	simm.s32 @!p0 $0x1BF5;
	p2 =	por !p2, p0  }
0x20: {  	[sflag:s8] =	ssyncset.s32 @!p0 $0xFFFFF086;
	s6 =	sadd.s32 @!p0 s3, s7;
	s7 =	simm.s32 @!p0 $0x108  }
0x21: {  	s3 =	sadd.s32 s3, s9;
	s6 =	sadd.s32 @!p0 $0x88, s6;
	s7 =	simm.s32 @p2 $0x1082  }
0x22: {  	[simem:s7], [sflag:s8] =	dma.local @!p0 [hbm:s6], $0xF7A  }
0x23: {  	s9 =	sor.u32 $0xD0000000, s2;
	s6 =	simm.s32 $0x108;
	_ =	swait.ge @!p0 [sflag:s8], $0x0  }
0x24: {  	s3 =	sadd.s32 $0x88, s3;
	s6 =	simm.s32 @!p1 $0x1082;
	[sflag:s4] =	ssyncset.s32 $0xFFFFF086  }
0x25: {  	[simem:s6], [sflag:s4] =	dma.local [hbm:s3], $0xF7A  }
0x26: {  	[smem:$0x3F99] =	sst s1;
	(tag) =	ssettag s2;
	_ =	strace s9  }
0x27: {  	s1 =	sld [smem:$0x3FA9]  }
0x28: {  	s2 =	sld [smem:$0x3FAA]  }
0x29: {  	s4 =	sld [smem:$0x3FAC]  }
0x2a: {  	p0 =	seq.s32 s5, $0x0;
	s5 =	sld [smem:$0x3FAD]  }
0x2b: {  	s6 =	sld [smem:$0x3FAE]  }
0x2c: {  	s7 =	sld [smem:$0x3FAF]  }
0x2d: {  	s3 =	simm.s32 $0x108;
	s8 =	sld [smem:$0x3FB0]  }
0x2e: {  	s3 =	simm.s32 @!p0 $0x1082;
	s9 =	sld [smem:$0x3FB1]  }
0x2f: {  	lr =	sadd.s32 s0, s3;
	s0 =	sld [smem:$0x3FA8]  }
0x30: {  	s3 =	sld [smem:$0x3FAB]  }
0x31: {  	[smem:$0x3FB4] =	sst s10  }
0x32: {  	s10 =	sld [smem:$0x3FB2];
	_ =	sdelay $0x3  }
0x33: {  	p0 =	seq.s32 s10, $0x1;
	s10 =	sld [smem:$0x3FB4];
	_ =	sdelay $0x3  }
0x34: {  	[smem:$0x3FB4] =	sst s10  }
0x35: {  	s10 =	sld [smem:$0x3FB3];
	_ =	sdelay $0x3  }
0x36: {  	p1 =	seq.s32 s10, $0x1;
	s10 =	sld [smem:$0x3FB4];
	_ =	sdelay $0x3  }
0x37: {  	[smem:$0x3FB4] =	sst s10  }
0x38: {  	s10 =	sld [smem:$0x3FB5]  }
0x39: {  	_ = 	snop;
	(pc) =	sbr.ind lr, $3  }
0x3a: {  	_ = 	snop  }
0x3b: {  	_ = 	snop  }
0x3c: {  	p2 =	seq.s32 s10, $0x1;
	s10 =	sld [smem:$0x3FB4]  }
0x3d: {  	_ =	shalt  }
0x3e: {  	_ =	shalt  }
0x3f: {  	_ =	shalt  }
0x40: {  	_ =	shalt  }
0x41: {  	_ =	shalt  }
0x42: {  	_ =	shalt  }
0x43: {  	_ =	shalt  }
0x44: {  	_ =	shalt  }
0x45: {  	_ =	shalt  }
0x46: {  	_ =	shalt  }
0x47: {  	_ =	shalt  }
0x48: {  	_ =	shalt  }
0x49: {  	_ =	shalt  }
0x4a: {  	_ =	shalt  }
0x4b: {  	_ =	shalt  }
0x4c: {  	_ =	shalt  }
0x4d: {  	_ =	shalt  }
0x4e: {  	_ =	shalt  }
0x4f: {  	_ =	shalt  }
0x50: {  	_ =	shalt  }
0x51: {  	_ =	shalt  }
0x52: {  	_ =	shalt  }
0x53: {  	_ =	shalt  }
0x54: {  	_ =	shalt  }
0x55: {  	_ =	shalt  }
0x56: {  	_ =	shalt  }
0x57: {  	_ =	shalt  }
0x58: {  	_ =	shalt  }
0x59: {  	_ =	shalt  }
0x5a: {  	_ =	shalt  }
0x5b: {  	_ =	shalt  }
0x5c: {  	_ =	shalt  }
0x5d: {  	_ =	shalt  }
0x5e: {  	_ =	shalt  }
0x5f: {  	_ =	shalt  }
0x60: {  	_ =	shalt  }
0x61: {  	_ =	shalt  }
0x62: {  	_ =	shalt  }
0x63: {  	_ =	shalt  }
0x64: {  	_ =	shalt  }
0x65: {  	_ =	shalt  }
0x66: {  	_ =	shalt  }
0x67: {  	_ =	shalt  }
0x68: {  	_ =	shalt  }
0x69: {  	_ =	shalt  }
0x6a: {  	_ =	shalt  }
0x6b: {  	_ =	shalt  }
0x6c: {  	_ =	shalt  }
0x6d: {  	_ =	shalt  }
0x6e: {  	_ =	shalt  }
0x6f: {  	_ =	shalt  }
0x70: {  	_ =	shalt  }
0x71: {  	_ =	shalt  }
0x72: {  	_ =	shalt  }
0x73: {  	_ =	shalt  }
0x74: {  	_ =	shalt  }
0x75: {  	_ =	shalt  }
0x76: {  	_ =	shalt  }
0x77: {  	_ =	shalt  }
0x78: {  	_ =	shalt  }
0x79: {  	_ =	shalt  }
0x7a: {  	_ =	shalt  }
0x7b: {  	_ =	shalt  }
0x7c: {  	_ =	shalt  }
0x7d: {  	_ =	shalt  }
0x7e: {  	_ =	shalt  }
0x7f: {  	_ =	shalt  }
0x80: {  	_ =	shalt  }
0x81: {  	_ =	shalt  }
0x82: {  	_ =	shalt  }
0x83: {  	_ =	shalt  }
0x84: {  	_ =	shalt  }
0x85: {  	_ =	shalt  }
0x86: {  	_ =	shalt  }
0x87: {  	_ =	shalt  }
.Lfunc_end0:
.L_simem_size_0:
called_computation_lowered:
.L_overlay_start_0:
0x88: {  	s2 =	sld [smem:$0x3FD9]  }
0x89: {  	s3 =	sld [smem:$0x3FFE];
	_ =	sdelay $0x1  }
0x8a: {  	s1 =	srdreg.scid  }
0x8b: {  	s0 =	sand.u32 $0x1, s1  }
0x8c: {  	s14 =	sshll.u32 s0, $0xA;
	s2 =	sadd.s32 s3, s2  }
0x8d: {  	s2 =	sadd.s32 s2, s14  }
0x8e: {  	[smem:$0x3FC0] =	sst s2  }
0x8f: {  	_ = 	snop  }
0x90: {  	s2 =	sld [smem:$0x3FD0];
	_ =	sdelay $0x2  }
0x91: {  	s15 =	simm.s32 $0xA;
	s4 =	simm.s32 $0x10  }
0x92: {  	[smem:s4], [sflag:s15] =	dma.local [hbm:s2], $0x1  }
0x93: {  	_ =	swait.eq [sflag:s15], $0x1  }
0x94: {  	[sflag:s15] =	ssyncset.done $0x0  }
0x95: {  	[sflag:s15] =	ssyncadd.s32 $0xFFFFFFFF  }
0x96: {  	s16 =	sld [smem:$0x10];
	(tm) =	ssettm $0x1  }
0x97: {  	s17 =	sld [smem:$0x3FFB];
	_ =	sdelay $0x3  }
0x98: {  	_ =	strace s17  }
0x99: {  	s3 =	sld [smem:$0x3FFC];
	_ =	sdelay $0x3  }
0x9a: {  	_ =	strace s3  }
0x9b: {  	s3 =	sld [smem:$0x3FFD];
	_ =	sdelay $0x3  }
0x9c: {  	_ =	strace s3  }
0x9d: {  	_ =	strace $0x8FFFFFFF  }
0x9e: {  	s18 =	sld [smem:$0x3FDB];
	_ =	sdelay $0x1  }
0x9f: {  	s19 =	simm.s32 $_scs_section_size  }
0xa0: {  	s5 =	simm.s32 $_size__tile_overlayer_lowered;
	s6 =	simm.s32 $_tile_overlayer_lowered  }
0xa1: {  	s22 =	simm.s32 $0x1BFF;
	s21 =	sshll.u32 s6, $0x1;
	s3 =	sadd.s32 s19, s18  }
0xa2: {  	s7 =	simm.s32 $0x0;
	s20 =	sshll.u32 s5, $0x1;
	s5 =	sadd.s32 s21, s3  }
0xa3: {  	[timem:s7], [sflag:s22] =	dma.local [hbm:s5], s20  }
0xa4: {  	_ =	swait.ge [sflag:s22], s20  }
0xa5: {  	s4 =	ssub.s32 $0x0, s20;
	[sflag:s22] =	ssyncset.done $0x0  }
0xa6: {  	[sflag:s22] =	ssyncadd.s32 s4;
	_ =	sdelay $0x1  }
0xa7: {  	s23 =	simm.s32 $0x1B8B  }
0xa8: {  	_ =	swait.ge [sflag:s23], $0x1  }
0xa9: {  	[sflag:s23] =	ssyncset.done $0x0  }
0xaa: {  	s25 =	simm.s32 $0x1B8E;
	s24 =	sld [smem:$0x3FFE];
	[sflag:s23] =	ssyncadd.s32 $0xFFFFFFFF  }
0xab: {  	s26 =	simm.s32 $execute0_lowered;
	[smem:$0x3FD2] =	sst s25  }
0xac: {  	s5 =	sshll.u32 s26, $0x1;
	_ =	strace $0x80000046;
	[dreg:$0x1] =	wrdreg $0xFFFFFFFF  }
0xad: {  	s28 =	simm.s32 $_size_execute0_lowered;
	s3 =	sadd.s32 s3, s5;
	[dreg:$0x0] =	wrdreg $0x0  }
0xae: {  	s5 =	sshll.u32 s28, $0x1;
	[dreg:$0x2] =	wrdreg s3  }
0xaf: {  	[dreg:$0x3] =	wrdreg s5  }
0xb0: {  	[dreg:$0x4] =	wrdreg $0xC0  }
0xb1: {  	_ =	task [dreg:s7], $0x5FFFF  }
0xb2: {  	[dreg:$0x1] =	wrdreg $0xFFFFFFFF  }
0xb3: {  	[dreg:$0x0] =	wrdreg $0x60  }
0xb4: {  	[dreg:$0x2] =	wrdreg s24  }
0xb5: {  	[dreg:$0x3] =	wrdreg s16  }
0xb6: {  	[dreg:$0x4] =	wrdreg $0x2B000  }
0xb7: {  	[dreg:$0x5] =	wrdreg $0x9  }
0xb8: {  	_ =	task.clear_ibuf [dreg:s7], $0x6FFFF;
	_ =	strace $0x90000046  }
0xb9: {  	s29 =	simm.s32 $0x9;
	_ =	strace $0x80000048  }
0xba: {  	_ =	swait.ge [sflag:s29], $0x1  }
0xbb: {  	[sflag:s29] =	ssyncadd.s32 $0xFFFFFFFF  }
0xbc: {  	_ =	strace $0x90000048  }
0xbd: {  	_ =	sfence  }
0xbe: {  	s30 =	sld [smem:$0x0];
	_ =	sdelay $0x2  }
0xbf: {  	s31 =	sshll.u32 s1, $0xD;
	s1 =	sshrl.u32 s1, $0x2  }
0xc0: {  	s3 =	sand.u32 $0x4000, s31;
	s1 =	sadd.s32 s1, s30  }
0xc1: {  	s0 =	sor.u32 s3, s0;
	s1 =	sshll.u32 s1, $0x11  }
0xc2: {  	s0 =	sor.u32 s1, s0  }
0xc3: {  	s0 =	sadd.s32 $0x8F2B, s0  }
0xc4: {  	[sflag:s0] =	ssyncadd.remote.s32 $0x1  }
0xc5: {  	_ =	sfence.sel $0xFFFF  }
0xc6: {  	[dreg:$0x0] =	wrdreg $0xFFFFFFFF;
	(pc) =	sbr.abs _section_cstart, $3  }
0xc7: {  	[dreg:$0x1] =	wrdreg $0xFFFFFFFF  }
0xc8: {  	_ =	task.clear_ibuf [dreg:s7], $0x2FFFF;
	_ =	strace $0x9FFFFFFF  }
0xc9: {  	(tm) =	ssettm $0x7FFFFFFF  }
tec
execute0_lowered:
.L_overlay_start_1:
0x0: {  	(tag) =	ssettag $0x1  }
0x1: {  	s5 =	rddreg [dreg:$0x0]  }
0x2: {  	s6 =	rddreg [dreg:$0x1]  }
0x3: {  	s0 =	srdreg.scid;
	s2 =	rddreg [dreg:$0x2];
	s3 =	simm.s32 $0x0  }
0x4: {  	s11 =	simm.s32 $0x80;
	s4 =	sand.u32 $0x1, s0;
	s0 =	stileid.u32  }
0x5: {  	s12 =	simm.s32 $0x2800;
	s15 =	simm.s32 $0x0;
	s8 =	smul.u32 $0x280, s0  }
0x6: {  	[smem:$0x7FF] =	sst s3;
	s1 =	sshll.u32 s4, $0x4;
	s9 =	smul.u32 $0x2800, s4  }
0x7: {  	s4 =	ssub.s32 $0x2, s4;
	s13 =	sshll.u32 s0, $0x6;
	s1 =	sor.u32 s0, s1  }
0x8: {  	s10 =	sshrl.u32 s4, $0x1;
	s13 =	sor.u32 $0x1C02, s13;
	s7 =	smul.u32 $0x2800, s1  }
0x9: {  	s1 =	rddreg [dreg:$0x3];
	_ =	strace $0x80000047;
	s30 =	sadd.s32 s8, s9  }
0xa: {  	s31 =	ssub.s32 s4, s10;
	s9 =	simm.s32 $0x2;
	s7 =	sshrl.u32 s7, $0x3  }
0xb: {  	s10 =	simm.s32 $0x1;
	s5 =	sadd.s32 s5, s7;
	s7 =	sshrl.u32 s30, $0x3  }
0xc: {  	s4 =	sadd.s32 $0xDE00, s5;
	s5 =	sadd.s32 s8, s2;
	s6 =	sadd.s32 s6, s7  }
0xd: {  	v0 =	vimm.f32 $1.000000000e+00;
	v1 =	vimm.f32 $0.0e+00;
	s7 =	smax.u32 s31, $0x1;
	s8 =	simm.s32 $0x2880;
	s14 =	sshrl.u32 s5, $0x3  }
.LBB2_1:
0xe: {  	[tilespmem:s3], [sflag:$0x1] =	stream.linear.gather [hbm4b:s4+s3], $0x2800, $0x38;
	[tilespmem:$0x2D80] =	vst v63  }
0xf: {  	[tilespmem:$0x2800] =	vst v0  }
0x10: {  	[tilespmem:$0x2810] =	vst v0  }
0x11: {  	[tilespmem:$0x2820] =	vst v0  }
0x12: {  	[tilespmem:$0x2830] =	vst v0  }
0x13: {  	[tilespmem:$0x2840] =	vst v0  }
0x14: {  	[tilespmem:$0x2850] =	vst v0  }
0x15: {  	[tilespmem:$0x2860] =	vst v0  }
0x16: {  	[tilespmem:$0x2870] =	vst v0  }
0x17: {  	[tilespmem:$0x2880] =	vst v1  }
0x18: {  	[tilespmem:$0x2890] =	vst v1  }
0x19: {  	[tilespmem:$0x28A0] =	vst v1  }
0x1a: {  	[tilespmem:$0x28B0] =	vst v1  }
0x1b: {  	[tilespmem:$0x28C0] =	vst v1  }
0x1c: {  	[tilespmem:$0x28D0] =	vst v1  }
0x1d: {  	[tilespmem:$0x28E0] =	vst v1  }
0x1e: {  	[tilespmem:$0x28F0] =	vst v1  }
0x1f: {  	[tilespmem:$0x2900] =	vst v1  }
0x20: {  	[tilespmem:$0x2910] =	vst v1  }
0x21: {  	[tilespmem:$0x2920] =	vst v1  }
0x22: {  	[tilespmem:$0x2930] =	vst v1  }
0x23: {  	[tilespmem:$0x2940] =	vst v1  }
0x24: {  	[tilespmem:$0x2950] =	vst v1  }
0x25: {  	[tilespmem:$0x2960] =	vst v1  }
0x26: {  	[tilespmem:$0x2970] =	vst v1  }
0x27: {  	[tilespmem:$0x2980] =	vst v1  }
0x28: {  	[tilespmem:$0x2990] =	vst v1  }
0x29: {  	[tilespmem:$0x29A0] =	vst v1  }
0x2a: {  	[tilespmem:$0x29B0] =	vst v1  }
0x2b: {  	[tilespmem:$0x29C0] =	vst v1  }
0x2c: {  	[tilespmem:$0x29D0] =	vst v1  }
0x2d: {  	[tilespmem:$0x29E0] =	vst v1  }
0x2e: {  	[tilespmem:$0x29F0] =	vst v1  }
0x2f: {  	[tilespmem:$0x2A00] =	vst v1  }
0x30: {  	[tilespmem:$0x2A10] =	vst v1  }
0x31: {  	[tilespmem:$0x2A20] =	vst v1  }
0x32: {  	[tilespmem:$0x2A30] =	vst v1  }
0x33: {  	[tilespmem:$0x2A40] =	vst v1  }
0x34: {  	[tilespmem:$0x2A50] =	vst v1  }
0x35: {  	[tilespmem:$0x2A60] =	vst v1  }
0x36: {  	[tilespmem:$0x2A70] =	vst v1  }
0x37: {  	[tilespmem:$0x2A80] =	vst v1  }
0x38: {  	[tilespmem:$0x2A90] =	vst v1  }
0x39: {  	[tilespmem:$0x2AA0] =	vst v1  }
0x3a: {  	[tilespmem:$0x2AB0] =	vst v1  }
0x3b: {  	[tilespmem:$0x2AC0] =	vst v1  }
0x3c: {  	[tilespmem:$0x2AD0] =	vst v1  }
0x3d: {  	[tilespmem:$0x2AE0] =	vst v1  }
0x3e: {  	[tilespmem:$0x2AF0] =	vst v1  }
0x3f: {  	[spmem:s5] =	stream.linear.scatter [tilespmem:s8], [sflag:$0x2], $0x280, $0x38;
	[tilespmem:$0x2D80] =	vst v63  }
0x40: {  	_ =	swait.ge [sflag:s9], $0x280  }
0x41: {  	[sflag:s9] =	ssyncset.done $0x0  }
0x42: {  	[sflag:s9] =	ssyncadd.s32 $0xFFFFFD80  }
0x43: {  	_ =	swait.ge [sflag:s10], $0x2800  }
0x44: {  	[sflag:s10] =	ssyncset.done $0x0  }
0x45: {  	[sflag:s10] =	ssyncadd.s32 $0xFFFFD800  }
0x46: {  	s16 =	simm.s32 $0x0;
	[bflag:$0x0] =	sbarrier.arrive $0xFFFF  }
0x47: {  	[spmem:s2] =	stream.indirect.scatter.add.f32 [tilespmem:s12], [sflag:$0x2], $0x1, s16, s11, $0xb8;
	[tilespmem:$0x2D80] =	vst v63  }
0x48: {  	_ =	swait.ge [sflag:s9], $0x80  }
0x49: {  	[sflag:s9] =	ssyncset.done $0x0  }
0x4a: {  	s24 =	simm.s32 $0x80;
	[sflag:s9] =	ssyncadd.s32 $0xFFFFFF80  }
0x4b: {  	[spmem:s2] =	stream.indirect.scatter.add.f32 [tilespmem:s12], [sflag:$0x2], $0x1, s24, s11, $0xb8;
	[tilespmem:$0x2D80] =	vst v63  }
0x4c: {  	_ =	swait.ge [sflag:s9], $0x80  }
0x4d: {  	[sflag:s9] =	ssyncset.done $0x0  }
0x4e: {  	s25 =	simm.s32 $0x100;
	[sflag:s9] =	ssyncadd.s32 $0xFFFFFF80  }
0x4f: {  	[spmem:s2] =	stream.indirect.scatter.add.f32 [tilespmem:s12], [sflag:$0x2], $0x1, s25, s11, $0xb8;
	[tilespmem:$0x2D80] =	vst v63  }
0x50: {  	_ =	swait.ge [sflag:s9], $0x80  }
0x51: {  	[sflag:s9] =	ssyncset.done $0x0  }
0x52: {  	s26 =	simm.s32 $0x180;
	[sflag:s9] =	ssyncadd.s32 $0xFFFFFF80  }
0x53: {  	[spmem:s2] =	stream.indirect.scatter.add.f32 [tilespmem:s12], [sflag:$0x2], $0x1, s26, s11, $0xb8;
	[tilespmem:$0x2D80] =	vst v63  }
0x54: {  	_ =	swait.ge [sflag:s9], $0x80  }
0x55: {  	[sflag:s9] =	ssyncset.done $0x0  }
0x56: {  	s28 =	simm.s32 $0x200;
	[sflag:s9] =	ssyncadd.s32 $0xFFFFFF80  }
0x57: {  	[spmem:s2] =	stream.indirect.scatter.add.f32 [tilespmem:s12], [sflag:$0x2], $0x1, s28, s11, $0xb8;
	[tilespmem:$0x2D80] =	vst v63  }
0x58: {  	_ =	swait.ge [sflag:s9], $0x80  }
0x59: {  	[sflag:s9] =	ssyncset.done $0x0  }
0x5a: {  	s29 =	simm.s32 $0x280;
	[sflag:s9] =	ssyncadd.s32 $0xFFFFFF80  }
0x5b: {  	[spmem:s2] =	stream.indirect.scatter.add.f32 [tilespmem:s12], [sflag:$0x2], $0x1, s29, s11, $0xb8;
	[tilespmem:$0x2D80] =	vst v63  }
0x5c: {  	_ =	swait.ge [sflag:s9], $0x80  }
0x5d: {  	[sflag:s9] =	ssyncset.done $0x0  }
0x5e: {  	s30 =	simm.s32 $0x300;
	[sflag:s9] =	ssyncadd.s32 $0xFFFFFF80  }
0x5f: {  	[spmem:s2] =	stream.indirect.scatter.add.f32 [tilespmem:s12], [sflag:$0x2], $0x1, s30, s11, $0xb8;
	[tilespmem:$0x2D80] =	vst v63  }
0x60: {  	_ =	swait.ge [sflag:s9], $0x80  }
0x61: {  	[sflag:s9] =	ssyncset.done $0x0  }
0x62: {  	s31 =	simm.s32 $0x380;
	[sflag:s9] =	ssyncadd.s32 $0xFFFFFF80  }
0x63: {  	[spmem:s2] =	stream.indirect.scatter.add.f32 [tilespmem:s12], [sflag:$0x2], $0x1, s31, s11, $0xb8;
	[tilespmem:$0x2D80] =	vst v63  }
0x64: {  	_ =	swait.ge [sflag:s9], $0x80  }
0x65: {  	s19 =	simm.s32 $0x2000;
	s16 =	simm.s32 $0x1000;
	[sflag:s9] =	ssyncset.done $0x0  }
.LBB2_2:
0x66: {  	s18 =	sshra.s32 s16, $0x2  }
0x67: {  	[sflag:s9] =	ssyncadd.s32 $0xFFFFFF80;
	s16 =	smov.u32 s19;
	s17 =	sadd.s32 $0x1000, s19  }
0x68: {  	[spmem:s2] =	stream.indirect.scatter.add.f32 [tilespmem:s12], [sflag:$0x2], $0x1, s18, s11, $0xb8;
	[tilespmem:$0x2D80] =	vst v63  }
0x69: {  	p0 =	sne.s32 s19, $0x9000;
	_ =	swait.ge [sflag:s9], $0x80  }
0x6a: {  	[sflag:s9] =	ssyncset.done $0x0  }
0x6b: {  	s19 =	sadd.s32 $0x80, s18;
	[sflag:s9] =	ssyncadd.s32 $0xFFFFFF80  }
0x6c: {  	[spmem:s2] =	stream.indirect.scatter.add.f32 [tilespmem:s12], [sflag:$0x2], $0x1, s19, s11, $0xb8;
	[tilespmem:$0x2D80] =	vst v63  }
0x6d: {  	_ =	swait.ge [sflag:s9], $0x80  }
0x6e: {  	[sflag:s9] =	ssyncset.done $0x0  }
0x6f: {  	s19 =	sadd.s32 $0x100, s18;
	[sflag:s9] =	ssyncadd.s32 $0xFFFFFF80  }
0x70: {  	[spmem:s2] =	stream.indirect.scatter.add.f32 [tilespmem:s12], [sflag:$0x2], $0x1, s19, s11, $0xb8;
	[tilespmem:$0x2D80] =	vst v63  }
0x71: {  	_ =	swait.ge [sflag:s9], $0x80  }
0x72: {  	[sflag:s9] =	ssyncset.done $0x0  }
0x73: {  	s19 =	sadd.s32 $0x180, s18;
	[sflag:s9] =	ssyncadd.s32 $0xFFFFFF80  }
0x74: {  	[spmem:s2] =	stream.indirect.scatter.add.f32 [tilespmem:s12], [sflag:$0x2], $0x1, s19, s11, $0xb8;
	[tilespmem:$0x2D80] =	vst v63  }
0x75: {  	_ =	swait.ge [sflag:s9], $0x80  }
0x76: {  	[sflag:s9] =	ssyncset.done $0x0  }
0x77: {  	s19 =	sadd.s32 $0x200, s18;
	[sflag:s9] =	ssyncadd.s32 $0xFFFFFF80  }
0x78: {  	[spmem:s2] =	stream.indirect.scatter.add.f32 [tilespmem:s12], [sflag:$0x2], $0x1, s19, s11, $0xb8;
	[tilespmem:$0x2D80] =	vst v63  }
0x79: {  	_ =	swait.ge [sflag:s9], $0x80  }
0x7a: {  	[sflag:s9] =	ssyncset.done $0x0  }
0x7b: {  	s19 =	sadd.s32 $0x280, s18;
	[sflag:s9] =	ssyncadd.s32 $0xFFFFFF80  }
0x7c: {  	[spmem:s2] =	stream.indirect.scatter.add.f32 [tilespmem:s12], [sflag:$0x2], $0x1, s19, s11, $0xb8;
	[tilespmem:$0x2D80] =	vst v63  }
0x7d: {  	_ =	swait.ge [sflag:s9], $0x80  }
0x7e: {  	[sflag:s9] =	ssyncset.done $0x0  }
0x7f: {  	s19 =	sadd.s32 $0x300, s18;
	[sflag:s9] =	ssyncadd.s32 $0xFFFFFF80  }
0x80: {  	[spmem:s2] =	stream.indirect.scatter.add.f32 [tilespmem:s12], [sflag:$0x2], $0x1, s19, s11, $0xb8;
	[tilespmem:$0x2D80] =	vst v63  }
0x81: {  	_ =	swait.ge [sflag:s9], $0x80  }
.Ltmp0:
0x82: {  	[sflag:s9] =	ssyncset.done $0x0;
	(pc) =	sbr.rel @p0 .LBB2_2-.Ltmp0, $4  }
0x83: {  	s18 =	sadd.s32 $0x380, s18;
	[sflag:s9] =	ssyncadd.s32 $0xFFFFFF80  }
0x84: {  	[spmem:s2] =	stream.indirect.scatter.add.f32 [tilespmem:s12], [sflag:$0x2], $0x1, s18, s11, $0xb8;
	[tilespmem:$0x2D80] =	vst v63  }
0x85: {  	_ =	swait.ge [sflag:s9], $0x80  }
0x86: {  	s19 =	smov.u32 s17;
	[sflag:s9] =	ssyncset.done $0x0  }
0x87: {  	s16 =	sshra.s32 s16, $0x2;
	[sflag:s9] =	ssyncadd.s32 $0xFFFFFF80  }
0x88: {  	[spmem:s2] =	stream.indirect.scatter.add.f32 [tilespmem:s12], [sflag:$0x2], $0x1, s16, s11, $0xb8;
	[tilespmem:$0x2D80] =	vst v63  }
0x89: {  	_ =	swait.ge [sflag:s9], $0x80  }
0x8a: {  	[sflag:s9] =	ssyncset.done $0x0  }
0x8b: {  	s17 =	sadd.s32 $0x80, s16;
	[sflag:s9] =	ssyncadd.s32 $0xFFFFFF80  }
0x8c: {  	[spmem:s2] =	stream.indirect.scatter.add.f32 [tilespmem:s12], [sflag:$0x2], $0x1, s17, s11, $0xb8;
	[tilespmem:$0x2D80] =	vst v63  }
0x8d: {  	_ =	swait.ge [sflag:s9], $0x80  }
0x8e: {  	[sflag:s9] =	ssyncset.done $0x0  }
0x8f: {  	s26 =	sadd.s32 $0x100, s16;
	[sflag:s9] =	ssyncadd.s32 $0xFFFFFF80  }
0x90: {  	[spmem:s2] =	stream.indirect.scatter.add.f32 [tilespmem:s12], [sflag:$0x2], $0x1, s26, s11, $0xb8;
	[tilespmem:$0x2D80] =	vst v63  }
0x91: {  	_ =	swait.ge [sflag:s9], $0x80  }
0x92: {  	[sflag:s9] =	ssyncset.done $0x0  }
0x93: {  	s28 =	sadd.s32 $0x180, s16;
	[sflag:s9] =	ssyncadd.s32 $0xFFFFFF80  }
0x94: {  	[spmem:s2] =	stream.indirect.scatter.add.f32 [tilespmem:s12], [sflag:$0x2], $0x1, s28, s11, $0xb8;
	[tilespmem:$0x2D80] =	vst v63  }
0x95: {  	_ =	swait.ge [sflag:s9], $0x80  }
0x96: {  	[sflag:s9] =	ssyncset.done $0x0  }
0x97: {  	s29 =	sadd.s32 $0x200, s16;
	[sflag:s9] =	ssyncadd.s32 $0xFFFFFF80  }
0x98: {  	[spmem:s2] =	stream.indirect.scatter.add.f32 [tilespmem:s12], [sflag:$0x2], $0x1, s29, s11, $0xb8;
	[tilespmem:$0x2D80] =	vst v63  }
0x99: {  	_ =	swait.ge [sflag:s9], $0x80  }
0x9a: {  	[sflag:s9] =	ssyncset.done $0x0  }
0x9b: {  	s30 =	sadd.s32 $0x280, s16;
	[sflag:s9] =	ssyncadd.s32 $0xFFFFFF80  }
0x9c: {  	[spmem:s2] =	stream.indirect.scatter.add.f32 [tilespmem:s12], [sflag:$0x2], $0x1, s30, s11, $0xb8;
	[tilespmem:$0x2D80] =	vst v63  }
0x9d: {  	_ =	swait.ge [sflag:s9], $0x80  }
0x9e: {  	[sflag:s9] =	ssyncset.done $0x0  }
0x9f: {  	s31 =	sadd.s32 $0x300, s16;
	[sflag:s9] =	ssyncadd.s32 $0xFFFFFF80  }
0xa0: {  	[spmem:s2] =	stream.indirect.scatter.add.f32 [tilespmem:s12], [sflag:$0x2], $0x1, s31, s11, $0xb8;
	[tilespmem:$0x2D80] =	vst v63  }
0xa1: {  	_ =	swait.ge [sflag:s9], $0x80  }
0xa2: {  	[sflag:s9] =	ssyncset.done $0x0  }
0xa3: {  	s16 =	sadd.s32 $0x380, s16;
	[sflag:s9] =	ssyncadd.s32 $0xFFFFFF80  }
0xa4: {  	[spmem:s2] =	stream.indirect.scatter.add.f32 [tilespmem:s12], [sflag:$0x2], $0x1, s16, s11, $0xb8;
	[tilespmem:$0x2D80] =	vst v63  }
0xa5: {  	_ =	swait.ge [sflag:s9], $0x80  }
0xa6: {  	s15 =	sadd.s32 $0x1, s15;
	[sflag:s9] =	ssyncset.done $0x0  }
0xa7: {  	p0 =	sne.s32 s15, s7;
	[sflag:s9] =	ssyncadd.s32 $0xFFFFFF80  }
.Ltmp1:
0xa8: {  	[bflag:$0x0] =	sbarrier.arrive $0xFFFF;
	(pc) =	sbr.rel @p0 .LBB2_1-.Ltmp1, $4  }
0xa9: {  	[hbm:s6], [sflag:s13] =	dma.local [spmem:s14], $0x50  }
0xaa: {  	_ =	swait.ge [sflag:s9], $0x50  }
0xab: {  	[sflag:s9] =	ssyncset.done $0x0  }
0xac: {  	[sflag:s9] =	ssyncadd.s32 $0xFFFFFFB0  }
0xad: {  	_ =	sfence.sel $0x180000  }
0xae: {  	[bflag:$0x0] =	sbarrier.arrive $0xFFFF  }
0xaf: {  	p0 =	sne.s32 s0, $0x0;
	_ =	strace $0x90000047  }
0xb0: {  	s0 =	sadd.s32 @!p0 $0x100000, s1;
	[bflag:$0x2] =	sbarrier.arrive $0xFFFF  }
0xb1: {  	[sflag:s0] =	ssyncadd.tile.s32 @!p0 $0x1;
	_ =	shalt  }
.Lfunc_end2:
_tile_overlayer_lowered:
.L_overlay_start_2:
0xb2: {  	(tag) =	ssettag $0x2  }
0xb3: {  	s0 =	rddreg [dreg:$0x0];
	s2 =	stileid.u32  }
0xb4: {  	s1 =	rddreg [dreg:$0x1];
	p0 =	sne.s32 s2, $0x0  }
0xb5: {  	s3 =	rddreg [dreg:$0x2];
	[bflag:$0x3] =	sbarrier.arrive $0xFFFF;
	s2 =	simm.s32 @!p0 $0x1C02  }
0xb6: {  	[timem:s3], [sflag:s2] =	dma.local @!p0 [hbm:s0], s1  }
0xb7: {  	s0 =	simm.s32 @!p0 $0x2  }
0xb8: {  	_ =	swait.ge @!p0 [sflag:s0], s1  }
0xb9: {  	s1 =	ssub.s32 @!p0 $0x0, s1;
	[sflag:s0] =	ssyncset.done @!p0 $0x0  }
0xba: {  	[sflag:s0] =	ssyncadd.s32 @!p0 s1  }
0xbb: {  	[bflag:$0x3] =	sbarrier.arrive $0xFFFF  }
0xbc: {  	_ =	shalt  }

// kernel: kernel.13.cloned.1.call-start
scs
__scs_entry_jumppad:
0x0: {  	(pc) =	sbr.rel $0x88, $3  }
0x1: {  	(tag) =	ssettag $0x0;
	lr =	simm.s32 $0x1  }
0x2: {  	[smem:$0x3F99] =	sst lr;
	_ =	strace $0xD0000000  }
0x3: {  	_ = 	snop  }
0x4: {  	_ = 	snop  }
0x5: {  	_ = 	snop  }
0x6: {  	_ = 	snop  }
0x7: {  	_ = 	snop  }
__scs_overlays_trampoline_lowered:
0x8: {  	[smem:$0x3FA8] =	sst s0  }
0x9: {  	[smem:$0x3FA9] =	sst s1  }
0xa: {  	[smem:$0x3FAA] =	sst s2  }
0xb: {  	[smem:$0x3FAB] =	sst s3  }
0xc: {  	[smem:$0x3FAC] =	sst s4  }
0xd: {  	[smem:$0x3FAD] =	sst s5  }
0xe: {  	[smem:$0x3FAE] =	sst s6  }
0xf: {  	[smem:$0x3FAF] =	sst s7  }
0x10: {  	[smem:$0x3FB0] =	sst s8  }
0x11: {  	[smem:$0x3FB1] =	sst s9;
	s0 =	simm.s32 @!p0 $0x0  }
0x12: {  	s1 =	sld [smem:$0x3F97];
	s0 =	simm.s32 @p0 $0x1  }
0x13: {  	[smem:$0x3FB2] =	sst s0;
	s0 =	simm.s32 @!p1 $0x0  }
0x14: {  	s2 =	sld [smem:$0x3F96];
	s0 =	simm.s32 @p1 $0x1  }
0x15: {  	[smem:$0x3FB3] =	sst s0;
	s0 =	simm.s32 @!p2 $0x0  }
0x16: {  	s3 =	sld [smem:$0x3FDB];
	s0 =	simm.s32 @p2 $0x1  }
0x17: {  	s4 =	simm.s32 $0x1BF5;
	[smem:$0x3FB5] =	sst s0  }
0x18: {  	s0 =	sld [smem:$0x3F98];
	_ =	swait.ge [sflag:s4], $0x0  }
0x19: {  	s7 =	sld [smem:$0x3F99]  }
0x1a: {  	s8 =	sadd.s32 $0xFFFFE003, lr  }
0x1b: {  	s9 =	sadd.s32 $0xFFFFFEF7, lr;
	s5 =	simm.s32 $0xFFFFFFFF;
	p2 =	slt.u32 s8, $0xFFFFF086  }
0x1c: {  	p1 =	slt.u32 s9, $0xF7A;
	s5 =	simm.s32 @!p2 $0x0  }
0x1d: {  	s5 =	simm.s32 @p1 $0x1;
	p0 =	seq.s32 s7, s2  }
0x1e: {  	s7 =	smul.u32 @!p0 $0xF7A, s2;
	p2 =	seq.s32 @!p0 s5, $0x0  }
0x1f: {  	s9 =	smul.u32 $0xF7A, s1;
	s8 =	simm.s32 @!p0 $0x1BF5;
	p2 =	por !p2, p0  }
0x20: {  	[sflag:s8] =	ssyncset.s32 @!p0 $0xFFFFF086;
	s6 =	sadd.s32 @!p0 s3, s7;
	s7 =	simm.s32 @!p0 $0x108  }
0x21: {  	s3 =	sadd.s32 s3, s9;
	s6 =	sadd.s32 @!p0 $0x88, s6;
	s7 =	simm.s32 @p2 $0x1082  }
0x22: {  	[simem:s7], [sflag:s8] =	dma.local @!p0 [hbm:s6], $0xF7A  }
0x23: {  	s9 =	sor.u32 $0xD0000000, s2;
	s6 =	simm.s32 $0x108;
	_ =	swait.ge @!p0 [sflag:s8], $0x0  }
0x24: {  	s3 =	sadd.s32 $0x88, s3;
	s6 =	simm.s32 @!p1 $0x1082;
	[sflag:s4] =	ssyncset.s32 $0xFFFFF086  }
0x25: {  	[simem:s6], [sflag:s4] =	dma.local [hbm:s3], $0xF7A  }
0x26: {  	[smem:$0x3F99] =	sst s1;
	(tag) =	ssettag s2;
	_ =	strace s9  }
0x27: {  	s1 =	sld [smem:$0x3FA9]  }
0x28: {  	s2 =	sld [smem:$0x3FAA]  }
0x29: {  	s4 =	sld [smem:$0x3FAC]  }
0x2a: {  	p0 =	seq.s32 s5, $0x0;
	s5 =	sld [smem:$0x3FAD]  }
0x2b: {  	s6 =	sld [smem:$0x3FAE]  }
0x2c: {  	s7 =	sld [smem:$0x3FAF]  }
0x2d: {  	s3 =	simm.s32 $0x108;
	s8 =	sld [smem:$0x3FB0]  }
0x2e: {  	s3 =	simm.s32 @!p0 $0x1082;
	s9 =	sld [smem:$0x3FB1]  }
0x2f: {  	lr =	sadd.s32 s0, s3;
	s0 =	sld [smem:$0x3FA8]  }
0x30: {  	s3 =	sld [smem:$0x3FAB]  }
0x31: {  	[smem:$0x3FB4] =	sst s10  }
0x32: {  	s10 =	sld [smem:$0x3FB2];
	_ =	sdelay $0x3  }
0x33: {  	p0 =	seq.s32 s10, $0x1;
	s10 =	sld [smem:$0x3FB4];
	_ =	sdelay $0x3  }
0x34: {  	[smem:$0x3FB4] =	sst s10  }
0x35: {  	s10 =	sld [smem:$0x3FB3];
	_ =	sdelay $0x3  }
0x36: {  	p1 =	seq.s32 s10, $0x1;
	s10 =	sld [smem:$0x3FB4];
	_ =	sdelay $0x3  }
0x37: {  	[smem:$0x3FB4] =	sst s10  }
0x38: {  	s10 =	sld [smem:$0x3FB5]  }
0x39: {  	_ = 	snop;
	(pc) =	sbr.ind lr, $3  }
0x3a: {  	_ = 	snop  }
0x3b: {  	_ = 	snop  }
0x3c: {  	p2 =	seq.s32 s10, $0x1;
	s10 =	sld [smem:$0x3FB4]  }
0x3d: {  	_ =	shalt  }
0x3e: {  	_ =	shalt  }
0x3f: {  	_ =	shalt  }
0x40: {  	_ =	shalt  }
0x41: {  	_ =	shalt  }
0x42: {  	_ =	shalt  }
0x43: {  	_ =	shalt  }
0x44: {  	_ =	shalt  }
0x45: {  	_ =	shalt  }
0x46: {  	_ =	shalt  }
0x47: {  	_ =	shalt  }
0x48: {  	_ =	shalt  }
0x49: {  	_ =	shalt  }
0x4a: {  	_ =	shalt  }
0x4b: {  	_ =	shalt  }
0x4c: {  	_ =	shalt  }
0x4d: {  	_ =	shalt  }
0x4e: {  	_ =	shalt  }
0x4f: {  	_ =	shalt  }
0x50: {  	_ =	shalt  }
0x51: {  	_ =	shalt  }
0x52: {  	_ =	shalt  }
0x53: {  	_ =	shalt  }
0x54: {  	_ =	shalt  }
0x55: {  	_ =	shalt  }
0x56: {  	_ =	shalt  }
0x57: {  	_ =	shalt  }
0x58: {  	_ =	shalt  }
0x59: {  	_ =	shalt  }
0x5a: {  	_ =	shalt  }
0x5b: {  	_ =	shalt  }
0x5c: {  	_ =	shalt  }
0x5d: {  	_ =	shalt  }
0x5e: {  	_ =	shalt  }
0x5f: {  	_ =	shalt  }
0x60: {  	_ =	shalt  }
0x61: {  	_ =	shalt  }
0x62: {  	_ =	shalt  }
0x63: {  	_ =	shalt  }
0x64: {  	_ =	shalt  }
0x65: {  	_ =	shalt  }
0x66: {  	_ =	shalt  }
0x67: {  	_ =	shalt  }
0x68: {  	_ =	shalt  }
0x69: {  	_ =	shalt  }
0x6a: {  	_ =	shalt  }
0x6b: {  	_ =	shalt  }
0x6c: {  	_ =	shalt  }
0x6d: {  	_ =	shalt  }
0x6e: {  	_ =	shalt  }
0x6f: {  	_ =	shalt  }
0x70: {  	_ =	shalt  }
0x71: {  	_ =	shalt  }
0x72: {  	_ =	shalt  }
0x73: {  	_ =	shalt  }
0x74: {  	_ =	shalt  }
0x75: {  	_ =	shalt  }
0x76: {  	_ =	shalt  }
0x77: {  	_ =	shalt  }
0x78: {  	_ =	shalt  }
0x79: {  	_ =	shalt  }
0x7a: {  	_ =	shalt  }
0x7b: {  	_ =	shalt  }
0x7c: {  	_ =	shalt  }
0x7d: {  	_ =	shalt  }
0x7e: {  	_ =	shalt  }
0x7f: {  	_ =	shalt  }
0x80: {  	_ =	shalt  }
0x81: {  	_ =	shalt  }
0x82: {  	_ =	shalt  }
0x83: {  	_ =	shalt  }
0x84: {  	_ =	shalt  }
0x85: {  	_ =	shalt  }
0x86: {  	_ =	shalt  }
0x87: {  	_ =	shalt  }
.Lfunc_end0:
.L_simem_size_0:
called_computation.1_lowered:
.L_overlay_start_0:
0x88: {  	s2 =	sld [smem:$0x3FD9]  }
0x89: {  	s3 =	sld [smem:$0x3FFE];
	_ =	sdelay $0x1  }
0x8a: {  	s1 =	srdreg.scid  }
0x8b: {  	s0 =	sand.u32 $0x1, s1  }
0x8c: {  	s16 =	sshll.u32 s0, $0xA;
	s2 =	sadd.s32 s3, s2  }
0x8d: {  	s2 =	sadd.s32 s2, s16  }
0x8e: {  	[smem:$0x3FC0] =	sst s2  }
0x8f: {  	_ = 	snop  }
0x90: {  	(tm) =	ssettm $0x1  }
0x91: {  	s17 =	sld [smem:$0x3FFB];
	_ =	sdelay $0x3  }
0x92: {  	_ =	strace s17  }
0x93: {  	s2 =	sld [smem:$0x3FFC];
	_ =	sdelay $0x3  }
0x94: {  	_ =	strace s2  }
0x95: {  	s2 =	sld [smem:$0x3FFD];
	_ =	sdelay $0x3  }
0x96: {  	_ =	strace s2  }
0x97: {  	_ =	strace $0x8FFFFFFF  }
0x98: {  	s18 =	sld [smem:$0x3FDB];
	_ =	sdelay $0x1  }
0x99: {  	s19 =	simm.s32 $_scs_section_size  }
0x9a: {  	s4 =	simm.s32 $_size__tile_overlayer_lowered;
	s5 =	simm.s32 $_tile_overlayer_lowered  }
0x9b: {  	s22 =	simm.s32 $0x1BFF;
	s21 =	sshll.u32 s5, $0x1;
	s2 =	sadd.s32 s19, s18  }
0x9c: {  	s6 =	simm.s32 $0x0;
	s20 =	sshll.u32 s4, $0x1;
	s4 =	sadd.s32 s21, s2  }
0x9d: {  	[timem:s6], [sflag:s22] =	dma.local [hbm:s4], s20  }
0x9e: {  	_ =	swait.ge [sflag:s22], s20  }
0x9f: {  	s3 =	ssub.s32 $0x0, s20;
	[sflag:s22] =	ssyncset.done $0x0  }
0xa0: {  	[sflag:s22] =	ssyncadd.s32 s3;
	_ =	sdelay $0x1  }
0xa1: {  	s23 =	simm.s32 $0x1B8B  }
0xa2: {  	_ =	swait.ge [sflag:s23], $0x1  }
0xa3: {  	[sflag:s23] =	ssyncset.done $0x0  }
0xa4: {  	s25 =	simm.s32 $0x1B8E;
	s24 =	sld [smem:$0x3FFE];
	[sflag:s23] =	ssyncadd.s32 $0xFFFFFFFF  }
0xa5: {  	s26 =	simm.s32 $execute0_lowered;
	[smem:$0x3FD2] =	sst s25  }
0xa6: {  	s4 =	sshll.u32 s26, $0x1;
	_ =	strace $0x80000049;
	[dreg:$0x1] =	wrdreg $0xFFFFFFFF  }
0xa7: {  	s28 =	simm.s32 $_size_execute0_lowered;
	s2 =	sadd.s32 s2, s4;
	[dreg:$0x0] =	wrdreg $0x0  }
0xa8: {  	s4 =	sshll.u32 s28, $0x1;
	[dreg:$0x2] =	wrdreg s2  }
0xa9: {  	[dreg:$0x3] =	wrdreg s4  }
0xaa: {  	[dreg:$0x4] =	wrdreg $0xC0  }
0xab: {  	_ =	task [dreg:s6], $0x5FFFF  }
0xac: {  	[dreg:$0x1] =	wrdreg $0xFFFFFFFF  }
0xad: {  	[dreg:$0x0] =	wrdreg $0x60  }
0xae: {  	[dreg:$0x2] =	wrdreg s24  }
0xaf: {  	[dreg:$0x3] =	wrdreg $0xD0000  }
0xb0: {  	[dreg:$0x4] =	wrdreg $0x9  }
0xb1: {  	_ =	task.clear_ibuf [dreg:s6], $0x5FFFF;
	_ =	strace $0x90000049  }
0xb2: {  	s29 =	simm.s32 $0x9;
	_ =	strace $0x8000004B  }
0xb3: {  	_ =	swait.ge [sflag:s29], $0x1  }
0xb4: {  	[sflag:s29] =	ssyncadd.s32 $0xFFFFFFFF  }
0xb5: {  	_ =	strace $0x9000004B  }
0xb6: {  	_ =	sfence  }
0xb7: {  	s30 =	sld [smem:$0x0];
	_ =	sdelay $0x2  }
0xb8: {  	s31 =	sshll.u32 s1, $0xD;
	s1 =	sshrl.u32 s1, $0x2  }
0xb9: {  	s3 =	sand.u32 $0x4000, s31;
	s1 =	sadd.s32 s1, s30  }
0xba: {  	s0 =	sor.u32 s3, s0;
	s1 =	sshll.u32 s1, $0x11  }
0xbb: {  	s0 =	sor.u32 s1, s0  }
0xbc: {  	s0 =	sadd.s32 $0x8F2B, s0  }
0xbd: {  	[sflag:s0] =	ssyncadd.remote.s32 $0x1  }
0xbe: {  	_ =	sfence.sel $0xFFFF  }
0xbf: {  	[dreg:$0x0] =	wrdreg $0xFFFFFFFF;
	(pc) =	sbr.abs _section_cstart, $3  }
0xc0: {  	[dreg:$0x1] =	wrdreg $0xFFFFFFFF  }
0xc1: {  	_ =	task.clear_ibuf [dreg:s6], $0x2FFFF;
	_ =	strace $0x9FFFFFFF  }
0xc2: {  	(tm) =	ssettm $0x7FFFFFFF  }
0xc3: {  	_ =	shalt  }
tec
execute0_lowered:
.L_overlay_start_1:
0x0: {  	(tag) =	ssettag $0x1  }
0x1: {  	s0 =	srdreg.scid;
	s5 =	rddreg [dreg:$0x0]  }
0x2: {  	s8 =	stileid.u32;
	s2 =	rddreg [dreg:$0x1];
	s3 =	simm.s32 $0x0  }
0x3: {  	s15 =	simm.s32 $0x5000;
	s16 =	simm.s32 $0x5;
	s17 =	simm.s32 $0x1  }
0x4: {  	s18 =	simm.s32 $0x2;
	s19 =	simm.s32 $0x80;
	s20 =	simm.s32 $0x7000  }
0x5: {  	s22 =	simm.s32 $0x9000;
	s23 =	simm.s32 $0x180;
	s24 =	simm.s32 $0xB000  }
0x6: {  	s28 =	simm.s32 $0x4E00;
	s29 =	simm.s32 $0x4E80;
	s30 =	simm.s32 $0x4F00  }
0x7: {  	s31 =	simm.s32 $0x4F80;
	s0 =	sand.u32 $0x1, s0;
	s7 =	smul.u32 $0xA000, s8  }
0x8: {  	[smem:$0x7FF] =	sst s3;
	s4 =	sadd.s32 $0x17E00, s5;
	s1 =	sshll.u32 s0, $0x4  }
0x9: {  	s6 =	smul.u32 $0xA0000, s0;
	_ =	strace $0x8000004A;
	s0 =	ssub.s32 $0x2, s0  }
0xa: {  	s1 =	sor.u32 s8, s1;
	s8 =	smul.u32 $0x28000, s8;
	s25 =	sshrl.u32 s0, $0x1  }
0xb: {  	s1 =	smul.u32 $0x2800, s1;
	s6 =	sadd.s32 s7, s6;
	s0 =	ssub.s32 s0, s25  }
0xc: {  	s7 =	sadd.s32 s7, s2;
	s25 =	simm.s32 $0x3;
	s6 =	sshrl.u32 s6, $0x3  }
0xd: {  	s8 =	sshrl.u32 s8, $0x2;
	s13 =	smax.u32 s0, $0x1;
	s1 =	sshrl.u32 s1, $0x3  }
0xe: {  	s12 =	sadd.s32 s6, s5;
	s26 =	sadd.s32 s8, s2;
	s1 =	sadd.s32 s1, s5  }
0xf: {  	s8 =	sadd.s32 $0x2000, s26;
	s9 =	sadd.s32 $0x4000, s26;
	s10 =	sadd.s32 $0x6000, s26  }
0x10: {  	s11 =	sadd.s32 $0x8000, s26;
	s12 =	sadd.s32 $0x2BE00, s12;
	s26 =	simm.s32 $0x4  }
0x11: {  	v0 =	vimm.f32 $0.0e+00;
	s5 =	sadd.s32 $0x3E00, s1;
	s6 =	sadd.s32 $0xDE00, s1;
	s1 =	simm.s32 $0x0  }
.LBB2_1:
0x12: {  	[tilespmem:s3], [sflag:$0x1] =	stream.linear.gather [hbm4b:s5+s3], $0x2800, $0x38;
	[tilespmem:$0x17000] =	vst v63  }
0x13: {  	s0 =	simm.s32 $0x2800  }
0x14: {  	[tilespmem:s0], [sflag:$0x2] =	stream.linear.gather [hbm4b:s6+s3], $0x2800, $0x38;
	[tilespmem:$0x17000] =	vst v63  }
0x15: {  	s14 =	simm.s32 $0x100;
	s0 =	simm.s32 $0x0  }
.LBB2_2:
0x16: {  	p0 =	sne.s32 s14, $0x7F00;
	[tilespmem:s0+$0x5030] =	vst v0;
	s21 =	smov.u32 s14;
	s14 =	sadd.s32 $0x100, s14  }
.Ltmp0:
0x17: {  	[tilespmem:s0+$0x5020] =	vst v0;
	(pc) =	sbr.rel @p0 .LBB2_2-.Ltmp0, $3  }
0x18: {  	[tilespmem:s0+$0x5000] =	vst v0  }
0x19: {  	[tilespmem:s0+$0x5010] =	vst v0;
	_ =	sdelay $0x1  }
0x1a: {  	s0 =	sshra.s32 s21, $0x2  }
0x1b: {  	[tilespmem:s0+$0x5030] =	vst v0  }
0x1c: {  	[tilespmem:s0+$0x5020] =	vst v0  }
0x1d: {  	[tilespmem:s0+$0x5000] =	vst v0  }
0x1e: {  	[tilespmem:s0+$0x5010] =	vst v0  }
0x1f: {  	[spmem:s7] =	stream.linear.scatter [tilespmem:s15], [sflag:$0x5], $0x2000, $0x38;
	[tilespmem:$0x17000] =	vst v63  }
0x20: {  	_ =	swait.ge [sflag:s16], $0x2000  }
0x21: {  	[sflag:s16] =	ssyncset.done $0x0  }
0x22: {  	[sflag:s16] =	ssyncadd.s32 $0xFFFFE000  }
0x23: {  	[spmem:s8] =	stream.linear.scatter [tilespmem:s15], [sflag:$0x5], $0x2000, $0x38;
	[tilespmem:$0x17000] =	vst v63  }
0x24: {  	_ =	swait.ge [sflag:s16], $0x2000  }
0x25: {  	[sflag:s16] =	ssyncset.done $0x0  }
0x26: {  	[sflag:s16] =	ssyncadd.s32 $0xFFFFE000  }
0x27: {  	[spmem:s9] =	stream.linear.scatter [tilespmem:s15], [sflag:$0x5], $0x2000, $0x38;
	[tilespmem:$0x17000] =	vst v63  }
0x28: {  	_ =	swait.ge [sflag:s16], $0x2000  }
0x29: {  	[sflag:s16] =	ssyncset.done $0x0  }
0x2a: {  	[sflag:s16] =	ssyncadd.s32 $0xFFFFE000  }
0x2b: {  	[spmem:s10] =	stream.linear.scatter [tilespmem:s15], [sflag:$0x5], $0x2000, $0x38;
	[tilespmem:$0x17000] =	vst v63  }
0x2c: {  	_ =	swait.ge [sflag:s16], $0x2000  }
0x2d: {  	[sflag:s16] =	ssyncset.done $0x0  }
0x2e: {  	[sflag:s16] =	ssyncadd.s32 $0xFFFFE000  }
0x2f: {  	[spmem:s11] =	stream.linear.scatter [tilespmem:s15], [sflag:$0x5], $0x2000, $0x38;
	[tilespmem:$0x17000] =	vst v63  }
0x30: {  	_ =	swait.ge [sflag:s16], $0x2000  }
0x31: {  	[sflag:s16] =	ssyncset.done $0x0  }
0x32: {  	[sflag:s16] =	ssyncadd.s32 $0xFFFFE000  }
0x33: {  	_ =	swait.ge [sflag:s17], $0x2800  }
0x34: {  	[sflag:s17] =	ssyncset.done $0x0  }
0x35: {  	[sflag:s17] =	ssyncadd.s32 $0xFFFFD800  }
0x36: {  	_ =	swait.ge [sflag:s18], $0x2800  }
0x37: {  	[sflag:s18] =	ssyncset.done $0x0  }
0x38: {  	[sflag:s18] =	ssyncadd.s32 $0xFFFFD800  }
0x39: {  	s21 =	simm.s32 $0x0;
	[bflag:$0x0] =	sbarrier.arrive $0xFFFF  }
0x3a: {  	[tilespmem:s15], [sflag:$0x1] =	stream.indirect.gather [hbm4b:s4+s19], $0x40, s21, s19, $0xb8;
	[tilespmem:$0x17000] =	vst v63  }
0x3b: {  	_ = 	snop  }
0x3c: {  	[tilespmem:s20], [sflag:$0x2] =	stream.indirect.gather [hbm4b:s4+s19], $0x40, s19, s19, $0xb8;
	[tilespmem:$0x17000] =	vst v63  }
0x3d: {  	s14 =	simm.s32 $0x100  }
0x3e: {  	[tilespmem:s22], [sflag:$0x3] =	stream.indirect.gather [hbm4b:s4+s19], $0x40, s14, s19, $0xb8;
	[tilespmem:$0x17000] =	vst v63  }
0x3f: {  	_ = 	snop  }
0x40: {  	[tilespmem:s24], [sflag:$0x4] =	stream.indirect.gather [hbm4b:s4+s19], $0x40, s23, s19, $0xb8;
	[tilespmem:$0x17000] =	vst v63  }
0x41: {  	_ =	swait.ge [sflag:s17], $0x2000  }
0x42: {  	[sflag:s17] =	ssyncset.done $0x0  }
0x43: {  	s21 =	simm.s32 $0x2800;
	[sflag:s17] =	ssyncadd.s32 $0xFFFFE000  }
0x44: {  	[spmem:s2] =	stream.indirect.scatter.add.f32 [tilespmem:s15], [sflag:$0x5], $0x40, s21, s19, $0xb8;
	[tilespmem:$0x17000] =	vst v63  }
0x45: {  	_ =	swait.ge [sflag:s16], $0x2000  }
0x46: {  	[sflag:s16] =	ssyncset.done $0x0  }
0x47: {  	s14 =	simm.s32 $0x200;
	[sflag:s16] =	ssyncadd.s32 $0xFFFFE000  }
0x48: {  	[tilespmem:s15], [sflag:$0x1] =	stream.indirect.gather [hbm4b:s4+s19], $0x40, s14, s19, $0xb8;
	[tilespmem:$0x17000] =	vst v63  }
0x49: {  	_ =	swait.ge [sflag:s18], $0x2000  }
0x4a: {  	[sflag:s18] =	ssyncset.done $0x0  }
0x4b: {  	s21 =	simm.s32 $0x2880;
	[sflag:s18] =	ssyncadd.s32 $0xFFFFE000  }
0x4c: {  	[spmem:s2] =	stream.indirect.scatter.add.f32 [tilespmem:s20], [sflag:$0x5], $0x40, s21, s19, $0xb8;
	[tilespmem:$0x17000] =	vst v63  }
0x4d: {  	_ =	swait.ge [sflag:s16], $0x2000  }
0x4e: {  	[sflag:s16] =	ssyncset.done $0x0  }
0x4f: {  	s14 =	simm.s32 $0x280;
	[sflag:s16] =	ssyncadd.s32 $0xFFFFE000  }
0x50: {  	[tilespmem:s20], [sflag:$0x2] =	stream.indirect.gather [hbm4b:s4+s19], $0x40, s14, s19, $0xb8;
	[tilespmem:$0x17000] =	vst v63  }
0x51: {  	_ =	swait.ge [sflag:s25], $0x2000  }
0x52: {  	[sflag:s25] =	ssyncset.done $0x0  }
0x53: {  	s21 =	simm.s32 $0x2900;
	[sflag:s25] =	ssyncadd.s32 $0xFFFFE000  }
0x54: {  	[spmem:s2] =	stream.indirect.scatter.add.f32 [tilespmem:s22], [sflag:$0x5], $0x40, s21, s19, $0xb8;
	[tilespmem:$0x17000] =	vst v63  }
0x55: {  	_ =	swait.ge [sflag:s16], $0x2000  }
0x56: {  	[sflag:s16] =	ssyncset.done $0x0  }
0x57: {  	s14 =	simm.s32 $0x300;
	[sflag:s16] =	ssyncadd.s32 $0xFFFFE000  }
0x58: {  	[tilespmem:s22], [sflag:$0x3] =	stream.indirect.gather [hbm4b:s4+s19], $0x40, s14, s19, $0xb8;
	[tilespmem:$0x17000] =	vst v63  }
0x59: {  	_ =	swait.ge [sflag:s26], $0x2000  }
0x5a: {  	[sflag:s26] =	ssyncset.done $0x0  }
0x5b: {  	s21 =	simm.s32 $0x2980;
	[sflag:s26] =	ssyncadd.s32 $0xFFFFE000  }
0x5c: {  	[spmem:s2] =	stream.indirect.scatter.add.f32 [tilespmem:s24], [sflag:$0x5], $0x40, s21, s19, $0xb8;
	[tilespmem:$0x17000] =	vst v63  }
0x5d: {  	_ =	swait.ge [sflag:s16], $0x2000  }
0x5e: {  	[sflag:s16] =	ssyncset.done $0x0  }
0x5f: {  	s0 =	simm.s32 $0x800;
	s14 =	simm.s32 $0x380;
	[sflag:s16] =	ssyncadd.s32 $0xFFFFE000  }
.LBB2_4:
0x60: {  	[tilespmem:s24], [sflag:$0x4] =	stream.indirect.gather [hbm4b:s4+s19], $0x40, s14, s19, $0xb8;
	[tilespmem:$0x17000] =	vst v63  }
0x61: {  	s14 =	smov.u32 s0  }
0x62: {  	p0 =	sne.s32 s0, $0x9000;
	s0 =	sadd.s32 $0x800, s0;
	_ =	swait.ge [sflag:s17], $0x2000  }
0x63: {  	s14 =	sshra.s32 s14, $0x2;
	[sflag:s17] =	ssyncset.done $0x0  }
0x64: {  	s21 =	sadd.s32 $0x2800, s14;
	[sflag:s17] =	ssyncadd.s32 $0xFFFFE000  }
0x65: {  	[spmem:s2] =	stream.indirect.scatter.add.f32 [tilespmem:s15], [sflag:$0x5], $0x40, s21, s19, $0xb8;
	[tilespmem:$0x17000] =	vst v63  }
0x66: {  	_ =	swait.ge [sflag:s16], $0x2000  }
0x67: {  	[sflag:s16] =	ssyncset.done $0x0  }
0x68: {  	s21 =	sadd.s32 $0x200, s14;
	[sflag:s16] =	ssyncadd.s32 $0xFFFFE000  }
0x69: {  	[tilespmem:s15], [sflag:$0x1] =	stream.indirect.gather [hbm4b:s4+s19], $0x40, s21, s19, $0xb8;
	[tilespmem:$0x17000] =	vst v63  }
0x6a: {  	_ =	swait.ge [sflag:s18], $0x2000  }
0x6b: {  	[sflag:s18] =	ssyncset.done $0x0  }
0x6c: {  	s21 =	sadd.s32 $0x2880, s14;
	[sflag:s18] =	ssyncadd.s32 $0xFFFFE000  }
0x6d: {  	[spmem:s2] =	stream.indirect.scatter.add.f32 [tilespmem:s20], [sflag:$0x5], $0x40, s21, s19, $0xb8;
	[tilespmem:$0x17000] =	vst v63  }
0x6e: {  	_ =	swait.ge [sflag:s16], $0x2000  }
0x6f: {  	[sflag:s16] =	ssyncset.done $0x0  }
0x70: {  	s21 =	sadd.s32 $0x280, s14;
	[sflag:s16] =	ssyncadd.s32 $0xFFFFE000  }
0x71: {  	[tilespmem:s20], [sflag:$0x2] =	stream.indirect.gather [hbm4b:s4+s19], $0x40, s21, s19, $0xb8;
	[tilespmem:$0x17000] =	vst v63  }
0x72: {  	_ =	swait.ge [sflag:s25], $0x2000  }
0x73: {  	[sflag:s25] =	ssyncset.done $0x0  }
0x74: {  	s21 =	sadd.s32 $0x2900, s14;
	[sflag:s25] =	ssyncadd.s32 $0xFFFFE000  }
0x75: {  	[spmem:s2] =	stream.indirect.scatter.add.f32 [tilespmem:s22], [sflag:$0x5], $0x40, s21, s19, $0xb8;
	[tilespmem:$0x17000] =	vst v63  }
0x76: {  	_ =	swait.ge [sflag:s16], $0x2000  }
0x77: {  	[sflag:s16] =	ssyncset.done $0x0  }
0x78: {  	s21 =	sadd.s32 $0x300, s14;
	[sflag:s16] =	ssyncadd.s32 $0xFFFFE000  }
0x79: {  	[tilespmem:s22], [sflag:$0x3] =	stream.indirect.gather [hbm4b:s4+s19], $0x40, s21, s19, $0xb8;
	[tilespmem:$0x17000] =	vst v63  }
0x7a: {  	_ =	swait.ge [sflag:s26], $0x2000  }
0x7b: {  	[sflag:s26] =	ssyncset.done $0x0  }
.Ltmp1:
0x7c: {  	s21 =	sadd.s32 $0x2980, s14;
	[sflag:s26] =	ssyncadd.s32 $0xFFFFE000;
	(pc) =	sbr.rel @p0 .LBB2_4-.Ltmp1, $4  }
0x7d: {  	[spmem:s2] =	stream.indirect.scatter.add.f32 [tilespmem:s24], [sflag:$0x5], $0x40, s21, s19, $0xb8;
	[tilespmem:$0x17000] =	vst v63  }
0x7e: {  	_ =	swait.ge [sflag:s16], $0x2000  }
0x7f: {  	[sflag:s16] =	ssyncset.done $0x0  }
0x80: {  	s14 =	sadd.s32 $0x380, s14;
	[sflag:s16] =	ssyncadd.s32 $0xFFFFE000  }
0x81: {  	[tilespmem:s24], [sflag:$0x4] =	stream.indirect.gather [hbm4b:s4+s19], $0x40, s14, s19, $0xb8;
	[tilespmem:$0x17000] =	vst v63  }
0x82: {  	_ =	swait.ge [sflag:s17], $0x2000  }
0x83: {  	[sflag:s17] =	ssyncset.done $0x0  }
0x84: {  	[sflag:s17] =	ssyncadd.s32 $0xFFFFE000  }
0x85: {  	[spmem:s2] =	stream.indirect.scatter.add.f32 [tilespmem:s15], [sflag:$0x5], $0x40, s28, s19, $0xb8;
	[tilespmem:$0x17000] =	vst v63  }
0x86: {  	_ =	swait.ge [sflag:s16], $0x2000  }
0x87: {  	[sflag:s16] =	ssyncset.done $0x0  }
0x88: {  	[sflag:s16] =	ssyncadd.s32 $0xFFFFE000  }
0x89: {  	_ =	swait.ge [sflag:s18], $0x2000  }
0x8a: {  	[sflag:s18] =	ssyncset.done $0x0  }
0x8b: {  	[sflag:s18] =	ssyncadd.s32 $0xFFFFE000  }
0x8c: {  	[spmem:s2] =	stream.indirect.scatter.add.f32 [tilespmem:s20], [sflag:$0x5], $0x40, s29, s19, $0xb8;
	[tilespmem:$0x17000] =	vst v63  }
0x8d: {  	_ =	swait.ge [sflag:s16], $0x2000  }
0x8e: {  	[sflag:s16] =	ssyncset.done $0x0  }
0x8f: {  	[sflag:s16] =	ssyncadd.s32 $0xFFFFE000  }
0x90: {  	_ =	swait.ge [sflag:s25], $0x2000  }
0x91: {  	[sflag:s25] =	ssyncset.done $0x0  }
0x92: {  	[sflag:s25] =	ssyncadd.s32 $0xFFFFE000  }
0x93: {  	[spmem:s2] =	stream.indirect.scatter.add.f32 [tilespmem:s22], [sflag:$0x5], $0x40, s30, s19, $0xb8;
	[tilespmem:$0x17000] =	vst v63  }
0x94: {  	_ =	swait.ge [sflag:s16], $0x2000  }
0x95: {  	[sflag:s16] =	ssyncset.done $0x0  }
0x96: {  	[sflag:s16] =	ssyncadd.s32 $0xFFFFE000  }
0x97: {  	_ =	swait.ge [sflag:s26], $0x2000  }
0x98: {  	[sflag:s26] =	ssyncset.done $0x0  }
0x99: {  	[sflag:s26] =	ssyncadd.s32 $0xFFFFE000  }
0x9a: {  	[spmem:s2] =	stream.indirect.scatter.add.f32 [tilespmem:s24], [sflag:$0x5], $0x40, s31, s19, $0xb8;
	[tilespmem:$0x17000] =	vst v63  }
0x9b: {  	s0 =	stileid.u32;
	_ =	swait.ge [sflag:s16], $0x2000  }
0x9c: {  	s21 =	sshrl.u32 s7, $0x3;
	s1 =	sadd.s32 $0x1, s1;
	[sflag:s16] =	ssyncset.done $0x0  }
0x9d: {  	s0 =	sshll.u32 s0, $0x6;
	p0 =	sne.s32 s1, s13;
	[sflag:s16] =	ssyncadd.s32 $0xFFFFE000  }
.Ltmp2:
0x9e: {  	s0 =	sor.u32 $0x1C05, s0;
	[bflag:$0x0] =	sbarrier.arrive $0xFFFF;
	(pc) =	sbr.rel @p0 .LBB2_1-.Ltmp2, $4  }
0x9f: {  	[hbm:s12], [sflag:s0] =	dma.local [spmem:s21], $0x1400  }
0xa0: {  	_ =	swait.ge [sflag:s16], $0x1400  }
0xa1: {  	[sflag:s16] =	ssyncset.done $0x0  }
0xa2: {  	[sflag:s16] =	ssyncadd.s32 $0xFFFFEC00  }
0xa3: {  	_ =	sfence.sel $0x180000  }
0xa4: {  	[bflag:$0x0] =	sbarrier.arrive $0xFFFF  }
0xa5: {  	_ =	strace $0x9000004A  }
0xa6: {  	s0 =	stileid.u32;
	[bflag:$0x2] =	sbarrier.arrive $0xFFFF  }
0xa7: {  	p0 =	sne.s32 s0, $0x0;
	s0 =	rddreg [dreg:$0x2]  }
0xa8: {  	s0 =	sadd.s32 @!p0 $0x100000, s0  }
0xa9: {  	[sflag:s0] =	ssyncadd.tile.s32 @!p0 $0x1;
	_ =	shalt  }
.Lfunc_end2:
_tile_overlayer_lowered:
.L_overlay_start_2:
0xaa: {  	(tag) =	ssettag $0x2  }
0xab: {  	s0 =	rddreg [dreg:$0x0];
	s2 =	stileid.u32  }
0xac: {  	s1 =	rddreg [dreg:$0x1];
	p0 =	sne.s32 s2, $0x0  }
0xad: {  	s3 =	rddreg [dreg:$0x2];
	[bflag:$0x3] =	sbarrier.arrive $0xFFFF;
	s2 =	simm.s32 @!p0 $0x1C05  }
0xae: {  	[timem:s3], [sflag:s2] =	dma.local @!p0 [hbm:s0], s1  }
0xaf: {  	s0 =	simm.s32 @!p0 $0x5  }
0xb0: {  	_ =	swait.ge @!p0 [sflag:s0], s1  }
0xb1: {  	s1 =	ssub.s32 @!p0 $0x0, s1;
	[sflag:s0] =	ssyncset.done @!p0 $0x0  }
0xb2: {  	[sflag:s0] =	ssyncadd.s32 @!p0 s1  }
0xb3: {  	[bflag:$0x3] =	sbarrier.arrive $0xFFFF  }
0xb4: {  	_ =	shalt  }

// kernel: kernel.16.cloned.1.call-start
scs
__scs_entry_jumppad:
0x0: {  	(pc) =	sbr.rel $0x88, $3  }
0x1: {  	(tag) =	ssettag $0x0;
	lr =	simm.s32 $0x1  }
0x2: {  	[smem:$0x3F99] =	sst lr;
	_ =	strace $0xD0000000  }
0x3: {  	_ = 	snop  }
0x4: {  	_ = 	snop  }
0x5: {  	_ = 	snop  }
0x6: {  	_ = 	snop  }
0x7: {  	_ = 	snop  }
__scs_overlays_trampoline_lowered:
0x8: {  	[smem:$0x3FA8] =	sst s0  }
0x9: {  	[smem:$0x3FA9] =	sst s1  }
0xa: {  	[smem:$0x3FAA] =	sst s2  }
0xb: {  	[smem:$0x3FAB] =	sst s3  }
0xc: {  	[smem:$0x3FAC] =	sst s4  }
0xd: {  	[smem:$0x3FAD] =	sst s5  }
0xe: {  	[smem:$0x3FAE] =	sst s6  }
0xf: {  	[smem:$0x3FAF] =	sst s7  }
0x10: {  	[smem:$0x3FB0] =	sst s8  }
0x11: {  	[smem:$0x3FB1] =	sst s9;
	s0 =	simm.s32 @!p0 $0x0  }
0x12: {  	s1 =	sld [smem:$0x3F97];
	s0 =	simm.s32 @p0 $0x1  }
0x13: {  	[smem:$0x3FB2] =	sst s0;
	s0 =	simm.s32 @!p1 $0x0  }
0x14: {  	s2 =	sld [smem:$0x3F96];
	s0 =	simm.s32 @p1 $0x1  }
0x15: {  	[smem:$0x3FB3] =	sst s0;
	s0 =	simm.s32 @!p2 $0x0  }
0x16: {  	s3 =	sld [smem:$0x3FDB];
	s0 =	simm.s32 @p2 $0x1  }
0x17: {  	s4 =	simm.s32 $0x1BF5;
	[smem:$0x3FB5] =	sst s0  }
0x18: {  	s0 =	sld [smem:$0x3F98];
	_ =	swait.ge [sflag:s4], $0x0  }
0x19: {  	s7 =	sld [smem:$0x3F99]  }
0x1a: {  	s8 =	sadd.s32 $0xFFFFE003, lr  }
0x1b: {  	s9 =	sadd.s32 $0xFFFFFEF7, lr;
	s5 =	simm.s32 $0xFFFFFFFF;
	p2 =	slt.u32 s8, $0xFFFFF086  }
0x1c: {  	p1 =	slt.u32 s9, $0xF7A;
	s5 =	simm.s32 @!p2 $0x0  }
0x1d: {  	s5 =	simm.s32 @p1 $0x1;
	p0 =	seq.s32 s7, s2  }
0x1e: {  	s7 =	smul.u32 @!p0 $0xF7A, s2;
	p2 =	seq.s32 @!p0 s5, $0x0  }
0x1f: {  	s9 =	smul.u32 $0xF7A, s1;
	s8 =	simm.s32 @!p0 $0x1BF5;
	p2 =	por !p2, p0  }
0x20: {  	[sflag:s8] =	ssyncset.s32 @!p0 $0xFFFFF086;
	s6 =	sadd.s32 @!p0 s3, s7;
	s7 =	simm.s32 @!p0 $0x108  }
0x21: {  	s3 =	sadd.s32 s3, s9;
	s6 =	sadd.s32 @!p0 $0x88, s6;
	s7 =	simm.s32 @p2 $0x1082  }
0x22: {  	[simem:s7], [sflag:s8] =	dma.local @!p0 [hbm:s6], $0xF7A  }
0x23: {  	s9 =	sor.u32 $0xD0000000, s2;
	s6 =	simm.s32 $0x108;
	_ =	swait.ge @!p0 [sflag:s8], $0x0  }
0x24: {  	s3 =	sadd.s32 $0x88, s3;
	s6 =	simm.s32 @!p1 $0x1082;
	[sflag:s4] =	ssyncset.s32 $0xFFFFF086  }
0x25: {  	[simem:s6], [sflag:s4] =	dma.local [hbm:s3], $0xF7A  }
0x26: {  	[smem:$0x3F99] =	sst s1;
	(tag) =	ssettag s2;
	_ =	strace s9  }
0x27: {  	s1 =	sld [smem:$0x3FA9]  }
0x28: {  	s2 =	sld [smem:$0x3FAA]  }
0x29: {  	s4 =	sld [smem:$0x3FAC]  }
0x2a: {  	p0 =	seq.s32 s5, $0x0;
	s5 =	sld [smem:$0x3FAD]  }
0x2b: {  	s6 =	sld [smem:$0x3FAE]  }
0x2c: {  	s7 =	sld [smem:$0x3FAF]  }
0x2d: {  	s3 =	simm.s32 $0x108;
	s8 =	sld [smem:$0x3FB0]  }
0x2e: {  	s3 =	simm.s32 @!p0 $0x1082;
	s9 =	sld [smem:$0x3FB1]  }
0x2f: {  	lr =	sadd.s32 s0, s3;
	s0 =	sld [smem:$0x3FA8]  }
0x30: {  	s3 =	sld [smem:$0x3FAB]  }
0x31: {  	[smem:$0x3FB4] =	sst s10  }
0x32: {  	s10 =	sld [smem:$0x3FB2];
	_ =	sdelay $0x3  }
0x33: {  	p0 =	seq.s32 s10, $0x1;
	s10 =	sld [smem:$0x3FB4];
	_ =	sdelay $0x3  }
0x34: {  	[smem:$0x3FB4] =	sst s10  }
0x35: {  	s10 =	sld [smem:$0x3FB3];
	_ =	sdelay $0x3  }
0x36: {  	p1 =	seq.s32 s10, $0x1;
	s10 =	sld [smem:$0x3FB4];
	_ =	sdelay $0x3  }
0x37: {  	[smem:$0x3FB4] =	sst s10  }
0x38: {  	s10 =	sld [smem:$0x3FB5]  }
0x39: {  	_ = 	snop;
	(pc) =	sbr.ind lr, $3  }
0x3a: {  	_ = 	snop  }
0x3b: {  	_ = 	snop  }
0x3c: {  	p2 =	seq.s32 s10, $0x1;
	s10 =	sld [smem:$0x3FB4]  }
0x3d: {  	_ =	shalt  }
0x3e: {  	_ =	shalt  }
0x3f: {  	_ =	shalt  }
0x40: {  	_ =	shalt  }
0x41: {  	_ =	shalt  }
0x42: {  	_ =	shalt  }
0x43: {  	_ =	shalt  }
0x44: {  	_ =	shalt  }
0x45: {  	_ =	shalt  }
0x46: {  	_ =	shalt  }
0x47: {  	_ =	shalt  }
0x48: {  	_ =	shalt  }
0x49: {  	_ =	shalt  }
0x4a: {  	_ =	shalt  }
0x4b: {  	_ =	shalt  }
0x4c: {  	_ =	shalt  }
0x4d: {  	_ =	shalt  }
0x4e: {  	_ =	shalt  }
0x4f: {  	_ =	shalt  }
0x50: {  	_ =	shalt  }
0x51: {  	_ =	shalt  }
0x52: {  	_ =	shalt  }
0x53: {  	_ =	shalt  }
0x54: {  	_ =	shalt  }
0x55: {  	_ =	shalt  }
0x56: {  	_ =	shalt  }
0x57: {  	_ =	shalt  }
0x58: {  	_ =	shalt  }
0x59: {  	_ =	shalt  }
0x5a: {  	_ =	shalt  }
0x5b: {  	_ =	shalt  }
0x5c: {  	_ =	shalt  }
0x5d: {  	_ =	shalt  }
0x5e: {  	_ =	shalt  }
0x5f: {  	_ =	shalt  }
0x60: {  	_ =	shalt  }
0x61: {  	_ =	shalt  }
0x62: {  	_ =	shalt  }
0x63: {  	_ =	shalt  }
0x64: {  	_ =	shalt  }
0x65: {  	_ =	shalt  }
0x66: {  	_ =	shalt  }
0x67: {  	_ =	shalt  }
0x68: {  	_ =	shalt  }
0x69: {  	_ =	shalt  }
0x6a: {  	_ =	shalt  }
0x6b: {  	_ =	shalt  }
0x6c: {  	_ =	shalt  }
0x6d: {  	_ =	shalt  }
0x6e: {  	_ =	shalt  }
0x6f: {  	_ =	shalt  }
0x70: {  	_ =	shalt  }
0x71: {  	_ =	shalt  }
0x72: {  	_ =	shalt  }
0x73: {  	_ =	shalt  }
0x74: {  	_ =	shalt  }
0x75: {  	_ =	shalt  }
0x76: {  	_ =	shalt  }
0x77: {  	_ =	shalt  }
0x78: {  	_ =	shalt  }
0x79: {  	_ =	shalt  }
0x7a: {  	_ =	shalt  }
0x7b: {  	_ =	shalt  }
0x7c: {  	_ =	shalt  }
0x7d: {  	_ =	shalt  }
0x7e: {  	_ =	shalt  }
0x7f: {  	_ =	shalt  }
0x80: {  	_ =	shalt  }
0x81: {  	_ =	shalt  }
0x82: {  	_ =	shalt  }
0x83: {  	_ =	shalt  }
0x84: {  	_ =	shalt  }
0x85: {  	_ =	shalt  }
0x86: {  	_ =	shalt  }
0x87: {  	_ =	shalt  }
.Lfunc_end0:
.L_simem_size_0:
called_computation.2_lowered:
.L_overlay_start_0:
0x88: {  	s2 =	sld [smem:$0x3FD9]  }
0x89: {  	s3 =	sld [smem:$0x3FFE];
	_ =	sdelay $0x1  }
0x8a: {  	s1 =	srdreg.scid  }
0x8b: {  	s0 =	sand.u32 $0x1, s1  }
0x8c: {  	s16 =	sshll.u32 s0, $0xA;
	s2 =	sadd.s32 s3, s2  }
0x8d: {  	s2 =	sadd.s32 s2, s16  }
0x8e: {  	[smem:$0x3FC0] =	sst s2  }
0x8f: {  	_ = 	snop  }
0x90: {  	(tm) =	ssettm $0x1  }
0x91: {  	s17 =	sld [smem:$0x3FFB];
	_ =	sdelay $0x3  }
0x92: {  	_ =	strace s17  }
0x93: {  	s2 =	sld [smem:$0x3FFC];
	_ =	sdelay $0x3  }
0x94: {  	_ =	strace s2  }
0x95: {  	s2 =	sld [smem:$0x3FFD];
	_ =	sdelay $0x3  }
0x96: {  	_ =	strace s2  }
0x97: {  	_ =	strace $0x8FFFFFFF  }
0x98: {  	s18 =	sld [smem:$0x3FDB];
	_ =	sdelay $0x1  }
0x99: {  	s19 =	simm.s32 $_scs_section_size  }
0x9a: {  	s4 =	simm.s32 $_size__tile_overlayer_lowered;
	s5 =	simm.s32 $_tile_overlayer_lowered  }
0x9b: {  	s22 =	simm.s32 $0x1BFF;
	s21 =	sshll.u32 s5, $0x1;
	s2 =	sadd.s32 s19, s18  }
0x9c: {  	s6 =	simm.s32 $0x0;
	s20 =	sshll.u32 s4, $0x1;
	s4 =	sadd.s32 s21, s2  }
0x9d: {  	[timem:s6], [sflag:s22] =	dma.local [hbm:s4], s20  }
0x9e: {  	_ =	swait.ge [sflag:s22], s20  }
0x9f: {  	s3 =	ssub.s32 $0x0, s20;
	[sflag:s22] =	ssyncset.done $0x0  }
0xa0: {  	[sflag:s22] =	ssyncadd.s32 s3;
	_ =	sdelay $0x1  }
0xa1: {  	s23 =	simm.s32 $0x1B8B  }
0xa2: {  	_ =	swait.ge [sflag:s23], $0x1  }
0xa3: {  	[sflag:s23] =	ssyncset.done $0x0  }
0xa4: {  	s25 =	simm.s32 $0x1B8E;
	s24 =	sld [smem:$0x3FFE];
	[sflag:s23] =	ssyncadd.s32 $0xFFFFFFFF  }
0xa5: {  	s26 =	simm.s32 $execute0_lowered;
	[smem:$0x3FD2] =	sst s25  }
0xa6: {  	s4 =	sshll.u32 s26, $0x1;
	_ =	strace $0x8000004C;
	[dreg:$0x1] =	wrdreg $0xFFFFFFFF  }
0xa7: {  	s28 =	simm.s32 $_size_execute0_lowered;
	s2 =	sadd.s32 s2, s4;
	[dreg:$0x0] =	wrdreg $0x0  }
0xa8: {  	s4 =	sshll.u32 s28, $0x1;
	[dreg:$0x2] =	wrdreg s2  }
0xa9: {  	[dreg:$0x3] =	wrdreg s4  }
0xaa: {  	[dreg:$0x4] =	wrdreg $0xC0  }
0xab: {  	_ =	task [dreg:s6], $0x5FFFF  }
0xac: {  	[dreg:$0x1] =	wrdreg $0xFFFFFFFF  }
0xad: {  	[dreg:$0x0] =	wrdreg $0x60  }
0xae: {  	[dreg:$0x2] =	wrdreg s24  }
0xaf: {  	[dreg:$0x3] =	wrdreg $0xD0000  }
0xb0: {  	[dreg:$0x4] =	wrdreg $0x9  }
0xb1: {  	_ =	task.clear_ibuf [dreg:s6], $0x5FFFF;
	_ =	strace $0x9000004C  }
0xb2: {  	s29 =	simm.s32 $0x9;
	_ =	strace $0x8000004E  }
0xb3: {  	_ =	swait.ge [sflag:s29], $0x1  }
0xb4: {  	[sflag:s29] =	ssyncadd.s32 $0xFFFFFFFF  }
0xb5: {  	_ =	strace $0x9000004E  }
0xb6: {  	_ =	sfence  }
0xb7: {  	s30 =	sld [smem:$0x0];
	_ =	sdelay $0x2  }
0xb8: {  	s31 =	sshll.u32 s1, $0xD;
	s1 =	sshrl.u32 s1, $0x2  }
0xb9: {  	s3 =	sand.u32 $0x4000, s31;
	s1 =	sadd.s32 s1, s30  }
0xba: {  	s0 =	sor.u32 s3, s0;
	s1 =	sshll.u32 s1, $0x11  }
0xbb: {  	s0 =	sor.u32 s1, s0  }
0xbc: {  	s0 =	sadd.s32 $0x8F2B, s0  }
0xbd: {  	[sflag:s0] =	ssyncadd.remote.s32 $0x1  }
0xbe: {  	_ =	sfence.sel $0xFFFF  }
0xbf: {  	[dreg:$0x0] =	wrdreg $0xFFFFFFFF;
	(pc) =	sbr.abs _section_cstart, $3  }
0xc0: {  	[dreg:$0x1] =	wrdreg $0xFFFFFFFF  }
0xc1: {  	_ =	task.clear_ibuf [dreg:s6], $0x2FFFF;
	_ =	strace $0x9FFFFFFF  }
0xc2: {  	(tm) =	ssettm $0x7FFFFFFF  }
0xc3: {  	_ =	shalt  }
tec
execute0_lowered:
.L_overlay_start_1:
0x0: {  	(tag) =	ssettag $0x1  }
0x1: {  	s0 =	srdreg.scid;
	s5 =	rddreg [dreg:$0x0]  }
0x2: {  	s8 =	stileid.u32;
	s2 =	rddreg [dreg:$0x1];
	s3 =	simm.s32 $0x0  }
0x3: {  	s15 =	simm.s32 $0x5000;
	s16 =	simm.s32 $0x5;
	s17 =	simm.s32 $0x1  }
0x4: {  	s18 =	simm.s32 $0x2;
	s19 =	simm.s32 $0x80;
	s20 =	simm.s32 $0x7000  }
0x5: {  	s22 =	simm.s32 $0x9000;
	s23 =	simm.s32 $0x180;
	s24 =	simm.s32 $0xB000  }
0x6: {  	s28 =	simm.s32 $0x4E00;
	s29 =	simm.s32 $0x4E80;
	s30 =	simm.s32 $0x4F00  }
0x7: {  	s31 =	simm.s32 $0x4F80;
	s0 =	sand.u32 $0x1, s0;
	s7 =	smul.u32 $0xA000, s8  }
0x8: {  	[smem:$0x7FF] =	sst s3;
	s4 =	sadd.s32 $0x17E00, s5;
	s1 =	sshll.u32 s0, $0x4  }
0x9: {  	s6 =	smul.u32 $0xA0000, s0;
	_ =	strace $0x8000004D;
	s0 =	ssub.s32 $0x2, s0  }
0xa: {  	s1 =	sor.u32 s8, s1;
	s8 =	smul.u32 $0x28000, s8;
	s25 =	sshrl.u32 s0, $0x1  }
0xb: {  	s1 =	smul.u32 $0x2800, s1;
	s6 =	sadd.s32 s7, s6;
	s0 =	ssub.s32 s0, s25  }
0xc: {  	s7 =	sadd.s32 s7, s2;
	s25 =	simm.s32 $0x3;
	s6 =	sshrl.u32 s6, $0x3  }
0xd: {  	s8 =	sshrl.u32 s8, $0x2;
	s13 =	smax.u32 s0, $0x1;
	s1 =	sshrl.u32 s1, $0x3  }
0xe: {  	s12 =	sadd.s32 s6, s5;
	s26 =	sadd.s32 s8, s2;
	s1 =	sadd.s32 s1, s5  }
0xf: {  	s8 =	sadd.s32 $0x2000, s26;
	s9 =	sadd.s32 $0x4000, s26;
	s10 =	sadd.s32 $0x6000, s26  }
0x10: {  	s11 =	sadd.s32 $0x8000, s26;
	s12 =	sadd.s32 $0x2BE00, s12;
	s26 =	simm.s32 $0x4  }
0x11: {  	v0 =	vimm.f32 $0.0e+00;
	s5 =	sadd.s32 $0x3E00, s1;
	s6 =	sadd.s32 $0xDE00, s1;
	s1 =	simm.s32 $0x0  }
.LBB2_1:
0x12: {  	[tilespmem:s3], [sflag:$0x1] =	stream.linear.gather [hbm4b:s5+s3], $0x2800, $0x38;
	[tilespmem:$0x17000] =	vst v63  }
0x13: {  	s0 =	simm.s32 $0x2800  }
0x14: {  	[tilespmem:s0], [sflag:$0x2] =	stream.linear.gather [hbm4b:s6+s3], $0x2800, $0x38;
	[tilespmem:$0x17000] =	vst v63  }
0x15: {  	s14 =	simm.s32 $0x100;
	s0 =	simm.s32 $0x0  }
.LBB2_2:
0x16: {  	p0 =	sne.s32 s14, $0x7F00;
	[tilespmem:s0+$0x5030] =	vst v0;
	s21 =	smov.u32 s14;
	s14 =	sadd.s32 $0x100, s14  }
.Ltmp0:
0x17: {  	[tilespmem:s0+$0x5020] =	vst v0;
	(pc) =	sbr.rel @p0 .LBB2_2-.Ltmp0, $3  }
0x18: {  	[tilespmem:s0+$0x5000] =	vst v0  }
0x19: {  	[tilespmem:s0+$0x5010] =	vst v0;
	_ =	sdelay $0x1  }
0x1a: {  	s0 =	sshra.s32 s21, $0x2  }
0x1b: {  	[tilespmem:s0+$0x5030] =	vst v0  }
0x1c: {  	[tilespmem:s0+$0x5020] =	vst v0  }
0x1d: {  	[tilespmem:s0+$0x5000] =	vst v0  }
0x1e: {  	[tilespmem:s0+$0x5010] =	vst v0  }
0x1f: {  	[spmem:s7] =	stream.linear.scatter [tilespmem:s15], [sflag:$0x5], $0x2000, $0x38;
	[tilespmem:$0x17000] =	vst v63  }
0x20: {  	_ =	swait.ge [sflag:s16], $0x2000  }
0x21: {  	[sflag:s16] =	ssyncset.done $0x0  }
0x22: {  	[sflag:s16] =	ssyncadd.s32 $0xFFFFE000  }
0x23: {  	[spmem:s8] =	stream.linear.scatter [tilespmem:s15], [sflag:$0x5], $0x2000, $0x38;
	[tilespmem:$0x17000] =	vst v63  }
0x24: {  	_ =	swait.ge [sflag:s16], $0x2000  }
0x25: {  	[sflag:s16] =	ssyncset.done $0x0  }
0x26: {  	[sflag:s16] =	ssyncadd.s32 $0xFFFFE000  }
0x27: {  	[spmem:s9] =	stream.linear.scatter [tilespmem:s15], [sflag:$0x5], $0x2000, $0x38;
	[tilespmem:$0x17000] =	vst v63  }
0x28: {  	_ =	swait.ge [sflag:s16], $0x2000  }
0x29: {  	[sflag:s16] =	ssyncset.done $0x0  }
0x2a: {  	[sflag:s16] =	ssyncadd.s32 $0xFFFFE000  }
0x2b: {  	[spmem:s10] =	stream.linear.scatter [tilespmem:s15], [sflag:$0x5], $0x2000, $0x38;
	[tilespmem:$0x17000] =	vst v63  }
0x2c: {  	_ =	swait.ge [sflag:s16], $0x2000  }
0x2d: {  	[sflag:s16] =	ssyncset.done $0x0  }
0x2e: {  	[sflag:s16] =	ssyncadd.s32 $0xFFFFE000  }
0x2f: {  	[spmem:s11] =	stream.linear.scatter [tilespmem:s15], [sflag:$0x5], $0x2000, $0x38;
	[tilespmem:$0x17000] =	vst v63  }
0x30: {  	_ =	swait.ge [sflag:s16], $0x2000  }
0x31: {  	[sflag:s16] =	ssyncset.done $0x0  }
0x32: {  	[sflag:s16] =	ssyncadd.s32 $0xFFFFE000  }
0x33: {  	_ =	swait.ge [sflag:s17], $0x2800  }
0x34: {  	[sflag:s17] =	ssyncset.done $0x0  }
0x35: {  	[sflag:s17] =	ssyncadd.s32 $0xFFFFD800  }
0x36: {  	_ =	swait.ge [sflag:s18], $0x2800  }
0x37: {  	[sflag:s18] =	ssyncset.done $0x0  }
0x38: {  	[sflag:s18] =	ssyncadd.s32 $0xFFFFD800  }
0x39: {  	s21 =	simm.s32 $0x0;
	[bflag:$0x0] =	sbarrier.arrive $0xFFFF  }
0x3a: {  	[tilespmem:s15], [sflag:$0x1] =	stream.indirect.gather [hbm4b:s4+s19], $0x40, s21, s19, $0xb8;
	[tilespmem:$0x17000] =	vst v63  }
0x3b: {  	_ = 	snop  }
0x3c: {  	[tilespmem:s20], [sflag:$0x2] =	stream.indirect.gather [hbm4b:s4+s19], $0x40, s19, s19, $0xb8;
	[tilespmem:$0x17000] =	vst v63  }
0x3d: {  	s14 =	simm.s32 $0x100  }
0x3e: {  	[tilespmem:s22], [sflag:$0x3] =	stream.indirect.gather [hbm4b:s4+s19], $0x40, s14, s19, $0xb8;
	[tilespmem:$0x17000] =	vst v63  }
0x3f: {  	_ = 	snop  }
0x40: {  	[tilespmem:s24], [sflag:$0x4] =	stream.indirect.gather [hbm4b:s4+s19], $0x40, s23, s19, $0xb8;
	[tilespmem:$0x17000] =	vst v63  }
0x41: {  	_ =	swait.ge [sflag:s17], $0x2000  }
0x42: {  	[sflag:s17] =	ssyncset.done $0x0  }
0x43: {  	s21 =	simm.s32 $0x2800;
	[sflag:s17] =	ssyncadd.s32 $0xFFFFE000  }
0x44: {  	[spmem:s2] =	stream.indirect.scatter.add.f32 [tilespmem:s15], [sflag:$0x5], $0x40, s21, s19, $0xb8;
	[tilespmem:$0x17000] =	vst v63  }
0x45: {  	_ =	swait.ge [sflag:s16], $0x2000  }
0x46: {  	[sflag:s16] =	ssyncset.done $0x0  }
0x47: {  	s14 =	simm.s32 $0x200;
	[sflag:s16] =	ssyncadd.s32 $0xFFFFE000  }
0x48: {  	[tilespmem:s15], [sflag:$0x1] =	stream.indirect.gather [hbm4b:s4+s19], $0x40, s14, s19, $0xb8;
	[tilespmem:$0x17000] =	vst v63  }
0x49: {  	_ =	swait.ge [sflag:s18], $0x2000  }
0x4a: {  	[sflag:s18] =	ssyncset.done $0x0  }
0x4b: {  	s21 =	simm.s32 $0x2880;
	[sflag:s18] =	ssyncadd.s32 $0xFFFFE000  }
0x4c: {  	[spmem:s2] =	stream.indirect.scatter.add.f32 [tilespmem:s20], [sflag:$0x5], $0x40, s21, s19, $0xb8;
	[tilespmem:$0x17000] =	vst v63  }
0x4d: {  	_ =	swait.ge [sflag:s16], $0x2000  }
0x4e: {  	[sflag:s16] =	ssyncset.done $0x0  }
0x4f: {  	s14 =	simm.s32 $0x280;
	[sflag:s16] =	ssyncadd.s32 $0xFFFFE000  }
0x50: {  	[tilespmem:s20], [sflag:$0x2] =	stream.indirect.gather [hbm4b:s4+s19], $0x40, s14, s19, $0xb8;
	[tilespmem:$0x17000] =	vst v63  }
0x51: {  	_ =	swait.ge [sflag:s25], $0x2000  }
0x52: {  	[sflag:s25] =	ssyncset.done $0x0  }
0x53: {  	s21 =	simm.s32 $0x2900;
	[sflag:s25] =	ssyncadd.s32 $0xFFFFE000  }
0x54: {  	[spmem:s2] =	stream.indirect.scatter.add.f32 [tilespmem:s22], [sflag:$0x5], $0x40, s21, s19, $0xb8;
	[tilespmem:$0x17000] =	vst v63  }
0x55: {  	_ =	swait.ge [sflag:s16], $0x2000  }
0x56: {  	[sflag:s16] =	ssyncset.done $0x0  }
0x57: {  	s14 =	simm.s32 $0x300;
	[sflag:s16] =	ssyncadd.s32 $0xFFFFE000  }
0x58: {  	[tilespmem:s22], [sflag:$0x3] =	stream.indirect.gather [hbm4b:s4+s19], $0x40, s14, s19, $0xb8;
	[tilespmem:$0x17000] =	vst v63  }
0x59: {  	_ =	swait.ge [sflag:s26], $0x2000  }
0x5a: {  	[sflag:s26] =	ssyncset.done $0x0  }
0x5b: {  	s21 =	simm.s32 $0x2980;
	[sflag:s26] =	ssyncadd.s32 $0xFFFFE000  }
0x5c: {  	[spmem:s2] =	stream.indirect.scatter.add.f32 [tilespmem:s24], [sflag:$0x5], $0x40, s21, s19, $0xb8;
	[tilespmem:$0x17000] =	vst v63  }
0x5d: {  	_ =	swait.ge [sflag:s16], $0x2000  }
0x5e: {  	[sflag:s16] =	ssyncset.done $0x0  }
0x5f: {  	s0 =	simm.s32 $0x800;
	s14 =	simm.s32 $0x380;
	[sflag:s16] =	ssyncadd.s32 $0xFFFFE000  }
.LBB2_4:
0x60: {  	[tilespmem:s24], [sflag:$0x4] =	stream.indirect.gather [hbm4b:s4+s19], $0x40, s14, s19, $0xb8;
	[tilespmem:$0x17000] =	vst v63  }
0x61: {  	s14 =	smov.u32 s0  }
0x62: {  	p0 =	sne.s32 s0, $0x9000;
	s0 =	sadd.s32 $0x800, s0;
	_ =	swait.ge [sflag:s17], $0x2000  }
0x63: {  	s14 =	sshra.s32 s14, $0x2;
	[sflag:s17] =	ssyncset.done $0x0  }
0x64: {  	s21 =	sadd.s32 $0x2800, s14;
	[sflag:s17] =	ssyncadd.s32 $0xFFFFE000  }
0x65: {  	[spmem:s2] =	stream.indirect.scatter.add.f32 [tilespmem:s15], [sflag:$0x5], $0x40, s21, s19, $0xb8;
	[tilespmem:$0x17000] =	vst v63  }
0x66: {  	_ =	swait.ge [sflag:s16], $0x2000  }
0x67: {  	[sflag:s16] =	ssyncset.done $0x0  }
0x68: {  	s21 =	sadd.s32 $0x200, s14;
	[sflag:s16] =	ssyncadd.s32 $0xFFFFE000  }
0x69: {  	[tilespmem:s15], [sflag:$0x1] =	stream.indirect.gather [hbm4b:s4+s19], $0x40, s21, s19, $0xb8;
	[tilespmem:$0x17000] =	vst v63  }
0x6a: {  	_ =	swait.ge [sflag:s18], $0x2000  }
0x6b: {  	[sflag:s18] =	ssyncset.done $0x0  }
0x6c: {  	s21 =	sadd.s32 $0x2880, s14;
	[sflag:s18] =	ssyncadd.s32 $0xFFFFE000  }
0x6d: {  	[spmem:s2] =	stream.indirect.scatter.add.f32 [tilespmem:s20], [sflag:$0x5], $0x40, s21, s19, $0xb8;
	[tilespmem:$0x17000] =	vst v63  }
0x6e: {  	_ =	swait.ge [sflag:s16], $0x2000  }
0x6f: {  	[sflag:s16] =	ssyncset.done $0x0  }
0x70: {  	s21 =	sadd.s32 $0x280, s14;
	[sflag:s16] =	ssyncadd.s32 $0xFFFFE000  }
0x71: {  	[tilespmem:s20], [sflag:$0x2] =	stream.indirect.gather [hbm4b:s4+s19], $0x40, s21, s19, $0xb8;
	[tilespmem:$0x17000] =	vst v63  }
0x72: {  	_ =	swait.ge [sflag:s25], $0x2000  }
0x73: {  	[sflag:s25] =	ssyncset.done $0x0  }
0x74: {  	s21 =	sadd.s32 $0x2900, s14;
	[sflag:s25] =	ssyncadd.s32 $0xFFFFE000  }
0x75: {  	[spmem:s2] =	stream.indirect.scatter.add.f32 [tilespmem:s22], [sflag:$0x5], $0x40, s21, s19, $0xb8;
	[tilespmem:$0x17000] =	vst v63  }
0x76: {  	_ =	swait.ge [sflag:s16], $0x2000  }
0x77: {  	[sflag:s16] =	ssyncset.done $0x0  }
0x78: {  	s21 =	sadd.s32 $0x300, s14;
	[sflag:s16] =	ssyncadd.s32 $0xFFFFE000  }
0x79: {  	[tilespmem:s22], [sflag:$0x3] =	stream.indirect.gather [hbm4b:s4+s19], $0x40, s21, s19, $0xb8;
	[tilespmem:$0x17000] =	vst v63  }
0x7a: {  	_ =	swait.ge [sflag:s26], $0x2000  }
0x7b: {  	[sflag:s26] =	ssyncset.done $0x0  }
.Ltmp1:
0x7c: {  	s21 =	sadd.s32 $0x2980, s14;
	[sflag:s26] =	ssyncadd.s32 $0xFFFFE000;
	(pc) =	sbr.rel @p0 .LBB2_4-.Ltmp1, $4  }
0x7d: {  	[spmem:s2] =	stream.indirect.scatter.add.f32 [tilespmem:s24], [sflag:$0x5], $0x40, s21, s19, $0xb8;
	[tilespmem:$0x17000] =	vst v63  }
0x7e: {  	_ =	swait.ge [sflag:s16], $0x2000  }
0x7f: {  	[sflag:s16] =	ssyncset.done $0x0  }
0x80: {  	s14 =	sadd.s32 $0x380, s14;
	[sflag:s16] =	ssyncadd.s32 $0xFFFFE000  }
0x81: {  	[tilespmem:s24], [sflag:$0x4] =	stream.indirect.gather [hbm4b:s4+s19], $0x40, s14, s19, $0xb8;
	[tilespmem:$0x17000] =	vst v63  }
0x82: {  	_ =	swait.ge [sflag:s17], $0x2000  }
0x83: {  	[sflag:s17] =	ssyncset.done $0x0  }
0x84: {  	[sflag:s17] =	ssyncadd.s32 $0xFFFFE000  }
0x85: {  	[spmem:s2] =	stream.indirect.scatter.add.f32 [tilespmem:s15], [sflag:$0x5], $0x40, s28, s19, $0xb8;
	[tilespmem:$0x17000] =	vst v63  }
0x86: {  	_ =	swait.ge [sflag:s16], $0x2000  }
0x87: {  	[sflag:s16] =	ssyncset.done $0x0  }
0x88: {  	[sflag:s16] =	ssyncadd.s32 $0xFFFFE000  }
0x89: {  	_ =	swait.ge [sflag:s18], $0x2000  }
0x8a: {  	[sflag:s18] =	ssyncset.done $0x0  }
0x8b: {  	[sflag:s18] =	ssyncadd.s32 $0xFFFFE000  }
0x8c: {  	[spmem:s2] =	stream.indirect.scatter.add.f32 [tilespmem:s20], [sflag:$0x5], $0x40, s29, s19, $0xb8;
	[tilespmem:$0x17000] =	vst v63  }
0x8d: {  	_ =	swait.ge [sflag:s16], $0x2000  }
0x8e: {  	[sflag:s16] =	ssyncset.done $0x0  }
0x8f: {  	[sflag:s16] =	ssyncadd.s32 $0xFFFFE000  }
0x90: {  	_ =	swait.ge [sflag:s25], $0x2000  }
0x91: {  	[sflag:s25] =	ssyncset.done $0x0  }
0x92: {  	[sflag:s25] =	ssyncadd.s32 $0xFFFFE000  }
0x93: {  	[spmem:s2] =	stream.indirect.scatter.add.f32 [tilespmem:s22], [sflag:$0x5], $0x40, s30, s19, $0xb8;
	[tilespmem:$0x17000] =	vst v63  }
0x94: {  	_ =	swait.ge [sflag:s16], $0x2000  }
0x95: {  	[sflag:s16] =	ssyncset.done $0x0  }
0x96: {  	[sflag:s16] =	ssyncadd.s32 $0xFFFFE000  }
0x97: {  	_ =	swait.ge [sflag:s26], $0x2000  }
0x98: {  	[sflag:s26] =	ssyncset.done $0x0  }
0x99: {  	[sflag:s26] =	ssyncadd.s32 $0xFFFFE000  }
0x9a: {  	[spmem:s2] =	stream.indirect.scatter.add.f32 [tilespmem:s24], [sflag:$0x5], $0x40, s31, s19, $0xb8;
	[tilespmem:$0x17000] =	vst v63  }
0x9b: {  	s0 =	stileid.u32;
	_ =	swait.ge [sflag:s16], $0x2000  }
0x9c: {  	s21 =	sshrl.u32 s7, $0x3;
	s1 =	sadd.s32 $0x1, s1;
	[sflag:s16] =	ssyncset.done $0x0  }
0x9d: {  	s0 =	sshll.u32 s0, $0x6;
	p0 =	sne.s32 s1, s13;
	[sflag:s16] =	ssyncadd.s32 $0xFFFFE000  }
.Ltmp2:
0x9e: {  	s0 =	sor.u32 $0x1C05, s0;
	[bflag:$0x0] =	sbarrier.arrive $0xFFFF;
	(pc) =	sbr.rel @p0 .LBB2_1-.Ltmp2, $4  }
0x9f: {  	[hbm:s12], [sflag:s0] =	dma.local [spmem:s21], $0x1400  }
0xa0: {  	_ =	swait.ge [sflag:s16], $0x1400  }
0xa1: {  	[sflag:s16] =	ssyncset.done $0x0  }
0xa2: {  	[sflag:s16] =	ssyncadd.s32 $0xFFFFEC00  }
0xa3: {  	_ =	sfence.sel $0x180000  }
0xa4: {  	[bflag:$0x0] =	sbarrier.arrive $0xFFFF  }
0xa5: {  	_ =	strace $0x9000004D  }
0xa6: {  	s0 =	stileid.u32;
	[bflag:$0x2] =	sbarrier.arrive $0xFFFF  }
0xa7: {  	p0 =	sne.s32 s0, $0x0;
	s0 =	rddreg [dreg:$0x2]  }
0xa8: {  	s0 =	sadd.s32 @!p0 $0x100000, s0  }
0xa9: {  	[sflag:s0] =	ssyncadd.tile.s32 @!p0 $0x1;
	_ =	shalt  }
.Lfunc_end2:
_tile_overlayer_lowered:
.L_overlay_start_2:
0xaa: {  	(tag) =	ssettag $0x2  }
0xab: {  	s0 =	rddreg [dreg:$0x0];
	s2 =	stileid.u32  }
0xac: {  	s1 =	rddreg [dreg:$0x1];
	p0 =	sne.s32 s2, $0x0  }
0xad: {  	s3 =	rddreg [dreg:$0x2];
	[bflag:$0x3] =	sbarrier.arrive $0xFFFF;
	s2 =	simm.s32 @!p0 $0x1C05  }
0xae: {  	[timem:s3], [sflag:s2] =	dma.local @!p0 [hbm:s0], s1  }
0xaf: {  	s0 =	simm.s32 @!p0 $0x5  }
0xb0: {  	_ =	swait.ge @!p0 [sflag:s0], s1  }
0xb1: {  	s1 =	ssub.s32 @!p0 $0x0, s1;
	[sflag:s0] =	ssyncset.done @!p0 $0x0  }
0xb2: {  	[sflag:s0] =	ssyncadd.s32 @!p0 s1  }
0xb3: {  	[bflag:$0x3] =	sbarrier.arrive $0xFFFF  }
0xb4: {  	_ =	shalt  }

// kernel: kernel.19.cloned.1.call-start
scs
__scs_entry_jumppad:
0x0: {  	(pc) =	sbr.rel $0x88, $3  }
0x1: {  	(tag) =	ssettag $0x0;
	lr =	simm.s32 $0x1  }
0x2: {  	[smem:$0x3F99] =	sst lr;
	_ =	strace $0xD0000000  }
0x3: {  	_ = 	snop  }
0x4: {  	_ = 	snop  }
0x5: {  	_ = 	snop  }
0x6: {  	_ = 	snop  }
0x7: {  	_ = 	snop  }
__scs_overlays_trampoline_lowered:
0x8: {  	[smem:$0x3FA8] =	sst s0  }
0x9: {  	[smem:$0x3FA9] =	sst s1  }
0xa: {  	[smem:$0x3FAA] =	sst s2  }
0xb: {  	[smem:$0x3FAB] =	sst s3  }
0xc: {  	[smem:$0x3FAC] =	sst s4  }
0xd: {  	[smem:$0x3FAD] =	sst s5  }
0xe: {  	[smem:$0x3FAE] =	sst s6  }
0xf: {  	[smem:$0x3FAF] =	sst s7  }
0x10: {  	[smem:$0x3FB0] =	sst s8  }
0x11: {  	[smem:$0x3FB1] =	sst s9;
	s0 =	simm.s32 @!p0 $0x0  }
0x12: {  	s1 =	sld [smem:$0x3F97];
	s0 =	simm.s32 @p0 $0x1  }
0x13: {  	[smem:$0x3FB2] =	sst s0;
	s0 =	simm.s32 @!p1 $0x0  }
0x14: {  	s2 =	sld [smem:$0x3F96];
	s0 =	simm.s32 @p1 $0x1  }
0x15: {  	[smem:$0x3FB3] =	sst s0;
	s0 =	simm.s32 @!p2 $0x0  }
0x16: {  	s3 =	sld [smem:$0x3FDB];
	s0 =	simm.s32 @p2 $0x1  }
0x17: {  	s4 =	simm.s32 $0x1BF5;
	[smem:$0x3FB5] =	sst s0  }
0x18: {  	s0 =	sld [smem:$0x3F98];
	_ =	swait.ge [sflag:s4], $0x0  }
0x19: {  	s7 =	sld [smem:$0x3F99]  }
0x1a: {  	s8 =	sadd.s32 $0xFFFFE003, lr  }
0x1b: {  	s9 =	sadd.s32 $0xFFFFFEF7, lr;
	s5 =	simm.s32 $0xFFFFFFFF;
	p2 =	slt.u32 s8, $0xFFFFF086  }
0x1c: {  	p1 =	slt.u32 s9, $0xF7A;
	s5 =	simm.s32 @!p2 $0x0  }
0x1d: {  	s5 =	simm.s32 @p1 $0x1;
	p0 =	seq.s32 s7, s2  }
0x1e: {  	s7 =	smul.u32 @!p0 $0xF7A, s2;
	p2 =	seq.s32 @!p0 s5, $0x0  }
0x1f: {  	s9 =	smul.u32 $0xF7A, s1;
	s8 =	simm.s32 @!p0 $0x1BF5;
	p2 =	por !p2, p0  }
0x20: {  	[sflag:s8] =	ssyncset.s32 @!p0 $0xFFFFF086;
	s6 =	sadd.s32 @!p0 s3, s7;
	s7 =	simm.s32 @!p0 $0x108  }
0x21: {  	s3 =	sadd.s32 s3, s9;
	s6 =	sadd.s32 @!p0 $0x88, s6;
	s7 =	simm.s32 @p2 $0x1082  }
0x22: {  	[simem:s7], [sflag:s8] =	dma.local @!p0 [hbm:s6], $0xF7A  }
0x23: {  	s9 =	sor.u32 $0xD0000000, s2;
	s6 =	simm.s32 $0x108;
	_ =	swait.ge @!p0 [sflag:s8], $0x0  }
0x24: {  	s3 =	sadd.s32 $0x88, s3;
	s6 =	simm.s32 @!p1 $0x1082;
	[sflag:s4] =	ssyncset.s32 $0xFFFFF086  }
0x25: {  	[simem:s6], [sflag:s4] =	dma.local [hbm:s3], $0xF7A  }
0x26: {  	[smem:$0x3F99] =	sst s1;
	(tag) =	ssettag s2;
	_ =	strace s9  }
0x27: {  	s1 =	sld [smem:$0x3FA9]  }
0x28: {  	s2 =	sld [smem:$0x3FAA]  }
0x29: {  	s4 =	sld [smem:$0x3FAC]  }
0x2a: {  	p0 =	seq.s32 s5, $0x0;
	s5 =	sld [smem:$0x3FAD]  }
0x2b: {  	s6 =	sld [smem:$0x3FAE]  }
0x2c: {  	s7 =	sld [smem:$0x3FAF]  }
0x2d: {  	s3 =	simm.s32 $0x108;
	s8 =	sld [smem:$0x3FB0]  }
0x2e: {  	s3 =	simm.s32 @!p0 $0x1082;
	s9 =	sld [smem:$0x3FB1]  }
0x2f: {  	lr =	sadd.s32 s0, s3;
	s0 =	sld [smem:$0x3FA8]  }
0x30: {  	s3 =	sld [smem:$0x3FAB]  }
0x31: {  	[smem:$0x3FB4] =	sst s10  }
0x32: {  	s10 =	sld [smem:$0x3FB2];
	_ =	sdelay $0x3  }
0x33: {  	p0 =	seq.s32 s10, $0x1;
	s10 =	sld [smem:$0x3FB4];
	_ =	sdelay $0x3  }
0x34: {  	[smem:$0x3FB4] =	sst s10  }
0x35: {  	s10 =	sld [smem:$0x3FB3];
	_ =	sdelay $0x3  }
0x36: {  	p1 =	seq.s32 s10, $0x1;
	s10 =	sld [smem:$0x3FB4];
	_ =	sdelay $0x3  }
0x37: {  	[smem:$0x3FB4] =	sst s10  }
0x38: {  	s10 =	sld [smem:$0x3FB5]  }
0x39: {  	_ = 	snop;
	(pc) =	sbr.ind lr, $3  }
0x3a: {  	_ = 	snop  }
0x3b: {  	_ = 	snop  }
0x3c: {  	p2 =	seq.s32 s10, $0x1;
	s10 =	sld [smem:$0x3FB4]  }
0x3d: {  	_ =	shalt  }
0x3e: {  	_ =	shalt  }
0x3f: {  	_ =	shalt  }
0x40: {  	_ =	shalt  }
0x41: {  	_ =	shalt  }
0x42: {  	_ =	shalt  }
0x43: {  	_ =	shalt  }
0x44: {  	_ =	shalt  }
0x45: {  	_ =	shalt  }
0x46: {  	_ =	shalt  }
0x47: {  	_ =	shalt  }
0x48: {  	_ =	shalt  }
0x49: {  	_ =	shalt  }
0x4a: {  	_ =	shalt  }
0x4b: {  	_ =	shalt  }
0x4c: {  	_ =	shalt  }
0x4d: {  	_ =	shalt  }
0x4e: {  	_ =	shalt  }
0x4f: {  	_ =	shalt  }
0x50: {  	_ =	shalt  }
0x51: {  	_ =	shalt  }
0x52: {  	_ =	shalt  }
0x53: {  	_ =	shalt  }
0x54: {  	_ =	shalt  }
0x55: {  	_ =	shalt  }
0x56: {  	_ =	shalt  }
0x57: {  	_ =	shalt  }
0x58: {  	_ =	shalt  }
0x59: {  	_ =	shalt  }
0x5a: {  	_ =	shalt  }
0x5b: {  	_ =	shalt  }
0x5c: {  	_ =	shalt  }
0x5d: {  	_ =	shalt  }
0x5e: {  	_ =	shalt  }
0x5f: {  	_ =	shalt  }
0x60: {  	_ =	shalt  }
0x61: {  	_ =	shalt  }
0x62: {  	_ =	shalt  }
0x63: {  	_ =	shalt  }
0x64: {  	_ =	shalt  }
0x65: {  	_ =	shalt  }
0x66: {  	_ =	shalt  }
0x67: {  	_ =	shalt  }
0x68: {  	_ =	shalt  }
0x69: {  	_ =	shalt  }
0x6a: {  	_ =	shalt  }
0x6b: {  	_ =	shalt  }
0x6c: {  	_ =	shalt  }
0x6d: {  	_ =	shalt  }
0x6e: {  	_ =	shalt  }
0x6f: {  	_ =	shalt  }
0x70: {  	_ =	shalt  }
0x71: {  	_ =	shalt  }
0x72: {  	_ =	shalt  }
0x73: {  	_ =	shalt  }
0x74: {  	_ =	shalt  }
0x75: {  	_ =	shalt  }
0x76: {  	_ =	shalt  }
0x77: {  	_ =	shalt  }
0x78: {  	_ =	shalt  }
0x79: {  	_ =	shalt  }
0x7a: {  	_ =	shalt  }
0x7b: {  	_ =	shalt  }
0x7c: {  	_ =	shalt  }
0x7d: {  	_ =	shalt  }
0x7e: {  	_ =	shalt  }
0x7f: {  	_ =	shalt  }
0x80: {  	_ =	shalt  }
0x81: {  	_ =	shalt  }
0x82: {  	_ =	shalt  }
0x83: {  	_ =	shalt  }
0x84: {  	_ =	shalt  }
0x85: {  	_ =	shalt  }
0x86: {  	_ =	shalt  }
0x87: {  	_ =	shalt  }
.Lfunc_end0:
.L_simem_size_0:
called_computation.3_lowered:
.L_overlay_start_0:
0x88: {  	s2 =	sld [smem:$0x3FD9]  }
0x89: {  	s3 =	sld [smem:$0x3FFE];
	_ =	sdelay $0x1  }
0x8a: {  	s1 =	srdreg.scid  }
0x8b: {  	s0 =	sand.u32 $0x1, s1  }
0x8c: {  	s16 =	sshll.u32 s0, $0xA;
	s2 =	sadd.s32 s3, s2  }
0x8d: {  	s2 =	sadd.s32 s2, s16  }
0x8e: {  	[smem:$0x3FC0] =	sst s2  }
0x8f: {  	_ = 	snop  }
0x90: {  	(tm) =	ssettm $0x1  }
0x91: {  	s17 =	sld [smem:$0x3FFB];
	_ =	sdelay $0x3  }
0x92: {  	_ =	strace s17  }
0x93: {  	s2 =	sld [smem:$0x3FFC];
	_ =	sdelay $0x3  }
0x94: {  	_ =	strace s2  }
0x95: {  	s2 =	sld [smem:$0x3FFD];
	_ =	sdelay $0x3  }
0x96: {  	_ =	strace s2  }
0x97: {  	_ =	strace $0x8FFFFFFF  }
0x98: {  	s18 =	sld [smem:$0x3FDB];
	_ =	sdelay $0x1  }
0x99: {  	s19 =	simm.s32 $_scs_section_size  }
0x9a: {  	s4 =	simm.s32 $_size__tile_overlayer_lowered;
	s5 =	simm.s32 $_tile_overlayer_lowered  }
0x9b: {  	s22 =	simm.s32 $0x1BFF;
	s21 =	sshll.u32 s5, $0x1;
	s2 =	sadd.s32 s19, s18  }
0x9c: {  	s6 =	simm.s32 $0x0;
	s20 =	sshll.u32 s4, $0x1;
	s4 =	sadd.s32 s21, s2  }
0x9d: {  	[timem:s6], [sflag:s22] =	dma.local [hbm:s4], s20  }
0x9e: {  	_ =	swait.ge [sflag:s22], s20  }
0x9f: {  	s3 =	ssub.s32 $0x0, s20;
	[sflag:s22] =	ssyncset.done $0x0  }
0xa0: {  	[sflag:s22] =	ssyncadd.s32 s3;
	_ =	sdelay $0x1  }
0xa1: {  	s23 =	simm.s32 $0x1B8B  }
0xa2: {  	_ =	swait.ge [sflag:s23], $0x1  }
0xa3: {  	[sflag:s23] =	ssyncset.done $0x0  }
0xa4: {  	s25 =	simm.s32 $0x1B8E;
	s24 =	sld [smem:$0x3FFE];
	[sflag:s23] =	ssyncadd.s32 $0xFFFFFFFF  }
0xa5: {  	s26 =	simm.s32 $execute0_lowered;
	[smem:$0x3FD2] =	sst s25  }
0xa6: {  	s4 =	sshll.u32 s26, $0x1;
	_ =	strace $0x8000004F;
	[dreg:$0x1] =	wrdreg $0xFFFFFFFF  }
0xa7: {  	s28 =	simm.s32 $_size_execute0_lowered;
	s2 =	sadd.s32 s2, s4;
	[dreg:$0x0] =	wrdreg $0x0  }
0xa8: {  	s4 =	sshll.u32 s28, $0x1;
	[dreg:$0x2] =	wrdreg s2  }
0xa9: {  	[dreg:$0x3] =	wrdreg s4  }
0xaa: {  	[dreg:$0x4] =	wrdreg $0xC0  }
0xab: {  	_ =	task [dreg:s6], $0x5FFFF  }
0xac: {  	[dreg:$0x1] =	wrdreg $0xFFFFFFFF  }
0xad: {  	[dreg:$0x0] =	wrdreg $0x60  }
0xae: {  	[dreg:$0x2] =	wrdreg s24  }
0xaf: {  	[dreg:$0x3] =	wrdreg $0xD0000  }
0xb0: {  	[dreg:$0x4] =	wrdreg $0x9  }
0xb1: {  	_ =	task.clear_ibuf [dreg:s6], $0x5FFFF;
	_ =	strace $0x9000004F  }
0xb2: {  	s29 =	simm.s32 $0x9;
	_ =	strace $0x80000051  }
0xb3: {  	_ =	swait.ge [sflag:s29], $0x1  }
0xb4: {  	[sflag:s29] =	ssyncadd.s32 $0xFFFFFFFF  }
0xb5: {  	_ =	strace $0x90000051  }
0xb6: {  	_ =	sfence  }
0xb7: {  	s30 =	sld [smem:$0x0];
	_ =	sdelay $0x2  }
0xb8: {  	s31 =	sshll.u32 s1, $0xD;
	s1 =	sshrl.u32 s1, $0x2  }
0xb9: {  	s3 =	sand.u32 $0x4000, s31;
	s1 =	sadd.s32 s1, s30  }
0xba: {  	s0 =	sor.u32 s3, s0;
	s1 =	sshll.u32 s1, $0x11  }
0xbb: {  	s0 =	sor.u32 s1, s0  }
0xbc: {  	s0 =	sadd.s32 $0x8F2B, s0  }
0xbd: {  	[sflag:s0] =	ssyncadd.remote.s32 $0x1  }
0xbe: {  	_ =	sfence.sel $0xFFFF  }
0xbf: {  	[dreg:$0x0] =	wrdreg $0xFFFFFFFF;
	(pc) =	sbr.abs _section_cstart, $3  }
0xc0: {  	[dreg:$0x1] =	wrdreg $0xFFFFFFFF  }
0xc1: {  	_ =	task.clear_ibuf [dreg:s6], $0x2FFFF;
	_ =	strace $0x9FFFFFFF  }
0xc2: {  	(tm) =	ssettm $0x7FFFFFFF  }
0xc3: {  	_ =	shalt  }
tec
execute0_lowered:
.L_overlay_start_1:
0x0: {  	(tag) =	ssettag $0x1  }
0x1: {  	s0 =	srdreg.scid;
	s5 =	rddreg [dreg:$0x0]  }
0x2: {  	s8 =	stileid.u32;
	s2 =	rddreg [dreg:$0x1];
	s3 =	simm.s32 $0x0  }
0x3: {  	s15 =	simm.s32 $0x5000;
	s16 =	simm.s32 $0x5;
	s17 =	simm.s32 $0x1  }
0x4: {  	s18 =	simm.s32 $0x2;
	s19 =	simm.s32 $0x80;
	s20 =	simm.s32 $0x7000  }
0x5: {  	s22 =	simm.s32 $0x9000;
	s23 =	simm.s32 $0x180;
	s24 =	simm.s32 $0xB000  }
0x6: {  	s28 =	simm.s32 $0x4E00;
	s29 =	simm.s32 $0x4E80;
	s30 =	simm.s32 $0x4F00  }
0x7: {  	s31 =	simm.s32 $0x4F80;
	s0 =	sand.u32 $0x1, s0;
	s7 =	smul.u32 $0xA000, s8  }
0x8: {  	[smem:$0x7FF] =	sst s3;
	s4 =	sadd.s32 $0x17E00, s5;
	s1 =	sshll.u32 s0, $0x4  }
0x9: {  	s6 =	smul.u32 $0xA0000, s0;
	_ =	strace $0x80000050;
	s0 =	ssub.s32 $0x2, s0  }
0xa: {  	s1 =	sor.u32 s8, s1;
	s8 =	smul.u32 $0x28000, s8;
	s25 =	sshrl.u32 s0, $0x1  }
0xb: {  	s1 =	smul.u32 $0x2800, s1;
	s6 =	sadd.s32 s7, s6;
	s0 =	ssub.s32 s0, s25  }
0xc: {  	s7 =	sadd.s32 s7, s2;
	s25 =	simm.s32 $0x3;
	s6 =	sshrl.u32 s6, $0x3  }
0xd: {  	s8 =	sshrl.u32 s8, $0x2;
	s13 =	smax.u32 s0, $0x1;
	s1 =	sshrl.u32 s1, $0x3  }
0xe: {  	s12 =	sadd.s32 s6, s5;
	s26 =	sadd.s32 s8, s2;
	s1 =	sadd.s32 s1, s5  }
0xf: {  	s8 =	sadd.s32 $0x2000, s26;
	s9 =	sadd.s32 $0x4000, s26;
	s10 =	sadd.s32 $0x6000, s26  }
0x10: {  	s11 =	sadd.s32 $0x8000, s26;
	s12 =	sadd.s32 $0x2BE00, s12;
	s26 =	simm.s32 $0x4  }
0x11: {  	v0 =	vimm.f32 $0.0e+00;
	s5 =	sadd.s32 $0x3E00, s1;
	s6 =	sadd.s32 $0xDE00, s1;
	s1 =	simm.s32 $0x0  }
.LBB2_1:
0x12: {  	[tilespmem:s3], [sflag:$0x1] =	stream.linear.gather [hbm4b:s5+s3], $0x2800, $0x38;
	[tilespmem:$0x17000] =	vst v63  }
0x13: {  	s0 =	simm.s32 $0x2800  }
0x14: {  	[tilespmem:s0], [sflag:$0x2] =	stream.linear.gather [hbm4b:s6+s3], $0x2800, $0x38;
	[tilespmem:$0x17000] =	vst v63  }
0x15: {  	s14 =	simm.s32 $0x100;
	s0 =	simm.s32 $0x0  }
.LBB2_2:
0x16: {  	p0 =	sne.s32 s14, $0x7F00;
	[tilespmem:s0+$0x5030] =	vst v0;
	s21 =	smov.u32 s14;
	s14 =	sadd.s32 $0x100, s14  }
.Ltmp0:
0x17: {  	[tilespmem:s0+$0x5020] =	vst v0;
	(pc) =	sbr.rel @p0 .LBB2_2-.Ltmp0, $3  }
0x18: {  	[tilespmem:s0+$0x5000] =	vst v0  }
0x19: {  	[tilespmem:s0+$0x5010] =	vst v0;
	_ =	sdelay $0x1  }
0x1a: {  	s0 =	sshra.s32 s21, $0x2  }
0x1b: {  	[tilespmem:s0+$0x5030] =	vst v0  }
0x1c: {  	[tilespmem:s0+$0x5020] =	vst v0  }
0x1d: {  	[tilespmem:s0+$0x5000] =	vst v0  }
0x1e: {  	[tilespmem:s0+$0x5010] =	vst v0  }
0x1f: {  	[spmem:s7] =	stream.linear.scatter [tilespmem:s15], [sflag:$0x5], $0x2000, $0x38;
	[tilespmem:$0x17000] =	vst v63  }
0x20: {  	_ =	swait.ge [sflag:s16], $0x2000  }
0x21: {  	[sflag:s16] =	ssyncset.done $0x0  }
0x22: {  	[sflag:s16] =	ssyncadd.s32 $0xFFFFE000  }
0x23: {  	[spmem:s8] =	stream.linear.scatter [tilespmem:s15], [sflag:$0x5], $0x2000, $0x38;
	[tilespmem:$0x17000] =	vst v63  }
0x24: {  	_ =	swait.ge [sflag:s16], $0x2000  }
0x25: {  	[sflag:s16] =	ssyncset.done $0x0  }
0x26: {  	[sflag:s16] =	ssyncadd.s32 $0xFFFFE000  }
0x27: {  	[spmem:s9] =	stream.linear.scatter [tilespmem:s15], [sflag:$0x5], $0x2000, $0x38;
	[tilespmem:$0x17000] =	vst v63  }
0x28: {  	_ =	swait.ge [sflag:s16], $0x2000  }
0x29: {  	[sflag:s16] =	ssyncset.done $0x0  }
0x2a: {  	[sflag:s16] =	ssyncadd.s32 $0xFFFFE000  }
0x2b: {  	[spmem:s10] =	stream.linear.scatter [tilespmem:s15], [sflag:$0x5], $0x2000, $0x38;
	[tilespmem:$0x17000] =	vst v63  }
0x2c: {  	_ =	swait.ge [sflag:s16], $0x2000  }
0x2d: {  	[sflag:s16] =	ssyncset.done $0x0  }
0x2e: {  	[sflag:s16] =	ssyncadd.s32 $0xFFFFE000  }
0x2f: {  	[spmem:s11] =	stream.linear.scatter [tilespmem:s15], [sflag:$0x5], $0x2000, $0x38;
	[tilespmem:$0x17000] =	vst v63  }
0x30: {  	_ =	swait.ge [sflag:s16], $0x2000  }
0x31: {  	[sflag:s16] =	ssyncset.done $0x0  }
0x32: {  	[sflag:s16] =	ssyncadd.s32 $0xFFFFE000  }
0x33: {  	_ =	swait.ge [sflag:s17], $0x2800  }
0x34: {  	[sflag:s17] =	ssyncset.done $0x0  }
0x35: {  	[sflag:s17] =	ssyncadd.s32 $0xFFFFD800  }
0x36: {  	_ =	swait.ge [sflag:s18], $0x2800  }
0x37: {  	[sflag:s18] =	ssyncset.done $0x0  }
0x38: {  	[sflag:s18] =	ssyncadd.s32 $0xFFFFD800  }
0x39: {  	s21 =	simm.s32 $0x0;
	[bflag:$0x0] =	sbarrier.arrive $0xFFFF  }
0x3a: {  	[tilespmem:s15], [sflag:$0x1] =	stream.indirect.gather [hbm4b:s4+s19], $0x40, s21, s19, $0xb8;
	[tilespmem:$0x17000] =	vst v63  }
0x3b: {  	_ = 	snop  }
0x3c: {  	[tilespmem:s20], [sflag:$0x2] =	stream.indirect.gather [hbm4b:s4+s19], $0x40, s19, s19, $0xb8;
	[tilespmem:$0x17000] =	vst v63  }
0x3d: {  	s14 =	simm.s32 $0x100  }
0x3e: {  	[tilespmem:s22], [sflag:$0x3] =	stream.indirect.gather [hbm4b:s4+s19], $0x40, s14, s19, $0xb8;
	[tilespmem:$0x17000] =	vst v63  }
0x3f: {  	_ = 	snop  }
0x40: {  	[tilespmem:s24], [sflag:$0x4] =	stream.indirect.gather [hbm4b:s4+s19], $0x40, s23, s19, $0xb8;
	[tilespmem:$0x17000] =	vst v63  }
0x41: {  	_ =	swait.ge [sflag:s17], $0x2000  }
0x42: {  	[sflag:s17] =	ssyncset.done $0x0  }
0x43: {  	s21 =	simm.s32 $0x2800;
	[sflag:s17] =	ssyncadd.s32 $0xFFFFE000  }
0x44: {  	[spmem:s2] =	stream.indirect.scatter.add.f32 [tilespmem:s15], [sflag:$0x5], $0x40, s21, s19, $0xb8;
	[tilespmem:$0x17000] =	vst v63  }
0x45: {  	_ =	swait.ge [sflag:s16], $0x2000  }
0x46: {  	[sflag:s16] =	ssyncset.done $0x0  }
0x47: {  	s14 =	simm.s32 $0x200;
	[sflag:s16] =	ssyncadd.s32 $0xFFFFE000  }
0x48: {  	[tilespmem:s15], [sflag:$0x1] =	stream.indirect.gather [hbm4b:s4+s19], $0x40, s14, s19, $0xb8;
	[tilespmem:$0x17000] =	vst v63  }
0x49: {  	_ =	swait.ge [sflag:s18], $0x2000  }
0x4a: {  	[sflag:s18] =	ssyncset.done $0x0  }
0x4b: {  	s21 =	simm.s32 $0x2880;
	[sflag:s18] =	ssyncadd.s32 $0xFFFFE000  }
0x4c: {  	[spmem:s2] =	stream.indirect.scatter.add.f32 [tilespmem:s20], [sflag:$0x5], $0x40, s21, s19, $0xb8;
	[tilespmem:$0x17000] =	vst v63  }
0x4d: {  	_ =	swait.ge [sflag:s16], $0x2000  }
0x4e: {  	[sflag:s16] =	ssyncset.done $0x0  }
0x4f: {  	s14 =	simm.s32 $0x280;
	[sflag:s16] =	ssyncadd.s32 $0xFFFFE000  }
0x50: {  	[tilespmem:s20], [sflag:$0x2] =	stream.indirect.gather [hbm4b:s4+s19], $0x40, s14, s19, $0xb8;
	[tilespmem:$0x17000] =	vst v63  }
0x51: {  	_ =	swait.ge [sflag:s25], $0x2000  }
0x52: {  	[sflag:s25] =	ssyncset.done $0x0  }
0x53: {  	s21 =	simm.s32 $0x2900;
	[sflag:s25] =	ssyncadd.s32 $0xFFFFE000  }
0x54: {  	[spmem:s2] =	stream.indirect.scatter.add.f32 [tilespmem:s22], [sflag:$0x5], $0x40, s21, s19, $0xb8;
	[tilespmem:$0x17000] =	vst v63  }
0x55: {  	_ =	swait.ge [sflag:s16], $0x2000  }
0x56: {  	[sflag:s16] =	ssyncset.done $0x0  }
0x57: {  	s14 =	simm.s32 $0x300;
	[sflag:s16] =	ssyncadd.s32 $0xFFFFE000  }
0x58: {  	[tilespmem:s22], [sflag:$0x3] =	stream.indirect.gather [hbm4b:s4+s19], $0x40, s14, s19, $0xb8;
	[tilespmem:$0x17000] =	vst v63  }
0x59: {  	_ =	swait.ge [sflag:s26], $0x2000  }
0x5a: {  	[sflag:s26] =	ssyncset.done $0x0  }
0x5b: {  	s21 =	simm.s32 $0x2980;
	[sflag:s26] =	ssyncadd.s32 $0xFFFFE000  }
0x5c: {  	[spmem:s2] =	stream.indirect.scatter.add.f32 [tilespmem:s24], [sflag:$0x5], $0x40, s21, s19, $0xb8;
	[tilespmem:$0x17000] =	vst v63  }
0x5d: {  	_ =	swait.ge [sflag:s16], $0x2000  }
0x5e: {  	[sflag:s16] =	ssyncset.done $0x0  }
0x5f: {  	s0 =	simm.s32 $0x800;
	s14 =	simm.s32 $0x380;
	[sflag:s16] =	ssyncadd.s32 $0xFFFFE000  }
.LBB2_4:
0x60: {  	[tilespmem:s24], [sflag:$0x4] =	stream.indirect.gather [hbm4b:s4+s19], $0x40, s14, s19, $0xb8;
	[tilespmem:$0x17000] =	vst v63  }
0x61: {  	s14 =	smov.u32 s0  }
0x62: {  	p0 =	sne.s32 s0, $0x9000;
	s0 =	sadd.s32 $0x800, s0;
	_ =	swait.ge [sflag:s17], $0x2000  }
0x63: {  	s14 =	sshra.s32 s14, $0x2;
	[sflag:s17] =	ssyncset.done $0x0  }
0x64: {  	s21 =	sadd.s32 $0x2800, s14;
	[sflag:s17] =	ssyncadd.s32 $0xFFFFE000  }
0x65: {  	[spmem:s2] =	stream.indirect.scatter.add.f32 [tilespmem:s15], [sflag:$0x5], $0x40, s21, s19, $0xb8;
	[tilespmem:$0x17000] =	vst v63  }
0x66: {  	_ =	swait.ge [sflag:s16], $0x2000  }
0x67: {  	[sflag:s16] =	ssyncset.done $0x0  }
0x68: {  	s21 =	sadd.s32 $0x200, s14;
	[sflag:s16] =	ssyncadd.s32 $0xFFFFE000  }
0x69: {  	[tilespmem:s15], [sflag:$0x1] =	stream.indirect.gather [hbm4b:s4+s19], $0x40, s21, s19, $0xb8;
	[tilespmem:$0x17000] =	vst v63  }
0x6a: {  	_ =	swait.ge [sflag:s18], $0x2000  }
0x6b: {  	[sflag:s18] =	ssyncset.done $0x0  }
0x6c: {  	s21 =	sadd.s32 $0x2880, s14;
	[sflag:s18] =	ssyncadd.s32 $0xFFFFE000  }
0x6d: {  	[spmem:s2] =	stream.indirect.scatter.add.f32 [tilespmem:s20], [sflag:$0x5], $0x40, s21, s19, $0xb8;
	[tilespmem:$0x17000] =	vst v63  }
0x6e: {  	_ =	swait.ge [sflag:s16], $0x2000  }
0x6f: {  	[sflag:s16] =	ssyncset.done $0x0  }
0x70: {  	s21 =	sadd.s32 $0x280, s14;
	[sflag:s16] =	ssyncadd.s32 $0xFFFFE000  }
0x71: {  	[tilespmem:s20], [sflag:$0x2] =	stream.indirect.gather [hbm4b:s4+s19], $0x40, s21, s19, $0xb8;
	[tilespmem:$0x17000] =	vst v63  }
0x72: {  	_ =	swait.ge [sflag:s25], $0x2000  }
0x73: {  	[sflag:s25] =	ssyncset.done $0x0  }
0x74: {  	s21 =	sadd.s32 $0x2900, s14;
	[sflag:s25] =	ssyncadd.s32 $0xFFFFE000  }
0x75: {  	[spmem:s2] =	stream.indirect.scatter.add.f32 [tilespmem:s22], [sflag:$0x5], $0x40, s21, s19, $0xb8;
	[tilespmem:$0x17000] =	vst v63  }
0x76: {  	_ =	swait.ge [sflag:s16], $0x2000  }
0x77: {  	[sflag:s16] =	ssyncset.done $0x0  }
0x78: {  	s21 =	sadd.s32 $0x300, s14;
	[sflag:s16] =	ssyncadd.s32 $0xFFFFE000  }
0x79: {  	[tilespmem:s22], [sflag:$0x3] =	stream.indirect.gather [hbm4b:s4+s19], $0x40, s21, s19, $0xb8;
	[tilespmem:$0x17000] =	vst v63  }
0x7a: {  	_ =	swait.ge [sflag:s26], $0x2000  }
0x7b: {  	[sflag:s26] =	ssyncset.done $0x0  }
.Ltmp1:
0x7c: {  	s21 =	sadd.s32 $0x2980, s14;
	[sflag:s26] =	ssyncadd.s32 $0xFFFFE000;
	(pc) =	sbr.rel @p0 .LBB2_4-.Ltmp1, $4  }
0x7d: {  	[spmem:s2] =	stream.indirect.scatter.add.f32 [tilespmem:s24], [sflag:$0x5], $0x40, s21, s19, $0xb8;
	[tilespmem:$0x17000] =	vst v63  }
0x7e: {  	_ =	swait.ge [sflag:s16], $0x2000  }
0x7f: {  	[sflag:s16] =	ssyncset.done $0x0  }
0x80: {  	s14 =	sadd.s32 $0x380, s14;
	[sflag:s16] =	ssyncadd.s32 $0xFFFFE000  }
0x81: {  	[tilespmem:s24], [sflag:$0x4] =	stream.indirect.gather [hbm4b:s4+s19], $0x40, s14, s19, $0xb8;
	[tilespmem:$0x17000] =	vst v63  }
0x82: {  	_ =	swait.ge [sflag:s17], $0x2000  }
0x83: {  	[sflag:s17] =	ssyncset.done $0x0  }
0x84: {  	[sflag:s17] =	ssyncadd.s32 $0xFFFFE000  }
0x85: {  	[spmem:s2] =	stream.indirect.scatter.add.f32 [tilespmem:s15], [sflag:$0x5], $0x40, s28, s19, $0xb8;
	[tilespmem:$0x17000] =	vst v63  }
0x86: {  	_ =	swait.ge [sflag:s16], $0x2000  }
0x87: {  	[sflag:s16] =	ssyncset.done $0x0  }
0x88: {  	[sflag:s16] =	ssyncadd.s32 $0xFFFFE000  }
0x89: {  	_ =	swait.ge [sflag:s18], $0x2000  }
0x8a: {  	[sflag:s18] =	ssyncset.done $0x0  }
0x8b: {  	[sflag:s18] =	ssyncadd.s32 $0xFFFFE000  }
0x8c: {  	[spmem:s2] =	stream.indirect.scatter.add.f32 [tilespmem:s20], [sflag:$0x5], $0x40, s29, s19, $0xb8;
	[tilespmem:$0x17000] =	vst v63  }
0x8d: {  	_ =	swait.ge [sflag:s16], $0x2000  }
0x8e: {  	[sflag:s16] =	ssyncset.done $0x0  }
0x8f: {  	[sflag:s16] =	ssyncadd.s32 $0xFFFFE000  }
0x90: {  	_ =	swait.ge [sflag:s25], $0x2000  }
0x91: {  	[sflag:s25] =	ssyncset.done $0x0  }
0x92: {  	[sflag:s25] =	ssyncadd.s32 $0xFFFFE000  }
0x93: {  	[spmem:s2] =	stream.indirect.scatter.add.f32 [tilespmem:s22], [sflag:$0x5], $0x40, s30, s19, $0xb8;
	[tilespmem:$0x17000] =	vst v63  }
0x94: {  	_ =	swait.ge [sflag:s16], $0x2000  }
0x95: {  	[sflag:s16] =	ssyncset.done $0x0  }
0x96: {  	[sflag:s16] =	ssyncadd.s32 $0xFFFFE000  }
0x97: {  	_ =	swait.ge [sflag:s26], $0x2000  }
0x98: {  	[sflag:s26] =	ssyncset.done $0x0  }
0x99: {  	[sflag:s26] =	ssyncadd.s32 $0xFFFFE000  }
0x9a: {  	[spmem:s2] =	stream.indirect.scatter.add.f32 [tilespmem:s24], [sflag:$0x5], $0x40, s31, s19, $0xb8;
	[tilespmem:$0x17000] =	vst v63  }
0x9b: {  	s0 =	stileid.u32;
	_ =	swait.ge [sflag:s16], $0x2000  }
0x9c: {  	s21 =	sshrl.u32 s7, $0x3;
	s1 =	sadd.s32 $0x1, s1;
	[sflag:s16] =	ssyncset.done $0x0  }
0x9d: {  	s0 =	sshll.u32 s0, $0x6;
	p0 =	sne.s32 s1, s13;
	[sflag:s16] =	ssyncadd.s32 $0xFFFFE000  }
.Ltmp2:
0x9e: {  	s0 =	sor.u32 $0x1C05, s0;
	[bflag:$0x0] =	sbarrier.arrive $0xFFFF;
	(pc) =	sbr.rel @p0 .LBB2_1-.Ltmp2, $4  }
0x9f: {  	[hbm:s12], [sflag:s0] =	dma.local [spmem:s21], $0x1400  }
0xa0: {  	_ =	swait.ge [sflag:s16], $0x1400  }
0xa1: {  	[sflag:s16] =	ssyncset.done $0x0  }
0xa2: {  	[sflag:s16] =	ssyncadd.s32 $0xFFFFEC00  }
0xa3: {  	_ =	sfence.sel $0x180000  }
0xa4: {  	[bflag:$0x0] =	sbarrier.arrive $0xFFFF  }
0xa5: {  	_ =	strace $0x90000050  }
0xa6: {  	s0 =	stileid.u32;
	[bflag:$0x2] =	sbarrier.arrive $0xFFFF  }
0xa7: {  	p0 =	sne.s32 s0, $0x0;
	s0 =	rddreg [dreg:$0x2]  }
0xa8: {  	s0 =	sadd.s32 @!p0 $0x100000, s0  }
0xa9: {  	[sflag:s0] =	ssyncadd.tile.s32 @!p0 $0x1;
	_ =	shalt  }
.Lfunc_end2:
_tile_overlayer_lowered:
.L_overlay_start_2:
0xaa: {  	(tag) =	ssettag $0x2  }
0xab: {  	s0 =	rddreg [dreg:$0x0];
	s2 =	stileid.u32  }
0xac: {  	s1 =	rddreg [dreg:$0x1];
	p0 =	sne.s32 s2, $0x0  }
0xad: {  	s3 =	rddreg [dreg:$0x2];
	[bflag:$0x3] =	sbarrier.arrive $0xFFFF;
	s2 =	simm.s32 @!p0 $0x1C05  }
0xae: {  	[timem:s3], [sflag:s2] =	dma.local @!p0 [hbm:s0], s1  }
0xaf: {  	s0 =	simm.s32 @!p0 $0x5  }
0xb0: {  	_ =	swait.ge @!p0 [sflag:s0], s1  }
0xb1: {  	s1 =	ssub.s32 @!p0 $0x0, s1;
	[sflag:s0] =	ssyncset.done @!p0 $0x0  }
0xb2: {  	[sflag:s0] =	ssyncadd.s32 @!p0 s1  }
0xb3: {  	[bflag:$0x3] =	sbarrier.arrive $0xFFFF  }
0xb4: {  	_ =	shalt  }

</sc_bundles>
